<compile_context>
chip_gen: v7x
topology: tpu7x:2x2x1
jax: 0.10.2.dev20260603
libtpu: 0.0.44.dev20260713+nightly
codegen_flags: <defaults>
</compile_context>

<pallas_src>
import functools

import jax
import jax.numpy as jnp
from jax import lax
from jax.experimental import pallas as pl
from jax.experimental.pallas import tpu as pltpu
from jax.experimental.pallas import tpu_sc as plsc

EPS = 1e-5
K = 20
B = 8
N = 2048
R = B * N
T = 256
NW = 32
RPW = R // NW


def _dtp_body(xr_ref, xa_ref, xxr_ref, xxa_ref, idx_ref):
    b = pl.program_id(0)
    xr = xr_ref[0]
    xa = xa_ref[0]
    dot = lax.dot_general(xr, xa, (((1,), (1,)), ((), ())),
                          preferred_element_type=jnp.float32)
    d = (2.0 * dot - xxr_ref[0]) - xxa_ref[0]
    iota = lax.broadcasted_iota(jnp.int32, (T, N), 1)
    for t in range(K):
        m = jnp.max(d, axis=1, keepdims=True)
        sel = jnp.min(jnp.where(d == m, iota, N), axis=1, keepdims=True)
        idx_ref[0, :, pl.ds(t, 1)] = sel + b * N
        d = jnp.where(iota == sel, -jnp.inf, d)


def _dist_topk(x_t, xx):
    _, _, cp = x_t.shape
    grid = (B, N // T)
    return pl.pallas_call(
        _dtp_body,
        grid=grid,
        in_specs=[
            pl.BlockSpec((1, T, cp), lambda b, n: (b, n, 0)),
            pl.BlockSpec((1, N, cp), lambda b, n: (b, 0, 0)),
            pl.BlockSpec((1, T, 1), lambda b, n: (b, n, 0)),
            pl.BlockSpec((1, 1, N), lambda b, n: (b, 0, 0)),
        ],
        out_specs=pl.BlockSpec((1, T, K), lambda b, n: (b, n, 0)),
        out_shape=jax.ShapeDtypeStruct((B, N, K), jnp.int32),
    )(x_t, x_t, xx.reshape(B, N, 1), xx.reshape(B, 1, N))


TC_NODES = 128


def _conv_body(e_ref, x_ref, w_ref, bias_ref, m_ref, s1_ref, s2_ref):
    c = x_ref.shape[1]
    x3 = x_ref[...].reshape(TC_NODES, 1, c)
    e3 = e_ref[...].reshape(TC_NODES, K, c) - x3
    xb = jnp.broadcast_to(x3, (TC_NODES, K, c))
    feat = jnp.concatenate([e3, xb], axis=2).reshape(TC_NODES * K, 2 * c)
    y1 = lax.dot_general(feat, w_ref[...], (((1,), (0,)), ((), ())),
                         preferred_element_type=jnp.float32) + bias_ref[...]
    y3 = y1.reshape(TC_NODES, K, -1)
    mx = y3[:, 0, :]
    s1 = y3[:, 0, :]
    s2 = y3[:, 0, :] * y3[:, 0, :]
    for j in range(1, K):
        v = y3[:, j, :]
        mx = jnp.maximum(mx, v)
        s1 = s1 + v
        s2 = s2 + v * v
    m_ref[...] = mx
    s1_ref[...] = s1
    s2_ref[...] = s2


def _conv_reduce(e_flat, x_flat, w, bias):
    c = x_flat.shape[1]
    cout = w.shape[1]
    return pl.pallas_call(
        _conv_body,
        grid=(R // TC_NODES,),
        in_specs=[
            pl.BlockSpec((TC_NODES * K, c), lambda i: (i, 0)),
            pl.BlockSpec((TC_NODES, c), lambda i: (i, 0)),
            pl.BlockSpec((2 * c, cout), lambda i: (0, 0)),
            pl.BlockSpec((1, cout), lambda i: (0, 0)),
        ],
        out_specs=[pl.BlockSpec((TC_NODES, cout), lambda i: (i, 0))] * 3,
        out_shape=[jax.ShapeDtypeStruct((R, cout), jnp.float32)] * 3,
    )(e_flat, x_flat, w, bias)


def _make_gather(c, g_nodes):
    rows = g_nodes * K
    nch = RPW // g_nodes
    half = nch // 2
    mesh = plsc.VectorSubcoreMesh(core_axis_name="c", subcore_axis_name="s")

    @functools.partial(
        pl.kernel, mesh=mesh,
        compiler_params=pltpu.CompilerParams(use_tc_tiling_on_sc=False),
        out_type=jax.ShapeDtypeStruct((R * K, c), jnp.float32),
        scratch_types=[
            pltpu.VMEM((RPW * K,), jnp.int32),
            pltpu.VMEM((rows, c), jnp.float32),
            pltpu.VMEM((rows, c), jnp.float32),
            pltpu.SemaphoreType.DMA,
            pltpu.SemaphoreType.DMA,
        ],
    )
    def gather(x_hbm, idx_hbm, e_hbm, idx_v, buf0, buf1, sem0, sem1):
        wid = lax.axis_index("s") * 2 + lax.axis_index("c")
        base = wid * RPW * K
        pltpu.sync_copy(idx_hbm.at[pl.ds(base, RPW * K)], idx_v)

        def start(g, buf, sem):
            pltpu.async_copy(x_hbm.at[idx_v.at[pl.ds(g * rows, rows)]], buf, sem)

        def wait_in(buf, sem):
            pltpu.make_async_copy(x_hbm.at[pl.ds(0, rows)], buf, sem).wait()

        def put(buf, g):
            pltpu.sync_copy(buf, e_hbm.at[pl.ds(base + g * rows, rows)])

        start(0, buf0, sem0)
        start(1, buf1, sem1)

        def body(h, carry):
            g0 = 2 * h
            wait_in(buf0, sem0)
            put(buf0, g0)
            pl.when(h + 1 < half)(lambda: start(g0 + 2, buf0, sem0))
            wait_in(buf1, sem1)
            put(buf1, g0 + 1)
            pl.when(h + 1 < half)(lambda: start(g0 + 3, buf1, sem1))
            return carry

        lax.fori_loop(0, half, body, 0)

    return gather


_GATHER_CFG = {8: 32, 64: 16, 128: 8}
_GATHER_KERNELS = {}


def _gather_rows(x_flat, idx_flat):
    c = x_flat.shape[1]
    if c not in _GATHER_KERNELS:
        _GATHER_KERNELS[c] = _make_gather(c, _GATHER_CFG[c])
    return _GATHER_KERNELS[c](x_flat, idx_flat)


def _stats_body(s1_ref, s2_ref, o1_ref, oq_ref):
    i = pl.program_id(0)
    p1 = jnp.sum(s1_ref[...], axis=0, keepdims=True)
    pq = jnp.sum(s2_ref[...], axis=0, keepdims=True)

    @pl.when(i == 0)
    def _():
        o1_ref[...] = p1
        oq_ref[...] = pq

    @pl.when(i > 0)
    def _():
        o1_ref[...] += p1
        oq_ref[...] += pq


def _stats(s1, s2):
    cout = s1.shape[1]
    t2 = 2048
    return pl.pallas_call(
        _stats_body,
        grid=(R // t2,),
        in_specs=[pl.BlockSpec((t2, cout), lambda i: (i, 0))] * 2,
        out_specs=[pl.BlockSpec((1, cout), lambda i: (0, 0))] * 2,
        out_shape=[jax.ShapeDtypeStruct((1, cout), jnp.float32)] * 2,
    )(s1, s2)


def _combine_body(m_ref, mean_ref, var_ref, g_ref, beta_ref, xo_ref, pool_ref):
    n = pl.program_id(1)
    xo = jnp.maximum((m_ref[0] - mean_ref[...]) / jnp.sqrt(var_ref[...] + EPS)
                     * g_ref[...] + beta_ref[...], 0.0)
    xo_ref[0] = xo
    tm = jnp.max(xo, axis=0, keepdims=True)

    @pl.when(n == 0)
    def _():
        pool_ref[0] = tm

    @pl.when(n > 0)
    def _():
        pool_ref[0] = jnp.maximum(pool_ref[0], tm)


def _combine(m, mean, var, g, beta):
    cout = m.shape[2]
    return pl.pallas_call(
        _combine_body,
        grid=(B, N // T),
        in_specs=[
            pl.BlockSpec((1, T, cout), lambda b, n: (b, n, 0)),
            pl.BlockSpec((1, cout), lambda b, n: (0, 0)),
            pl.BlockSpec((1, cout), lambda b, n: (0, 0)),
            pl.BlockSpec((1, cout), lambda b, n: (0, 0)),
            pl.BlockSpec((1, cout), lambda b, n: (0, 0)),
        ],
        out_specs=[
            pl.BlockSpec((1, T, cout), lambda b, n: (b, n, 0)),
            pl.BlockSpec((1, 1, cout), lambda b, n: (b, 0, 0)),
        ],
        out_shape=[
            jax.ShapeDtypeStruct((B, N, cout), jnp.float32),
            jax.ShapeDtypeStruct((B, 1, cout), jnp.float32),
        ],
    )(m, mean, var, g, beta)


def _edge_layer(x_t, w, bias, g, be, xx=None):
    cout = w.shape[1]
    if xx is None:
        xx = jnp.sum(jnp.swapaxes(x_t, 1, 2) ** 2, axis=1)
    idx = _dist_topk(x_t, xx)
    x_flat = x_t.reshape(R, -1)
    e_flat = _gather_rows(x_flat, idx.reshape(R * K))
    m, s1, s2 = _conv_reduce(e_flat, x_flat, w, bias.reshape(1, -1))
    sum1, sumq = _stats(s1, s2)
    e = R * K
    mean = sum1 / e
    var = sumq / e - mean * mean
    xo, pooled = _combine(m.reshape(B, N, cout), mean, var,
                          g.reshape(1, -1), be.reshape(1, -1))
    return xo, pooled.reshape(B, cout)


def _head_body(p256_ref, p128_ref, p64_ref,
               w1_ref, b1_ref, g1_ref, be1_ref,
               w2_ref, b2_ref, g2_ref, be2_ref,
               w3_ref, b3_ref, g3_ref, be3_ref,
               w4_ref, b4_ref, o_ref):
    h = jnp.concatenate([p256_ref[...], p128_ref[...], p64_ref[...]], axis=1)

    def fc_bn_relu(h, w_ref, b_ref, g_ref, be_ref):
        y = lax.dot_general(h, w_ref[...], (((1,), (0,)), ((), ())),
                            preferred_element_type=jnp.float32) + b_ref[...]
        mu = jnp.mean(y, axis=0, keepdims=True)
        va = jnp.mean((y - mu) ** 2, axis=0, keepdims=True)
        return jnp.maximum((y - mu) / jnp.sqrt(va + EPS) * g_ref[...]
                           + be_ref[...], 0.0)

    h = fc_bn_relu(h, w1_ref, b1_ref, g1_ref, be1_ref)
    h = fc_bn_relu(h, w2_ref, b2_ref, g2_ref, be2_ref)
    h = fc_bn_relu(h, w3_ref, b3_ref, g3_ref, be3_ref)
    o_ref[...] = lax.dot_general(h, w4_ref[...], (((1,), (0,)), ((), ())),
                                 preferred_element_type=jnp.float32) + b4_ref[...]


def _head(p256, p128, p64, fc1W, fc1b, gf1, bf1, fc2W, fc2b, gf2, bf2,
          fc3W, fc3b, gf3, bf3, fc4W, fc4b):
    args = [p256, p128, p64,
            fc1W, fc1b.reshape(1, -1), gf1.reshape(1, -1), bf1.reshape(1, -1),
            fc2W, fc2b.reshape(1, -1), gf2.reshape(1, -1), bf2.reshape(1, -1),
            fc3W, fc3b.reshape(1, -1), gf3.reshape(1, -1), bf3.reshape(1, -1),
            fc4W, fc4b.reshape(1, -1)]
    return pl.pallas_call(
        _head_body,
        in_specs=[pl.BlockSpec(a.shape, lambda: (0,) * a.ndim) for a in args],
        out_specs=pl.BlockSpec((B, 1), lambda: (0, 0)),
        out_shape=jax.ShapeDtypeStruct((B, 1), jnp.float32),
    )(*args)


def kernel(x, W1, b1, g1, be1, W2, b2, g2, be2, W3, b3, g3, be3,
           W4, b4, g4, be4, fc1W, fc1b, gf1, bf1, fc2W, fc2b, gf2, bf2,
           fc3W, fc3b, gf3, bf3, fc4W, fc4b):
    h0 = jnp.squeeze(x, 1)
    xx0 = jnp.sum(jnp.swapaxes(h0, 1, 2) ** 2, axis=1)
    h0 = jnp.pad(h0, ((0, 0), (0, 0), (0, 5)))
    w1p = jnp.concatenate([jnp.pad(W1[:3], ((0, 5), (0, 0))),
                           jnp.pad(W1[3:], ((0, 5), (0, 0)))], axis=0)

    x1, _ = _edge_layer(h0, w1p, b1, g1, be1, xx=xx0)
    x2, p64 = _edge_layer(x1, W2, b2, g2, be2)
    x3, p128 = _edge_layer(x2, W3, b3, g3, be3)
    x4, p256 = _edge_layer(x3, W4, b4, g4, be4)
    return _head(p256, p128, p64, fc1W, fc1b, gf1, bf1,
                 fc2W, fc2b, gf2, bf2, fc3W, fc3b, gf3, bf3, fc4W, fc4b)

# --- scband reference (transcript-rebuilt; emitter-appended) ---
"""Pipeline reference for scband-netlocal-d-63342177681511 (READ-ONLY COPY).

The authoritative reference and input builder live on the scoring server;
editing this copy changes nothing except your own understanding.
"""

import jax, jax.numpy as jnp
import numpy as np

EPS = 1e-5

def _bn2d(x, g, b):
    m = jnp.mean(x, axis=(0, 2, 3), keepdims=True)
    v = jnp.var(x, axis=(0, 2, 3), keepdims=True)
    return (x - m) / jnp.sqrt(v + EPS) * g.reshape(1, -1, 1, 1) + b.reshape(1, -1, 1, 1)

def _bn1d(x, g, b):
    m = jnp.mean(x, axis=0, keepdims=True)
    v = jnp.var(x, axis=0, keepdims=True)
    return (x - m) / jnp.sqrt(v + EPS) * g.reshape(1, -1) + b.reshape(1, -1)

def _knn(x, k):
    # x: [B, C, N]
    inner = -2.0 * jnp.matmul(jnp.swapaxes(x, 2, 1), x)
    xx = jnp.sum(x ** 2, axis=1, keepdims=True)
    pairwise_distance = -xx - inner - jnp.swapaxes(xx, 2, 1)
    idx = jax.lax.top_k(pairwise_distance, k)[1]
    return idx

def _get_graph_feature(x, k):
    # x: [B, C, N]
    B, C, N = x.shape
    idx = _knn(x, k)  # [B, N, k]
    idx_base = jnp.arange(B).reshape(-1, 1, 1) * N
    idx = (idx + idx_base).reshape(-1)
    x_t = jnp.swapaxes(x, 2, 1)  # [B, N, C]
    feature = x_t.reshape(B * N, C)[idx, :]
    feature = feature.reshape(B, N, k, C)
    x_e = jnp.broadcast_to(x_t.reshape(B, N, 1, C), (B, N, k, C))
    feature = jnp.concatenate((feature - x_e, x_e), axis=3)
    return jnp.transpose(feature, (0, 3, 1, 2))  # [B, 2C, N, k]

def _conv1x1(x, W, b):
    # x: [B, Cin, N, k], W: [Cin, Cout]
    return jnp.einsum('bcnk,co->bonk', x, W) + b.reshape(1, -1, 1, 1)

def setup_inputs(seed: int = 0) -> dict:
    key = jax.random.key(seed)
    ks = [jax.random.fold_in(key, i) for i in range(20)]
    B, N = 8, 2048
    inp = {}
    inp['x'] = jax.random.normal(ks[0], (B, 1, N, 3), dtype=jnp.float32)
    inp['W1'] = jax.random.normal(ks[1], (6, 64), dtype=jnp.float32) * 0.05
    inp['b1'] = jnp.zeros((64,), dtype=jnp.float32)
    inp['g1'] = jnp.ones((64,), dtype=jnp.float32)
    inp['be1'] = jnp.zeros((64,), dtype=jnp.float32)
    inp['W2'] = jax.random.normal(ks[2], (128, 64), dtype=jnp.float32) * 0.05
    inp['b2'] = jnp.zeros((64,), dtype=jnp.float32)
    inp['g2'] = jnp.ones((64,), dtype=jnp.float32)
    inp['be2'] = jnp.zeros((64,), dtype=jnp.float32)
    inp['W3'] = jax.random.normal(ks[3], (128, 128), dtype=jnp.float32) * 0.05
    inp['b3'] = jnp.zeros((128,), dtype=jnp.float32)
    inp['g3'] = jnp.ones((128,), dtype=jnp.float32)
    inp['be3'] = jnp.zeros((128,), dtype=jnp.float32)
    inp['W4'] = jax.random.normal(ks[4], (256, 256), dtype=jnp.float32) * 0.05
    inp['b4'] = jnp.zeros((256,), dtype=jnp.float32)
    inp['g4'] = jnp.ones((256,), dtype=jnp.float32)
    inp['be4'] = jnp.zeros((256,), dtype=jnp.float32)
    inp['fc1W'] = jax.random.normal(ks[5], (448, 256), dtype=jnp.float32) * 0.05
    inp['fc1b'] = jnp.zeros((256,), dtype=jnp.float32)
    inp['gf1'] = jnp.ones((256,), dtype=jnp.float32)
    inp['bf1'] = jnp.zeros((256,), dtype=jnp.float32)
    inp['fc2W'] = jax.random.normal(ks[6], (256, 128), dtype=jnp.float32) * 0.05
    inp['fc2b'] = jnp.zeros((128,), dtype=jnp.float32)
    inp['gf2'] = jnp.ones((128,), dtype=jnp.float32)
    inp['bf2'] = jnp.zeros((128,), dtype=jnp.float32)
    inp['fc3W'] = jax.random.normal(ks[7], (128, 16), dtype=jnp.float32) * 0.05
    inp['fc3b'] = jnp.zeros((16,), dtype=jnp.float32)
    inp['gf3'] = jnp.ones((16,), dtype=jnp.float32)
    inp['bf3'] = jnp.zeros((16,), dtype=jnp.float32)
    inp['fc4W'] = jax.random.normal(ks[8], (16, 1), dtype=jnp.float32) * 0.05
    inp['fc4b'] = jnp.zeros((1,), dtype=jnp.float32)
    return inp

def reference(x, W1, b1, g1, be1, W2, b2, g2, be2, W3, b3, g3, be3, W4, b4, g4, be4, fc1W, fc1b, gf1, bf1, fc2W, fc2b, gf2, bf2, fc3W, fc3b, gf3, bf3, fc4W, fc4b):
    k = 20
    h = jnp.squeeze(x, 1)            # [B, N, 3]
    h = jnp.swapaxes(h, 1, 2)        # [B, 3, N]
    h = _get_graph_feature(h, k)     # [B, 6, N, k]
    h = jax.nn.relu(_bn2d(_conv1x1(h, W1, b1), g1, be1))
    x1 = jnp.max(h, axis=-1)         # [B, 64, N]
    h = _get_graph_feature(x1, k)    # [B, 128, N, k]
    h = jax.nn.relu(_bn2d(_conv1x1(h, W2, b2), g2, be2))
    x2 = jnp.max(h, axis=-1)         # [B, 64, N]
    x_64 = jnp.max(x2, axis=2)       # [B, 64]
    h = _get_graph_feature(x2, k)    # [B, 128, N, k]
    h = jax.nn.relu(_bn2d(_conv1x1(h, W3, b3), g3, be3))
    x3 = jnp.max(h, axis=-1)         # [B, 128, N]
    x_128 = jnp.max(x3, axis=2)      # [B, 128]
    h = _get_graph_feature(x3, k)    # [B, 256, N, k]
    h = jax.nn.relu(_bn2d(_conv1x1(h, W4, b4), g4, be4))
    x4 = jnp.max(h, axis=-1)         # [B, 256, N]
    x_256 = jnp.max(x4, axis=2)      # [B, 256]
    h = jnp.concatenate([x_256, x_128, x_64], axis=1)  # [B, 448]
    h = jax.nn.relu(_bn1d(h @ fc1W + fc1b, gf1, bf1))
    h = jax.nn.relu(_bn1d(h @ fc2W + fc2b, gf2, bf2))
    h = jax.nn.relu(_bn1d(h @ fc3W + fc3b, gf3, bf3))
    h = h @ fc4W + fc4b
    return h

if __name__ == "__main__":
    import jax
    _d = setup_inputs()
    print(jax.jit(kernel)(*tuple(_d.values())))

</pallas_src>

<mosaic_0001>
#map = affine_map<(d0, d1) -> (0, 0)>
#map1 = affine_map<(d0, d1) -> (0)>
module attributes {stable_mosaic.version = 14 : i64} {
  func.func @gather(%arg0: i32, %arg1: i32, %arg2: memref<16384x8xf32, #tpu.memory_space<hbm>>, %arg3: memref<327680xi32, #tpu.memory_space<hbm>>, %arg4: memref<327680x8xf32, #tpu.memory_space<hbm>>, %arg5: memref<10240xi32, #tpu.memory_space<vmem>>, %arg6: memref<640x8xf32, #tpu.memory_space<vmem>>, %arg7: memref<640x8xf32, #tpu.memory_space<vmem>>, %arg8: memref<!tpu.dma_semaphore, #tpu.memory_space<semaphore_mem>>, %arg9: memref<!tpu.dma_semaphore, #tpu.memory_space<semaphore_mem>>) attributes {dimension_semantics = [#tpu.dimension_semantics<core_parallel>, #tpu.dimension_semantics<subcore_parallel>], iteration_bounds = array<i64: 2, 16>, scalar_prefetch = 0 : i64, scratch_operands = 5 : i64, tpu.core_type = #tpu.core_type<sc_vector_subcore>, window_params = [{transform_indices = #map}, {transform_indices = #map1}, {transform_indices = #map}]} {
    %mul3A = arith.constant 2 : i32
    %mul3A_0 = arith.muli %arg1, %mul3A : i32
    %add3A = arith.addi %mul3A_0, %arg0 : i32
    %mul3A_1 = arith.constant 512 : i32
    %mul3A_2 = arith.muli %add3A, %mul3A_1 : i32
    %mul3A_3 = arith.constant 20 : i32
    %mul3A_4 = arith.muli %mul3A_2, %mul3A_3 : i32
    "tpu.region"() ({
      %run_scoped3A = tpu.sem_alloc : memref<!tpu.dma_semaphore, #tpu.memory_space<semaphore_mem>>
      %dma_start3A_19 = tpu.memref_slice %arg3[%mul3A_4] : memref<327680xi32, #tpu.memory_space<hbm>> -> memref<10240xi32, #tpu.memory_space<hbm>>
      %dma_start3A_20 = tpu.memref_slice %arg3[%mul3A_4] : memref<327680xi32, #tpu.memory_space<hbm>> -> memref<10240xi32, #tpu.memory_space<hbm>>
      tpu.enqueue_dma source(%dma_start3A_20 : memref<10240xi32, #tpu.memory_space<hbm>>) target(%arg5 : memref<10240xi32, #tpu.memory_space<vmem>>) target_semaphore(%run_scoped3A : memref<!tpu.dma_semaphore, #tpu.memory_space<semaphore_mem>>)
      %dma_wait3A = tpu.memref_slice %arg3[%mul3A_4] : memref<327680xi32, #tpu.memory_space<hbm>> -> memref<10240xi32, #tpu.memory_space<hbm>>
      %dma_wait3A_21 = tpu.memref_slice %arg3[%mul3A_4] : memref<327680xi32, #tpu.memory_space<hbm>> -> memref<10240xi32, #tpu.memory_space<hbm>>
      tpu.wait_dma2 semaphore(%run_scoped3A : memref<!tpu.dma_semaphore, #tpu.memory_space<semaphore_mem>>) src(%dma_wait3A_21 : memref<10240xi32, #tpu.memory_space<hbm>>) dst(%arg5 : memref<10240xi32, #tpu.memory_space<vmem>>)
      tpu.yield
    }) : () -> ()
    %dma_start3A = arith.constant 0 : i32
    %dma_start3A_5 = tpu.memref_slice %arg5[%dma_start3A] : memref<10240xi32, #tpu.memory_space<vmem>> -> memref<640xi32, #tpu.memory_space<vmem>>
    %dma_start3A_6 = arith.constant 0 : i32
    %dma_start3A_7 = arith.constant 0 : i32
    %dma_start3A_8 = tpu.memref_slice %arg2[%dma_start3A_6, %dma_start3A_7] : memref<16384x8xf32, #tpu.memory_space<hbm>> -> memref<16384x8xf32, #tpu.memory_space<hbm>>
    tpu.enqueue_indirect_dma source(%dma_start3A_8 : memref<16384x8xf32, #tpu.memory_space<hbm>>) target(%arg6 : memref<640x8xf32, #tpu.memory_space<vmem>>) offsets(%dma_start3A_5 : memref<640xi32, #tpu.memory_space<vmem>>) semaphore(%arg8 : memref<!tpu.dma_semaphore, #tpu.memory_space<semaphore_mem>>)
    %dma_start3A_9 = arith.constant 640 : i32
    %dma_start3A_10 = tpu.memref_slice %arg5[%dma_start3A_9] : memref<10240xi32, #tpu.memory_space<vmem>> -> memref<640xi32, #tpu.memory_space<vmem>>
    %dma_start3A_11 = arith.constant 0 : i32
    %dma_start3A_12 = arith.constant 0 : i32
    %dma_start3A_13 = tpu.memref_slice %arg2[%dma_start3A_11, %dma_start3A_12] : memref<16384x8xf32, #tpu.memory_space<hbm>> -> memref<16384x8xf32, #tpu.memory_space<hbm>>
    tpu.enqueue_indirect_dma source(%dma_start3A_13 : memref<16384x8xf32, #tpu.memory_space<hbm>>) target(%arg7 : memref<640x8xf32, #tpu.memory_space<vmem>>) offsets(%dma_start3A_10 : memref<640xi32, #tpu.memory_space<vmem>>) semaphore(%arg9 : memref<!tpu.dma_semaphore, #tpu.memory_space<semaphore_mem>>)
    %scan3A = arith.constant 0 : i32
    %scan3A_14 = arith.constant 0 : i32
    %scan3A_15 = arith.constant 8 : i32
    %scan3A_16 = arith.addi %scan3A_14, %scan3A_15 : i32
    %scan3A_17 = arith.constant 1 : i32
    scf.for %scan3A_19 = %scan3A_14 to %scan3A_16 step %scan3A_17  : i32 {
      %mul3A_20 = arith.constant 2 : i32
      %mul3A_21 = arith.muli %mul3A_20, %scan3A_19 : i32
      %dma_wait3A = arith.constant 0 : i32
      %dma_wait3A_22 = arith.constant 0 : i32
      %dma_wait3A_23 = tpu.memref_slice %arg2[%dma_wait3A, %dma_wait3A_22] : memref<16384x8xf32, #tpu.memory_space<hbm>> -> memref<640x8xf32, #tpu.memory_space<hbm>>
      %dma_wait3A_24 = arith.constant 0 : i32
      %dma_wait3A_25 = arith.constant 0 : i32
      %dma_wait3A_26 = tpu.memref_slice %arg2[%dma_wait3A_24, %dma_wait3A_25] : memref<16384x8xf32, #tpu.memory_space<hbm>> -> memref<640x8xf32, #tpu.memory_space<hbm>>
      tpu.wait_dma2 semaphore(%arg8 : memref<!tpu.dma_semaphore, #tpu.memory_space<semaphore_mem>>) src(%dma_wait3A_26 : memref<640x8xf32, #tpu.memory_space<hbm>>) dst(%arg6 : memref<640x8xf32, #tpu.memory_space<vmem>>)
      %mul3A_27 = arith.constant 640 : i32
      %mul3A_28 = arith.muli %mul3A_21, %mul3A_27 : i32
      %add3A_29 = arith.addi %mul3A_4, %mul3A_28 : i32
      "tpu.region"() ({
        %run_scoped3A = tpu.sem_alloc : memref<!tpu.dma_semaphore, #tpu.memory_space<semaphore_mem>>
        %dma_start3A_52 = arith.constant 0 : i32
        %dma_start3A_53 = tpu.memref_slice %arg4[%add3A_29, %dma_start3A_52] : memref<327680x8xf32, #tpu.memory_space<hbm>> -> memref<640x8xf32, #tpu.memory_space<hbm>>
        %dma_start3A_54 = arith.constant 0 : i32
        %dma_start3A_55 = tpu.memref_slice %arg4[%add3A_29, %dma_start3A_54] : memref<327680x8xf32, #tpu.memory_space<hbm>> -> memref<640x8xf32, #tpu.memory_space<hbm>>
        tpu.enqueue_dma source(%arg6 : memref<640x8xf32, #tpu.memory_space<vmem>>) target(%dma_start3A_55 : memref<640x8xf32, #tpu.memory_space<hbm>>) target_semaphore(%run_scoped3A : memref<!tpu.dma_semaphore, #tpu.memory_space<semaphore_mem>>)
        %dma_wait3A_56 = arith.constant 0 : i32
        %dma_wait3A_57 = tpu.memref_slice %arg4[%add3A_29, %dma_wait3A_56] : memref<327680x8xf32, #tpu.memory_space<hbm>> -> memref<640x8xf32, #tpu.memory_space<hbm>>
        %dma_wait3A_58 = arith.constant 0 : i32
        %dma_wait3A_59 = tpu.memref_slice %arg4[%add3A_29, %dma_wait3A_58] : memref<327680x8xf32, #tpu.memory_space<hbm>> -> memref<640x8xf32, #tpu.memory_space<hbm>>
        tpu.wait_dma2 semaphore(%run_scoped3A : memref<!tpu.dma_semaphore, #tpu.memory_space<semaphore_mem>>) src(%arg6 : memref<640x8xf32, #tpu.memory_space<vmem>>) dst(%dma_wait3A_59 : memref<640x8xf32, #tpu.memory_space<hbm>>)
        tpu.yield
      }) : () -> ()
      %add3A_30 = arith.constant 1 : i32
      %add3A_31 = arith.addi %scan3A_19, %add3A_30 : i32
      %lt3A = arith.constant 8 : i32
      %lt3A_32 = arith.cmpi slt, %add3A_31, %lt3A : i32
      %convert_element_type3A = arith.extui %lt3A_32 : i1 to i32
      %cond3A = arith.constant 0 : i32
      %cond3A_33 = arith.cmpi ne, %convert_element_type3A, %cond3A : i32
      scf.if %cond3A_33 {
        %add3A_52 = arith.constant 2 : i32
        %add3A_53 = arith.addi %mul3A_21, %add3A_52 : i32
        %mul3A_54 = arith.constant 640 : i32
        %mul3A_55 = arith.muli %add3A_53, %mul3A_54 : i32
        %dma_start3A_56 = tpu.memref_slice %arg5[%mul3A_55] : memref<10240xi32, #tpu.memory_space<vmem>> -> memref<640xi32, #tpu.memory_space<vmem>>
        %dma_start3A_57 = arith.constant 0 : i32
        %dma_start3A_58 = arith.constant 0 : i32
        %dma_start3A_59 = tpu.memref_slice %arg2[%dma_start3A_57, %dma_start3A_58] : memref<16384x8xf32, #tpu.memory_space<hbm>> -> memref<16384x8xf32, #tpu.memory_space<hbm>>
        tpu.enqueue_indirect_dma source(%dma_start3A_59 : memref<16384x8xf32, #tpu.memory_space<hbm>>) target(%arg6 : memref<640x8xf32, #tpu.memory_space<vmem>>) offsets(%dma_start3A_56 : memref<640xi32, #tpu.memory_space<vmem>>) semaphore(%arg8 : memref<!tpu.dma_semaphore, #tpu.memory_space<semaphore_mem>>)
      } else {
      }
      %dma_wait3A_34 = arith.constant 0 : i32
      %dma_wait3A_35 = arith.constant 0 : i32
      %dma_wait3A_36 = tpu.memref_slice %arg2[%dma_wait3A_34, %dma_wait3A_35] : memref<16384x8xf32, #tpu.memory_space<hbm>> -> memref<640x8xf32, #tpu.memory_space<hbm>>
      %dma_wait3A_37 = arith.constant 0 : i32
      %dma_wait3A_38 = arith.constant 0 : i32
      %dma_wait3A_39 = tpu.memref_slice %arg2[%dma_wait3A_37, %dma_wait3A_38] : memref<16384x8xf32, #tpu.memory_space<hbm>> -> memref<640x8xf32, #tpu.memory_space<hbm>>
      tpu.wait_dma2 semaphore(%arg9 : memref<!tpu.dma_semaphore, #tpu.memory_space<semaphore_mem>>) src(%dma_wait3A_39 : memref<640x8xf32, #tpu.memory_space<hbm>>) dst(%arg7 : memref<640x8xf32, #tpu.memory_space<vmem>>)
      %add3A_40 = arith.constant 1 : i32
      %add3A_41 = arith.addi %mul3A_21, %add3A_40 : i32
      %mul3A_42 = arith.constant 640 : i32
      %mul3A_43 = arith.muli %add3A_41, %mul3A_42 : i32
      %add3A_44 = arith.addi %mul3A_4, %mul3A_43 : i32
      "tpu.region"() ({
        %run_scoped3A = tpu.sem_alloc : memref<!tpu.dma_semaphore, #tpu.memory_space<semaphore_mem>>
        %dma_start3A_52 = arith.constant 0 : i32
        %dma_start3A_53 = tpu.memref_slice %arg4[%add3A_44, %dma_start3A_52] : memref<327680x8xf32, #tpu.memory_space<hbm>> -> memref<640x8xf32, #tpu.memory_space<hbm>>
        %dma_start3A_54 = arith.constant 0 : i32
        %dma_start3A_55 = tpu.memref_slice %arg4[%add3A_44, %dma_start3A_54] : memref<327680x8xf32, #tpu.memory_space<hbm>> -> memref<640x8xf32, #tpu.memory_space<hbm>>
        tpu.enqueue_dma source(%arg7 : memref<640x8xf32, #tpu.memory_space<vmem>>) target(%dma_start3A_55 : memref<640x8xf32, #tpu.memory_space<hbm>>) target_semaphore(%run_scoped3A : memref<!tpu.dma_semaphore, #tpu.memory_space<semaphore_mem>>)
        %dma_wait3A_56 = arith.constant 0 : i32
        %dma_wait3A_57 = tpu.memref_slice %arg4[%add3A_44, %dma_wait3A_56] : memref<327680x8xf32, #tpu.memory_space<hbm>> -> memref<640x8xf32, #tpu.memory_space<hbm>>
        %dma_wait3A_58 = arith.constant 0 : i32
        %dma_wait3A_59 = tpu.memref_slice %arg4[%add3A_44, %dma_wait3A_58] : memref<327680x8xf32, #tpu.memory_space<hbm>> -> memref<640x8xf32, #tpu.memory_space<hbm>>
        tpu.wait_dma2 semaphore(%run_scoped3A : memref<!tpu.dma_semaphore, #tpu.memory_space<semaphore_mem>>) src(%arg7 : memref<640x8xf32, #tpu.memory_space<vmem>>) dst(%dma_wait3A_59 : memref<640x8xf32, #tpu.memory_space<hbm>>)
        tpu.yield
      }) : () -> ()
      %add3A_45 = arith.constant 1 : i32
      %add3A_46 = arith.addi %scan3A_19, %add3A_45 : i32
      %lt3A_47 = arith.constant 8 : i32
      %lt3A_48 = arith.cmpi slt, %add3A_46, %lt3A_47 : i32
      %convert_element_type3A_49 = arith.extui %lt3A_48 : i1 to i32
      %cond3A_50 = arith.constant 0 : i32
      %cond3A_51 = arith.cmpi ne, %convert_element_type3A_49, %cond3A_50 : i32
      scf.if %cond3A_51 {
        %add3A_52 = arith.constant 3 : i32
        %add3A_53 = arith.addi %mul3A_21, %add3A_52 : i32
        %mul3A_54 = arith.constant 640 : i32
        %mul3A_55 = arith.muli %add3A_53, %mul3A_54 : i32
        %dma_start3A_56 = tpu.memref_slice %arg5[%mul3A_55] : memref<10240xi32, #tpu.memory_space<vmem>> -> memref<640xi32, #tpu.memory_space<vmem>>
        %dma_start3A_57 = arith.constant 0 : i32
        %dma_start3A_58 = arith.constant 0 : i32
        %dma_start3A_59 = tpu.memref_slice %arg2[%dma_start3A_57, %dma_start3A_58] : memref<16384x8xf32, #tpu.memory_space<hbm>> -> memref<16384x8xf32, #tpu.memory_space<hbm>>
        tpu.enqueue_indirect_dma source(%dma_start3A_59 : memref<16384x8xf32, #tpu.memory_space<hbm>>) target(%arg7 : memref<640x8xf32, #tpu.memory_space<vmem>>) offsets(%dma_start3A_56 : memref<640xi32, #tpu.memory_space<vmem>>) semaphore(%arg9 : memref<!tpu.dma_semaphore, #tpu.memory_space<semaphore_mem>>)
      } else {
      }
    }
    %scan3A_18 = arith.constant 8 : i32
    return
  }
}

#map = affine_map<(d0, d1) -> (0, 0)>
#map1 = affine_map<(d0, d1) -> (0)>
module attributes {stable_mosaic.version = 14 : i64} {
  func.func @gather(%arg0: i32, %arg1: i32, %arg2: memref<16384x64xf32, #tpu.memory_space<hbm>>, %arg3: memref<327680xi32, #tpu.memory_space<hbm>>, %arg4: memref<327680x64xf32, #tpu.memory_space<hbm>>, %arg5: memref<10240xi32, #tpu.memory_space<vmem>>, %arg6: memref<320x64xf32, #tpu.memory_space<vmem>>, %arg7: memref<320x64xf32, #tpu.memory_space<vmem>>, %arg8: memref<!tpu.dma_semaphore, #tpu.memory_space<semaphore_mem>>, %arg9: memref<!tpu.dma_semaphore, #tpu.memory_space<semaphore_mem>>) attributes {dimension_semantics = [#tpu.dimension_semantics<core_parallel>, #tpu.dimension_semantics<subcore_parallel>], iteration_bounds = array<i64: 2, 16>, scalar_prefetch = 0 : i64, scratch_operands = 5 : i64, tpu.core_type = #tpu.core_type<sc_vector_subcore>, window_params = [{transform_indices = #map}, {transform_indices = #map1}, {transform_indices = #map}]} {
    %mul3A = arith.constant 2 : i32
    %mul3A_0 = arith.muli %arg1, %mul3A : i32
    %add3A = arith.addi %mul3A_0, %arg0 : i32
    %mul3A_1 = arith.constant 512 : i32
    %mul3A_2 = arith.muli %add3A, %mul3A_1 : i32
    %mul3A_3 = arith.constant 20 : i32
    %mul3A_4 = arith.muli %mul3A_2, %mul3A_3 : i32
    "tpu.region"() ({
      %run_scoped3A = tpu.sem_alloc : memref<!tpu.dma_semaphore, #tpu.memory_space<semaphore_mem>>
      %dma_start3A_19 = tpu.memref_slice %arg3[%mul3A_4] : memref<327680xi32, #tpu.memory_space<hbm>> -> memref<10240xi32, #tpu.memory_space<hbm>>
      %dma_start3A_20 = tpu.memref_slice %arg3[%mul3A_4] : memref<327680xi32, #tpu.memory_space<hbm>> -> memref<10240xi32, #tpu.memory_space<hbm>>
      tpu.enqueue_dma source(%dma_start3A_20 : memref<10240xi32, #tpu.memory_space<hbm>>) target(%arg5 : memref<10240xi32, #tpu.memory_space<vmem>>) target_semaphore(%run_scoped3A : memref<!tpu.dma_semaphore, #tpu.memory_space<semaphore_mem>>)
      %dma_wait3A = tpu.memref_slice %arg3[%mul3A_4] : memref<327680xi32, #tpu.memory_space<hbm>> -> memref<10240xi32, #tpu.memory_space<hbm>>
      %dma_wait3A_21 = tpu.memref_slice %arg3[%mul3A_4] : memref<327680xi32, #tpu.memory_space<hbm>> -> memref<10240xi32, #tpu.memory_space<hbm>>
      tpu.wait_dma2 semaphore(%run_scoped3A : memref<!tpu.dma_semaphore, #tpu.memory_space<semaphore_mem>>) src(%dma_wait3A_21 : memref<10240xi32, #tpu.memory_space<hbm>>) dst(%arg5 : memref<10240xi32, #tpu.memory_space<vmem>>)
      tpu.yield
    }) : () -> ()
    %dma_start3A = arith.constant 0 : i32
    %dma_start3A_5 = tpu.memref_slice %arg5[%dma_start3A] : memref<10240xi32, #tpu.memory_space<vmem>> -> memref<320xi32, #tpu.memory_space<vmem>>
    %dma_start3A_6 = arith.constant 0 : i32
    %dma_start3A_7 = arith.constant 0 : i32
    %dma_start3A_8 = tpu.memref_slice %arg2[%dma_start3A_6, %dma_start3A_7] : memref<16384x64xf32, #tpu.memory_space<hbm>> -> memref<16384x64xf32, #tpu.memory_space<hbm>>
    tpu.enqueue_indirect_dma source(%dma_start3A_8 : memref<16384x64xf32, #tpu.memory_space<hbm>>) target(%arg6 : memref<320x64xf32, #tpu.memory_space<vmem>>) offsets(%dma_start3A_5 : memref<320xi32, #tpu.memory_space<vmem>>) semaphore(%arg8 : memref<!tpu.dma_semaphore, #tpu.memory_space<semaphore_mem>>)
    %dma_start3A_9 = arith.constant 320 : i32
    %dma_start3A_10 = tpu.memref_slice %arg5[%dma_start3A_9] : memref<10240xi32, #tpu.memory_space<vmem>> -> memref<320xi32, #tpu.memory_space<vmem>>
    %dma_start3A_11 = arith.constant 0 : i32
    %dma_start3A_12 = arith.constant 0 : i32
    %dma_start3A_13 = tpu.memref_slice %arg2[%dma_start3A_11, %dma_start3A_12] : memref<16384x64xf32, #tpu.memory_space<hbm>> -> memref<16384x64xf32, #tpu.memory_space<hbm>>
    tpu.enqueue_indirect_dma source(%dma_start3A_13 : memref<16384x64xf32, #tpu.memory_space<hbm>>) target(%arg7 : memref<320x64xf32, #tpu.memory_space<vmem>>) offsets(%dma_start3A_10 : memref<320xi32, #tpu.memory_space<vmem>>) semaphore(%arg9 : memref<!tpu.dma_semaphore, #tpu.memory_space<semaphore_mem>>)
    %scan3A = arith.constant 0 : i32
    %scan3A_14 = arith.constant 0 : i32
    %scan3A_15 = arith.constant 16 : i32
    %scan3A_16 = arith.addi %scan3A_14, %scan3A_15 : i32
    %scan3A_17 = arith.constant 1 : i32
    scf.for %scan3A_19 = %scan3A_14 to %scan3A_16 step %scan3A_17  : i32 {
      %mul3A_20 = arith.constant 2 : i32
      %mul3A_21 = arith.muli %mul3A_20, %scan3A_19 : i32
      %dma_wait3A = arith.constant 0 : i32
      %dma_wait3A_22 = arith.constant 0 : i32
      %dma_wait3A_23 = tpu.memref_slice %arg2[%dma_wait3A, %dma_wait3A_22] : memref<16384x64xf32, #tpu.memory_space<hbm>> -> memref<320x64xf32, #tpu.memory_space<hbm>>
      %dma_wait3A_24 = arith.constant 0 : i32
      %dma_wait3A_25 = arith.constant 0 : i32
      %dma_wait3A_26 = tpu.memref_slice %arg2[%dma_wait3A_24, %dma_wait3A_25] : memref<16384x64xf32, #tpu.memory_space<hbm>> -> memref<320x64xf32, #tpu.memory_space<hbm>>
      tpu.wait_dma2 semaphore(%arg8 : memref<!tpu.dma_semaphore, #tpu.memory_space<semaphore_mem>>) src(%dma_wait3A_26 : memref<320x64xf32, #tpu.memory_space<hbm>>) dst(%arg6 : memref<320x64xf32, #tpu.memory_space<vmem>>)
      %mul3A_27 = arith.constant 320 : i32
      %mul3A_28 = arith.muli %mul3A_21, %mul3A_27 : i32
      %add3A_29 = arith.addi %mul3A_4, %mul3A_28 : i32
      "tpu.region"() ({
        %run_scoped3A = tpu.sem_alloc : memref<!tpu.dma_semaphore, #tpu.memory_space<semaphore_mem>>
        %dma_start3A_52 = arith.constant 0 : i32
        %dma_start3A_53 = tpu.memref_slice %arg4[%add3A_29, %dma_start3A_52] : memref<327680x64xf32, #tpu.memory_space<hbm>> -> memref<320x64xf32, #tpu.memory_space<hbm>>
        %dma_start3A_54 = arith.constant 0 : i32
        %dma_start3A_55 = tpu.memref_slice %arg4[%add3A_29, %dma_start3A_54] : memref<327680x64xf32, #tpu.memory_space<hbm>> -> memref<320x64xf32, #tpu.memory_space<hbm>>
        tpu.enqueue_dma source(%arg6 : memref<320x64xf32, #tpu.memory_space<vmem>>) target(%dma_start3A_55 : memref<320x64xf32, #tpu.memory_space<hbm>>) target_semaphore(%run_scoped3A : memref<!tpu.dma_semaphore, #tpu.memory_space<semaphore_mem>>)
        %dma_wait3A_56 = arith.constant 0 : i32
        %dma_wait3A_57 = tpu.memref_slice %arg4[%add3A_29, %dma_wait3A_56] : memref<327680x64xf32, #tpu.memory_space<hbm>> -> memref<320x64xf32, #tpu.memory_space<hbm>>
        %dma_wait3A_58 = arith.constant 0 : i32
        %dma_wait3A_59 = tpu.memref_slice %arg4[%add3A_29, %dma_wait3A_58] : memref<327680x64xf32, #tpu.memory_space<hbm>> -> memref<320x64xf32, #tpu.memory_space<hbm>>
        tpu.wait_dma2 semaphore(%run_scoped3A : memref<!tpu.dma_semaphore, #tpu.memory_space<semaphore_mem>>) src(%arg6 : memref<320x64xf32, #tpu.memory_space<vmem>>) dst(%dma_wait3A_59 : memref<320x64xf32, #tpu.memory_space<hbm>>)
        tpu.yield
      }) : () -> ()
      %add3A_30 = arith.constant 1 : i32
      %add3A_31 = arith.addi %scan3A_19, %add3A_30 : i32
      %lt3A = arith.constant 16 : i32
      %lt3A_32 = arith.cmpi slt, %add3A_31, %lt3A : i32
      %convert_element_type3A = arith.extui %lt3A_32 : i1 to i32
      %cond3A = arith.constant 0 : i32
      %cond3A_33 = arith.cmpi ne, %convert_element_type3A, %cond3A : i32
      scf.if %cond3A_33 {
        %add3A_52 = arith.constant 2 : i32
        %add3A_53 = arith.addi %mul3A_21, %add3A_52 : i32
        %mul3A_54 = arith.constant 320 : i32
        %mul3A_55 = arith.muli %add3A_53, %mul3A_54 : i32
        %dma_start3A_56 = tpu.memref_slice %arg5[%mul3A_55] : memref<10240xi32, #tpu.memory_space<vmem>> -> memref<320xi32, #tpu.memory_space<vmem>>
        %dma_start3A_57 = arith.constant 0 : i32
        %dma_start3A_58 = arith.constant 0 : i32
        %dma_start3A_59 = tpu.memref_slice %arg2[%dma_start3A_57, %dma_start3A_58] : memref<16384x64xf32, #tpu.memory_space<hbm>> -> memref<16384x64xf32, #tpu.memory_space<hbm>>
        tpu.enqueue_indirect_dma source(%dma_start3A_59 : memref<16384x64xf32, #tpu.memory_space<hbm>>) target(%arg6 : memref<320x64xf32, #tpu.memory_space<vmem>>) offsets(%dma_start3A_56 : memref<320xi32, #tpu.memory_space<vmem>>) semaphore(%arg8 : memref<!tpu.dma_semaphore, #tpu.memory_space<semaphore_mem>>)
      } else {
      }
      %dma_wait3A_34 = arith.constant 0 : i32
      %dma_wait3A_35 = arith.constant 0 : i32
      %dma_wait3A_36 = tpu.memref_slice %arg2[%dma_wait3A_34, %dma_wait3A_35] : memref<16384x64xf32, #tpu.memory_space<hbm>> -> memref<320x64xf32, #tpu.memory_space<hbm>>
      %dma_wait3A_37 = arith.constant 0 : i32
      %dma_wait3A_38 = arith.constant 0 : i32
      %dma_wait3A_39 = tpu.memref_slice %arg2[%dma_wait3A_37, %dma_wait3A_38] : memref<16384x64xf32, #tpu.memory_space<hbm>> -> memref<320x64xf32, #tpu.memory_space<hbm>>
      tpu.wait_dma2 semaphore(%arg9 : memref<!tpu.dma_semaphore, #tpu.memory_space<semaphore_mem>>) src(%dma_wait3A_39 : memref<320x64xf32, #tpu.memory_space<hbm>>) dst(%arg7 : memref<320x64xf32, #tpu.memory_space<vmem>>)
      %add3A_40 = arith.constant 1 : i32
      %add3A_41 = arith.addi %mul3A_21, %add3A_40 : i32
      %mul3A_42 = arith.constant 320 : i32
      %mul3A_43 = arith.muli %add3A_41, %mul3A_42 : i32
      %add3A_44 = arith.addi %mul3A_4, %mul3A_43 : i32
      "tpu.region"() ({
        %run_scoped3A = tpu.sem_alloc : memref<!tpu.dma_semaphore, #tpu.memory_space<semaphore_mem>>
        %dma_start3A_52 = arith.constant 0 : i32
        %dma_start3A_53 = tpu.memref_slice %arg4[%add3A_44, %dma_start3A_52] : memref<327680x64xf32, #tpu.memory_space<hbm>> -> memref<320x64xf32, #tpu.memory_space<hbm>>
        %dma_start3A_54 = arith.constant 0 : i32
        %dma_start3A_55 = tpu.memref_slice %arg4[%add3A_44, %dma_start3A_54] : memref<327680x64xf32, #tpu.memory_space<hbm>> -> memref<320x64xf32, #tpu.memory_space<hbm>>
        tpu.enqueue_dma source(%arg7 : memref<320x64xf32, #tpu.memory_space<vmem>>) target(%dma_start3A_55 : memref<320x64xf32, #tpu.memory_space<hbm>>) target_semaphore(%run_scoped3A : memref<!tpu.dma_semaphore, #tpu.memory_space<semaphore_mem>>)
        %dma_wait3A_56 = arith.constant 0 : i32
        %dma_wait3A_57 = tpu.memref_slice %arg4[%add3A_44, %dma_wait3A_56] : memref<327680x64xf32, #tpu.memory_space<hbm>> -> memref<320x64xf32, #tpu.memory_space<hbm>>
        %dma_wait3A_58 = arith.constant 0 : i32
        %dma_wait3A_59 = tpu.memref_slice %arg4[%add3A_44, %dma_wait3A_58] : memref<327680x64xf32, #tpu.memory_space<hbm>> -> memref<320x64xf32, #tpu.memory_space<hbm>>
        tpu.wait_dma2 semaphore(%run_scoped3A : memref<!tpu.dma_semaphore, #tpu.memory_space<semaphore_mem>>) src(%arg7 : memref<320x64xf32, #tpu.memory_space<vmem>>) dst(%dma_wait3A_59 : memref<320x64xf32, #tpu.memory_space<hbm>>)
        tpu.yield
      }) : () -> ()
      %add3A_45 = arith.constant 1 : i32
      %add3A_46 = arith.addi %scan3A_19, %add3A_45 : i32
      %lt3A_47 = arith.constant 16 : i32
      %lt3A_48 = arith.cmpi slt, %add3A_46, %lt3A_47 : i32
      %convert_element_type3A_49 = arith.extui %lt3A_48 : i1 to i32
      %cond3A_50 = arith.constant 0 : i32
      %cond3A_51 = arith.cmpi ne, %convert_element_type3A_49, %cond3A_50 : i32
      scf.if %cond3A_51 {
        %add3A_52 = arith.constant 3 : i32
        %add3A_53 = arith.addi %mul3A_21, %add3A_52 : i32
        %mul3A_54 = arith.constant 320 : i32
        %mul3A_55 = arith.muli %add3A_53, %mul3A_54 : i32
        %dma_start3A_56 = tpu.memref_slice %arg5[%mul3A_55] : memref<10240xi32, #tpu.memory_space<vmem>> -> memref<320xi32, #tpu.memory_space<vmem>>
        %dma_start3A_57 = arith.constant 0 : i32
        %dma_start3A_58 = arith.constant 0 : i32
        %dma_start3A_59 = tpu.memref_slice %arg2[%dma_start3A_57, %dma_start3A_58] : memref<16384x64xf32, #tpu.memory_space<hbm>> -> memref<16384x64xf32, #tpu.memory_space<hbm>>
        tpu.enqueue_indirect_dma source(%dma_start3A_59 : memref<16384x64xf32, #tpu.memory_space<hbm>>) target(%arg7 : memref<320x64xf32, #tpu.memory_space<vmem>>) offsets(%dma_start3A_56 : memref<320xi32, #tpu.memory_space<vmem>>) semaphore(%arg9 : memref<!tpu.dma_semaphore, #tpu.memory_space<semaphore_mem>>)
      } else {
      }
    }
    %scan3A_18 = arith.constant 16 : i32
    return
  }
}

#map = affine_map<(d0, d1) -> (0, 0)>
#map1 = affine_map<(d0, d1) -> (0)>
module attributes {stable_mosaic.version = 14 : i64} {
  func.func @gather(%arg0: i32, %arg1: i32, %arg2: memref<16384x128xf32, #tpu.memory_space<hbm>>, %arg3: memref<327680xi32, #tpu.memory_space<hbm>>, %arg4: memref<327680x128xf32, #tpu.memory_space<hbm>>, %arg5: memref<10240xi32, #tpu.memory_space<vmem>>, %arg6: memref<160x128xf32, #tpu.memory_space<vmem>>, %arg7: memref<160x128xf32, #tpu.memory_space<vmem>>, %arg8: memref<!tpu.dma_semaphore, #tpu.memory_space<semaphore_mem>>, %arg9: memref<!tpu.dma_semaphore, #tpu.memory_space<semaphore_mem>>) attributes {dimension_semantics = [#tpu.dimension_semantics<core_parallel>, #tpu.dimension_semantics<subcore_parallel>], iteration_bounds = array<i64: 2, 16>, scalar_prefetch = 0 : i64, scratch_operands = 5 : i64, tpu.core_type = #tpu.core_type<sc_vector_subcore>, window_params = [{transform_indices = #map}, {transform_indices = #map1}, {transform_indices = #map}]} {
    %mul3A = arith.constant 2 : i32
    %mul3A_0 = arith.muli %arg1, %mul3A : i32
    %add3A = arith.addi %mul3A_0, %arg0 : i32
    %mul3A_1 = arith.constant 512 : i32
    %mul3A_2 = arith.muli %add3A, %mul3A_1 : i32
    %mul3A_3 = arith.constant 20 : i32
    %mul3A_4 = arith.muli %mul3A_2, %mul3A_3 : i32
    "tpu.region"() ({
      %run_scoped3A = tpu.sem_alloc : memref<!tpu.dma_semaphore, #tpu.memory_space<semaphore_mem>>
      %dma_start3A_19 = tpu.memref_slice %arg3[%mul3A_4] : memref<327680xi32, #tpu.memory_space<hbm>> -> memref<10240xi32, #tpu.memory_space<hbm>>
      %dma_start3A_20 = tpu.memref_slice %arg3[%mul3A_4] : memref<327680xi32, #tpu.memory_space<hbm>> -> memref<10240xi32, #tpu.memory_space<hbm>>
      tpu.enqueue_dma source(%dma_start3A_20 : memref<10240xi32, #tpu.memory_space<hbm>>) target(%arg5 : memref<10240xi32, #tpu.memory_space<vmem>>) target_semaphore(%run_scoped3A : memref<!tpu.dma_semaphore, #tpu.memory_space<semaphore_mem>>)
      %dma_wait3A = tpu.memref_slice %arg3[%mul3A_4] : memref<327680xi32, #tpu.memory_space<hbm>> -> memref<10240xi32, #tpu.memory_space<hbm>>
      %dma_wait3A_21 = tpu.memref_slice %arg3[%mul3A_4] : memref<327680xi32, #tpu.memory_space<hbm>> -> memref<10240xi32, #tpu.memory_space<hbm>>
      tpu.wait_dma2 semaphore(%run_scoped3A : memref<!tpu.dma_semaphore, #tpu.memory_space<semaphore_mem>>) src(%dma_wait3A_21 : memref<10240xi32, #tpu.memory_space<hbm>>) dst(%arg5 : memref<10240xi32, #tpu.memory_space<vmem>>)
      tpu.yield
    }) : () -> ()
    %dma_start3A = arith.constant 0 : i32
    %dma_start3A_5 = tpu.memref_slice %arg5[%dma_start3A] : memref<10240xi32, #tpu.memory_space<vmem>> -> memref<160xi32, #tpu.memory_space<vmem>>
    %dma_start3A_6 = arith.constant 0 : i32
    %dma_start3A_7 = arith.constant 0 : i32
    %dma_start3A_8 = tpu.memref_slice %arg2[%dma_start3A_6, %dma_start3A_7] : memref<16384x128xf32, #tpu.memory_space<hbm>> -> memref<16384x128xf32, #tpu.memory_space<hbm>>
    tpu.enqueue_indirect_dma source(%dma_start3A_8 : memref<16384x128xf32, #tpu.memory_space<hbm>>) target(%arg6 : memref<160x128xf32, #tpu.memory_space<vmem>>) offsets(%dma_start3A_5 : memref<160xi32, #tpu.memory_space<vmem>>) semaphore(%arg8 : memref<!tpu.dma_semaphore, #tpu.memory_space<semaphore_mem>>)
    %dma_start3A_9 = arith.constant 160 : i32
    %dma_start3A_10 = tpu.memref_slice %arg5[%dma_start3A_9] : memref<10240xi32, #tpu.memory_space<vmem>> -> memref<160xi32, #tpu.memory_space<vmem>>
    %dma_start3A_11 = arith.constant 0 : i32
    %dma_start3A_12 = arith.constant 0 : i32
    %dma_start3A_13 = tpu.memref_slice %arg2[%dma_start3A_11, %dma_start3A_12] : memref<16384x128xf32, #tpu.memory_space<hbm>> -> memref<16384x128xf32, #tpu.memory_space<hbm>>
    tpu.enqueue_indirect_dma source(%dma_start3A_13 : memref<16384x128xf32, #tpu.memory_space<hbm>>) target(%arg7 : memref<160x128xf32, #tpu.memory_space<vmem>>) offsets(%dma_start3A_10 : memref<160xi32, #tpu.memory_space<vmem>>) semaphore(%arg9 : memref<!tpu.dma_semaphore, #tpu.memory_space<semaphore_mem>>)
    %scan3A = arith.constant 0 : i32
    %scan3A_14 = arith.constant 0 : i32
    %scan3A_15 = arith.constant 32 : i32
    %scan3A_16 = arith.addi %scan3A_14, %scan3A_15 : i32
    %scan3A_17 = arith.constant 1 : i32
    scf.for %scan3A_19 = %scan3A_14 to %scan3A_16 step %scan3A_17  : i32 {
      %mul3A_20 = arith.constant 2 : i32
      %mul3A_21 = arith.muli %mul3A_20, %scan3A_19 : i32
      %dma_wait3A = arith.constant 0 : i32
      %dma_wait3A_22 = arith.constant 0 : i32
      %dma_wait3A_23 = tpu.memref_slice %arg2[%dma_wait3A, %dma_wait3A_22] : memref<16384x128xf32, #tpu.memory_space<hbm>> -> memref<160x128xf32, #tpu.memory_space<hbm>>
      %dma_wait3A_24 = arith.constant 0 : i32
      %dma_wait3A_25 = arith.constant 0 : i32
      %dma_wait3A_26 = tpu.memref_slice %arg2[%dma_wait3A_24, %dma_wait3A_25] : memref<16384x128xf32, #tpu.memory_space<hbm>> -> memref<160x128xf32, #tpu.memory_space<hbm>>
      tpu.wait_dma2 semaphore(%arg8 : memref<!tpu.dma_semaphore, #tpu.memory_space<semaphore_mem>>) src(%dma_wait3A_26 : memref<160x128xf32, #tpu.memory_space<hbm>>) dst(%arg6 : memref<160x128xf32, #tpu.memory_space<vmem>>)
      %mul3A_27 = arith.constant 160 : i32
      %mul3A_28 = arith.muli %mul3A_21, %mul3A_27 : i32
      %add3A_29 = arith.addi %mul3A_4, %mul3A_28 : i32
      "tpu.region"() ({
        %run_scoped3A = tpu.sem_alloc : memref<!tpu.dma_semaphore, #tpu.memory_space<semaphore_mem>>
        %dma_start3A_52 = arith.constant 0 : i32
        %dma_start3A_53 = tpu.memref_slice %arg4[%add3A_29, %dma_start3A_52] : memref<327680x128xf32, #tpu.memory_space<hbm>> -> memref<160x128xf32, #tpu.memory_space<hbm>>
        %dma_start3A_54 = arith.constant 0 : i32
        %dma_start3A_55 = tpu.memref_slice %arg4[%add3A_29, %dma_start3A_54] : memref<327680x128xf32, #tpu.memory_space<hbm>> -> memref<160x128xf32, #tpu.memory_space<hbm>>
        tpu.enqueue_dma source(%arg6 : memref<160x128xf32, #tpu.memory_space<vmem>>) target(%dma_start3A_55 : memref<160x128xf32, #tpu.memory_space<hbm>>) target_semaphore(%run_scoped3A : memref<!tpu.dma_semaphore, #tpu.memory_space<semaphore_mem>>)
        %dma_wait3A_56 = arith.constant 0 : i32
        %dma_wait3A_57 = tpu.memref_slice %arg4[%add3A_29, %dma_wait3A_56] : memref<327680x128xf32, #tpu.memory_space<hbm>> -> memref<160x128xf32, #tpu.memory_space<hbm>>
        %dma_wait3A_58 = arith.constant 0 : i32
        %dma_wait3A_59 = tpu.memref_slice %arg4[%add3A_29, %dma_wait3A_58] : memref<327680x128xf32, #tpu.memory_space<hbm>> -> memref<160x128xf32, #tpu.memory_space<hbm>>
        tpu.wait_dma2 semaphore(%run_scoped3A : memref<!tpu.dma_semaphore, #tpu.memory_space<semaphore_mem>>) src(%arg6 : memref<160x128xf32, #tpu.memory_space<vmem>>) dst(%dma_wait3A_59 : memref<160x128xf32, #tpu.memory_space<hbm>>)
        tpu.yield
      }) : () -> ()
      %add3A_30 = arith.constant 1 : i32
      %add3A_31 = arith.addi %scan3A_19, %add3A_30 : i32
      %lt3A = arith.constant 32 : i32
      %lt3A_32 = arith.cmpi slt, %add3A_31, %lt3A : i32
      %convert_element_type3A = arith.extui %lt3A_32 : i1 to i32
      %cond3A = arith.constant 0 : i32
      %cond3A_33 = arith.cmpi ne, %convert_element_type3A, %cond3A : i32
      scf.if %cond3A_33 {
        %add3A_52 = arith.constant 2 : i32
        %add3A_53 = arith.addi %mul3A_21, %add3A_52 : i32
        %mul3A_54 = arith.constant 160 : i32
        %mul3A_55 = arith.muli %add3A_53, %mul3A_54 : i32
        %dma_start3A_56 = tpu.memref_slice %arg5[%mul3A_55] : memref<10240xi32, #tpu.memory_space<vmem>> -> memref<160xi32, #tpu.memory_space<vmem>>
        %dma_start3A_57 = arith.constant 0 : i32
        %dma_start3A_58 = arith.constant 0 : i32
        %dma_start3A_59 = tpu.memref_slice %arg2[%dma_start3A_57, %dma_start3A_58] : memref<16384x128xf32, #tpu.memory_space<hbm>> -> memref<16384x128xf32, #tpu.memory_space<hbm>>
        tpu.enqueue_indirect_dma source(%dma_start3A_59 : memref<16384x128xf32, #tpu.memory_space<hbm>>) target(%arg6 : memref<160x128xf32, #tpu.memory_space<vmem>>) offsets(%dma_start3A_56 : memref<160xi32, #tpu.memory_space<vmem>>) semaphore(%arg8 : memref<!tpu.dma_semaphore, #tpu.memory_space<semaphore_mem>>)
      } else {
      }
      %dma_wait3A_34 = arith.constant 0 : i32
      %dma_wait3A_35 = arith.constant 0 : i32
      %dma_wait3A_36 = tpu.memref_slice %arg2[%dma_wait3A_34, %dma_wait3A_35] : memref<16384x128xf32, #tpu.memory_space<hbm>> -> memref<160x128xf32, #tpu.memory_space<hbm>>
      %dma_wait3A_37 = arith.constant 0 : i32
      %dma_wait3A_38 = arith.constant 0 : i32
      %dma_wait3A_39 = tpu.memref_slice %arg2[%dma_wait3A_37, %dma_wait3A_38] : memref<16384x128xf32, #tpu.memory_space<hbm>> -> memref<160x128xf32, #tpu.memory_space<hbm>>
      tpu.wait_dma2 semaphore(%arg9 : memref<!tpu.dma_semaphore, #tpu.memory_space<semaphore_mem>>) src(%dma_wait3A_39 : memref<160x128xf32, #tpu.memory_space<hbm>>) dst(%arg7 : memref<160x128xf32, #tpu.memory_space<vmem>>)
      %add3A_40 = arith.constant 1 : i32
      %add3A_41 = arith.addi %mul3A_21, %add3A_40 : i32
      %mul3A_42 = arith.constant 160 : i32
      %mul3A_43 = arith.muli %add3A_41, %mul3A_42 : i32
      %add3A_44 = arith.addi %mul3A_4, %mul3A_43 : i32
      "tpu.region"() ({
        %run_scoped3A = tpu.sem_alloc : memref<!tpu.dma_semaphore, #tpu.memory_space<semaphore_mem>>
        %dma_start3A_52 = arith.constant 0 : i32
        %dma_start3A_53 = tpu.memref_slice %arg4[%add3A_44, %dma_start3A_52] : memref<327680x128xf32, #tpu.memory_space<hbm>> -> memref<160x128xf32, #tpu.memory_space<hbm>>
        %dma_start3A_54 = arith.constant 0 : i32
        %dma_start3A_55 = tpu.memref_slice %arg4[%add3A_44, %dma_start3A_54] : memref<327680x128xf32, #tpu.memory_space<hbm>> -> memref<160x128xf32, #tpu.memory_space<hbm>>
        tpu.enqueue_dma source(%arg7 : memref<160x128xf32, #tpu.memory_space<vmem>>) target(%dma_start3A_55 : memref<160x128xf32, #tpu.memory_space<hbm>>) target_semaphore(%run_scoped3A : memref<!tpu.dma_semaphore, #tpu.memory_space<semaphore_mem>>)
        %dma_wait3A_56 = arith.constant 0 : i32
        %dma_wait3A_57 = tpu.memref_slice %arg4[%add3A_44, %dma_wait3A_56] : memref<327680x128xf32, #tpu.memory_space<hbm>> -> memref<160x128xf32, #tpu.memory_space<hbm>>
        %dma_wait3A_58 = arith.constant 0 : i32
        %dma_wait3A_59 = tpu.memref_slice %arg4[%add3A_44, %dma_wait3A_58] : memref<327680x128xf32, #tpu.memory_space<hbm>> -> memref<160x128xf32, #tpu.memory_space<hbm>>
        tpu.wait_dma2 semaphore(%run_scoped3A : memref<!tpu.dma_semaphore, #tpu.memory_space<semaphore_mem>>) src(%arg7 : memref<160x128xf32, #tpu.memory_space<vmem>>) dst(%dma_wait3A_59 : memref<160x128xf32, #tpu.memory_space<hbm>>)
        tpu.yield
      }) : () -> ()
      %add3A_45 = arith.constant 1 : i32
      %add3A_46 = arith.addi %scan3A_19, %add3A_45 : i32
      %lt3A_47 = arith.constant 32 : i32
      %lt3A_48 = arith.cmpi slt, %add3A_46, %lt3A_47 : i32
      %convert_element_type3A_49 = arith.extui %lt3A_48 : i1 to i32
      %cond3A_50 = arith.constant 0 : i32
      %cond3A_51 = arith.cmpi ne, %convert_element_type3A_49, %cond3A_50 : i32
      scf.if %cond3A_51 {
        %add3A_52 = arith.constant 3 : i32
        %add3A_53 = arith.addi %mul3A_21, %add3A_52 : i32
        %mul3A_54 = arith.constant 160 : i32
        %mul3A_55 = arith.muli %add3A_53, %mul3A_54 : i32
        %dma_start3A_56 = tpu.memref_slice %arg5[%mul3A_55] : memref<10240xi32, #tpu.memory_space<vmem>> -> memref<160xi32, #tpu.memory_space<vmem>>
        %dma_start3A_57 = arith.constant 0 : i32
        %dma_start3A_58 = arith.constant 0 : i32
        %dma_start3A_59 = tpu.memref_slice %arg2[%dma_start3A_57, %dma_start3A_58] : memref<16384x128xf32, #tpu.memory_space<hbm>> -> memref<16384x128xf32, #tpu.memory_space<hbm>>
        tpu.enqueue_indirect_dma source(%dma_start3A_59 : memref<16384x128xf32, #tpu.memory_space<hbm>>) target(%arg7 : memref<160x128xf32, #tpu.memory_space<vmem>>) offsets(%dma_start3A_56 : memref<160xi32, #tpu.memory_space<vmem>>) semaphore(%arg9 : memref<!tpu.dma_semaphore, #tpu.memory_space<semaphore_mem>>)
      } else {
      }
    }
    %scan3A_18 = arith.constant 32 : i32
    return
  }
}

#map = affine_map<(d0, d1) -> (0, 0)>
#map1 = affine_map<(d0, d1) -> (0)>
module attributes {stable_mosaic.version = 14 : i64} {
  func.func @gather(%arg0: i32, %arg1: i32, %arg2: memref<16384x64xf32, #tpu.memory_space<hbm>>, %arg3: memref<327680xi32, #tpu.memory_space<hbm>>, %arg4: memref<327680x64xf32, #tpu.memory_space<hbm>>, %arg5: memref<10240xi32, #tpu.memory_space<vmem>>, %arg6: memref<320x64xf32, #tpu.memory_space<vmem>>, %arg7: memref<320x64xf32, #tpu.memory_space<vmem>>, %arg8: memref<!tpu.dma_semaphore, #tpu.memory_space<semaphore_mem>>, %arg9: memref<!tpu.dma_semaphore, #tpu.memory_space<semaphore_mem>>) attributes {dimension_semantics = [#tpu.dimension_semantics<core_parallel>, #tpu.dimension_semantics<subcore_parallel>], iteration_bounds = array<i64: 2, 16>, scalar_prefetch = 0 : i64, scratch_operands = 5 : i64, tpu.core_type = #tpu.core_type<sc_vector_subcore>, window_params = [{transform_indices = #map}, {transform_indices = #map1}, {transform_indices = #map}]} {
    %mul3A = arith.constant 2 : i32
    %mul3A_0 = arith.muli %arg1, %mul3A : i32
    %add3A = arith.addi %mul3A_0, %arg0 : i32
    %mul3A_1 = arith.constant 512 : i32
    %mul3A_2 = arith.muli %add3A, %mul3A_1 : i32
    %mul3A_3 = arith.constant 20 : i32
    %mul3A_4 = arith.muli %mul3A_2, %mul3A_3 : i32
    "tpu.region"() ({
      %run_scoped3A = tpu.sem_alloc : memref<!tpu.dma_semaphore, #tpu.memory_space<semaphore_mem>>
      %dma_start3A_19 = tpu.memref_slice %arg3[%mul3A_4] : memref<327680xi32, #tpu.memory_space<hbm>> -> memref<10240xi32, #tpu.memory_space<hbm>>
      %dma_start3A_20 = tpu.memref_slice %arg3[%mul3A_4] : memref<327680xi32, #tpu.memory_space<hbm>> -> memref<10240xi32, #tpu.memory_space<hbm>>
      tpu.enqueue_dma source(%dma_start3A_20 : memref<10240xi32, #tpu.memory_space<hbm>>) target(%arg5 : memref<10240xi32, #tpu.memory_space<vmem>>) target_semaphore(%run_scoped3A : memref<!tpu.dma_semaphore, #tpu.memory_space<semaphore_mem>>)
      %dma_wait3A = tpu.memref_slice %arg3[%mul3A_4] : memref<327680xi32, #tpu.memory_space<hbm>> -> memref<10240xi32, #tpu.memory_space<hbm>>
      %dma_wait3A_21 = tpu.memref_slice %arg3[%mul3A_4] : memref<327680xi32, #tpu.memory_space<hbm>> -> memref<10240xi32, #tpu.memory_space<hbm>>
      tpu.wait_dma2 semaphore(%run_scoped3A : memref<!tpu.dma_semaphore, #tpu.memory_space<semaphore_mem>>) src(%dma_wait3A_21 : memref<10240xi32, #tpu.memory_space<hbm>>) dst(%arg5 : memref<10240xi32, #tpu.memory_space<vmem>>)
      tpu.yield
    }) : () -> ()
    %dma_start3A = arith.constant 0 : i32
    %dma_start3A_5 = tpu.memref_slice %arg5[%dma_start3A] : memref<10240xi32, #tpu.memory_space<vmem>> -> memref<320xi32, #tpu.memory_space<vmem>>
    %dma_start3A_6 = arith.constant 0 : i32
    %dma_start3A_7 = arith.constant 0 : i32
    %dma_start3A_8 = tpu.memref_slice %arg2[%dma_start3A_6, %dma_start3A_7] : memref<16384x64xf32, #tpu.memory_space<hbm>> -> memref<16384x64xf32, #tpu.memory_space<hbm>>
    tpu.enqueue_indirect_dma source(%dma_start3A_8 : memref<16384x64xf32, #tpu.memory_space<hbm>>) target(%arg6 : memref<320x64xf32, #tpu.memory_space<vmem>>) offsets(%dma_start3A_5 : memref<320xi32, #tpu.memory_space<vmem>>) semaphore(%arg8 : memref<!tpu.dma_semaphore, #tpu.memory_space<semaphore_mem>>)
    %dma_start3A_9 = arith.constant 320 : i32
    %dma_start3A_10 = tpu.memref_slice %arg5[%dma_start3A_9] : memref<10240xi32, #tpu.memory_space<vmem>> -> memref<320xi32, #tpu.memory_space<vmem>>
    %dma_start3A_11 = arith.constant 0 : i32
    %dma_start3A_12 = arith.constant 0 : i32
    %dma_start3A_13 = tpu.memref_slice %arg2[%dma_start3A_11, %dma_start3A_12] : memref<16384x64xf32, #tpu.memory_space<hbm>> -> memref<16384x64xf32, #tpu.memory_space<hbm>>
    tpu.enqueue_indirect_dma source(%dma_start3A_13 : memref<16384x64xf32, #tpu.memory_space<hbm>>) target(%arg7 : memref<320x64xf32, #tpu.memory_space<vmem>>) offsets(%dma_start3A_10 : memref<320xi32, #tpu.memory_space<vmem>>) semaphore(%arg9 : memref<!tpu.dma_semaphore, #tpu.memory_space<semaphore_mem>>)
    %scan3A = arith.constant 0 : i32
    %scan3A_14 = arith.constant 0 : i32
    %scan3A_15 = arith.constant 16 : i32
    %scan3A_16 = arith.addi %scan3A_14, %scan3A_15 : i32
    %scan3A_17 = arith.constant 1 : i32
    scf.for %scan3A_19 = %scan3A_14 to %scan3A_16 step %scan3A_17  : i32 {
      %mul3A_20 = arith.constant 2 : i32
      %mul3A_21 = arith.muli %mul3A_20, %scan3A_19 : i32
      %dma_wait3A = arith.constant 0 : i32
      %dma_wait3A_22 = arith.constant 0 : i32
      %dma_wait3A_23 = tpu.memref_slice %arg2[%dma_wait3A, %dma_wait3A_22] : memref<16384x64xf32, #tpu.memory_space<hbm>> -> memref<320x64xf32, #tpu.memory_space<hbm>>
      %dma_wait3A_24 = arith.constant 0 : i32
      %dma_wait3A_25 = arith.constant 0 : i32
      %dma_wait3A_26 = tpu.memref_slice %arg2[%dma_wait3A_24, %dma_wait3A_25] : memref<16384x64xf32, #tpu.memory_space<hbm>> -> memref<320x64xf32, #tpu.memory_space<hbm>>
      tpu.wait_dma2 semaphore(%arg8 : memref<!tpu.dma_semaphore, #tpu.memory_space<semaphore_mem>>) src(%dma_wait3A_26 : memref<320x64xf32, #tpu.memory_space<hbm>>) dst(%arg6 : memref<320x64xf32, #tpu.memory_space<vmem>>)
      %mul3A_27 = arith.constant 320 : i32
      %mul3A_28 = arith.muli %mul3A_21, %mul3A_27 : i32
      %add3A_29 = arith.addi %mul3A_4, %mul3A_28 : i32
      "tpu.region"() ({
        %run_scoped3A = tpu.sem_alloc : memref<!tpu.dma_semaphore, #tpu.memory_space<semaphore_mem>>
        %dma_start3A_52 = arith.constant 0 : i32
        %dma_start3A_53 = tpu.memref_slice %arg4[%add3A_29, %dma_start3A_52] : memref<327680x64xf32, #tpu.memory_space<hbm>> -> memref<320x64xf32, #tpu.memory_space<hbm>>
        %dma_start3A_54 = arith.constant 0 : i32
        %dma_start3A_55 = tpu.memref_slice %arg4[%add3A_29, %dma_start3A_54] : memref<327680x64xf32, #tpu.memory_space<hbm>> -> memref<320x64xf32, #tpu.memory_space<hbm>>
        tpu.enqueue_dma source(%arg6 : memref<320x64xf32, #tpu.memory_space<vmem>>) target(%dma_start3A_55 : memref<320x64xf32, #tpu.memory_space<hbm>>) target_semaphore(%run_scoped3A : memref<!tpu.dma_semaphore, #tpu.memory_space<semaphore_mem>>)
        %dma_wait3A_56 = arith.constant 0 : i32
        %dma_wait3A_57 = tpu.memref_slice %arg4[%add3A_29, %dma_wait3A_56] : memref<327680x64xf32, #tpu.memory_space<hbm>> -> memref<320x64xf32, #tpu.memory_space<hbm>>
        %dma_wait3A_58 = arith.constant 0 : i32
        %dma_wait3A_59 = tpu.memref_slice %arg4[%add3A_29, %dma_wait3A_58] : memref<327680x64xf32, #tpu.memory_space<hbm>> -> memref<320x64xf32, #tpu.memory_space<hbm>>
        tpu.wait_dma2 semaphore(%run_scoped3A : memref<!tpu.dma_semaphore, #tpu.memory_space<semaphore_mem>>) src(%arg6 : memref<320x64xf32, #tpu.memory_space<vmem>>) dst(%dma_wait3A_59 : memref<320x64xf32, #tpu.memory_space<hbm>>)
        tpu.yield
      }) : () -> ()
      %add3A_30 = arith.constant 1 : i32
      %add3A_31 = arith.addi %scan3A_19, %add3A_30 : i32
      %lt3A = arith.constant 16 : i32
      %lt3A_32 = arith.cmpi slt, %add3A_31, %lt3A : i32
      %convert_element_type3A = arith.extui %lt3A_32 : i1 to i32
      %cond3A = arith.constant 0 : i32
      %cond3A_33 = arith.cmpi ne, %convert_element_type3A, %cond3A : i32
      scf.if %cond3A_33 {
        %add3A_52 = arith.constant 2 : i32
        %add3A_53 = arith.addi %mul3A_21, %add3A_52 : i32
        %mul3A_54 = arith.constant 320 : i32
        %mul3A_55 = arith.muli %add3A_53, %mul3A_54 : i32
        %dma_start3A_56 = tpu.memref_slice %arg5[%mul3A_55] : memref<10240xi32, #tpu.memory_space<vmem>> -> memref<320xi32, #tpu.memory_space<vmem>>
        %dma_start3A_57 = arith.constant 0 : i32
        %dma_start3A_58 = arith.constant 0 : i32
        %dma_start3A_59 = tpu.memref_slice %arg2[%dma_start3A_57, %dma_start3A_58] : memref<16384x64xf32, #tpu.memory_space<hbm>> -> memref<16384x64xf32, #tpu.memory_space<hbm>>
        tpu.enqueue_indirect_dma source(%dma_start3A_59 : memref<16384x64xf32, #tpu.memory_space<hbm>>) target(%arg6 : memref<320x64xf32, #tpu.memory_space<vmem>>) offsets(%dma_start3A_56 : memref<320xi32, #tpu.memory_space<vmem>>) semaphore(%arg8 : memref<!tpu.dma_semaphore, #tpu.memory_space<semaphore_mem>>)
      } else {
      }
      %dma_wait3A_34 = arith.constant 0 : i32
      %dma_wait3A_35 = arith.constant 0 : i32
      %dma_wait3A_36 = tpu.memref_slice %arg2[%dma_wait3A_34, %dma_wait3A_35] : memref<16384x64xf32, #tpu.memory_space<hbm>> -> memref<320x64xf32, #tpu.memory_space<hbm>>
      %dma_wait3A_37 = arith.constant 0 : i32
      %dma_wait3A_38 = arith.constant 0 : i32
      %dma_wait3A_39 = tpu.memref_slice %arg2[%dma_wait3A_37, %dma_wait3A_38] : memref<16384x64xf32, #tpu.memory_space<hbm>> -> memref<320x64xf32, #tpu.memory_space<hbm>>
      tpu.wait_dma2 semaphore(%arg9 : memref<!tpu.dma_semaphore, #tpu.memory_space<semaphore_mem>>) src(%dma_wait3A_39 : memref<320x64xf32, #tpu.memory_space<hbm>>) dst(%arg7 : memref<320x64xf32, #tpu.memory_space<vmem>>)
      %add3A_40 = arith.constant 1 : i32
      %add3A_41 = arith.addi %mul3A_21, %add3A_40 : i32
      %mul3A_42 = arith.constant 320 : i32
      %mul3A_43 = arith.muli %add3A_41, %mul3A_42 : i32
      %add3A_44 = arith.addi %mul3A_4, %mul3A_43 : i32
      "tpu.region"() ({
        %run_scoped3A = tpu.sem_alloc : memref<!tpu.dma_semaphore, #tpu.memory_space<semaphore_mem>>
        %dma_start3A_52 = arith.constant 0 : i32
        %dma_start3A_53 = tpu.memref_slice %arg4[%add3A_44, %dma_start3A_52] : memref<327680x64xf32, #tpu.memory_space<hbm>> -> memref<320x64xf32, #tpu.memory_space<hbm>>
        %dma_start3A_54 = arith.constant 0 : i32
        %dma_start3A_55 = tpu.memref_slice %arg4[%add3A_44, %dma_start3A_54] : memref<327680x64xf32, #tpu.memory_space<hbm>> -> memref<320x64xf32, #tpu.memory_space<hbm>>
        tpu.enqueue_dma source(%arg7 : memref<320x64xf32, #tpu.memory_space<vmem>>) target(%dma_start3A_55 : memref<320x64xf32, #tpu.memory_space<hbm>>) target_semaphore(%run_scoped3A : memref<!tpu.dma_semaphore, #tpu.memory_space<semaphore_mem>>)
        %dma_wait3A_56 = arith.constant 0 : i32
        %dma_wait3A_57 = tpu.memref_slice %arg4[%add3A_44, %dma_wait3A_56] : memref<327680x64xf32, #tpu.memory_space<hbm>> -> memref<320x64xf32, #tpu.memory_space<hbm>>
        %dma_wait3A_58 = arith.constant 0 : i32
        %dma_wait3A_59 = tpu.memref_slice %arg4[%add3A_44, %dma_wait3A_58] : memref<327680x64xf32, #tpu.memory_space<hbm>> -> memref<320x64xf32, #tpu.memory_space<hbm>>
        tpu.wait_dma2 semaphore(%run_scoped3A : memref<!tpu.dma_semaphore, #tpu.memory_space<semaphore_mem>>) src(%arg7 : memref<320x64xf32, #tpu.memory_space<vmem>>) dst(%dma_wait3A_59 : memref<320x64xf32, #tpu.memory_space<hbm>>)
        tpu.yield
      }) : () -> ()
      %add3A_45 = arith.constant 1 : i32
      %add3A_46 = arith.addi %scan3A_19, %add3A_45 : i32
      %lt3A_47 = arith.constant 16 : i32
      %lt3A_48 = arith.cmpi slt, %add3A_46, %lt3A_47 : i32
      %convert_element_type3A_49 = arith.extui %lt3A_48 : i1 to i32
      %cond3A_50 = arith.constant 0 : i32
      %cond3A_51 = arith.cmpi ne, %convert_element_type3A_49, %cond3A_50 : i32
      scf.if %cond3A_51 {
        %add3A_52 = arith.constant 3 : i32
        %add3A_53 = arith.addi %mul3A_21, %add3A_52 : i32
        %mul3A_54 = arith.constant 320 : i32
        %mul3A_55 = arith.muli %add3A_53, %mul3A_54 : i32
        %dma_start3A_56 = tpu.memref_slice %arg5[%mul3A_55] : memref<10240xi32, #tpu.memory_space<vmem>> -> memref<320xi32, #tpu.memory_space<vmem>>
        %dma_start3A_57 = arith.constant 0 : i32
        %dma_start3A_58 = arith.constant 0 : i32
        %dma_start3A_59 = tpu.memref_slice %arg2[%dma_start3A_57, %dma_start3A_58] : memref<16384x64xf32, #tpu.memory_space<hbm>> -> memref<16384x64xf32, #tpu.memory_space<hbm>>
        tpu.enqueue_indirect_dma source(%dma_start3A_59 : memref<16384x64xf32, #tpu.memory_space<hbm>>) target(%arg7 : memref<320x64xf32, #tpu.memory_space<vmem>>) offsets(%dma_start3A_56 : memref<320xi32, #tpu.memory_space<vmem>>) semaphore(%arg9 : memref<!tpu.dma_semaphore, #tpu.memory_space<semaphore_mem>>)
      } else {
      }
    }
    %scan3A_18 = arith.constant 16 : i32
    return
  }
}

module attributes {stable_mosaic.version = 14 : i64} {
  func.func @_dtp_body(%arg0: i32, %arg1: i32, %arg2: memref<1x256x8xf32, #tpu.memory_space<vmem>>, %arg3: memref<1x2048x8xf32, #tpu.memory_space<vmem>>, %arg4: memref<1x256x1xf32, #tpu.memory_space<vmem>>, %arg5: memref<1x1x2048xf32, #tpu.memory_space<vmem>>, %arg6: memref<1x256x20xi32, #tpu.memory_space<vmem>>) attributes {dimension_semantics = [#tpu.dimension_semantics<arbitrary>, #tpu.dimension_semantics<arbitrary>], iteration_bounds = array<i64: 8, 8>, scalar_prefetch = 0 : i64, scratch_operands = 0 : i64, tpu.core_type = #tpu.core_type<tc>, window_params = [{transform_indices = @transform_0, window_bounds = array<i64: 1, 256, 8>}, {transform_indices = @transform_1, window_bounds = array<i64: 1, 2048, 8>}, {transform_indices = @transform_2, window_bounds = array<i64: 1, 256, 1>}, {transform_indices = @transform_3, window_bounds = array<i64: 1, 1, 2048>}, {transform_indices = @transform_4, window_bounds = array<i64: 1, 256, 20>}]} {
    %get3A = arith.constant 0 : index
    %get3A_0 = arith.constant 0 : index
    %get3A_1 = arith.constant 0 : index
    %get3A_2 = vector.load %arg2[%get3A, %get3A_0, %get3A_1] : memref<1x256x8xf32, #tpu.memory_space<vmem>>, vector<1x256x8xf32>
    %get3A_3 = vector.shape_cast %get3A_2 : vector<1x256x8xf32> to vector<256x8xf32>
    %get3A_4 = arith.constant 0 : index
    %get3A_5 = arith.constant 0 : index
    %get3A_6 = arith.constant 0 : index
    %get3A_7 = vector.load %arg3[%get3A_4, %get3A_5, %get3A_6] : memref<1x2048x8xf32, #tpu.memory_space<vmem>>, vector<1x2048x8xf32>
    %get3A_8 = vector.shape_cast %get3A_7 : vector<1x2048x8xf32> to vector<2048x8xf32>
    %dot_general3A = arith.constant dense<0.000000e+00> : vector<256x2048xf32>
    %dot_general3A_9 = tpu.matmul %get3A_3, %get3A_8, %dot_general3A {dimension_numbers = #tpu.dot_dimension_numbers<[1], [1], [0], [0], [0, 0, 1, 0], [], []>, transpose_lhs_hint = false} : vector<256x8xf32>, vector<2048x8xf32>, vector<256x2048xf32> -> vector<256x2048xf32>
    %mul3A = arith.constant 2.000000e+00 : f32
    %mul3A_10 = vector.broadcast %mul3A : f32 to vector<256x2048xf32>
    %mul3A_11 = arith.mulf %mul3A_10, %dot_general3A_9 : vector<256x2048xf32>
    %get3A_12 = arith.constant 0 : index
    %get3A_13 = arith.constant 0 : index
    %get3A_14 = arith.constant 0 : index
    %get3A_15 = vector.load %arg4[%get3A_12, %get3A_13, %get3A_14] : memref<1x256x1xf32, #tpu.memory_space<vmem>>, vector<1x256x1xf32>
    %get3A_16 = vector.shape_cast %get3A_15 : vector<1x256x1xf32> to vector<256x1xf32>
    %sub3A = vector.broadcast %get3A_16 : vector<256x1xf32> to vector<256x2048xf32>
    %sub3A_17 = arith.subf %mul3A_11, %sub3A : vector<256x2048xf32>
    %get3A_18 = arith.constant 0 : index
    %get3A_19 = arith.constant 0 : index
    %get3A_20 = arith.constant 0 : index
    %get3A_21 = vector.load %arg5[%get3A_18, %get3A_19, %get3A_20] : memref<1x1x2048xf32, #tpu.memory_space<vmem>>, vector<1x1x2048xf32>
    %get3A_22 = vector.shape_cast %get3A_21 : vector<1x1x2048xf32> to vector<1x2048xf32>
    %sub3A_23 = vector.broadcast %get3A_22 : vector<1x2048xf32> to vector<256x2048xf32>
    %sub3A_24 = arith.subf %sub3A_17, %sub3A_23 : vector<256x2048xf32>
    %iota3A = tpu.iota {dimensions = array<i32: 1>} : vector<256x2048xi32>
    %reduce_max3A = arith.constant dense<0xFF800000> : vector<256xf32>
    %reduce_max3A_25 = vector.multi_reduction <maximumf>, %sub3A_24, %reduce_max3A [1] : vector<256x2048xf32> to vector<256xf32>
    %broadcast_in_dim3A = vector.shape_cast %reduce_max3A_25 : vector<256xf32> to vector<256x1xf32>
    %eq3A = vector.broadcast %broadcast_in_dim3A : vector<256x1xf32> to vector<256x2048xf32>
    %eq3A_26 = arith.cmpf oeq, %sub3A_24, %eq3A : vector<256x2048xf32>
    %jit3A = arith.constant 2048 : i32
    %broadcast_in_dim3A_27 = vector.broadcast %jit3A : i32 to vector<256x2048xi32>
    %select_n3A = arith.select %eq3A_26, %iota3A, %broadcast_in_dim3A_27 : vector<256x2048xi1>, vector<256x2048xi32>
    %reduce_min3A = arith.constant dense<2147483647> : vector<256xi32>
    %reduce_min3A_28 = vector.multi_reduction <minsi>, %select_n3A, %reduce_min3A [1] : vector<256x2048xi32> to vector<256xi32>
    %broadcast_in_dim3A_29 = vector.shape_cast %reduce_min3A_28 : vector<256xi32> to vector<256x1xi32>
    %mul3A_30 = arith.constant 2048 : i32
    %mul3A_31 = arith.muli %arg0, %mul3A_30 : i32
    %add3A = vector.broadcast %mul3A_31 : i32 to vector<256x1xi32>
    %add3A_32 = arith.addi %broadcast_in_dim3A_29, %add3A : vector<256x1xi32>
    %swap3A = arith.constant 0 : index
    %swap3A_33 = arith.constant 0 : index
    %swap3A_34 = arith.constant 0 : index
    %swap3A_35 = vector.load %arg6[%swap3A, %swap3A_33, %swap3A_34] : memref<1x256x20xi32, #tpu.memory_space<vmem>>, vector<1x256x1xi32>
    %swap3A_36 = vector.shape_cast %swap3A_35 : vector<1x256x1xi32> to vector<256x1xi32>
    %swap3A_37 = vector.shape_cast %add3A_32 : vector<256x1xi32> to vector<1x256x1xi32>
    tpu.vector_store %arg6[%swap3A, %swap3A_33, %swap3A_34], %swap3A_37 {strides = array<i32>} : memref<1x256x20xi32, #tpu.memory_space<vmem>>, vector<1x256x1xi32>,
    %eq3A_38 = vector.broadcast %broadcast_in_dim3A_29 : vector<256x1xi32> to vector<256x2048xi32>
    %eq3A_39 = arith.cmpi eq, %iota3A, %eq3A_38 : vector<256x2048xi32>
    %jit3A_40 = arith.constant 0xFF800000 : f32
    %broadcast_in_dim3A_41 = vector.broadcast %jit3A_40 : f32 to vector<256x2048xf32>
    %select_n3A_42 = arith.select %eq3A_39, %broadcast_in_dim3A_41, %sub3A_24 : vector<256x2048xi1>, vector<256x2048xf32>
    %reduce_max3A_43 = arith.constant dense<0xFF800000> : vector<256xf32>
    %reduce_max3A_44 = vector.multi_reduction <maximumf>, %select_n3A_42, %reduce_max3A_43 [1] : vector<256x2048xf32> to vector<256xf32>
    %broadcast_in_dim3A_45 = vector.shape_cast %reduce_max3A_44 : vector<256xf32> to vector<256x1xf32>
    %eq3A_46 = vector.broadcast %broadcast_in_dim3A_45 : vector<256x1xf32> to vector<256x2048xf32>
    %eq3A_47 = arith.cmpf oeq, %select_n3A_42, %eq3A_46 : vector<256x2048xf32>
    %jit3A_48 = arith.constant 2048 : i32
    %broadcast_in_dim3A_49 = vector.broadcast %jit3A_48 : i32 to vector<256x2048xi32>
    %select_n3A_50 = arith.select %eq3A_47, %iota3A, %broadcast_in_dim3A_49 : vector<256x2048xi1>, vector<256x2048xi32>
    %reduce_min3A_51 = arith.constant dense<2147483647> : vector<256xi32>
    %reduce_min3A_52 = vector.multi_reduction <minsi>, %select_n3A_50, %reduce_min3A_51 [1] : vector<256x2048xi32> to vector<256xi32>
    %broadcast_in_dim3A_53 = vector.shape_cast %reduce_min3A_52 : vector<256xi32> to vector<256x1xi32>
    %mul3A_54 = arith.constant 2048 : i32
    %mul3A_55 = arith.muli %arg0, %mul3A_54 : i32
    %add3A_56 = vector.broadcast %mul3A_55 : i32 to vector<256x1xi32>
    %add3A_57 = arith.addi %broadcast_in_dim3A_53, %add3A_56 : vector<256x1xi32>
    %swap3A_58 = arith.constant 0 : index
    %swap3A_59 = arith.constant 0 : index
    %swap3A_60 = arith.constant 1 : index
    %swap3A_61 = vector.load %arg6[%swap3A_58, %swap3A_59, %swap3A_60] : memref<1x256x20xi32, #tpu.memory_space<vmem>>, vector<1x256x1xi32>
    %swap3A_62 = vector.shape_cast %swap3A_61 : vector<1x256x1xi32> to vector<256x1xi32>
    %swap3A_63 = vector.shape_cast %add3A_57 : vector<256x1xi32> to vector<1x256x1xi32>
    tpu.vector_store %arg6[%swap3A_58, %swap3A_59, %swap3A_60], %swap3A_63 {strides = array<i32>} : memref<1x256x20xi32, #tpu.memory_space<vmem>>, vector<1x256x1xi32>,
    %eq3A_64 = vector.broadcast %broadcast_in_dim3A_53 : vector<256x1xi32> to vector<256x2048xi32>
    %eq3A_65 = arith.cmpi eq, %iota3A, %eq3A_64 : vector<256x2048xi32>
    %jit3A_66 = arith.constant 0xFF800000 : f32
    %broadcast_in_dim3A_67 = vector.broadcast %jit3A_66 : f32 to vector<256x2048xf32>
    %select_n3A_68 = arith.select %eq3A_65, %broadcast_in_dim3A_67, %select_n3A_42 : vector<256x2048xi1>, vector<256x2048xf32>
    %reduce_max3A_69 = arith.constant dense<0xFF800000> : vector<256xf32>
    %reduce_max3A_70 = vector.multi_reduction <maximumf>, %select_n3A_68, %reduce_max3A_69 [1] : vector<256x2048xf32> to vector<256xf32>
    %broadcast_in_dim3A_71 = vector.shape_cast %reduce_max3A_70 : vector<256xf32> to vector<256x1xf32>
    %eq3A_72 = vector.broadcast %broadcast_in_dim3A_71 : vector<256x1xf32> to vector<256x2048xf32>
    %eq3A_73 = arith.cmpf oeq, %select_n3A_68, %eq3A_72 : vector<256x2048xf32>
    %jit3A_74 = arith.constant 2048 : i32
    %broadcast_in_dim3A_75 = vector.broadcast %jit3A_74 : i32 to vector<256x2048xi32>
    %select_n3A_76 = arith.select %eq3A_73, %iota3A, %broadcast_in_dim3A_75 : vector<256x2048xi1>, vector<256x2048xi32>
    %reduce_min3A_77 = arith.constant dense<2147483647> : vector<256xi32>
    %reduce_min3A_78 = vector.multi_reduction <minsi>, %select_n3A_76, %reduce_min3A_77 [1] : vector<256x2048xi32> to vector<256xi32>
    %broadcast_in_dim3A_79 = vector.shape_cast %reduce_min3A_78 : vector<256xi32> to vector<256x1xi32>
    %mul3A_80 = arith.constant 2048 : i32
    %mul3A_81 = arith.muli %arg0, %mul3A_80 : i32
    %add3A_82 = vector.broadcast %mul3A_81 : i32 to vector<256x1xi32>
    %add3A_83 = arith.addi %broadcast_in_dim3A_79, %add3A_82 : vector<256x1xi32>
    %swap3A_84 = arith.constant 0 : index
    %swap3A_85 = arith.constant 0 : index
    %swap3A_86 = arith.constant 2 : index
    %swap3A_87 = vector.load %arg6[%swap3A_84, %swap3A_85, %swap3A_86] : memref<1x256x20xi32, #tpu.memory_space<vmem>>, vector<1x256x1xi32>
    %swap3A_88 = vector.shape_cast %swap3A_87 : vector<1x256x1xi32> to vector<256x1xi32>
    %swap3A_89 = vector.shape_cast %add3A_83 : vector<256x1xi32> to vector<1x256x1xi32>
    tpu.vector_store %arg6[%swap3A_84, %swap3A_85, %swap3A_86], %swap3A_89 {strides = array<i32>} : memref<1x256x20xi32, #tpu.memory_space<vmem>>, vector<1x256x1xi32>,
    %eq3A_90 = vector.broadcast %broadcast_in_dim3A_79 : vector<256x1xi32> to vector<256x2048xi32>
    %eq3A_91 = arith.cmpi eq, %iota3A, %eq3A_90 : vector<256x2048xi32>
    %jit3A_92 = arith.constant 0xFF800000 : f32
    %broadcast_in_dim3A_93 = vector.broadcast %jit3A_92 : f32 to vector<256x2048xf32>
    %select_n3A_94 = arith.select %eq3A_91, %broadcast_in_dim3A_93, %select_n3A_68 : vector<256x2048xi1>, vector<256x2048xf32>
    %reduce_max3A_95 = arith.constant dense<0xFF800000> : vector<256xf32>
    %reduce_max3A_96 = vector.multi_reduction <maximumf>, %select_n3A_94, %reduce_max3A_95 [1] : vector<256x2048xf32> to vector<256xf32>
    %broadcast_in_dim3A_97 = vector.shape_cast %reduce_max3A_96 : vector<256xf32> to vector<256x1xf32>
    %eq3A_98 = vector.broadcast %broadcast_in_dim3A_97 : vector<256x1xf32> to vector<256x2048xf32>
    %eq3A_99 = arith.cmpf oeq, %select_n3A_94, %eq3A_98 : vector<256x2048xf32>
    %jit3A_100 = arith.constant 2048 : i32
    %broadcast_in_dim3A_101 = vector.broadcast %jit3A_100 : i32 to vector<256x2048xi32>
    %select_n3A_102 = arith.select %eq3A_99, %iota3A, %broadcast_in_dim3A_101 : vector<256x2048xi1>, vector<256x2048xi32>
    %reduce_min3A_103 = arith.constant dense<2147483647> : vector<256xi32>
    %reduce_min3A_104 = vector.multi_reduction <minsi>, %select_n3A_102, %reduce_min3A_103 [1] : vector<256x2048xi32> to vector<256xi32>
    %broadcast_in_dim3A_105 = vector.shape_cast %reduce_min3A_104 : vector<256xi32> to vector<256x1xi32>
    %mul3A_106 = arith.constant 2048 : i32
    %mul3A_107 = arith.muli %arg0, %mul3A_106 : i32
    %add3A_108 = vector.broadcast %mul3A_107 : i32 to vector<256x1xi32>
    %add3A_109 = arith.addi %broadcast_in_dim3A_105, %add3A_108 : vector<256x1xi32>
    %swap3A_110 = arith.constant 0 : index
    %swap3A_111 = arith.constant 0 : index
    %swap3A_112 = arith.constant 3 : index
    %swap3A_113 = vector.load %arg6[%swap3A_110, %swap3A_111, %swap3A_112] : memref<1x256x20xi32, #tpu.memory_space<vmem>>, vector<1x256x1xi32>
    %swap3A_114 = vector.shape_cast %swap3A_113 : vector<1x256x1xi32> to vector<256x1xi32>
    %swap3A_115 = vector.shape_cast %add3A_109 : vector<256x1xi32> to vector<1x256x1xi32>
    tpu.vector_store %arg6[%swap3A_110, %swap3A_111, %swap3A_112], %swap3A_115 {strides = array<i32>} : memref<1x256x20xi32, #tpu.memory_space<vmem>>, vector<1x256x1xi32>,
    %eq3A_116 = vector.broadcast %broadcast_in_dim3A_105 : vector<256x1xi32> to vector<256x2048xi32>
    %eq3A_117 = arith.cmpi eq, %iota3A, %eq3A_116 : vector<256x2048xi32>
    %jit3A_118 = arith.constant 0xFF800000 : f32
    %broadcast_in_dim3A_119 = vector.broadcast %jit3A_118 : f32 to vector<256x2048xf32>
    %select_n3A_120 = arith.select %eq3A_117, %broadcast_in_dim3A_119, %select_n3A_94 : vector<256x2048xi1>, vector<256x2048xf32>
    %reduce_max3A_121 = arith.constant dense<0xFF800000> : vector<256xf32>
    %reduce_max3A_122 = vector.multi_reduction <maximumf>, %select_n3A_120, %reduce_max3A_121 [1] : vector<256x2048xf32> to vector<256xf32>
    %broadcast_in_dim3A_123 = vector.shape_cast %reduce_max3A_122 : vector<256xf32> to vector<256x1xf32>
    %eq3A_124 = vector.broadcast %broadcast_in_dim3A_123 : vector<256x1xf32> to vector<256x2048xf32>
    %eq3A_125 = arith.cmpf oeq, %select_n3A_120, %eq3A_124 : vector<256x2048xf32>
    %jit3A_126 = arith.constant 2048 : i32
    %broadcast_in_dim3A_127 = vector.broadcast %jit3A_126 : i32 to vector<256x2048xi32>
    %select_n3A_128 = arith.select %eq3A_125, %iota3A, %broadcast_in_dim3A_127 : vector<256x2048xi1>, vector<256x2048xi32>
    %reduce_min3A_129 = arith.constant dense<2147483647> : vector<256xi32>
    %reduce_min3A_130 = vector.multi_reduction <minsi>, %select_n3A_128, %reduce_min3A_129 [1] : vector<256x2048xi32> to vector<256xi32>
    %broadcast_in_dim3A_131 = vector.shape_cast %reduce_min3A_130 : vector<256xi32> to vector<256x1xi32>
    %mul3A_132 = arith.constant 2048 : i32
    %mul3A_133 = arith.muli %arg0, %mul3A_132 : i32
    %add3A_134 = vector.broadcast %mul3A_133 : i32 to vector<256x1xi32>
    %add3A_135 = arith.addi %broadcast_in_dim3A_131, %add3A_134 : vector<256x1xi32>
    %swap3A_136 = arith.constant 0 : index
    %swap3A_137 = arith.constant 0 : index
    %swap3A_138 = arith.constant 4 : index
    %swap3A_139 = vector.load %arg6[%swap3A_136, %swap3A_137, %swap3A_138] : memref<1x256x20xi32, #tpu.memory_space<vmem>>, vector<1x256x1xi32>
    %swap3A_140 = vector.shape_cast %swap3A_139 : vector<1x256x1xi32> to vector<256x1xi32>
    %swap3A_141 = vector.shape_cast %add3A_135 : vector<256x1xi32> to vector<1x256x1xi32>
    tpu.vector_store %arg6[%swap3A_136, %swap3A_137, %swap3A_138], %swap3A_141 {strides = array<i32>} : memref<1x256x20xi32, #tpu.memory_space<vmem>>, vector<1x256x1xi32>,
    %eq3A_142 = vector.broadcast %broadcast_in_dim3A_131 : vector<256x1xi32> to vector<256x2048xi32>
    %eq3A_143 = arith.cmpi eq, %iota3A, %eq3A_142 : vector<256x2048xi32>
    %jit3A_144 = arith.constant 0xFF800000 : f32
    %broadcast_in_dim3A_145 = vector.broadcast %jit3A_144 : f32 to vector<256x2048xf32>
    %select_n3A_146 = arith.select %eq3A_143, %broadcast_in_dim3A_145, %select_n3A_120 : vector<256x2048xi1>, vector<256x2048xf32>
    %reduce_max3A_147 = arith.constant dense<0xFF800000> : vector<256xf32>
    %reduce_max3A_148 = vector.multi_reduction <maximumf>, %select_n3A_146, %reduce_max3A_147 [1] : vector<256x2048xf32> to vector<256xf32>
    %broadcast_in_dim3A_149 = vector.shape_cast %reduce_max3A_148 : vector<256xf32> to vector<256x1xf32>
    %eq3A_150 = vector.broadcast %broadcast_in_dim3A_149 : vector<256x1xf32> to vector<256x2048xf32>
    %eq3A_151 = arith.cmpf oeq, %select_n3A_146, %eq3A_150 : vector<256x2048xf32>
    %jit3A_152 = arith.constant 2048 : i32
    %broadcast_in_dim3A_153 = vector.broadcast %jit3A_152 : i32 to vector<256x2048xi32>
    %select_n3A_154 = arith.select %eq3A_151, %iota3A, %broadcast_in_dim3A_153 : vector<256x2048xi1>, vector<256x2048xi32>
    %reduce_min3A_155 = arith.constant dense<2147483647> : vector<256xi32>
    %reduce_min3A_156 = vector.multi_reduction <minsi>, %select_n3A_154, %reduce_min3A_155 [1] : vector<256x2048xi32> to vector<256xi32>
    %broadcast_in_dim3A_157 = vector.shape_cast %reduce_min3A_156 : vector<256xi32> to vector<256x1xi32>
    %mul3A_158 = arith.constant 2048 : i32
    %mul3A_159 = arith.muli %arg0, %mul3A_158 : i32
    %add3A_160 = vector.broadcast %mul3A_159 : i32 to vector<256x1xi32>
    %add3A_161 = arith.addi %broadcast_in_dim3A_157, %add3A_160 : vector<256x1xi32>
    %swap3A_162 = arith.constant 0 : index
    %swap3A_163 = arith.constant 0 : index
    %swap3A_164 = arith.constant 5 : index
    %swap3A_165 = vector.load %arg6[%swap3A_162, %swap3A_163, %swap3A_164] : memref<1x256x20xi32, #tpu.memory_space<vmem>>, vector<1x256x1xi32>
    %swap3A_166 = vector.shape_cast %swap3A_165 : vector<1x256x1xi32> to vector<256x1xi32>
    %swap3A_167 = vector.shape_cast %add3A_161 : vector<256x1xi32> to vector<1x256x1xi32>
    tpu.vector_store %arg6[%swap3A_162, %swap3A_163, %swap3A_164], %swap3A_167 {strides = array<i32>} : memref<1x256x20xi32, #tpu.memory_space<vmem>>, vector<1x256x1xi32>,
    %eq3A_168 = vector.broadcast %broadcast_in_dim3A_157 : vector<256x1xi32> to vector<256x2048xi32>
    %eq3A_169 = arith.cmpi eq, %iota3A, %eq3A_168 : vector<256x2048xi32>
    %jit3A_170 = arith.constant 0xFF800000 : f32
    %broadcast_in_dim3A_171 = vector.broadcast %jit3A_170 : f32 to vector<256x2048xf32>
    %select_n3A_172 = arith.select %eq3A_169, %broadcast_in_dim3A_171, %select_n3A_146 : vector<256x2048xi1>, vector<256x2048xf32>
    %reduce_max3A_173 = arith.constant dense<0xFF800000> : vector<256xf32>
    %reduce_max3A_174 = vector.multi_reduction <maximumf>, %select_n3A_172, %reduce_max3A_173 [1] : vector<256x2048xf32> to vector<256xf32>
    %broadcast_in_dim3A_175 = vector.shape_cast %reduce_max3A_174 : vector<256xf32> to vector<256x1xf32>
    %eq3A_176 = vector.broadcast %broadcast_in_dim3A_175 : vector<256x1xf32> to vector<256x2048xf32>
    %eq3A_177 = arith.cmpf oeq, %select_n3A_172, %eq3A_176 : vector<256x2048xf32>
    %jit3A_178 = arith.constant 2048 : i32
    %broadcast_in_dim3A_179 = vector.broadcast %jit3A_178 : i32 to vector<256x2048xi32>
    %select_n3A_180 = arith.select %eq3A_177, %iota3A, %broadcast_in_dim3A_179 : vector<256x2048xi1>, vector<256x2048xi32>
    %reduce_min3A_181 = arith.constant dense<2147483647> : vector<256xi32>
    %reduce_min3A_182 = vector.multi_reduction <minsi>, %select_n3A_180, %reduce_min3A_181 [1] : vector<256x2048xi32> to vector<256xi32>
    %broadcast_in_dim3A_183 = vector.shape_cast %reduce_min3A_182 : vector<256xi32> to vector<256x1xi32>
    %mul3A_184 = arith.constant 2048 : i32
    %mul3A_185 = arith.muli %arg0, %mul3A_184 : i32
    %add3A_186 = vector.broadcast %mul3A_185 : i32 to vector<256x1xi32>
    %add3A_187 = arith.addi %broadcast_in_dim3A_183, %add3A_186 : vector<256x1xi32>
    %swap3A_188 = arith.constant 0 : index
    %swap3A_189 = arith.constant 0 : index
    %swap3A_190 = arith.constant 6 : index
    %swap3A_191 = vector.load %arg6[%swap3A_188, %swap3A_189, %swap3A_190] : memref<1x256x20xi32, #tpu.memory_space<vmem>>, vector<1x256x1xi32>
    %swap3A_192 = vector.shape_cast %swap3A_191 : vector<1x256x1xi32> to vector<256x1xi32>
    %swap3A_193 = vector.shape_cast %add3A_187 : vector<256x1xi32> to vector<1x256x1xi32>
    tpu.vector_store %arg6[%swap3A_188, %swap3A_189, %swap3A_190], %swap3A_193 {strides = array<i32>} : memref<1x256x20xi32, #tpu.memory_space<vmem>>, vector<1x256x1xi32>,
    %eq3A_194 = vector.broadcast %broadcast_in_dim3A_183 : vector<256x1xi32> to vector<256x2048xi32>
    %eq3A_195 = arith.cmpi eq, %iota3A, %eq3A_194 : vector<256x2048xi32>
    %jit3A_196 = arith.constant 0xFF800000 : f32
    %broadcast_in_dim3A_197 = vector.broadcast %jit3A_196 : f32 to vector<256x2048xf32>
    %select_n3A_198 = arith.select %eq3A_195, %broadcast_in_dim3A_197, %select_n3A_172 : vector<256x2048xi1>, vector<256x2048xf32>
    %reduce_max3A_199 = arith.constant dense<0xFF800000> : vector<256xf32>
    %reduce_max3A_200 = vector.multi_reduction <maximumf>, %select_n3A_198, %reduce_max3A_199 [1] : vector<256x2048xf32> to vector<256xf32>
    %broadcast_in_dim3A_201 = vector.shape_cast %reduce_max3A_200 : vector<256xf32> to vector<256x1xf32>
    %eq3A_202 = vector.broadcast %broadcast_in_dim3A_201 : vector<256x1xf32> to vector<256x2048xf32>
    %eq3A_203 = arith.cmpf oeq, %select_n3A_198, %eq3A_202 : vector<256x2048xf32>
    %jit3A_204 = arith.constant 2048 : i32
    %broadcast_in_dim3A_205 = vector.broadcast %jit3A_204 : i32 to vector<256x2048xi32>
    %select_n3A_206 = arith.select %eq3A_203, %iota3A, %broadcast_in_dim3A_205 : vector<256x2048xi1>, vector<256x2048xi32>
    %reduce_min3A_207 = arith.constant dense<2147483647> : vector<256xi32>
    %reduce_min3A_208 = vector.multi_reduction <minsi>, %select_n3A_206, %reduce_min3A_207 [1] : vector<256x2048xi32> to vector<256xi32>
    %broadcast_in_dim3A_209 = vector.shape_cast %reduce_min3A_208 : vector<256xi32> to vector<256x1xi32>
    %mul3A_210 = arith.constant 2048 : i32
    %mul3A_211 = arith.muli %arg0, %mul3A_210 : i32
    %add3A_212 = vector.broadcast %mul3A_211 : i32 to vector<256x1xi32>
    %add3A_213 = arith.addi %broadcast_in_dim3A_209, %add3A_212 : vector<256x1xi32>
    %swap3A_214 = arith.constant 0 : index
    %swap3A_215 = arith.constant 0 : index
    %swap3A_216 = arith.constant 7 : index
    %swap3A_217 = vector.load %arg6[%swap3A_214, %swap3A_215, %swap3A_216] : memref<1x256x20xi32, #tpu.memory_space<vmem>>, vector<1x256x1xi32>
    %swap3A_218 = vector.shape_cast %swap3A_217 : vector<1x256x1xi32> to vector<256x1xi32>
    %swap3A_219 = vector.shape_cast %add3A_213 : vector<256x1xi32> to vector<1x256x1xi32>
    tpu.vector_store %arg6[%swap3A_214, %swap3A_215, %swap3A_216], %swap3A_219 {strides = array<i32>} : memref<1x256x20xi32, #tpu.memory_space<vmem>>, vector<1x256x1xi32>,
    %eq3A_220 = vector.broadcast %broadcast_in_dim3A_209 : vector<256x1xi32> to vector<256x2048xi32>
    %eq3A_221 = arith.cmpi eq, %iota3A, %eq3A_220 : vector<256x2048xi32>
    %jit3A_222 = arith.constant 0xFF800000 : f32
    %broadcast_in_dim3A_223 = vector.broadcast %jit3A_222 : f32 to vector<256x2048xf32>
    %select_n3A_224 = arith.select %eq3A_221, %broadcast_in_dim3A_223, %select_n3A_198 : vector<256x2048xi1>, vector<256x2048xf32>
    %reduce_max3A_225 = arith.constant dense<0xFF800000> : vector<256xf32>
    %reduce_max3A_226 = vector.multi_reduction <maximumf>, %select_n3A_224, %reduce_max3A_225 [1] : vector<256x2048xf32> to vector<256xf32>
    %broadcast_in_dim3A_227 = vector.shape_cast %reduce_max3A_226 : vector<256xf32> to vector<256x1xf32>
    %eq3A_228 = vector.broadcast %broadcast_in_dim3A_227 : vector<256x1xf32> to vector<256x2048xf32>
    %eq3A_229 = arith.cmpf oeq, %select_n3A_224, %eq3A_228 : vector<256x2048xf32>
    %jit3A_230 = arith.constant 2048 : i32
    %broadcast_in_dim3A_231 = vector.broadcast %jit3A_230 : i32 to vector<256x2048xi32>
    %select_n3A_232 = arith.select %eq3A_229, %iota3A, %broadcast_in_dim3A_231 : vector<256x2048xi1>, vector<256x2048xi32>
    %reduce_min3A_233 = arith.constant dense<2147483647> : vector<256xi32>
    %reduce_min3A_234 = vector.multi_reduction <minsi>, %select_n3A_232, %reduce_min3A_233 [1] : vector<256x2048xi32> to vector<256xi32>
    %broadcast_in_dim3A_235 = vector.shape_cast %reduce_min3A_234 : vector<256xi32> to vector<256x1xi32>
    %mul3A_236 = arith.constant 2048 : i32
    %mul3A_237 = arith.muli %arg0, %mul3A_236 : i32
    %add3A_238 = vector.broadcast %mul3A_237 : i32 to vector<256x1xi32>
    %add3A_239 = arith.addi %broadcast_in_dim3A_235, %add3A_238 : vector<256x1xi32>
    %swap3A_240 = arith.constant 0 : index
    %swap3A_241 = arith.constant 0 : index
    %swap3A_242 = arith.constant 8 : index
    %swap3A_243 = vector.load %arg6[%swap3A_240, %swap3A_241, %swap3A_242] : memref<1x256x20xi32, #tpu.memory_space<vmem>>, vector<1x256x1xi32>
    %swap3A_244 = vector.shape_cast %swap3A_243 : vector<1x256x1xi32> to vector<256x1xi32>
    %swap3A_245 = vector.shape_cast %add3A_239 : vector<256x1xi32> to vector<1x256x1xi32>
    tpu.vector_store %arg6[%swap3A_240, %swap3A_241, %swap3A_242], %swap3A_245 {strides = array<i32>} : memref<1x256x20xi32, #tpu.memory_space<vmem>>, vector<1x256x1xi32>,
    %eq3A_246 = vector.broadcast %broadcast_in_dim3A_235 : vector<256x1xi32> to vector<256x2048xi32>
    %eq3A_247 = arith.cmpi eq, %iota3A, %eq3A_246 : vector<256x2048xi32>
    %jit3A_248 = arith.constant 0xFF800000 : f32
    %broadcast_in_dim3A_249 = vector.broadcast %jit3A_248 : f32 to vector<256x2048xf32>
    %select_n3A_250 = arith.select %eq3A_247, %broadcast_in_dim3A_249, %select_n3A_224 : vector<256x2048xi1>, vector<256x2048xf32>
    %reduce_max3A_251 = arith.constant dense<0xFF800000> : vector<256xf32>
    %reduce_max3A_252 = vector.multi_reduction <maximumf>, %select_n3A_250, %reduce_max3A_251 [1] : vector<256x2048xf32> to vector<256xf32>
    %broadcast_in_dim3A_253 = vector.shape_cast %reduce_max3A_252 : vector<256xf32> to vector<256x1xf32>
    %eq3A_254 = vector.broadcast %broadcast_in_dim3A_253 : vector<256x1xf32> to vector<256x2048xf32>
    %eq3A_255 = arith.cmpf oeq, %select_n3A_250, %eq3A_254 : vector<256x2048xf32>
    %jit3A_256 = arith.constant 2048 : i32
    %broadcast_in_dim3A_257 = vector.broadcast %jit3A_256 : i32 to vector<256x2048xi32>
    %select_n3A_258 = arith.select %eq3A_255, %iota3A, %broadcast_in_dim3A_257 : vector<256x2048xi1>, vector<256x2048xi32>
    %reduce_min3A_259 = arith.constant dense<2147483647> : vector<256xi32>
    %reduce_min3A_260 = vector.multi_reduction <minsi>, %select_n3A_258, %reduce_min3A_259 [1] : vector<256x2048xi32> to vector<256xi32>
    %broadcast_in_dim3A_261 = vector.shape_cast %reduce_min3A_260 : vector<256xi32> to vector<256x1xi32>
    %mul3A_262 = arith.constant 2048 : i32
    %mul3A_263 = arith.muli %arg0, %mul3A_262 : i32
    %add3A_264 = vector.broadcast %mul3A_263 : i32 to vector<256x1xi32>
    %add3A_265 = arith.addi %broadcast_in_dim3A_261, %add3A_264 : vector<256x1xi32>
    %swap3A_266 = arith.constant 0 : index
    %swap3A_267 = arith.constant 0 : index
    %swap3A_268 = arith.constant 9 : index
    %swap3A_269 = vector.load %arg6[%swap3A_266, %swap3A_267, %swap3A_268] : memref<1x256x20xi32, #tpu.memory_space<vmem>>, vector<1x256x1xi32>
    %swap3A_270 = vector.shape_cast %swap3A_269 : vector<1x256x1xi32> to vector<256x1xi32>
    %swap3A_271 = vector.shape_cast %add3A_265 : vector<256x1xi32> to vector<1x256x1xi32>
    tpu.vector_store %arg6[%swap3A_266, %swap3A_267, %swap3A_268], %swap3A_271 {strides = array<i32>} : memref<1x256x20xi32, #tpu.memory_space<vmem>>, vector<1x256x1xi32>,
    %eq3A_272 = vector.broadcast %broadcast_in_dim3A_261 : vector<256x1xi32> to vector<256x2048xi32>
    %eq3A_273 = arith.cmpi eq, %iota3A, %eq3A_272 : vector<256x2048xi32>
    %jit3A_274 = arith.constant 0xFF800000 : f32
    %broadcast_in_dim3A_275 = vector.broadcast %jit3A_274 : f32 to vector<256x2048xf32>
    %select_n3A_276 = arith.select %eq3A_273, %broadcast_in_dim3A_275, %select_n3A_250 : vector<256x2048xi1>, vector<256x2048xf32>
    %reduce_max3A_277 = arith.constant dense<0xFF800000> : vector<256xf32>
    %reduce_max3A_278 = vector.multi_reduction <maximumf>, %select_n3A_276, %reduce_max3A_277 [1] : vector<256x2048xf32> to vector<256xf32>
    %broadcast_in_dim3A_279 = vector.shape_cast %reduce_max3A_278 : vector<256xf32> to vector<256x1xf32>
    %eq3A_280 = vector.broadcast %broadcast_in_dim3A_279 : vector<256x1xf32> to vector<256x2048xf32>
    %eq3A_281 = arith.cmpf oeq, %select_n3A_276, %eq3A_280 : vector<256x2048xf32>
    %jit3A_282 = arith.constant 2048 : i32
    %broadcast_in_dim3A_283 = vector.broadcast %jit3A_282 : i32 to vector<256x2048xi32>
    %select_n3A_284 = arith.select %eq3A_281, %iota3A, %broadcast_in_dim3A_283 : vector<256x2048xi1>, vector<256x2048xi32>
    %reduce_min3A_285 = arith.constant dense<2147483647> : vector<256xi32>
    %reduce_min3A_286 = vector.multi_reduction <minsi>, %select_n3A_284, %reduce_min3A_285 [1] : vector<256x2048xi32> to vector<256xi32>
    %broadcast_in_dim3A_287 = vector.shape_cast %reduce_min3A_286 : vector<256xi32> to vector<256x1xi32>
    %mul3A_288 = arith.constant 2048 : i32
    %mul3A_289 = arith.muli %arg0, %mul3A_288 : i32
    %add3A_290 = vector.broadcast %mul3A_289 : i32 to vector<256x1xi32>
    %add3A_291 = arith.addi %broadcast_in_dim3A_287, %add3A_290 : vector<256x1xi32>
    %swap3A_292 = arith.constant 0 : index
    %swap3A_293 = arith.constant 0 : index
    %swap3A_294 = arith.constant 10 : index
    %swap3A_295 = vector.load %arg6[%swap3A_292, %swap3A_293, %swap3A_294] : memref<1x256x20xi32, #tpu.memory_space<vmem>>, vector<1x256x1xi32>
    %swap3A_296 = vector.shape_cast %swap3A_295 : vector<1x256x1xi32> to vector<256x1xi32>
    %swap3A_297 = vector.shape_cast %add3A_291 : vector<256x1xi32> to vector<1x256x1xi32>
    tpu.vector_store %arg6[%swap3A_292, %swap3A_293, %swap3A_294], %swap3A_297 {strides = array<i32>} : memref<1x256x20xi32, #tpu.memory_space<vmem>>, vector<1x256x1xi32>,
    %eq3A_298 = vector.broadcast %broadcast_in_dim3A_287 : vector<256x1xi32> to vector<256x2048xi32>
    %eq3A_299 = arith.cmpi eq, %iota3A, %eq3A_298 : vector<256x2048xi32>
    %jit3A_300 = arith.constant 0xFF800000 : f32
    %broadcast_in_dim3A_301 = vector.broadcast %jit3A_300 : f32 to vector<256x2048xf32>
    %select_n3A_302 = arith.select %eq3A_299, %broadcast_in_dim3A_301, %select_n3A_276 : vector<256x2048xi1>, vector<256x2048xf32>
    %reduce_max3A_303 = arith.constant dense<0xFF800000> : vector<256xf32>
    %reduce_max3A_304 = vector.multi_reduction <maximumf>, %select_n3A_302, %reduce_max3A_303 [1] : vector<256x2048xf32> to vector<256xf32>
    %broadcast_in_dim3A_305 = vector.shape_cast %reduce_max3A_304 : vector<256xf32> to vector<256x1xf32>
    %eq3A_306 = vector.broadcast %broadcast_in_dim3A_305 : vector<256x1xf32> to vector<256x2048xf32>
    %eq3A_307 = arith.cmpf oeq, %select_n3A_302, %eq3A_306 : vector<256x2048xf32>
    %jit3A_308 = arith.constant 2048 : i32
    %broadcast_in_dim3A_309 = vector.broadcast %jit3A_308 : i32 to vector<256x2048xi32>
    %select_n3A_310 = arith.select %eq3A_307, %iota3A, %broadcast_in_dim3A_309 : vector<256x2048xi1>, vector<256x2048xi32>
    %reduce_min3A_311 = arith.constant dense<2147483647> : vector<256xi32>
    %reduce_min3A_312 = vector.multi_reduction <minsi>, %select_n3A_310, %reduce_min3A_311 [1] : vector<256x2048xi32> to vector<256xi32>
    %broadcast_in_dim3A_313 = vector.shape_cast %reduce_min3A_312 : vector<256xi32> to vector<256x1xi32>
    %mul3A_314 = arith.constant 2048 : i32
    %mul3A_315 = arith.muli %arg0, %mul3A_314 : i32
    %add3A_316 = vector.broadcast %mul3A_315 : i32 to vector<256x1xi32>
    %add3A_317 = arith.addi %broadcast_in_dim3A_313, %add3A_316 : vector<256x1xi32>
    %swap3A_318 = arith.constant 0 : index
    %swap3A_319 = arith.constant 0 : index
    %swap3A_320 = arith.constant 11 : index
    %swap3A_321 = vector.load %arg6[%swap3A_318, %swap3A_319, %swap3A_320] : memref<1x256x20xi32, #tpu.memory_space<vmem>>, vector<1x256x1xi32>
    %swap3A_322 = vector.shape_cast %swap3A_321 : vector<1x256x1xi32> to vector<256x1xi32>
    %swap3A_323 = vector.shape_cast %add3A_317 : vector<256x1xi32> to vector<1x256x1xi32>
    tpu.vector_store %arg6[%swap3A_318, %swap3A_319, %swap3A_320], %swap3A_323 {strides = array<i32>} : memref<1x256x20xi32, #tpu.memory_space<vmem>>, vector<1x256x1xi32>,
    %eq3A_324 = vector.broadcast %broadcast_in_dim3A_313 : vector<256x1xi32> to vector<256x2048xi32>
    %eq3A_325 = arith.cmpi eq, %iota3A, %eq3A_324 : vector<256x2048xi32>
    %jit3A_326 = arith.constant 0xFF800000 : f32
    %broadcast_in_dim3A_327 = vector.broadcast %jit3A_326 : f32 to vector<256x2048xf32>
    %select_n3A_328 = arith.select %eq3A_325, %broadcast_in_dim3A_327, %select_n3A_302 : vector<256x2048xi1>, vector<256x2048xf32>
    %reduce_max3A_329 = arith.constant dense<0xFF800000> : vector<256xf32>
    %reduce_max3A_330 = vector.multi_reduction <maximumf>, %select_n3A_328, %reduce_max3A_329 [1] : vector<256x2048xf32> to vector<256xf32>
    %broadcast_in_dim3A_331 = vector.shape_cast %reduce_max3A_330 : vector<256xf32> to vector<256x1xf32>
    %eq3A_332 = vector.broadcast %broadcast_in_dim3A_331 : vector<256x1xf32> to vector<256x2048xf32>
    %eq3A_333 = arith.cmpf oeq, %select_n3A_328, %eq3A_332 : vector<256x2048xf32>
    %jit3A_334 = arith.constant 2048 : i32
    %broadcast_in_dim3A_335 = vector.broadcast %jit3A_334 : i32 to vector<256x2048xi32>
    %select_n3A_336 = arith.select %eq3A_333, %iota3A, %broadcast_in_dim3A_335 : vector<256x2048xi1>, vector<256x2048xi32>
    %reduce_min3A_337 = arith.constant dense<2147483647> : vector<256xi32>
    %reduce_min3A_338 = vector.multi_reduction <minsi>, %select_n3A_336, %reduce_min3A_337 [1] : vector<256x2048xi32> to vector<256xi32>
    %broadcast_in_dim3A_339 = vector.shape_cast %reduce_min3A_338 : vector<256xi32> to vector<256x1xi32>
    %mul3A_340 = arith.constant 2048 : i32
    %mul3A_341 = arith.muli %arg0, %mul3A_340 : i32
    %add3A_342 = vector.broadcast %mul3A_341 : i32 to vector<256x1xi32>
    %add3A_343 = arith.addi %broadcast_in_dim3A_339, %add3A_342 : vector<256x1xi32>
    %swap3A_344 = arith.constant 0 : index
    %swap3A_345 = arith.constant 0 : index
    %swap3A_346 = arith.constant 12 : index
    %swap3A_347 = vector.load %arg6[%swap3A_344, %swap3A_345, %swap3A_346] : memref<1x256x20xi32, #tpu.memory_space<vmem>>, vector<1x256x1xi32>
    %swap3A_348 = vector.shape_cast %swap3A_347 : vector<1x256x1xi32> to vector<256x1xi32>
    %swap3A_349 = vector.shape_cast %add3A_343 : vector<256x1xi32> to vector<1x256x1xi32>
    tpu.vector_store %arg6[%swap3A_344, %swap3A_345, %swap3A_346], %swap3A_349 {strides = array<i32>} : memref<1x256x20xi32, #tpu.memory_space<vmem>>, vector<1x256x1xi32>,
    %eq3A_350 = vector.broadcast %broadcast_in_dim3A_339 : vector<256x1xi32> to vector<256x2048xi32>
    %eq3A_351 = arith.cmpi eq, %iota3A, %eq3A_350 : vector<256x2048xi32>
    %jit3A_352 = arith.constant 0xFF800000 : f32
    %broadcast_in_dim3A_353 = vector.broadcast %jit3A_352 : f32 to vector<256x2048xf32>
    %select_n3A_354 = arith.select %eq3A_351, %broadcast_in_dim3A_353, %select_n3A_328 : vector<256x2048xi1>, vector<256x2048xf32>
    %reduce_max3A_355 = arith.constant dense<0xFF800000> : vector<256xf32>
    %reduce_max3A_356 = vector.multi_reduction <maximumf>, %select_n3A_354, %reduce_max3A_355 [1] : vector<256x2048xf32> to vector<256xf32>
    %broadcast_in_dim3A_357 = vector.shape_cast %reduce_max3A_356 : vector<256xf32> to vector<256x1xf32>
    %eq3A_358 = vector.broadcast %broadcast_in_dim3A_357 : vector<256x1xf32> to vector<256x2048xf32>
    %eq3A_359 = arith.cmpf oeq, %select_n3A_354, %eq3A_358 : vector<256x2048xf32>
    %jit3A_360 = arith.constant 2048 : i32
    %broadcast_in_dim3A_361 = vector.broadcast %jit3A_360 : i32 to vector<256x2048xi32>
    %select_n3A_362 = arith.select %eq3A_359, %iota3A, %broadcast_in_dim3A_361 : vector<256x2048xi1>, vector<256x2048xi32>
    %reduce_min3A_363 = arith.constant dense<2147483647> : vector<256xi32>
    %reduce_min3A_364 = vector.multi_reduction <minsi>, %select_n3A_362, %reduce_min3A_363 [1] : vector<256x2048xi32> to vector<256xi32>
    %broadcast_in_dim3A_365 = vector.shape_cast %reduce_min3A_364 : vector<256xi32> to vector<256x1xi32>
    %mul3A_366 = arith.constant 2048 : i32
    %mul3A_367 = arith.muli %arg0, %mul3A_366 : i32
    %add3A_368 = vector.broadcast %mul3A_367 : i32 to vector<256x1xi32>
    %add3A_369 = arith.addi %broadcast_in_dim3A_365, %add3A_368 : vector<256x1xi32>
    %swap3A_370 = arith.constant 0 : index
    %swap3A_371 = arith.constant 0 : index
    %swap3A_372 = arith.constant 13 : index
    %swap3A_373 = vector.load %arg6[%swap3A_370, %swap3A_371, %swap3A_372] : memref<1x256x20xi32, #tpu.memory_space<vmem>>, vector<1x256x1xi32>
    %swap3A_374 = vector.shape_cast %swap3A_373 : vector<1x256x1xi32> to vector<256x1xi32>
    %swap3A_375 = vector.shape_cast %add3A_369 : vector<256x1xi32> to vector<1x256x1xi32>
    tpu.vector_store %arg6[%swap3A_370, %swap3A_371, %swap3A_372], %swap3A_375 {strides = array<i32>} : memref<1x256x20xi32, #tpu.memory_space<vmem>>, vector<1x256x1xi32>,
    %eq3A_376 = vector.broadcast %broadcast_in_dim3A_365 : vector<256x1xi32> to vector<256x2048xi32>
    %eq3A_377 = arith.cmpi eq, %iota3A, %eq3A_376 : vector<256x2048xi32>
    %jit3A_378 = arith.constant 0xFF800000 : f32
    %broadcast_in_dim3A_379 = vector.broadcast %jit3A_378 : f32 to vector<256x2048xf32>
    %select_n3A_380 = arith.select %eq3A_377, %broadcast_in_dim3A_379, %select_n3A_354 : vector<256x2048xi1>, vector<256x2048xf32>
    %reduce_max3A_381 = arith.constant dense<0xFF800000> : vector<256xf32>
    %reduce_max3A_382 = vector.multi_reduction <maximumf>, %select_n3A_380, %reduce_max3A_381 [1] : vector<256x2048xf32> to vector<256xf32>
    %broadcast_in_dim3A_383 = vector.shape_cast %reduce_max3A_382 : vector<256xf32> to vector<256x1xf32>
    %eq3A_384 = vector.broadcast %broadcast_in_dim3A_383 : vector<256x1xf32> to vector<256x2048xf32>
    %eq3A_385 = arith.cmpf oeq, %select_n3A_380, %eq3A_384 : vector<256x2048xf32>
    %jit3A_386 = arith.constant 2048 : i32
    %broadcast_in_dim3A_387 = vector.broadcast %jit3A_386 : i32 to vector<256x2048xi32>
    %select_n3A_388 = arith.select %eq3A_385, %iota3A, %broadcast_in_dim3A_387 : vector<256x2048xi1>, vector<256x2048xi32>
    %reduce_min3A_389 = arith.constant dense<2147483647> : vector<256xi32>
    %reduce_min3A_390 = vector.multi_reduction <minsi>, %select_n3A_388, %reduce_min3A_389 [1] : vector<256x2048xi32> to vector<256xi32>
    %broadcast_in_dim3A_391 = vector.shape_cast %reduce_min3A_390 : vector<256xi32> to vector<256x1xi32>
    %mul3A_392 = arith.constant 2048 : i32
    %mul3A_393 = arith.muli %arg0, %mul3A_392 : i32
    %add3A_394 = vector.broadcast %mul3A_393 : i32 to vector<256x1xi32>
    %add3A_395 = arith.addi %broadcast_in_dim3A_391, %add3A_394 : vector<256x1xi32>
    %swap3A_396 = arith.constant 0 : index
    %swap3A_397 = arith.constant 0 : index
    %swap3A_398 = arith.constant 14 : index
    %swap3A_399 = vector.load %arg6[%swap3A_396, %swap3A_397, %swap3A_398] : memref<1x256x20xi32, #tpu.memory_space<vmem>>, vector<1x256x1xi32>
    %swap3A_400 = vector.shape_cast %swap3A_399 : vector<1x256x1xi32> to vector<256x1xi32>
    %swap3A_401 = vector.shape_cast %add3A_395 : vector<256x1xi32> to vector<1x256x1xi32>
    tpu.vector_store %arg6[%swap3A_396, %swap3A_397, %swap3A_398], %swap3A_401 {strides = array<i32>} : memref<1x256x20xi32, #tpu.memory_space<vmem>>, vector<1x256x1xi32>,
    %eq3A_402 = vector.broadcast %broadcast_in_dim3A_391 : vector<256x1xi32> to vector<256x2048xi32>
    %eq3A_403 = arith.cmpi eq, %iota3A, %eq3A_402 : vector<256x2048xi32>
    %jit3A_404 = arith.constant 0xFF800000 : f32
    %broadcast_in_dim3A_405 = vector.broadcast %jit3A_404 : f32 to vector<256x2048xf32>
    %select_n3A_406 = arith.select %eq3A_403, %broadcast_in_dim3A_405, %select_n3A_380 : vector<256x2048xi1>, vector<256x2048xf32>
    %reduce_max3A_407 = arith.constant dense<0xFF800000> : vector<256xf32>
    %reduce_max3A_408 = vector.multi_reduction <maximumf>, %select_n3A_406, %reduce_max3A_407 [1] : vector<256x2048xf32> to vector<256xf32>
    %broadcast_in_dim3A_409 = vector.shape_cast %reduce_max3A_408 : vector<256xf32> to vector<256x1xf32>
    %eq3A_410 = vector.broadcast %broadcast_in_dim3A_409 : vector<256x1xf32> to vector<256x2048xf32>
    %eq3A_411 = arith.cmpf oeq, %select_n3A_406, %eq3A_410 : vector<256x2048xf32>
    %jit3A_412 = arith.constant 2048 : i32
    %broadcast_in_dim3A_413 = vector.broadcast %jit3A_412 : i32 to vector<256x2048xi32>
    %select_n3A_414 = arith.select %eq3A_411, %iota3A, %broadcast_in_dim3A_413 : vector<256x2048xi1>, vector<256x2048xi32>
    %reduce_min3A_415 = arith.constant dense<2147483647> : vector<256xi32>
    %reduce_min3A_416 = vector.multi_reduction <minsi>, %select_n3A_414, %reduce_min3A_415 [1] : vector<256x2048xi32> to vector<256xi32>
    %broadcast_in_dim3A_417 = vector.shape_cast %reduce_min3A_416 : vector<256xi32> to vector<256x1xi32>
    %mul3A_418 = arith.constant 2048 : i32
    %mul3A_419 = arith.muli %arg0, %mul3A_418 : i32
    %add3A_420 = vector.broadcast %mul3A_419 : i32 to vector<256x1xi32>
    %add3A_421 = arith.addi %broadcast_in_dim3A_417, %add3A_420 : vector<256x1xi32>
    %swap3A_422 = arith.constant 0 : index
    %swap3A_423 = arith.constant 0 : index
    %swap3A_424 = arith.constant 15 : index
    %swap3A_425 = vector.load %arg6[%swap3A_422, %swap3A_423, %swap3A_424] : memref<1x256x20xi32, #tpu.memory_space<vmem>>, vector<1x256x1xi32>
    %swap3A_426 = vector.shape_cast %swap3A_425 : vector<1x256x1xi32> to vector<256x1xi32>
    %swap3A_427 = vector.shape_cast %add3A_421 : vector<256x1xi32> to vector<1x256x1xi32>
    tpu.vector_store %arg6[%swap3A_422, %swap3A_423, %swap3A_424], %swap3A_427 {strides = array<i32>} : memref<1x256x20xi32, #tpu.memory_space<vmem>>, vector<1x256x1xi32>,
    %eq3A_428 = vector.broadcast %broadcast_in_dim3A_417 : vector<256x1xi32> to vector<256x2048xi32>
    %eq3A_429 = arith.cmpi eq, %iota3A, %eq3A_428 : vector<256x2048xi32>
    %jit3A_430 = arith.constant 0xFF800000 : f32
    %broadcast_in_dim3A_431 = vector.broadcast %jit3A_430 : f32 to vector<256x2048xf32>
    %select_n3A_432 = arith.select %eq3A_429, %broadcast_in_dim3A_431, %select_n3A_406 : vector<256x2048xi1>, vector<256x2048xf32>
    %reduce_max3A_433 = arith.constant dense<0xFF800000> : vector<256xf32>
    %reduce_max3A_434 = vector.multi_reduction <maximumf>, %select_n3A_432, %reduce_max3A_433 [1] : vector<256x2048xf32> to vector<256xf32>
    %broadcast_in_dim3A_435 = vector.shape_cast %reduce_max3A_434 : vector<256xf32> to vector<256x1xf32>
    %eq3A_436 = vector.broadcast %broadcast_in_dim3A_435 : vector<256x1xf32> to vector<256x2048xf32>
    %eq3A_437 = arith.cmpf oeq, %select_n3A_432, %eq3A_436 : vector<256x2048xf32>
    %jit3A_438 = arith.constant 2048 : i32
    %broadcast_in_dim3A_439 = vector.broadcast %jit3A_438 : i32 to vector<256x2048xi32>
    %select_n3A_440 = arith.select %eq3A_437, %iota3A, %broadcast_in_dim3A_439 : vector<256x2048xi1>, vector<256x2048xi32>
    %reduce_min3A_441 = arith.constant dense<2147483647> : vector<256xi32>
    %reduce_min3A_442 = vector.multi_reduction <minsi>, %select_n3A_440, %reduce_min3A_441 [1] : vector<256x2048xi32> to vector<256xi32>
    %broadcast_in_dim3A_443 = vector.shape_cast %reduce_min3A_442 : vector<256xi32> to vector<256x1xi32>
    %mul3A_444 = arith.constant 2048 : i32
    %mul3A_445 = arith.muli %arg0, %mul3A_444 : i32
    %add3A_446 = vector.broadcast %mul3A_445 : i32 to vector<256x1xi32>
    %add3A_447 = arith.addi %broadcast_in_dim3A_443, %add3A_446 : vector<256x1xi32>
    %swap3A_448 = arith.constant 0 : index
    %swap3A_449 = arith.constant 0 : index
    %swap3A_450 = arith.constant 16 : index
    %swap3A_451 = vector.load %arg6[%swap3A_448, %swap3A_449, %swap3A_450] : memref<1x256x20xi32, #tpu.memory_space<vmem>>, vector<1x256x1xi32>
    %swap3A_452 = vector.shape_cast %swap3A_451 : vector<1x256x1xi32> to vector<256x1xi32>
    %swap3A_453 = vector.shape_cast %add3A_447 : vector<256x1xi32> to vector<1x256x1xi32>
    tpu.vector_store %arg6[%swap3A_448, %swap3A_449, %swap3A_450], %swap3A_453 {strides = array<i32>} : memref<1x256x20xi32, #tpu.memory_space<vmem>>, vector<1x256x1xi32>,
    %eq3A_454 = vector.broadcast %broadcast_in_dim3A_443 : vector<256x1xi32> to vector<256x2048xi32>
    %eq3A_455 = arith.cmpi eq, %iota3A, %eq3A_454 : vector<256x2048xi32>
    %jit3A_456 = arith.constant 0xFF800000 : f32
    %broadcast_in_dim3A_457 = vector.broadcast %jit3A_456 : f32 to vector<256x2048xf32>
    %select_n3A_458 = arith.select %eq3A_455, %broadcast_in_dim3A_457, %select_n3A_432 : vector<256x2048xi1>, vector<256x2048xf32>
    %reduce_max3A_459 = arith.constant dense<0xFF800000> : vector<256xf32>
    %reduce_max3A_460 = vector.multi_reduction <maximumf>, %select_n3A_458, %reduce_max3A_459 [1] : vector<256x2048xf32> to vector<256xf32>
    %broadcast_in_dim3A_461 = vector.shape_cast %reduce_max3A_460 : vector<256xf32> to vector<256x1xf32>
    %eq3A_462 = vector.broadcast %broadcast_in_dim3A_461 : vector<256x1xf32> to vector<256x2048xf32>
    %eq3A_463 = arith.cmpf oeq, %select_n3A_458, %eq3A_462 : vector<256x2048xf32>
    %jit3A_464 = arith.constant 2048 : i32
    %broadcast_in_dim3A_465 = vector.broadcast %jit3A_464 : i32 to vector<256x2048xi32>
    %select_n3A_466 = arith.select %eq3A_463, %iota3A, %broadcast_in_dim3A_465 : vector<256x2048xi1>, vector<256x2048xi32>
    %reduce_min3A_467 = arith.constant dense<2147483647> : vector<256xi32>
    %reduce_min3A_468 = vector.multi_reduction <minsi>, %select_n3A_466, %reduce_min3A_467 [1] : vector<256x2048xi32> to vector<256xi32>
    %broadcast_in_dim3A_469 = vector.shape_cast %reduce_min3A_468 : vector<256xi32> to vector<256x1xi32>
    %mul3A_470 = arith.constant 2048 : i32
    %mul3A_471 = arith.muli %arg0, %mul3A_470 : i32
    %add3A_472 = vector.broadcast %mul3A_471 : i32 to vector<256x1xi32>
    %add3A_473 = arith.addi %broadcast_in_dim3A_469, %add3A_472 : vector<256x1xi32>
    %swap3A_474 = arith.constant 0 : index
    %swap3A_475 = arith.constant 0 : index
    %swap3A_476 = arith.constant 17 : index
    %swap3A_477 = vector.load %arg6[%swap3A_474, %swap3A_475, %swap3A_476] : memref<1x256x20xi32, #tpu.memory_space<vmem>>, vector<1x256x1xi32>
    %swap3A_478 = vector.shape_cast %swap3A_477 : vector<1x256x1xi32> to vector<256x1xi32>
    %swap3A_479 = vector.shape_cast %add3A_473 : vector<256x1xi32> to vector<1x256x1xi32>
    tpu.vector_store %arg6[%swap3A_474, %swap3A_475, %swap3A_476], %swap3A_479 {strides = array<i32>} : memref<1x256x20xi32, #tpu.memory_space<vmem>>, vector<1x256x1xi32>,
    %eq3A_480 = vector.broadcast %broadcast_in_dim3A_469 : vector<256x1xi32> to vector<256x2048xi32>
    %eq3A_481 = arith.cmpi eq, %iota3A, %eq3A_480 : vector<256x2048xi32>
    %jit3A_482 = arith.constant 0xFF800000 : f32
    %broadcast_in_dim3A_483 = vector.broadcast %jit3A_482 : f32 to vector<256x2048xf32>
    %select_n3A_484 = arith.select %eq3A_481, %broadcast_in_dim3A_483, %select_n3A_458 : vector<256x2048xi1>, vector<256x2048xf32>
    %reduce_max3A_485 = arith.constant dense<0xFF800000> : vector<256xf32>
    %reduce_max3A_486 = vector.multi_reduction <maximumf>, %select_n3A_484, %reduce_max3A_485 [1] : vector<256x2048xf32> to vector<256xf32>
    %broadcast_in_dim3A_487 = vector.shape_cast %reduce_max3A_486 : vector<256xf32> to vector<256x1xf32>
    %eq3A_488 = vector.broadcast %broadcast_in_dim3A_487 : vector<256x1xf32> to vector<256x2048xf32>
    %eq3A_489 = arith.cmpf oeq, %select_n3A_484, %eq3A_488 : vector<256x2048xf32>
    %jit3A_490 = arith.constant 2048 : i32
    %broadcast_in_dim3A_491 = vector.broadcast %jit3A_490 : i32 to vector<256x2048xi32>
    %select_n3A_492 = arith.select %eq3A_489, %iota3A, %broadcast_in_dim3A_491 : vector<256x2048xi1>, vector<256x2048xi32>
    %reduce_min3A_493 = arith.constant dense<2147483647> : vector<256xi32>
    %reduce_min3A_494 = vector.multi_reduction <minsi>, %select_n3A_492, %reduce_min3A_493 [1] : vector<256x2048xi32> to vector<256xi32>
    %broadcast_in_dim3A_495 = vector.shape_cast %reduce_min3A_494 : vector<256xi32> to vector<256x1xi32>
    %mul3A_496 = arith.constant 2048 : i32
    %mul3A_497 = arith.muli %arg0, %mul3A_496 : i32
    %add3A_498 = vector.broadcast %mul3A_497 : i32 to vector<256x1xi32>
    %add3A_499 = arith.addi %broadcast_in_dim3A_495, %add3A_498 : vector<256x1xi32>
    %swap3A_500 = arith.constant 0 : index
    %swap3A_501 = arith.constant 0 : index
    %swap3A_502 = arith.constant 18 : index
    %swap3A_503 = vector.load %arg6[%swap3A_500, %swap3A_501, %swap3A_502] : memref<1x256x20xi32, #tpu.memory_space<vmem>>, vector<1x256x1xi32>
    %swap3A_504 = vector.shape_cast %swap3A_503 : vector<1x256x1xi32> to vector<256x1xi32>
    %swap3A_505 = vector.shape_cast %add3A_499 : vector<256x1xi32> to vector<1x256x1xi32>
    tpu.vector_store %arg6[%swap3A_500, %swap3A_501, %swap3A_502], %swap3A_505 {strides = array<i32>} : memref<1x256x20xi32, #tpu.memory_space<vmem>>, vector<1x256x1xi32>,
    %eq3A_506 = vector.broadcast %broadcast_in_dim3A_495 : vector<256x1xi32> to vector<256x2048xi32>
    %eq3A_507 = arith.cmpi eq, %iota3A, %eq3A_506 : vector<256x2048xi32>
    %jit3A_508 = arith.constant 0xFF800000 : f32
    %broadcast_in_dim3A_509 = vector.broadcast %jit3A_508 : f32 to vector<256x2048xf32>
    %select_n3A_510 = arith.select %eq3A_507, %broadcast_in_dim3A_509, %select_n3A_484 : vector<256x2048xi1>, vector<256x2048xf32>
    %reduce_max3A_511 = arith.constant dense<0xFF800000> : vector<256xf32>
    %reduce_max3A_512 = vector.multi_reduction <maximumf>, %select_n3A_510, %reduce_max3A_511 [1] : vector<256x2048xf32> to vector<256xf32>
    %broadcast_in_dim3A_513 = vector.shape_cast %reduce_max3A_512 : vector<256xf32> to vector<256x1xf32>
    %eq3A_514 = vector.broadcast %broadcast_in_dim3A_513 : vector<256x1xf32> to vector<256x2048xf32>
    %eq3A_515 = arith.cmpf oeq, %select_n3A_510, %eq3A_514 : vector<256x2048xf32>
    %jit3A_516 = arith.constant 2048 : i32
    %broadcast_in_dim3A_517 = vector.broadcast %jit3A_516 : i32 to vector<256x2048xi32>
    %select_n3A_518 = arith.select %eq3A_515, %iota3A, %broadcast_in_dim3A_517 : vector<256x2048xi1>, vector<256x2048xi32>
    %reduce_min3A_519 = arith.constant dense<2147483647> : vector<256xi32>
    %reduce_min3A_520 = vector.multi_reduction <minsi>, %select_n3A_518, %reduce_min3A_519 [1] : vector<256x2048xi32> to vector<256xi32>
    %broadcast_in_dim3A_521 = vector.shape_cast %reduce_min3A_520 : vector<256xi32> to vector<256x1xi32>
    %mul3A_522 = arith.constant 2048 : i32
    %mul3A_523 = arith.muli %arg0, %mul3A_522 : i32
    %add3A_524 = vector.broadcast %mul3A_523 : i32 to vector<256x1xi32>
    %add3A_525 = arith.addi %broadcast_in_dim3A_521, %add3A_524 : vector<256x1xi32>
    %swap3A_526 = arith.constant 0 : index
    %swap3A_527 = arith.constant 0 : index
    %swap3A_528 = arith.constant 19 : index
    %swap3A_529 = vector.load %arg6[%swap3A_526, %swap3A_527, %swap3A_528] : memref<1x256x20xi32, #tpu.memory_space<vmem>>, vector<1x256x1xi32>
    %swap3A_530 = vector.shape_cast %swap3A_529 : vector<1x256x1xi32> to vector<256x1xi32>
    %swap3A_531 = vector.shape_cast %add3A_525 : vector<256x1xi32> to vector<1x256x1xi32>
    tpu.vector_store %arg6[%swap3A_526, %swap3A_527, %swap3A_528], %swap3A_531 {strides = array<i32>} : memref<1x256x20xi32, #tpu.memory_space<vmem>>, vector<1x256x1xi32>,
    return
  }
  func.func @transform_0(%arg0: i32, %arg1: i32) -> (i32, i32, i32) {
    %c0_i32 = arith.constant 0 : i32
    %c0_i32_0 = arith.constant 0 : i32
    return %arg0, %arg1, %c0_i32 : i32, i32, i32
  }
  func.func @transform_1(%arg0: i32, %arg1: i32) -> (i32, i32, i32) {
    %c0_i32 = arith.constant 0 : i32
    %c0_i32_0 = arith.constant 0 : i32
    %c0_i32_1 = arith.constant 0 : i32
    return %arg0, %c0_i32, %c0_i32_0 : i32, i32, i32
  }
  func.func @transform_2(%arg0: i32, %arg1: i32) -> (i32, i32, i32) {
    %c0_i32 = arith.constant 0 : i32
    %c0_i32_0 = arith.constant 0 : i32
    return %arg0, %arg1, %c0_i32 : i32, i32, i32
  }
  func.func @transform_3(%arg0: i32, %arg1: i32) -> (i32, i32, i32) {
    %c0_i32 = arith.constant 0 : i32
    %c0_i32_0 = arith.constant 0 : i32
    %c0_i32_1 = arith.constant 0 : i32
    return %arg0, %c0_i32, %c0_i32_0 : i32, i32, i32
  }
  func.func @transform_4(%arg0: i32, %arg1: i32) -> (i32, i32, i32) {
    %c0_i32 = arith.constant 0 : i32
    %c0_i32_0 = arith.constant 0 : i32
    return %arg0, %arg1, %c0_i32 : i32, i32, i32
  }
}

module attributes {stable_mosaic.version = 14 : i64} {
  func.func @_conv_body(%arg0: i32, %arg1: memref<2560x8xf32, #tpu.memory_space<vmem>>, %arg2: memref<128x8xf32, #tpu.memory_space<vmem>>, %arg3: memref<16x64xf32, #tpu.memory_space<vmem>>, %arg4: memref<1x64xf32, #tpu.memory_space<vmem>>, %arg5: memref<128x64xf32, #tpu.memory_space<vmem>>, %arg6: memref<128x64xf32, #tpu.memory_space<vmem>>, %arg7: memref<128x64xf32, #tpu.memory_space<vmem>>) attributes {dimension_semantics = [#tpu.dimension_semantics<arbitrary>], iteration_bounds = array<i64: 128>, scalar_prefetch = 0 : i64, scratch_operands = 0 : i64, tpu.core_type = #tpu.core_type<tc>, window_params = [{transform_indices = @transform_0, window_bounds = array<i64: 2560, 8>}, {transform_indices = @transform_1, window_bounds = array<i64: 128, 8>}, {pipeline_mode = #tpu.pipeline_mode<synchronous>, transform_indices = @transform_2, window_bounds = array<i64: 16, 64>}, {pipeline_mode = #tpu.pipeline_mode<synchronous>, transform_indices = @transform_3, window_bounds = array<i64: 1, 64>}, {transform_indices = @transform_4, window_bounds = array<i64: 128, 64>}, {transform_indices = @transform_5, window_bounds = array<i64: 128, 64>}, {transform_indices = @transform_6, window_bounds = array<i64: 128, 64>}]} {
    %get3A = arith.constant 0 : index
    %get3A_0 = arith.constant 0 : index
    %get3A_1 = vector.load %arg2[%get3A, %get3A_0] : memref<128x8xf32, #tpu.memory_space<vmem>>, vector<128x8xf32>
    %reshape3A = vector.shape_cast %get3A_1 : vector<128x8xf32> to vector<128x1x8xf32>
    %get3A_2 = arith.constant 0 : index
    %get3A_3 = arith.constant 0 : index
    %get3A_4 = vector.load %arg1[%get3A_2, %get3A_3] : memref<2560x8xf32, #tpu.memory_space<vmem>>, vector<2560x8xf32>
    %reshape3A_5 = vector.shape_cast %get3A_4 : vector<2560x8xf32> to vector<128x20x8xf32>
    %sub3A = vector.broadcast %reshape3A : vector<128x1x8xf32> to vector<128x20x8xf32>
    %sub3A_6 = arith.subf %reshape3A_5, %sub3A : vector<128x20x8xf32>
    %broadcast_in_dim3A = vector.shape_cast %reshape3A : vector<128x1x8xf32> to vector<128x1x8xf32>
    %broadcast_in_dim3A_7 = vector.broadcast %broadcast_in_dim3A : vector<128x1x8xf32> to vector<128x20x8xf32>
    %concatenate3A = tpu.concatenate %sub3A_6, %broadcast_in_dim3A_7 in 2 : vector<128x20x8xf32>, vector<128x20x8xf32> -> vector<128x20x16xf32>
    %reshape3A_8 = vector.shape_cast %concatenate3A : vector<128x20x16xf32> to vector<2560x16xf32>
    %get3A_9 = arith.constant 0 : index
    %get3A_10 = arith.constant 0 : index
    %get3A_11 = vector.load %arg3[%get3A_9, %get3A_10] : memref<16x64xf32, #tpu.memory_space<vmem>>, vector<16x64xf32>
    %dot_general3A = arith.constant dense<0.000000e+00> : vector<2560x64xf32>
    %dot_general3A_12 = tpu.matmul %reshape3A_8, %get3A_11, %dot_general3A {dimension_numbers = #tpu.dot_dimension_numbers<[1], [0], [0], [1], [0, 0, 1, 1], [], []>, transpose_lhs_hint = false} : vector<2560x16xf32>, vector<16x64xf32>, vector<2560x64xf32> -> vector<2560x64xf32>
    %get3A_13 = arith.constant 0 : index
    %get3A_14 = arith.constant 0 : index
    %get3A_15 = vector.load %arg4[%get3A_13, %get3A_14] : memref<1x64xf32, #tpu.memory_space<vmem>>, vector<1x64xf32>
    %add3A = vector.broadcast %get3A_15 : vector<1x64xf32> to vector<2560x64xf32>
    %add3A_16 = arith.addf %dot_general3A_12, %add3A : vector<2560x64xf32>
    %reshape3A_17 = vector.shape_cast %add3A_16 : vector<2560x64xf32> to vector<128x20x64xf32>
    %slice3A = vector.extract_strided_slice %reshape3A_17 {offsets = [0, 0, 0], sizes = [128, 1, 64], strides = [1, 1, 1]} : vector<128x20x64xf32> to vector<128x1x64xf32>
    %squeeze3A = vector.shape_cast %slice3A : vector<128x1x64xf32> to vector<128x64xf32>
    %slice3A_18 = vector.extract_strided_slice %reshape3A_17 {offsets = [0, 0, 0], sizes = [128, 1, 64], strides = [1, 1, 1]} : vector<128x20x64xf32> to vector<128x1x64xf32>
    %squeeze3A_19 = vector.shape_cast %slice3A_18 : vector<128x1x64xf32> to vector<128x64xf32>
    %slice3A_20 = vector.extract_strided_slice %reshape3A_17 {offsets = [0, 0, 0], sizes = [128, 1, 64], strides = [1, 1, 1]} : vector<128x20x64xf32> to vector<128x1x64xf32>
    %squeeze3A_21 = vector.shape_cast %slice3A_20 : vector<128x1x64xf32> to vector<128x64xf32>
    %slice3A_22 = vector.extract_strided_slice %reshape3A_17 {offsets = [0, 0, 0], sizes = [128, 1, 64], strides = [1, 1, 1]} : vector<128x20x64xf32> to vector<128x1x64xf32>
    %squeeze3A_23 = vector.shape_cast %slice3A_22 : vector<128x1x64xf32> to vector<128x64xf32>
    %mul3A = arith.mulf %squeeze3A_21, %squeeze3A_23 : vector<128x64xf32>
    %slice3A_24 = vector.extract_strided_slice %reshape3A_17 {offsets = [0, 1, 0], sizes = [128, 1, 64], strides = [1, 1, 1]} : vector<128x20x64xf32> to vector<128x1x64xf32>
    %squeeze3A_25 = vector.shape_cast %slice3A_24 : vector<128x1x64xf32> to vector<128x64xf32>
    %max3A = arith.maximumf %squeeze3A, %squeeze3A_25 : vector<128x64xf32>
    %add3A_26 = arith.addf %squeeze3A_19, %squeeze3A_25 : vector<128x64xf32>
    %mul3A_27 = arith.mulf %squeeze3A_25, %squeeze3A_25 : vector<128x64xf32>
    %add3A_28 = arith.addf %mul3A, %mul3A_27 : vector<128x64xf32>
    %slice3A_29 = vector.extract_strided_slice %reshape3A_17 {offsets = [0, 2, 0], sizes = [128, 1, 64], strides = [1, 1, 1]} : vector<128x20x64xf32> to vector<128x1x64xf32>
    %squeeze3A_30 = vector.shape_cast %slice3A_29 : vector<128x1x64xf32> to vector<128x64xf32>
    %max3A_31 = arith.maximumf %max3A, %squeeze3A_30 : vector<128x64xf32>
    %add3A_32 = arith.addf %add3A_26, %squeeze3A_30 : vector<128x64xf32>
    %mul3A_33 = arith.mulf %squeeze3A_30, %squeeze3A_30 : vector<128x64xf32>
    %add3A_34 = arith.addf %add3A_28, %mul3A_33 : vector<128x64xf32>
    %slice3A_35 = vector.extract_strided_slice %reshape3A_17 {offsets = [0, 3, 0], sizes = [128, 1, 64], strides = [1, 1, 1]} : vector<128x20x64xf32> to vector<128x1x64xf32>
    %squeeze3A_36 = vector.shape_cast %slice3A_35 : vector<128x1x64xf32> to vector<128x64xf32>
    %max3A_37 = arith.maximumf %max3A_31, %squeeze3A_36 : vector<128x64xf32>
    %add3A_38 = arith.addf %add3A_32, %squeeze3A_36 : vector<128x64xf32>
    %mul3A_39 = arith.mulf %squeeze3A_36, %squeeze3A_36 : vector<128x64xf32>
    %add3A_40 = arith.addf %add3A_34, %mul3A_39 : vector<128x64xf32>
    %slice3A_41 = vector.extract_strided_slice %reshape3A_17 {offsets = [0, 4, 0], sizes = [128, 1, 64], strides = [1, 1, 1]} : vector<128x20x64xf32> to vector<128x1x64xf32>
    %squeeze3A_42 = vector.shape_cast %slice3A_41 : vector<128x1x64xf32> to vector<128x64xf32>
    %max3A_43 = arith.maximumf %max3A_37, %squeeze3A_42 : vector<128x64xf32>
    %add3A_44 = arith.addf %add3A_38, %squeeze3A_42 : vector<128x64xf32>
    %mul3A_45 = arith.mulf %squeeze3A_42, %squeeze3A_42 : vector<128x64xf32>
    %add3A_46 = arith.addf %add3A_40, %mul3A_45 : vector<128x64xf32>
    %slice3A_47 = vector.extract_strided_slice %reshape3A_17 {offsets = [0, 5, 0], sizes = [128, 1, 64], strides = [1, 1, 1]} : vector<128x20x64xf32> to vector<128x1x64xf32>
    %squeeze3A_48 = vector.shape_cast %slice3A_47 : vector<128x1x64xf32> to vector<128x64xf32>
    %max3A_49 = arith.maximumf %max3A_43, %squeeze3A_48 : vector<128x64xf32>
    %add3A_50 = arith.addf %add3A_44, %squeeze3A_48 : vector<128x64xf32>
    %mul3A_51 = arith.mulf %squeeze3A_48, %squeeze3A_48 : vector<128x64xf32>
    %add3A_52 = arith.addf %add3A_46, %mul3A_51 : vector<128x64xf32>
    %slice3A_53 = vector.extract_strided_slice %reshape3A_17 {offsets = [0, 6, 0], sizes = [128, 1, 64], strides = [1, 1, 1]} : vector<128x20x64xf32> to vector<128x1x64xf32>
    %squeeze3A_54 = vector.shape_cast %slice3A_53 : vector<128x1x64xf32> to vector<128x64xf32>
    %max3A_55 = arith.maximumf %max3A_49, %squeeze3A_54 : vector<128x64xf32>
    %add3A_56 = arith.addf %add3A_50, %squeeze3A_54 : vector<128x64xf32>
    %mul3A_57 = arith.mulf %squeeze3A_54, %squeeze3A_54 : vector<128x64xf32>
    %add3A_58 = arith.addf %add3A_52, %mul3A_57 : vector<128x64xf32>
    %slice3A_59 = vector.extract_strided_slice %reshape3A_17 {offsets = [0, 7, 0], sizes = [128, 1, 64], strides = [1, 1, 1]} : vector<128x20x64xf32> to vector<128x1x64xf32>
    %squeeze3A_60 = vector.shape_cast %slice3A_59 : vector<128x1x64xf32> to vector<128x64xf32>
    %max3A_61 = arith.maximumf %max3A_55, %squeeze3A_60 : vector<128x64xf32>
    %add3A_62 = arith.addf %add3A_56, %squeeze3A_60 : vector<128x64xf32>
    %mul3A_63 = arith.mulf %squeeze3A_60, %squeeze3A_60 : vector<128x64xf32>
    %add3A_64 = arith.addf %add3A_58, %mul3A_63 : vector<128x64xf32>
    %slice3A_65 = vector.extract_strided_slice %reshape3A_17 {offsets = [0, 8, 0], sizes = [128, 1, 64], strides = [1, 1, 1]} : vector<128x20x64xf32> to vector<128x1x64xf32>
    %squeeze3A_66 = vector.shape_cast %slice3A_65 : vector<128x1x64xf32> to vector<128x64xf32>
    %max3A_67 = arith.maximumf %max3A_61, %squeeze3A_66 : vector<128x64xf32>
    %add3A_68 = arith.addf %add3A_62, %squeeze3A_66 : vector<128x64xf32>
    %mul3A_69 = arith.mulf %squeeze3A_66, %squeeze3A_66 : vector<128x64xf32>
    %add3A_70 = arith.addf %add3A_64, %mul3A_69 : vector<128x64xf32>
    %slice3A_71 = vector.extract_strided_slice %reshape3A_17 {offsets = [0, 9, 0], sizes = [128, 1, 64], strides = [1, 1, 1]} : vector<128x20x64xf32> to vector<128x1x64xf32>
    %squeeze3A_72 = vector.shape_cast %slice3A_71 : vector<128x1x64xf32> to vector<128x64xf32>
    %max3A_73 = arith.maximumf %max3A_67, %squeeze3A_72 : vector<128x64xf32>
    %add3A_74 = arith.addf %add3A_68, %squeeze3A_72 : vector<128x64xf32>
    %mul3A_75 = arith.mulf %squeeze3A_72, %squeeze3A_72 : vector<128x64xf32>
    %add3A_76 = arith.addf %add3A_70, %mul3A_75 : vector<128x64xf32>
    %slice3A_77 = vector.extract_strided_slice %reshape3A_17 {offsets = [0, 10, 0], sizes = [128, 1, 64], strides = [1, 1, 1]} : vector<128x20x64xf32> to vector<128x1x64xf32>
    %squeeze3A_78 = vector.shape_cast %slice3A_77 : vector<128x1x64xf32> to vector<128x64xf32>
    %max3A_79 = arith.maximumf %max3A_73, %squeeze3A_78 : vector<128x64xf32>
    %add3A_80 = arith.addf %add3A_74, %squeeze3A_78 : vector<128x64xf32>
    %mul3A_81 = arith.mulf %squeeze3A_78, %squeeze3A_78 : vector<128x64xf32>
    %add3A_82 = arith.addf %add3A_76, %mul3A_81 : vector<128x64xf32>
    %slice3A_83 = vector.extract_strided_slice %reshape3A_17 {offsets = [0, 11, 0], sizes = [128, 1, 64], strides = [1, 1, 1]} : vector<128x20x64xf32> to vector<128x1x64xf32>
    %squeeze3A_84 = vector.shape_cast %slice3A_83 : vector<128x1x64xf32> to vector<128x64xf32>
    %max3A_85 = arith.maximumf %max3A_79, %squeeze3A_84 : vector<128x64xf32>
    %add3A_86 = arith.addf %add3A_80, %squeeze3A_84 : vector<128x64xf32>
    %mul3A_87 = arith.mulf %squeeze3A_84, %squeeze3A_84 : vector<128x64xf32>
    %add3A_88 = arith.addf %add3A_82, %mul3A_87 : vector<128x64xf32>
    %slice3A_89 = vector.extract_strided_slice %reshape3A_17 {offsets = [0, 12, 0], sizes = [128, 1, 64], strides = [1, 1, 1]} : vector<128x20x64xf32> to vector<128x1x64xf32>
    %squeeze3A_90 = vector.shape_cast %slice3A_89 : vector<128x1x64xf32> to vector<128x64xf32>
    %max3A_91 = arith.maximumf %max3A_85, %squeeze3A_90 : vector<128x64xf32>
    %add3A_92 = arith.addf %add3A_86, %squeeze3A_90 : vector<128x64xf32>
    %mul3A_93 = arith.mulf %squeeze3A_90, %squeeze3A_90 : vector<128x64xf32>
    %add3A_94 = arith.addf %add3A_88, %mul3A_93 : vector<128x64xf32>
    %slice3A_95 = vector.extract_strided_slice %reshape3A_17 {offsets = [0, 13, 0], sizes = [128, 1, 64], strides = [1, 1, 1]} : vector<128x20x64xf32> to vector<128x1x64xf32>
    %squeeze3A_96 = vector.shape_cast %slice3A_95 : vector<128x1x64xf32> to vector<128x64xf32>
    %max3A_97 = arith.maximumf %max3A_91, %squeeze3A_96 : vector<128x64xf32>
    %add3A_98 = arith.addf %add3A_92, %squeeze3A_96 : vector<128x64xf32>
    %mul3A_99 = arith.mulf %squeeze3A_96, %squeeze3A_96 : vector<128x64xf32>
    %add3A_100 = arith.addf %add3A_94, %mul3A_99 : vector<128x64xf32>
    %slice3A_101 = vector.extract_strided_slice %reshape3A_17 {offsets = [0, 14, 0], sizes = [128, 1, 64], strides = [1, 1, 1]} : vector<128x20x64xf32> to vector<128x1x64xf32>
    %squeeze3A_102 = vector.shape_cast %slice3A_101 : vector<128x1x64xf32> to vector<128x64xf32>
    %max3A_103 = arith.maximumf %max3A_97, %squeeze3A_102 : vector<128x64xf32>
    %add3A_104 = arith.addf %add3A_98, %squeeze3A_102 : vector<128x64xf32>
    %mul3A_105 = arith.mulf %squeeze3A_102, %squeeze3A_102 : vector<128x64xf32>
    %add3A_106 = arith.addf %add3A_100, %mul3A_105 : vector<128x64xf32>
    %slice3A_107 = vector.extract_strided_slice %reshape3A_17 {offsets = [0, 15, 0], sizes = [128, 1, 64], strides = [1, 1, 1]} : vector<128x20x64xf32> to vector<128x1x64xf32>
    %squeeze3A_108 = vector.shape_cast %slice3A_107 : vector<128x1x64xf32> to vector<128x64xf32>
    %max3A_109 = arith.maximumf %max3A_103, %squeeze3A_108 : vector<128x64xf32>
    %add3A_110 = arith.addf %add3A_104, %squeeze3A_108 : vector<128x64xf32>
    %mul3A_111 = arith.mulf %squeeze3A_108, %squeeze3A_108 : vector<128x64xf32>
    %add3A_112 = arith.addf %add3A_106, %mul3A_111 : vector<128x64xf32>
    %slice3A_113 = vector.extract_strided_slice %reshape3A_17 {offsets = [0, 16, 0], sizes = [128, 1, 64], strides = [1, 1, 1]} : vector<128x20x64xf32> to vector<128x1x64xf32>
    %squeeze3A_114 = vector.shape_cast %slice3A_113 : vector<128x1x64xf32> to vector<128x64xf32>
    %max3A_115 = arith.maximumf %max3A_109, %squeeze3A_114 : vector<128x64xf32>
    %add3A_116 = arith.addf %add3A_110, %squeeze3A_114 : vector<128x64xf32>
    %mul3A_117 = arith.mulf %squeeze3A_114, %squeeze3A_114 : vector<128x64xf32>
    %add3A_118 = arith.addf %add3A_112, %mul3A_117 : vector<128x64xf32>
    %slice3A_119 = vector.extract_strided_slice %reshape3A_17 {offsets = [0, 17, 0], sizes = [128, 1, 64], strides = [1, 1, 1]} : vector<128x20x64xf32> to vector<128x1x64xf32>
    %squeeze3A_120 = vector.shape_cast %slice3A_119 : vector<128x1x64xf32> to vector<128x64xf32>
    %max3A_121 = arith.maximumf %max3A_115, %squeeze3A_120 : vector<128x64xf32>
    %add3A_122 = arith.addf %add3A_116, %squeeze3A_120 : vector<128x64xf32>
    %mul3A_123 = arith.mulf %squeeze3A_120, %squeeze3A_120 : vector<128x64xf32>
    %add3A_124 = arith.addf %add3A_118, %mul3A_123 : vector<128x64xf32>
    %slice3A_125 = vector.extract_strided_slice %reshape3A_17 {offsets = [0, 18, 0], sizes = [128, 1, 64], strides = [1, 1, 1]} : vector<128x20x64xf32> to vector<128x1x64xf32>
    %squeeze3A_126 = vector.shape_cast %slice3A_125 : vector<128x1x64xf32> to vector<128x64xf32>
    %max3A_127 = arith.maximumf %max3A_121, %squeeze3A_126 : vector<128x64xf32>
    %add3A_128 = arith.addf %add3A_122, %squeeze3A_126 : vector<128x64xf32>
    %mul3A_129 = arith.mulf %squeeze3A_126, %squeeze3A_126 : vector<128x64xf32>
    %add3A_130 = arith.addf %add3A_124, %mul3A_129 : vector<128x64xf32>
    %slice3A_131 = vector.extract_strided_slice %reshape3A_17 {offsets = [0, 19, 0], sizes = [128, 1, 64], strides = [1, 1, 1]} : vector<128x20x64xf32> to vector<128x1x64xf32>
    %squeeze3A_132 = vector.shape_cast %slice3A_131 : vector<128x1x64xf32> to vector<128x64xf32>
    %max3A_133 = arith.maximumf %max3A_127, %squeeze3A_132 : vector<128x64xf32>
    %add3A_134 = arith.addf %add3A_128, %squeeze3A_132 : vector<128x64xf32>
    %mul3A_135 = arith.mulf %squeeze3A_132, %squeeze3A_132 : vector<128x64xf32>
    %add3A_136 = arith.addf %add3A_130, %mul3A_135 : vector<128x64xf32>
    %swap3A = arith.constant 0 : index
    %swap3A_137 = arith.constant 0 : index
    %swap3A_138 = vector.load %arg5[%swap3A, %swap3A_137] : memref<128x64xf32, #tpu.memory_space<vmem>>, vector<128x64xf32>
    tpu.vector_store %arg5[%swap3A, %swap3A_137], %max3A_133 {strides = array<i32>} : memref<128x64xf32, #tpu.memory_space<vmem>>, vector<128x64xf32>,
    %swap3A_139 = arith.constant 0 : index
    %swap3A_140 = arith.constant 0 : index
    %swap3A_141 = vector.load %arg6[%swap3A_139, %swap3A_140] : memref<128x64xf32, #tpu.memory_space<vmem>>, vector<128x64xf32>
    tpu.vector_store %arg6[%swap3A_139, %swap3A_140], %add3A_134 {strides = array<i32>} : memref<128x64xf32, #tpu.memory_space<vmem>>, vector<128x64xf32>,
    %swap3A_142 = arith.constant 0 : index
    %swap3A_143 = arith.constant 0 : index
    %swap3A_144 = vector.load %arg7[%swap3A_142, %swap3A_143] : memref<128x64xf32, #tpu.memory_space<vmem>>, vector<128x64xf32>
    tpu.vector_store %arg7[%swap3A_142, %swap3A_143], %add3A_136 {strides = array<i32>} : memref<128x64xf32, #tpu.memory_space<vmem>>, vector<128x64xf32>,
    return
  }
  func.func @transform_0(%arg0: i32) -> (i32, i32) {
    %c0_i32 = arith.constant 0 : i32
    %c0_i32_0 = arith.constant 0 : i32
    return %arg0, %c0_i32 : i32, i32
  }
  func.func @transform_1(%arg0: i32) -> (i32, i32) {
    %c0_i32 = arith.constant 0 : i32
    %c0_i32_0 = arith.constant 0 : i32
    return %arg0, %c0_i32 : i32, i32
  }
  func.func @transform_2(%arg0: i32) -> (i32, i32) {
    %c0_i32 = arith.constant 0 : i32
    %c0_i32_0 = arith.constant 0 : i32
    %c0_i32_1 = arith.constant 0 : i32
    return %c0_i32, %c0_i32_0 : i32, i32
  }
  func.func @transform_3(%arg0: i32) -> (i32, i32) {
    %c0_i32 = arith.constant 0 : i32
    %c0_i32_0 = arith.constant 0 : i32
    %c0_i32_1 = arith.constant 0 : i32
    return %c0_i32, %c0_i32_0 : i32, i32
  }
  func.func @transform_4(%arg0: i32) -> (i32, i32) {
    %c0_i32 = arith.constant 0 : i32
    %c0_i32_0 = arith.constant 0 : i32
    return %arg0, %c0_i32 : i32, i32
  }
  func.func @transform_5(%arg0: i32) -> (i32, i32) {
    %c0_i32 = arith.constant 0 : i32
    %c0_i32_0 = arith.constant 0 : i32
    return %arg0, %c0_i32 : i32, i32
  }
  func.func @transform_6(%arg0: i32) -> (i32, i32) {
    %c0_i32 = arith.constant 0 : i32
    %c0_i32_0 = arith.constant 0 : i32
    return %arg0, %c0_i32 : i32, i32
  }
}

module attributes {stable_mosaic.version = 14 : i64} {
  func.func @_stats_body(%arg0: i32, %arg1: memref<2048x64xf32, #tpu.memory_space<vmem>>, %arg2: memref<2048x64xf32, #tpu.memory_space<vmem>>, %arg3: memref<1x64xf32, #tpu.memory_space<vmem>>, %arg4: memref<1x64xf32, #tpu.memory_space<vmem>>) attributes {dimension_semantics = [#tpu.dimension_semantics<arbitrary>], iteration_bounds = array<i64: 8>, scalar_prefetch = 0 : i64, scratch_operands = 0 : i64, tpu.core_type = #tpu.core_type<tc>, window_params = [{transform_indices = @transform_0, window_bounds = array<i64: 2048, 64>}, {transform_indices = @transform_1, window_bounds = array<i64: 2048, 64>}, {pipeline_mode = #tpu.pipeline_mode<synchronous>, transform_indices = @transform_2, window_bounds = array<i64: 1, 64>}, {pipeline_mode = #tpu.pipeline_mode<synchronous>, transform_indices = @transform_3, window_bounds = array<i64: 1, 64>}]} {
    %get3A = arith.constant 0 : index
    %get3A_0 = arith.constant 0 : index
    %get3A_1 = vector.load %arg1[%get3A, %get3A_0] : memref<2048x64xf32, #tpu.memory_space<vmem>>, vector<2048x64xf32>
    %reduce_sum3A = arith.constant dense<0.000000e+00> : vector<64xf32>
    %reduce_sum3A_2 = vector.multi_reduction <add>, %get3A_1, %reduce_sum3A [0] : vector<2048x64xf32> to vector<64xf32>
    %broadcast_in_dim3A = vector.shape_cast %reduce_sum3A_2 : vector<64xf32> to vector<1x64xf32>
    %get3A_3 = arith.constant 0 : index
    %get3A_4 = arith.constant 0 : index
    %get3A_5 = vector.load %arg2[%get3A_3, %get3A_4] : memref<2048x64xf32, #tpu.memory_space<vmem>>, vector<2048x64xf32>
    %reduce_sum3A_6 = arith.constant dense<0.000000e+00> : vector<64xf32>
    %reduce_sum3A_7 = vector.multi_reduction <add>, %get3A_5, %reduce_sum3A_6 [0] : vector<2048x64xf32> to vector<64xf32>
    %broadcast_in_dim3A_8 = vector.shape_cast %reduce_sum3A_7 : vector<64xf32> to vector<1x64xf32>
    %eq3A = arith.constant 0 : i32
    %eq3A_9 = arith.cmpi eq, %arg0, %eq3A : i32
    %convert_element_type3A = arith.extui %eq3A_9 : i1 to i32
    %cond3A = arith.constant 0 : i32
    %cond3A_10 = arith.cmpi ne, %convert_element_type3A, %cond3A : i32
    scf.if %cond3A_10 {
      %swap3A = arith.constant 0 : index
      %swap3A_15 = arith.constant 0 : index
      %swap3A_16 = vector.load %arg3[%swap3A, %swap3A_15] : memref<1x64xf32, #tpu.memory_space<vmem>>, vector<1x64xf32>
      tpu.vector_store %arg3[%swap3A, %swap3A_15], %broadcast_in_dim3A {strides = array<i32>} : memref<1x64xf32, #tpu.memory_space<vmem>>, vector<1x64xf32>,
      %swap3A_17 = arith.constant 0 : index
      %swap3A_18 = arith.constant 0 : index
      %swap3A_19 = vector.load %arg4[%swap3A_17, %swap3A_18] : memref<1x64xf32, #tpu.memory_space<vmem>>, vector<1x64xf32>
      tpu.vector_store %arg4[%swap3A_17, %swap3A_18], %broadcast_in_dim3A_8 {strides = array<i32>} : memref<1x64xf32, #tpu.memory_space<vmem>>, vector<1x64xf32>,
    } else {
    }
    %gt3A = arith.constant 0 : i32
    %gt3A_11 = arith.cmpi sgt, %arg0, %gt3A : i32
    %convert_element_type3A_12 = arith.extui %gt3A_11 : i1 to i32
    %cond3A_13 = arith.constant 0 : i32
    %cond3A_14 = arith.cmpi ne, %convert_element_type3A_12, %cond3A_13 : i32
    scf.if %cond3A_14 {
      %get3A_15 = arith.constant 0 : index
      %get3A_16 = arith.constant 0 : index
      %get3A_17 = vector.load %arg3[%get3A_15, %get3A_16] : memref<1x64xf32, #tpu.memory_space<vmem>>, vector<1x64xf32>
      %add3A = arith.addf %get3A_17, %broadcast_in_dim3A : vector<1x64xf32>
      %swap3A = arith.constant 0 : index
      %swap3A_18 = arith.constant 0 : index
      %swap3A_19 = vector.load %arg3[%swap3A, %swap3A_18] : memref<1x64xf32, #tpu.memory_space<vmem>>, vector<1x64xf32>
      tpu.vector_store %arg3[%swap3A, %swap3A_18], %add3A {strides = array<i32>} : memref<1x64xf32, #tpu.memory_space<vmem>>, vector<1x64xf32>,
      %get3A_20 = arith.constant 0 : index
      %get3A_21 = arith.constant 0 : index
      %get3A_22 = vector.load %arg4[%get3A_20, %get3A_21] : memref<1x64xf32, #tpu.memory_space<vmem>>, vector<1x64xf32>
      %add3A_23 = arith.addf %get3A_22, %broadcast_in_dim3A_8 : vector<1x64xf32>
      %swap3A_24 = arith.constant 0 : index
      %swap3A_25 = arith.constant 0 : index
      %swap3A_26 = vector.load %arg4[%swap3A_24, %swap3A_25] : memref<1x64xf32, #tpu.memory_space<vmem>>, vector<1x64xf32>
      tpu.vector_store %arg4[%swap3A_24, %swap3A_25], %add3A_23 {strides = array<i32>} : memref<1x64xf32, #tpu.memory_space<vmem>>, vector<1x64xf32>,
    } else {
    }
    return
  }
  func.func @transform_0(%arg0: i32) -> (i32, i32) {
    %c0_i32 = arith.constant 0 : i32
    %c0_i32_0 = arith.constant 0 : i32
    return %arg0, %c0_i32 : i32, i32
  }
  func.func @transform_1(%arg0: i32) -> (i32, i32) {
    %c0_i32 = arith.constant 0 : i32
    %c0_i32_0 = arith.constant 0 : i32
    return %arg0, %c0_i32 : i32, i32
  }
  func.func @transform_2(%arg0: i32) -> (i32, i32) {
    %c0_i32 = arith.constant 0 : i32
    %c0_i32_0 = arith.constant 0 : i32
    %c0_i32_1 = arith.constant 0 : i32
    return %c0_i32, %c0_i32_0 : i32, i32
  }
  func.func @transform_3(%arg0: i32) -> (i32, i32) {
    %c0_i32 = arith.constant 0 : i32
    %c0_i32_0 = arith.constant 0 : i32
    %c0_i32_1 = arith.constant 0 : i32
    return %c0_i32, %c0_i32_0 : i32, i32
  }
}

module attributes {stable_mosaic.version = 14 : i64} {
  func.func @_combine_body(%arg0: i32, %arg1: i32, %arg2: memref<1x256x64xf32, #tpu.memory_space<vmem>>, %arg3: memref<1x64xf32, #tpu.memory_space<vmem>>, %arg4: memref<1x64xf32, #tpu.memory_space<vmem>>, %arg5: memref<1x64xf32, #tpu.memory_space<vmem>>, %arg6: memref<1x64xf32, #tpu.memory_space<vmem>>, %arg7: memref<1x256x64xf32, #tpu.memory_space<vmem>>, %arg8: memref<1x1x64xf32, #tpu.memory_space<vmem>>) attributes {dimension_semantics = [#tpu.dimension_semantics<arbitrary>, #tpu.dimension_semantics<arbitrary>], iteration_bounds = array<i64: 8, 8>, scalar_prefetch = 0 : i64, scratch_operands = 0 : i64, tpu.core_type = #tpu.core_type<tc>, window_params = [{transform_indices = @transform_0, window_bounds = array<i64: 1, 256, 64>}, {pipeline_mode = #tpu.pipeline_mode<synchronous>, transform_indices = @transform_1, window_bounds = array<i64: 1, 64>}, {pipeline_mode = #tpu.pipeline_mode<synchronous>, transform_indices = @transform_2, window_bounds = array<i64: 1, 64>}, {pipeline_mode = #tpu.pipeline_mode<synchronous>, transform_indices = @transform_3, window_bounds = array<i64: 1, 64>}, {pipeline_mode = #tpu.pipeline_mode<synchronous>, transform_indices = @transform_4, window_bounds = array<i64: 1, 64>}, {transform_indices = @transform_5, window_bounds = array<i64: 1, 256, 64>}, {transform_indices = @transform_6, window_bounds = array<i64: 1, 1, 64>}]} {
    %get3A = arith.constant 0 : index
    %get3A_0 = arith.constant 0 : index
    %get3A_1 = arith.constant 0 : index
    %get3A_2 = vector.load %arg2[%get3A, %get3A_0, %get3A_1] : memref<1x256x64xf32, #tpu.memory_space<vmem>>, vector<1x256x64xf32>
    %get3A_3 = vector.shape_cast %get3A_2 : vector<1x256x64xf32> to vector<256x64xf32>
    %get3A_4 = arith.constant 0 : index
    %get3A_5 = arith.constant 0 : index
    %get3A_6 = vector.load %arg3[%get3A_4, %get3A_5] : memref<1x64xf32, #tpu.memory_space<vmem>>, vector<1x64xf32>
    %sub3A = vector.broadcast %get3A_6 : vector<1x64xf32> to vector<256x64xf32>
    %sub3A_7 = arith.subf %get3A_3, %sub3A : vector<256x64xf32>
    %get3A_8 = arith.constant 0 : index
    %get3A_9 = arith.constant 0 : index
    %get3A_10 = vector.load %arg4[%get3A_8, %get3A_9] : memref<1x64xf32, #tpu.memory_space<vmem>>, vector<1x64xf32>
    %add3A = arith.constant 9.99999974E-6 : f32
    %add3A_11 = vector.broadcast %add3A : f32 to vector<1x64xf32>
    %add3A_12 = arith.addf %get3A_10, %add3A_11 : vector<1x64xf32>
    %sqrt3A = math.sqrt %add3A_12 : vector<1x64xf32>
    %div3A = vector.broadcast %sqrt3A : vector<1x64xf32> to vector<256x64xf32>
    %div3A_13 = arith.divf %sub3A_7, %div3A : vector<256x64xf32>
    %get3A_14 = arith.constant 0 : index
    %get3A_15 = arith.constant 0 : index
    %get3A_16 = vector.load %arg5[%get3A_14, %get3A_15] : memref<1x64xf32, #tpu.memory_space<vmem>>, vector<1x64xf32>
    %mul3A = vector.broadcast %get3A_16 : vector<1x64xf32> to vector<256x64xf32>
    %mul3A_17 = arith.mulf %div3A_13, %mul3A : vector<256x64xf32>
    %get3A_18 = arith.constant 0 : index
    %get3A_19 = arith.constant 0 : index
    %get3A_20 = vector.load %arg6[%get3A_18, %get3A_19] : memref<1x64xf32, #tpu.memory_space<vmem>>, vector<1x64xf32>
    %add3A_21 = vector.broadcast %get3A_20 : vector<1x64xf32> to vector<256x64xf32>
    %add3A_22 = arith.addf %mul3A_17, %add3A_21 : vector<256x64xf32>
    %max3A = arith.constant 0.000000e+00 : f32
    %max3A_23 = vector.broadcast %max3A : f32 to vector<256x64xf32>
    %max3A_24 = arith.maximumf %add3A_22, %max3A_23 : vector<256x64xf32>
    %swap3A = arith.constant 0 : index
    %swap3A_25 = arith.constant 0 : index
    %swap3A_26 = arith.constant 0 : index
    %swap3A_27 = vector.load %arg7[%swap3A, %swap3A_25, %swap3A_26] : memref<1x256x64xf32, #tpu.memory_space<vmem>>, vector<1x256x64xf32>
    %swap3A_28 = vector.shape_cast %swap3A_27 : vector<1x256x64xf32> to vector<256x64xf32>
    %swap3A_29 = vector.shape_cast %max3A_24 : vector<256x64xf32> to vector<1x256x64xf32>
    tpu.vector_store %arg7[%swap3A, %swap3A_25, %swap3A_26], %swap3A_29 {strides = array<i32>} : memref<1x256x64xf32, #tpu.memory_space<vmem>>, vector<1x256x64xf32>,
    %reduce_max3A = arith.constant dense<0xFF800000> : vector<64xf32>
    %reduce_max3A_30 = vector.multi_reduction <maximumf>, %max3A_24, %reduce_max3A [0] : vector<256x64xf32> to vector<64xf32>
    %broadcast_in_dim3A = vector.shape_cast %reduce_max3A_30 : vector<64xf32> to vector<1x64xf32>
    %eq3A = arith.constant 0 : i32
    %eq3A_31 = arith.cmpi eq, %arg1, %eq3A : i32
    %convert_element_type3A = arith.extui %eq3A_31 : i1 to i32
    %cond3A = arith.constant 0 : i32
    %cond3A_32 = arith.cmpi ne, %convert_element_type3A, %cond3A : i32
    scf.if %cond3A_32 {
      %swap3A_37 = arith.constant 0 : index
      %swap3A_38 = arith.constant 0 : index
      %swap3A_39 = arith.constant 0 : index
      %swap3A_40 = vector.load %arg8[%swap3A_37, %swap3A_38, %swap3A_39] : memref<1x1x64xf32, #tpu.memory_space<vmem>>, vector<1x1x64xf32>
      %swap3A_41 = vector.shape_cast %swap3A_40 : vector<1x1x64xf32> to vector<1x64xf32>
      %swap3A_42 = vector.shape_cast %broadcast_in_dim3A : vector<1x64xf32> to vector<1x1x64xf32>
      tpu.vector_store %arg8[%swap3A_37, %swap3A_38, %swap3A_39], %swap3A_42 {strides = array<i32>} : memref<1x1x64xf32, #tpu.memory_space<vmem>>, vector<1x1x64xf32>,
    } else {
    }
    %gt3A = arith.constant 0 : i32
    %gt3A_33 = arith.cmpi sgt, %arg1, %gt3A : i32
    %convert_element_type3A_34 = arith.extui %gt3A_33 : i1 to i32
    %cond3A_35 = arith.constant 0 : i32
    %cond3A_36 = arith.cmpi ne, %convert_element_type3A_34, %cond3A_35 : i32
    scf.if %cond3A_36 {
      %get3A_37 = arith.constant 0 : index
      %get3A_38 = arith.constant 0 : index
      %get3A_39 = arith.constant 0 : index
      %get3A_40 = vector.load %arg8[%get3A_37, %get3A_38, %get3A_39] : memref<1x1x64xf32, #tpu.memory_space<vmem>>, vector<1x1x64xf32>
      %get3A_41 = vector.shape_cast %get3A_40 : vector<1x1x64xf32> to vector<1x64xf32>
      %max3A_42 = arith.maximumf %get3A_41, %broadcast_in_dim3A : vector<1x64xf32>
      %swap3A_43 = arith.constant 0 : index
      %swap3A_44 = arith.constant 0 : index
      %swap3A_45 = arith.constant 0 : index
      %swap3A_46 = vector.load %arg8[%swap3A_43, %swap3A_44, %swap3A_45] : memref<1x1x64xf32, #tpu.memory_space<vmem>>, vector<1x1x64xf32>
      %swap3A_47 = vector.shape_cast %swap3A_46 : vector<1x1x64xf32> to vector<1x64xf32>
      %swap3A_48 = vector.shape_cast %max3A_42 : vector<1x64xf32> to vector<1x1x64xf32>
      tpu.vector_store %arg8[%swap3A_43, %swap3A_44, %swap3A_45], %swap3A_48 {strides = array<i32>} : memref<1x1x64xf32, #tpu.memory_space<vmem>>, vector<1x1x64xf32>,
    } else {
    }
    return
  }
  func.func @transform_0(%arg0: i32, %arg1: i32) -> (i32, i32, i32) {
    %c0_i32 = arith.constant 0 : i32
    %c0_i32_0 = arith.constant 0 : i32
    return %arg0, %arg1, %c0_i32 : i32, i32, i32
  }
  func.func @transform_1(%arg0: i32, %arg1: i32) -> (i32, i32) {
    %c0_i32 = arith.constant 0 : i32
    %c0_i32_0 = arith.constant 0 : i32
    %c0_i32_1 = arith.constant 0 : i32
    return %c0_i32, %c0_i32_0 : i32, i32
  }
  func.func @transform_2(%arg0: i32, %arg1: i32) -> (i32, i32) {
    %c0_i32 = arith.constant 0 : i32
    %c0_i32_0 = arith.constant 0 : i32
    %c0_i32_1 = arith.constant 0 : i32
    return %c0_i32, %c0_i32_0 : i32, i32
  }
  func.func @transform_3(%arg0: i32, %arg1: i32) -> (i32, i32) {
    %c0_i32 = arith.constant 0 : i32
    %c0_i32_0 = arith.constant 0 : i32
    %c0_i32_1 = arith.constant 0 : i32
    return %c0_i32, %c0_i32_0 : i32, i32
  }
  func.func @transform_4(%arg0: i32, %arg1: i32) -> (i32, i32) {
    %c0_i32 = arith.constant 0 : i32
    %c0_i32_0 = arith.constant 0 : i32
    %c0_i32_1 = arith.constant 0 : i32
    return %c0_i32, %c0_i32_0 : i32, i32
  }
  func.func @transform_5(%arg0: i32, %arg1: i32) -> (i32, i32, i32) {
    %c0_i32 = arith.constant 0 : i32
    %c0_i32_0 = arith.constant 0 : i32
    return %arg0, %arg1, %c0_i32 : i32, i32, i32
  }
  func.func @transform_6(%arg0: i32, %arg1: i32) -> (i32, i32, i32) {
    %c0_i32 = arith.constant 0 : i32
    %c0_i32_0 = arith.constant 0 : i32
    %c0_i32_1 = arith.constant 0 : i32
    return %arg0, %c0_i32, %c0_i32_0 : i32, i32, i32
  }
}

module attributes {stable_mosaic.version = 14 : i64} {
  func.func @_dtp_body(%arg0: i32, %arg1: i32, %arg2: memref<1x256x64xf32, #tpu.memory_space<vmem>>, %arg3: memref<1x2048x64xf32, #tpu.memory_space<vmem>>, %arg4: memref<1x256x1xf32, #tpu.memory_space<vmem>>, %arg5: memref<1x1x2048xf32, #tpu.memory_space<vmem>>, %arg6: memref<1x256x20xi32, #tpu.memory_space<vmem>>) attributes {dimension_semantics = [#tpu.dimension_semantics<arbitrary>, #tpu.dimension_semantics<arbitrary>], iteration_bounds = array<i64: 8, 8>, scalar_prefetch = 0 : i64, scratch_operands = 0 : i64, tpu.core_type = #tpu.core_type<tc>, window_params = [{transform_indices = @transform_0, window_bounds = array<i64: 1, 256, 64>}, {transform_indices = @transform_1, window_bounds = array<i64: 1, 2048, 64>}, {transform_indices = @transform_2, window_bounds = array<i64: 1, 256, 1>}, {transform_indices = @transform_3, window_bounds = array<i64: 1, 1, 2048>}, {transform_indices = @transform_4, window_bounds = array<i64: 1, 256, 20>}]} {
    %get3A = arith.constant 0 : index
    %get3A_0 = arith.constant 0 : index
    %get3A_1 = arith.constant 0 : index
    %get3A_2 = vector.load %arg2[%get3A, %get3A_0, %get3A_1] : memref<1x256x64xf32, #tpu.memory_space<vmem>>, vector<1x256x64xf32>
    %get3A_3 = vector.shape_cast %get3A_2 : vector<1x256x64xf32> to vector<256x64xf32>
    %get3A_4 = arith.constant 0 : index
    %get3A_5 = arith.constant 0 : index
    %get3A_6 = arith.constant 0 : index
    %get3A_7 = vector.load %arg3[%get3A_4, %get3A_5, %get3A_6] : memref<1x2048x64xf32, #tpu.memory_space<vmem>>, vector<1x2048x64xf32>
    %get3A_8 = vector.shape_cast %get3A_7 : vector<1x2048x64xf32> to vector<2048x64xf32>
    %dot_general3A = arith.constant dense<0.000000e+00> : vector<256x2048xf32>
    %dot_general3A_9 = tpu.matmul %get3A_3, %get3A_8, %dot_general3A {dimension_numbers = #tpu.dot_dimension_numbers<[1], [1], [0], [0], [0, 0, 1, 0], [], []>, transpose_lhs_hint = false} : vector<256x64xf32>, vector<2048x64xf32>, vector<256x2048xf32> -> vector<256x2048xf32>
    %mul3A = arith.constant 2.000000e+00 : f32
    %mul3A_10 = vector.broadcast %mul3A : f32 to vector<256x2048xf32>
    %mul3A_11 = arith.mulf %mul3A_10, %dot_general3A_9 : vector<256x2048xf32>
    %get3A_12 = arith.constant 0 : index
    %get3A_13 = arith.constant 0 : index
    %get3A_14 = arith.constant 0 : index
    %get3A_15 = vector.load %arg4[%get3A_12, %get3A_13, %get3A_14] : memref<1x256x1xf32, #tpu.memory_space<vmem>>, vector<1x256x1xf32>
    %get3A_16 = vector.shape_cast %get3A_15 : vector<1x256x1xf32> to vector<256x1xf32>
    %sub3A = vector.broadcast %get3A_16 : vector<256x1xf32> to vector<256x2048xf32>
    %sub3A_17 = arith.subf %mul3A_11, %sub3A : vector<256x2048xf32>
    %get3A_18 = arith.constant 0 : index
    %get3A_19 = arith.constant 0 : index
    %get3A_20 = arith.constant 0 : index
    %get3A_21 = vector.load %arg5[%get3A_18, %get3A_19, %get3A_20] : memref<1x1x2048xf32, #tpu.memory_space<vmem>>, vector<1x1x2048xf32>
    %get3A_22 = vector.shape_cast %get3A_21 : vector<1x1x2048xf32> to vector<1x2048xf32>
    %sub3A_23 = vector.broadcast %get3A_22 : vector<1x2048xf32> to vector<256x2048xf32>
    %sub3A_24 = arith.subf %sub3A_17, %sub3A_23 : vector<256x2048xf32>
    %iota3A = tpu.iota {dimensions = array<i32: 1>} : vector<256x2048xi32>
    %reduce_max3A = arith.constant dense<0xFF800000> : vector<256xf32>
    %reduce_max3A_25 = vector.multi_reduction <maximumf>, %sub3A_24, %reduce_max3A [1] : vector<256x2048xf32> to vector<256xf32>
    %broadcast_in_dim3A = vector.shape_cast %reduce_max3A_25 : vector<256xf32> to vector<256x1xf32>
    %eq3A = vector.broadcast %broadcast_in_dim3A : vector<256x1xf32> to vector<256x2048xf32>
    %eq3A_26 = arith.cmpf oeq, %sub3A_24, %eq3A : vector<256x2048xf32>
    %jit3A = arith.constant 2048 : i32
    %broadcast_in_dim3A_27 = vector.broadcast %jit3A : i32 to vector<256x2048xi32>
    %select_n3A = arith.select %eq3A_26, %iota3A, %broadcast_in_dim3A_27 : vector<256x2048xi1>, vector<256x2048xi32>
    %reduce_min3A = arith.constant dense<2147483647> : vector<256xi32>
    %reduce_min3A_28 = vector.multi_reduction <minsi>, %select_n3A, %reduce_min3A [1] : vector<256x2048xi32> to vector<256xi32>
    %broadcast_in_dim3A_29 = vector.shape_cast %reduce_min3A_28 : vector<256xi32> to vector<256x1xi32>
    %mul3A_30 = arith.constant 2048 : i32
    %mul3A_31 = arith.muli %arg0, %mul3A_30 : i32
    %add3A = vector.broadcast %mul3A_31 : i32 to vector<256x1xi32>
    %add3A_32 = arith.addi %broadcast_in_dim3A_29, %add3A : vector<256x1xi32>
    %swap3A = arith.constant 0 : index
    %swap3A_33 = arith.constant 0 : index
    %swap3A_34 = arith.constant 0 : index
    %swap3A_35 = vector.load %arg6[%swap3A, %swap3A_33, %swap3A_34] : memref<1x256x20xi32, #tpu.memory_space<vmem>>, vector<1x256x1xi32>
    %swap3A_36 = vector.shape_cast %swap3A_35 : vector<1x256x1xi32> to vector<256x1xi32>
    %swap3A_37 = vector.shape_cast %add3A_32 : vector<256x1xi32> to vector<1x256x1xi32>
    tpu.vector_store %arg6[%swap3A, %swap3A_33, %swap3A_34], %swap3A_37 {strides = array<i32>} : memref<1x256x20xi32, #tpu.memory_space<vmem>>, vector<1x256x1xi32>,
    %eq3A_38 = vector.broadcast %broadcast_in_dim3A_29 : vector<256x1xi32> to vector<256x2048xi32>
    %eq3A_39 = arith.cmpi eq, %iota3A, %eq3A_38 : vector<256x2048xi32>
    %jit3A_40 = arith.constant 0xFF800000 : f32
    %broadcast_in_dim3A_41 = vector.broadcast %jit3A_40 : f32 to vector<256x2048xf32>
    %select_n3A_42 = arith.select %eq3A_39, %broadcast_in_dim3A_41, %sub3A_24 : vector<256x2048xi1>, vector<256x2048xf32>
    %reduce_max3A_43 = arith.constant dense<0xFF800000> : vector<256xf32>
    %reduce_max3A_44 = vector.multi_reduction <maximumf>, %select_n3A_42, %reduce_max3A_43 [1] : vector<256x2048xf32> to vector<256xf32>
    %broadcast_in_dim3A_45 = vector.shape_cast %reduce_max3A_44 : vector<256xf32> to vector<256x1xf32>
    %eq3A_46 = vector.broadcast %broadcast_in_dim3A_45 : vector<256x1xf32> to vector<256x2048xf32>
    %eq3A_47 = arith.cmpf oeq, %select_n3A_42, %eq3A_46 : vector<256x2048xf32>
    %jit3A_48 = arith.constant 2048 : i32
    %broadcast_in_dim3A_49 = vector.broadcast %jit3A_48 : i32 to vector<256x2048xi32>
    %select_n3A_50 = arith.select %eq3A_47, %iota3A, %broadcast_in_dim3A_49 : vector<256x2048xi1>, vector<256x2048xi32>
    %reduce_min3A_51 = arith.constant dense<2147483647> : vector<256xi32>
    %reduce_min3A_52 = vector.multi_reduction <minsi>, %select_n3A_50, %reduce_min3A_51 [1] : vector<256x2048xi32> to vector<256xi32>
    %broadcast_in_dim3A_53 = vector.shape_cast %reduce_min3A_52 : vector<256xi32> to vector<256x1xi32>
    %mul3A_54 = arith.constant 2048 : i32
    %mul3A_55 = arith.muli %arg0, %mul3A_54 : i32
    %add3A_56 = vector.broadcast %mul3A_55 : i32 to vector<256x1xi32>
    %add3A_57 = arith.addi %broadcast_in_dim3A_53, %add3A_56 : vector<256x1xi32>
    %swap3A_58 = arith.constant 0 : index
    %swap3A_59 = arith.constant 0 : index
    %swap3A_60 = arith.constant 1 : index
    %swap3A_61 = vector.load %arg6[%swap3A_58, %swap3A_59, %swap3A_60] : memref<1x256x20xi32, #tpu.memory_space<vmem>>, vector<1x256x1xi32>
    %swap3A_62 = vector.shape_cast %swap3A_61 : vector<1x256x1xi32> to vector<256x1xi32>
    %swap3A_63 = vector.shape_cast %add3A_57 : vector<256x1xi32> to vector<1x256x1xi32>
    tpu.vector_store %arg6[%swap3A_58, %swap3A_59, %swap3A_60], %swap3A_63 {strides = array<i32>} : memref<1x256x20xi32, #tpu.memory_space<vmem>>, vector<1x256x1xi32>,
    %eq3A_64 = vector.broadcast %broadcast_in_dim3A_53 : vector<256x1xi32> to vector<256x2048xi32>
    %eq3A_65 = arith.cmpi eq, %iota3A, %eq3A_64 : vector<256x2048xi32>
    %jit3A_66 = arith.constant 0xFF800000 : f32
    %broadcast_in_dim3A_67 = vector.broadcast %jit3A_66 : f32 to vector<256x2048xf32>
    %select_n3A_68 = arith.select %eq3A_65, %broadcast_in_dim3A_67, %select_n3A_42 : vector<256x2048xi1>, vector<256x2048xf32>
    %reduce_max3A_69 = arith.constant dense<0xFF800000> : vector<256xf32>
    %reduce_max3A_70 = vector.multi_reduction <maximumf>, %select_n3A_68, %reduce_max3A_69 [1] : vector<256x2048xf32> to vector<256xf32>
    %broadcast_in_dim3A_71 = vector.shape_cast %reduce_max3A_70 : vector<256xf32> to vector<256x1xf32>
    %eq3A_72 = vector.broadcast %broadcast_in_dim3A_71 : vector<256x1xf32> to vector<256x2048xf32>
    %eq3A_73 = arith.cmpf oeq, %select_n3A_68, %eq3A_72 : vector<256x2048xf32>
    %jit3A_74 = arith.constant 2048 : i32
    %broadcast_in_dim3A_75 = vector.broadcast %jit3A_74 : i32 to vector<256x2048xi32>
    %select_n3A_76 = arith.select %eq3A_73, %iota3A, %broadcast_in_dim3A_75 : vector<256x2048xi1>, vector<256x2048xi32>
    %reduce_min3A_77 = arith.constant dense<2147483647> : vector<256xi32>
    %reduce_min3A_78 = vector.multi_reduction <minsi>, %select_n3A_76, %reduce_min3A_77 [1] : vector<256x2048xi32> to vector<256xi32>
    %broadcast_in_dim3A_79 = vector.shape_cast %reduce_min3A_78 : vector<256xi32> to vector<256x1xi32>
    %mul3A_80 = arith.constant 2048 : i32
    %mul3A_81 = arith.muli %arg0, %mul3A_80 : i32
    %add3A_82 = vector.broadcast %mul3A_81 : i32 to vector<256x1xi32>
    %add3A_83 = arith.addi %broadcast_in_dim3A_79, %add3A_82 : vector<256x1xi32>
    %swap3A_84 = arith.constant 0 : index
    %swap3A_85 = arith.constant 0 : index
    %swap3A_86 = arith.constant 2 : index
    %swap3A_87 = vector.load %arg6[%swap3A_84, %swap3A_85, %swap3A_86] : memref<1x256x20xi32, #tpu.memory_space<vmem>>, vector<1x256x1xi32>
    %swap3A_88 = vector.shape_cast %swap3A_87 : vector<1x256x1xi32> to vector<256x1xi32>
    %swap3A_89 = vector.shape_cast %add3A_83 : vector<256x1xi32> to vector<1x256x1xi32>
    tpu.vector_store %arg6[%swap3A_84, %swap3A_85, %swap3A_86], %swap3A_89 {strides = array<i32>} : memref<1x256x20xi32, #tpu.memory_space<vmem>>, vector<1x256x1xi32>,
    %eq3A_90 = vector.broadcast %broadcast_in_dim3A_79 : vector<256x1xi32> to vector<256x2048xi32>
    %eq3A_91 = arith.cmpi eq, %iota3A, %eq3A_90 : vector<256x2048xi32>
    %jit3A_92 = arith.constant 0xFF800000 : f32
    %broadcast_in_dim3A_93 = vector.broadcast %jit3A_92 : f32 to vector<256x2048xf32>
    %select_n3A_94 = arith.select %eq3A_91, %broadcast_in_dim3A_93, %select_n3A_68 : vector<256x2048xi1>, vector<256x2048xf32>
    %reduce_max3A_95 = arith.constant dense<0xFF800000> : vector<256xf32>
    %reduce_max3A_96 = vector.multi_reduction <maximumf>, %select_n3A_94, %reduce_max3A_95 [1] : vector<256x2048xf32> to vector<256xf32>
    %broadcast_in_dim3A_97 = vector.shape_cast %reduce_max3A_96 : vector<256xf32> to vector<256x1xf32>
    %eq3A_98 = vector.broadcast %broadcast_in_dim3A_97 : vector<256x1xf32> to vector<256x2048xf32>
    %eq3A_99 = arith.cmpf oeq, %select_n3A_94, %eq3A_98 : vector<256x2048xf32>
    %jit3A_100 = arith.constant 2048 : i32
    %broadcast_in_dim3A_101 = vector.broadcast %jit3A_100 : i32 to vector<256x2048xi32>
    %select_n3A_102 = arith.select %eq3A_99, %iota3A, %broadcast_in_dim3A_101 : vector<256x2048xi1>, vector<256x2048xi32>
    %reduce_min3A_103 = arith.constant dense<2147483647> : vector<256xi32>
    %reduce_min3A_104 = vector.multi_reduction <minsi>, %select_n3A_102, %reduce_min3A_103 [1] : vector<256x2048xi32> to vector<256xi32>
    %broadcast_in_dim3A_105 = vector.shape_cast %reduce_min3A_104 : vector<256xi32> to vector<256x1xi32>
    %mul3A_106 = arith.constant 2048 : i32
    %mul3A_107 = arith.muli %arg0, %mul3A_106 : i32
    %add3A_108 = vector.broadcast %mul3A_107 : i32 to vector<256x1xi32>
    %add3A_109 = arith.addi %broadcast_in_dim3A_105, %add3A_108 : vector<256x1xi32>
    %swap3A_110 = arith.constant 0 : index
    %swap3A_111 = arith.constant 0 : index
    %swap3A_112 = arith.constant 3 : index
    %swap3A_113 = vector.load %arg6[%swap3A_110, %swap3A_111, %swap3A_112] : memref<1x256x20xi32, #tpu.memory_space<vmem>>, vector<1x256x1xi32>
    %swap3A_114 = vector.shape_cast %swap3A_113 : vector<1x256x1xi32> to vector<256x1xi32>
    %swap3A_115 = vector.shape_cast %add3A_109 : vector<256x1xi32> to vector<1x256x1xi32>
    tpu.vector_store %arg6[%swap3A_110, %swap3A_111, %swap3A_112], %swap3A_115 {strides = array<i32>} : memref<1x256x20xi32, #tpu.memory_space<vmem>>, vector<1x256x1xi32>,
    %eq3A_116 = vector.broadcast %broadcast_in_dim3A_105 : vector<256x1xi32> to vector<256x2048xi32>
    %eq3A_117 = arith.cmpi eq, %iota3A, %eq3A_116 : vector<256x2048xi32>
    %jit3A_118 = arith.constant 0xFF800000 : f32
    %broadcast_in_dim3A_119 = vector.broadcast %jit3A_118 : f32 to vector<256x2048xf32>
    %select_n3A_120 = arith.select %eq3A_117, %broadcast_in_dim3A_119, %select_n3A_94 : vector<256x2048xi1>, vector<256x2048xf32>
    %reduce_max3A_121 = arith.constant dense<0xFF800000> : vector<256xf32>
    %reduce_max3A_122 = vector.multi_reduction <maximumf>, %select_n3A_120, %reduce_max3A_121 [1] : vector<256x2048xf32> to vector<256xf32>
    %broadcast_in_dim3A_123 = vector.shape_cast %reduce_max3A_122 : vector<256xf32> to vector<256x1xf32>
    %eq3A_124 = vector.broadcast %broadcast_in_dim3A_123 : vector<256x1xf32> to vector<256x2048xf32>
    %eq3A_125 = arith.cmpf oeq, %select_n3A_120, %eq3A_124 : vector<256x2048xf32>
    %jit3A_126 = arith.constant 2048 : i32
    %broadcast_in_dim3A_127 = vector.broadcast %jit3A_126 : i32 to vector<256x2048xi32>
    %select_n3A_128 = arith.select %eq3A_125, %iota3A, %broadcast_in_dim3A_127 : vector<256x2048xi1>, vector<256x2048xi32>
    %reduce_min3A_129 = arith.constant dense<2147483647> : vector<256xi32>
    %reduce_min3A_130 = vector.multi_reduction <minsi>, %select_n3A_128, %reduce_min3A_129 [1] : vector<256x2048xi32> to vector<256xi32>
    %broadcast_in_dim3A_131 = vector.shape_cast %reduce_min3A_130 : vector<256xi32> to vector<256x1xi32>
    %mul3A_132 = arith.constant 2048 : i32
    %mul3A_133 = arith.muli %arg0, %mul3A_132 : i32
    %add3A_134 = vector.broadcast %mul3A_133 : i32 to vector<256x1xi32>
    %add3A_135 = arith.addi %broadcast_in_dim3A_131, %add3A_134 : vector<256x1xi32>
    %swap3A_136 = arith.constant 0 : index
    %swap3A_137 = arith.constant 0 : index
    %swap3A_138 = arith.constant 4 : index
    %swap3A_139 = vector.load %arg6[%swap3A_136, %swap3A_137, %swap3A_138] : memref<1x256x20xi32, #tpu.memory_space<vmem>>, vector<1x256x1xi32>
    %swap3A_140 = vector.shape_cast %swap3A_139 : vector<1x256x1xi32> to vector<256x1xi32>
    %swap3A_141 = vector.shape_cast %add3A_135 : vector<256x1xi32> to vector<1x256x1xi32>
    tpu.vector_store %arg6[%swap3A_136, %swap3A_137, %swap3A_138], %swap3A_141 {strides = array<i32>} : memref<1x256x20xi32, #tpu.memory_space<vmem>>, vector<1x256x1xi32>,
    %eq3A_142 = vector.broadcast %broadcast_in_dim3A_131 : vector<256x1xi32> to vector<256x2048xi32>
    %eq3A_143 = arith.cmpi eq, %iota3A, %eq3A_142 : vector<256x2048xi32>
    %jit3A_144 = arith.constant 0xFF800000 : f32
    %broadcast_in_dim3A_145 = vector.broadcast %jit3A_144 : f32 to vector<256x2048xf32>
    %select_n3A_146 = arith.select %eq3A_143, %broadcast_in_dim3A_145, %select_n3A_120 : vector<256x2048xi1>, vector<256x2048xf32>
    %reduce_max3A_147 = arith.constant dense<0xFF800000> : vector<256xf32>
    %reduce_max3A_148 = vector.multi_reduction <maximumf>, %select_n3A_146, %reduce_max3A_147 [1] : vector<256x2048xf32> to vector<256xf32>
    %broadcast_in_dim3A_149 = vector.shape_cast %reduce_max3A_148 : vector<256xf32> to vector<256x1xf32>
    %eq3A_150 = vector.broadcast %broadcast_in_dim3A_149 : vector<256x1xf32> to vector<256x2048xf32>
    %eq3A_151 = arith.cmpf oeq, %select_n3A_146, %eq3A_150 : vector<256x2048xf32>
    %jit3A_152 = arith.constant 2048 : i32
    %broadcast_in_dim3A_153 = vector.broadcast %jit3A_152 : i32 to vector<256x2048xi32>
    %select_n3A_154 = arith.select %eq3A_151, %iota3A, %broadcast_in_dim3A_153 : vector<256x2048xi1>, vector<256x2048xi32>
    %reduce_min3A_155 = arith.constant dense<2147483647> : vector<256xi32>
    %reduce_min3A_156 = vector.multi_reduction <minsi>, %select_n3A_154, %reduce_min3A_155 [1] : vector<256x2048xi32> to vector<256xi32>
    %broadcast_in_dim3A_157 = vector.shape_cast %reduce_min3A_156 : vector<256xi32> to vector<256x1xi32>
    %mul3A_158 = arith.constant 2048 : i32
    %mul3A_159 = arith.muli %arg0, %mul3A_158 : i32
    %add3A_160 = vector.broadcast %mul3A_159 : i32 to vector<256x1xi32>
    %add3A_161 = arith.addi %broadcast_in_dim3A_157, %add3A_160 : vector<256x1xi32>
    %swap3A_162 = arith.constant 0 : index
    %swap3A_163 = arith.constant 0 : index
    %swap3A_164 = arith.constant 5 : index
    %swap3A_165 = vector.load %arg6[%swap3A_162, %swap3A_163, %swap3A_164] : memref<1x256x20xi32, #tpu.memory_space<vmem>>, vector<1x256x1xi32>
    %swap3A_166 = vector.shape_cast %swap3A_165 : vector<1x256x1xi32> to vector<256x1xi32>
    %swap3A_167 = vector.shape_cast %add3A_161 : vector<256x1xi32> to vector<1x256x1xi32>
    tpu.vector_store %arg6[%swap3A_162, %swap3A_163, %swap3A_164], %swap3A_167 {strides = array<i32>} : memref<1x256x20xi32, #tpu.memory_space<vmem>>, vector<1x256x1xi32>,
    %eq3A_168 = vector.broadcast %broadcast_in_dim3A_157 : vector<256x1xi32> to vector<256x2048xi32>
    %eq3A_169 = arith.cmpi eq, %iota3A, %eq3A_168 : vector<256x2048xi32>
    %jit3A_170 = arith.constant 0xFF800000 : f32
    %broadcast_in_dim3A_171 = vector.broadcast %jit3A_170 : f32 to vector<256x2048xf32>
    %select_n3A_172 = arith.select %eq3A_169, %broadcast_in_dim3A_171, %select_n3A_146 : vector<256x2048xi1>, vector<256x2048xf32>
    %reduce_max3A_173 = arith.constant dense<0xFF800000> : vector<256xf32>
    %reduce_max3A_174 = vector.multi_reduction <maximumf>, %select_n3A_172, %reduce_max3A_173 [1] : vector<256x2048xf32> to vector<256xf32>
    %broadcast_in_dim3A_175 = vector.shape_cast %reduce_max3A_174 : vector<256xf32> to vector<256x1xf32>
    %eq3A_176 = vector.broadcast %broadcast_in_dim3A_175 : vector<256x1xf32> to vector<256x2048xf32>
    %eq3A_177 = arith.cmpf oeq, %select_n3A_172, %eq3A_176 : vector<256x2048xf32>
    %jit3A_178 = arith.constant 2048 : i32
    %broadcast_in_dim3A_179 = vector.broadcast %jit3A_178 : i32 to vector<256x2048xi32>
    %select_n3A_180 = arith.select %eq3A_177, %iota3A, %broadcast_in_dim3A_179 : vector<256x2048xi1>, vector<256x2048xi32>
    %reduce_min3A_181 = arith.constant dense<2147483647> : vector<256xi32>
    %reduce_min3A_182 = vector.multi_reduction <minsi>, %select_n3A_180, %reduce_min3A_181 [1] : vector<256x2048xi32> to vector<256xi32>
    %broadcast_in_dim3A_183 = vector.shape_cast %reduce_min3A_182 : vector<256xi32> to vector<256x1xi32>
    %mul3A_184 = arith.constant 2048 : i32
    %mul3A_185 = arith.muli %arg0, %mul3A_184 : i32
    %add3A_186 = vector.broadcast %mul3A_185 : i32 to vector<256x1xi32>
    %add3A_187 = arith.addi %broadcast_in_dim3A_183, %add3A_186 : vector<256x1xi32>
    %swap3A_188 = arith.constant 0 : index
    %swap3A_189 = arith.constant 0 : index
    %swap3A_190 = arith.constant 6 : index
    %swap3A_191 = vector.load %arg6[%swap3A_188, %swap3A_189, %swap3A_190] : memref<1x256x20xi32, #tpu.memory_space<vmem>>, vector<1x256x1xi32>
    %swap3A_192 = vector.shape_cast %swap3A_191 : vector<1x256x1xi32> to vector<256x1xi32>
    %swap3A_193 = vector.shape_cast %add3A_187 : vector<256x1xi32> to vector<1x256x1xi32>
    tpu.vector_store %arg6[%swap3A_188, %swap3A_189, %swap3A_190], %swap3A_193 {strides = array<i32>} : memref<1x256x20xi32, #tpu.memory_space<vmem>>, vector<1x256x1xi32>,
    %eq3A_194 = vector.broadcast %broadcast_in_dim3A_183 : vector<256x1xi32> to vector<256x2048xi32>
    %eq3A_195 = arith.cmpi eq, %iota3A, %eq3A_194 : vector<256x2048xi32>
    %jit3A_196 = arith.constant 0xFF800000 : f32
    %broadcast_in_dim3A_197 = vector.broadcast %jit3A_196 : f32 to vector<256x2048xf32>
    %select_n3A_198 = arith.select %eq3A_195, %broadcast_in_dim3A_197, %select_n3A_172 : vector<256x2048xi1>, vector<256x2048xf32>
    %reduce_max3A_199 = arith.constant dense<0xFF800000> : vector<256xf32>
    %reduce_max3A_200 = vector.multi_reduction <maximumf>, %select_n3A_198, %reduce_max3A_199 [1] : vector<256x2048xf32> to vector<256xf32>
    %broadcast_in_dim3A_201 = vector.shape_cast %reduce_max3A_200 : vector<256xf32> to vector<256x1xf32>
    %eq3A_202 = vector.broadcast %broadcast_in_dim3A_201 : vector<256x1xf32> to vector<256x2048xf32>
    %eq3A_203 = arith.cmpf oeq, %select_n3A_198, %eq3A_202 : vector<256x2048xf32>
    %jit3A_204 = arith.constant 2048 : i32
    %broadcast_in_dim3A_205 = vector.broadcast %jit3A_204 : i32 to vector<256x2048xi32>
    %select_n3A_206 = arith.select %eq3A_203, %iota3A, %broadcast_in_dim3A_205 : vector<256x2048xi1>, vector<256x2048xi32>
    %reduce_min3A_207 = arith.constant dense<2147483647> : vector<256xi32>
    %reduce_min3A_208 = vector.multi_reduction <minsi>, %select_n3A_206, %reduce_min3A_207 [1] : vector<256x2048xi32> to vector<256xi32>
    %broadcast_in_dim3A_209 = vector.shape_cast %reduce_min3A_208 : vector<256xi32> to vector<256x1xi32>
    %mul3A_210 = arith.constant 2048 : i32
    %mul3A_211 = arith.muli %arg0, %mul3A_210 : i32
    %add3A_212 = vector.broadcast %mul3A_211 : i32 to vector<256x1xi32>
    %add3A_213 = arith.addi %broadcast_in_dim3A_209, %add3A_212 : vector<256x1xi32>
    %swap3A_214 = arith.constant 0 : index
    %swap3A_215 = arith.constant 0 : index
    %swap3A_216 = arith.constant 7 : index
    %swap3A_217 = vector.load %arg6[%swap3A_214, %swap3A_215, %swap3A_216] : memref<1x256x20xi32, #tpu.memory_space<vmem>>, vector<1x256x1xi32>
    %swap3A_218 = vector.shape_cast %swap3A_217 : vector<1x256x1xi32> to vector<256x1xi32>
    %swap3A_219 = vector.shape_cast %add3A_213 : vector<256x1xi32> to vector<1x256x1xi32>
    tpu.vector_store %arg6[%swap3A_214, %swap3A_215, %swap3A_216], %swap3A_219 {strides = array<i32>} : memref<1x256x20xi32, #tpu.memory_space<vmem>>, vector<1x256x1xi32>,
    %eq3A_220 = vector.broadcast %broadcast_in_dim3A_209 : vector<256x1xi32> to vector<256x2048xi32>
    %eq3A_221 = arith.cmpi eq, %iota3A, %eq3A_220 : vector<256x2048xi32>
    %jit3A_222 = arith.constant 0xFF800000 : f32
    %broadcast_in_dim3A_223 = vector.broadcast %jit3A_222 : f32 to vector<256x2048xf32>
    %select_n3A_224 = arith.select %eq3A_221, %broadcast_in_dim3A_223, %select_n3A_198 : vector<256x2048xi1>, vector<256x2048xf32>
    %reduce_max3A_225 = arith.constant dense<0xFF800000> : vector<256xf32>
    %reduce_max3A_226 = vector.multi_reduction <maximumf>, %select_n3A_224, %reduce_max3A_225 [1] : vector<256x2048xf32> to vector<256xf32>
    %broadcast_in_dim3A_227 = vector.shape_cast %reduce_max3A_226 : vector<256xf32> to vector<256x1xf32>
    %eq3A_228 = vector.broadcast %broadcast_in_dim3A_227 : vector<256x1xf32> to vector<256x2048xf32>
    %eq3A_229 = arith.cmpf oeq, %select_n3A_224, %eq3A_228 : vector<256x2048xf32>
    %jit3A_230 = arith.constant 2048 : i32
    %broadcast_in_dim3A_231 = vector.broadcast %jit3A_230 : i32 to vector<256x2048xi32>
    %select_n3A_232 = arith.select %eq3A_229, %iota3A, %broadcast_in_dim3A_231 : vector<256x2048xi1>, vector<256x2048xi32>
    %reduce_min3A_233 = arith.constant dense<2147483647> : vector<256xi32>
    %reduce_min3A_234 = vector.multi_reduction <minsi>, %select_n3A_232, %reduce_min3A_233 [1] : vector<256x2048xi32> to vector<256xi32>
    %broadcast_in_dim3A_235 = vector.shape_cast %reduce_min3A_234 : vector<256xi32> to vector<256x1xi32>
    %mul3A_236 = arith.constant 2048 : i32
    %mul3A_237 = arith.muli %arg0, %mul3A_236 : i32
    %add3A_238 = vector.broadcast %mul3A_237 : i32 to vector<256x1xi32>
    %add3A_239 = arith.addi %broadcast_in_dim3A_235, %add3A_238 : vector<256x1xi32>
    %swap3A_240 = arith.constant 0 : index
    %swap3A_241 = arith.constant 0 : index
    %swap3A_242 = arith.constant 8 : index
    %swap3A_243 = vector.load %arg6[%swap3A_240, %swap3A_241, %swap3A_242] : memref<1x256x20xi32, #tpu.memory_space<vmem>>, vector<1x256x1xi32>
    %swap3A_244 = vector.shape_cast %swap3A_243 : vector<1x256x1xi32> to vector<256x1xi32>
    %swap3A_245 = vector.shape_cast %add3A_239 : vector<256x1xi32> to vector<1x256x1xi32>
    tpu.vector_store %arg6[%swap3A_240, %swap3A_241, %swap3A_242], %swap3A_245 {strides = array<i32>} : memref<1x256x20xi32, #tpu.memory_space<vmem>>, vector<1x256x1xi32>,
    %eq3A_246 = vector.broadcast %broadcast_in_dim3A_235 : vector<256x1xi32> to vector<256x2048xi32>
    %eq3A_247 = arith.cmpi eq, %iota3A, %eq3A_246 : vector<256x2048xi32>
    %jit3A_248 = arith.constant 0xFF800000 : f32
    %broadcast_in_dim3A_249 = vector.broadcast %jit3A_248 : f32 to vector<256x2048xf32>
    %select_n3A_250 = arith.select %eq3A_247, %broadcast_in_dim3A_249, %select_n3A_224 : vector<256x2048xi1>, vector<256x2048xf32>
    %reduce_max3A_251 = arith.constant dense<0xFF800000> : vector<256xf32>
    %reduce_max3A_252 = vector.multi_reduction <maximumf>, %select_n3A_250, %reduce_max3A_251 [1] : vector<256x2048xf32> to vector<256xf32>
    %broadcast_in_dim3A_253 = vector.shape_cast %reduce_max3A_252 : vector<256xf32> to vector<256x1xf32>
    %eq3A_254 = vector.broadcast %broadcast_in_dim3A_253 : vector<256x1xf32> to vector<256x2048xf32>
    %eq3A_255 = arith.cmpf oeq, %select_n3A_250, %eq3A_254 : vector<256x2048xf32>
    %jit3A_256 = arith.constant 2048 : i32
    %broadcast_in_dim3A_257 = vector.broadcast %jit3A_256 : i32 to vector<256x2048xi32>
    %select_n3A_258 = arith.select %eq3A_255, %iota3A, %broadcast_in_dim3A_257 : vector<256x2048xi1>, vector<256x2048xi32>
    %reduce_min3A_259 = arith.constant dense<2147483647> : vector<256xi32>
    %reduce_min3A_260 = vector.multi_reduction <minsi>, %select_n3A_258, %reduce_min3A_259 [1] : vector<256x2048xi32> to vector<256xi32>
    %broadcast_in_dim3A_261 = vector.shape_cast %reduce_min3A_260 : vector<256xi32> to vector<256x1xi32>
    %mul3A_262 = arith.constant 2048 : i32
    %mul3A_263 = arith.muli %arg0, %mul3A_262 : i32
    %add3A_264 = vector.broadcast %mul3A_263 : i32 to vector<256x1xi32>
    %add3A_265 = arith.addi %broadcast_in_dim3A_261, %add3A_264 : vector<256x1xi32>
    %swap3A_266 = arith.constant 0 : index
    %swap3A_267 = arith.constant 0 : index
    %swap3A_268 = arith.constant 9 : index
    %swap3A_269 = vector.load %arg6[%swap3A_266, %swap3A_267, %swap3A_268] : memref<1x256x20xi32, #tpu.memory_space<vmem>>, vector<1x256x1xi32>
    %swap3A_270 = vector.shape_cast %swap3A_269 : vector<1x256x1xi32> to vector<256x1xi32>
    %swap3A_271 = vector.shape_cast %add3A_265 : vector<256x1xi32> to vector<1x256x1xi32>
    tpu.vector_store %arg6[%swap3A_266, %swap3A_267, %swap3A_268], %swap3A_271 {strides = array<i32>} : memref<1x256x20xi32, #tpu.memory_space<vmem>>, vector<1x256x1xi32>,
    %eq3A_272 = vector.broadcast %broadcast_in_dim3A_261 : vector<256x1xi32> to vector<256x2048xi32>
    %eq3A_273 = arith.cmpi eq, %iota3A, %eq3A_272 : vector<256x2048xi32>
    %jit3A_274 = arith.constant 0xFF800000 : f32
    %broadcast_in_dim3A_275 = vector.broadcast %jit3A_274 : f32 to vector<256x2048xf32>
    %select_n3A_276 = arith.select %eq3A_273, %broadcast_in_dim3A_275, %select_n3A_250 : vector<256x2048xi1>, vector<256x2048xf32>
    %reduce_max3A_277 = arith.constant dense<0xFF800000> : vector<256xf32>
    %reduce_max3A_278 = vector.multi_reduction <maximumf>, %select_n3A_276, %reduce_max3A_277 [1] : vector<256x2048xf32> to vector<256xf32>
    %broadcast_in_dim3A_279 = vector.shape_cast %reduce_max3A_278 : vector<256xf32> to vector<256x1xf32>
    %eq3A_280 = vector.broadcast %broadcast_in_dim3A_279 : vector<256x1xf32> to vector<256x2048xf32>
    %eq3A_281 = arith.cmpf oeq, %select_n3A_276, %eq3A_280 : vector<256x2048xf32>
    %jit3A_282 = arith.constant 2048 : i32
    %broadcast_in_dim3A_283 = vector.broadcast %jit3A_282 : i32 to vector<256x2048xi32>
    %select_n3A_284 = arith.select %eq3A_281, %iota3A, %broadcast_in_dim3A_283 : vector<256x2048xi1>, vector<256x2048xi32>
    %reduce_min3A_285 = arith.constant dense<2147483647> : vector<256xi32>
    %reduce_min3A_286 = vector.multi_reduction <minsi>, %select_n3A_284, %reduce_min3A_285 [1] : vector<256x2048xi32> to vector<256xi32>
    %broadcast_in_dim3A_287 = vector.shape_cast %reduce_min3A_286 : vector<256xi32> to vector<256x1xi32>
    %mul3A_288 = arith.constant 2048 : i32
    %mul3A_289 = arith.muli %arg0, %mul3A_288 : i32
    %add3A_290 = vector.broadcast %mul3A_289 : i32 to vector<256x1xi32>
    %add3A_291 = arith.addi %broadcast_in_dim3A_287, %add3A_290 : vector<256x1xi32>
    %swap3A_292 = arith.constant 0 : index
    %swap3A_293 = arith.constant 0 : index
    %swap3A_294 = arith.constant 10 : index
    %swap3A_295 = vector.load %arg6[%swap3A_292, %swap3A_293, %swap3A_294] : memref<1x256x20xi32, #tpu.memory_space<vmem>>, vector<1x256x1xi32>
    %swap3A_296 = vector.shape_cast %swap3A_295 : vector<1x256x1xi32> to vector<256x1xi32>
    %swap3A_297 = vector.shape_cast %add3A_291 : vector<256x1xi32> to vector<1x256x1xi32>
    tpu.vector_store %arg6[%swap3A_292, %swap3A_293, %swap3A_294], %swap3A_297 {strides = array<i32>} : memref<1x256x20xi32, #tpu.memory_space<vmem>>, vector<1x256x1xi32>,
    %eq3A_298 = vector.broadcast %broadcast_in_dim3A_287 : vector<256x1xi32> to vector<256x2048xi32>
    %eq3A_299 = arith.cmpi eq, %iota3A, %eq3A_298 : vector<256x2048xi32>
    %jit3A_300 = arith.constant 0xFF800000 : f32
    %broadcast_in_dim3A_301 = vector.broadcast %jit3A_300 : f32 to vector<256x2048xf32>
    %select_n3A_302 = arith.select %eq3A_299, %broadcast_in_dim3A_301, %select_n3A_276 : vector<256x2048xi1>, vector<256x2048xf32>
    %reduce_max3A_303 = arith.constant dense<0xFF800000> : vector<256xf32>
    %reduce_max3A_304 = vector.multi_reduction <maximumf>, %select_n3A_302, %reduce_max3A_303 [1] : vector<256x2048xf32> to vector<256xf32>
    %broadcast_in_dim3A_305 = vector.shape_cast %reduce_max3A_304 : vector<256xf32> to vector<256x1xf32>
    %eq3A_306 = vector.broadcast %broadcast_in_dim3A_305 : vector<256x1xf32> to vector<256x2048xf32>
    %eq3A_307 = arith.cmpf oeq, %select_n3A_302, %eq3A_306 : vector<256x2048xf32>
    %jit3A_308 = arith.constant 2048 : i32
    %broadcast_in_dim3A_309 = vector.broadcast %jit3A_308 : i32 to vector<256x2048xi32>
    %select_n3A_310 = arith.select %eq3A_307, %iota3A, %broadcast_in_dim3A_309 : vector<256x2048xi1>, vector<256x2048xi32>
    %reduce_min3A_311 = arith.constant dense<2147483647> : vector<256xi32>
    %reduce_min3A_312 = vector.multi_reduction <minsi>, %select_n3A_310, %reduce_min3A_311 [1] : vector<256x2048xi32> to vector<256xi32>
    %broadcast_in_dim3A_313 = vector.shape_cast %reduce_min3A_312 : vector<256xi32> to vector<256x1xi32>
    %mul3A_314 = arith.constant 2048 : i32
    %mul3A_315 = arith.muli %arg0, %mul3A_314 : i32
    %add3A_316 = vector.broadcast %mul3A_315 : i32 to vector<256x1xi32>
    %add3A_317 = arith.addi %broadcast_in_dim3A_313, %add3A_316 : vector<256x1xi32>
    %swap3A_318 = arith.constant 0 : index
    %swap3A_319 = arith.constant 0 : index
    %swap3A_320 = arith.constant 11 : index
    %swap3A_321 = vector.load %arg6[%swap3A_318, %swap3A_319, %swap3A_320] : memref<1x256x20xi32, #tpu.memory_space<vmem>>, vector<1x256x1xi32>
    %swap3A_322 = vector.shape_cast %swap3A_321 : vector<1x256x1xi32> to vector<256x1xi32>
    %swap3A_323 = vector.shape_cast %add3A_317 : vector<256x1xi32> to vector<1x256x1xi32>
    tpu.vector_store %arg6[%swap3A_318, %swap3A_319, %swap3A_320], %swap3A_323 {strides = array<i32>} : memref<1x256x20xi32, #tpu.memory_space<vmem>>, vector<1x256x1xi32>,
    %eq3A_324 = vector.broadcast %broadcast_in_dim3A_313 : vector<256x1xi32> to vector<256x2048xi32>
    %eq3A_325 = arith.cmpi eq, %iota3A, %eq3A_324 : vector<256x2048xi32>
    %jit3A_326 = arith.constant 0xFF800000 : f32
    %broadcast_in_dim3A_327 = vector.broadcast %jit3A_326 : f32 to vector<256x2048xf32>
    %select_n3A_328 = arith.select %eq3A_325, %broadcast_in_dim3A_327, %select_n3A_302 : vector<256x2048xi1>, vector<256x2048xf32>
    %reduce_max3A_329 = arith.constant dense<0xFF800000> : vector<256xf32>
    %reduce_max3A_330 = vector.multi_reduction <maximumf>, %select_n3A_328, %reduce_max3A_329 [1] : vector<256x2048xf32> to vector<256xf32>
    %broadcast_in_dim3A_331 = vector.shape_cast %reduce_max3A_330 : vector<256xf32> to vector<256x1xf32>
    %eq3A_332 = vector.broadcast %broadcast_in_dim3A_331 : vector<256x1xf32> to vector<256x2048xf32>
    %eq3A_333 = arith.cmpf oeq, %select_n3A_328, %eq3A_332 : vector<256x2048xf32>
    %jit3A_334 = arith.constant 2048 : i32
    %broadcast_in_dim3A_335 = vector.broadcast %jit3A_334 : i32 to vector<256x2048xi32>
    %select_n3A_336 = arith.select %eq3A_333, %iota3A, %broadcast_in_dim3A_335 : vector<256x2048xi1>, vector<256x2048xi32>
    %reduce_min3A_337 = arith.constant dense<2147483647> : vector<256xi32>
    %reduce_min3A_338 = vector.multi_reduction <minsi>, %select_n3A_336, %reduce_min3A_337 [1] : vector<256x2048xi32> to vector<256xi32>
    %broadcast_in_dim3A_339 = vector.shape_cast %reduce_min3A_338 : vector<256xi32> to vector<256x1xi32>
    %mul3A_340 = arith.constant 2048 : i32
    %mul3A_341 = arith.muli %arg0, %mul3A_340 : i32
    %add3A_342 = vector.broadcast %mul3A_341 : i32 to vector<256x1xi32>
    %add3A_343 = arith.addi %broadcast_in_dim3A_339, %add3A_342 : vector<256x1xi32>
    %swap3A_344 = arith.constant 0 : index
    %swap3A_345 = arith.constant 0 : index
    %swap3A_346 = arith.constant 12 : index
    %swap3A_347 = vector.load %arg6[%swap3A_344, %swap3A_345, %swap3A_346] : memref<1x256x20xi32, #tpu.memory_space<vmem>>, vector<1x256x1xi32>
    %swap3A_348 = vector.shape_cast %swap3A_347 : vector<1x256x1xi32> to vector<256x1xi32>
    %swap3A_349 = vector.shape_cast %add3A_343 : vector<256x1xi32> to vector<1x256x1xi32>
    tpu.vector_store %arg6[%swap3A_344, %swap3A_345, %swap3A_346], %swap3A_349 {strides = array<i32>} : memref<1x256x20xi32, #tpu.memory_space<vmem>>, vector<1x256x1xi32>,
    %eq3A_350 = vector.broadcast %broadcast_in_dim3A_339 : vector<256x1xi32> to vector<256x2048xi32>
    %eq3A_351 = arith.cmpi eq, %iota3A, %eq3A_350 : vector<256x2048xi32>
    %jit3A_352 = arith.constant 0xFF800000 : f32
    %broadcast_in_dim3A_353 = vector.broadcast %jit3A_352 : f32 to vector<256x2048xf32>
    %select_n3A_354 = arith.select %eq3A_351, %broadcast_in_dim3A_353, %select_n3A_328 : vector<256x2048xi1>, vector<256x2048xf32>
    %reduce_max3A_355 = arith.constant dense<0xFF800000> : vector<256xf32>
    %reduce_max3A_356 = vector.multi_reduction <maximumf>, %select_n3A_354, %reduce_max3A_355 [1] : vector<256x2048xf32> to vector<256xf32>
    %broadcast_in_dim3A_357 = vector.shape_cast %reduce_max3A_356 : vector<256xf32> to vector<256x1xf32>
    %eq3A_358 = vector.broadcast %broadcast_in_dim3A_357 : vector<256x1xf32> to vector<256x2048xf32>
    %eq3A_359 = arith.cmpf oeq, %select_n3A_354, %eq3A_358 : vector<256x2048xf32>
    %jit3A_360 = arith.constant 2048 : i32
    %broadcast_in_dim3A_361 = vector.broadcast %jit3A_360 : i32 to vector<256x2048xi32>
    %select_n3A_362 = arith.select %eq3A_359, %iota3A, %broadcast_in_dim3A_361 : vector<256x2048xi1>, vector<256x2048xi32>
    %reduce_min3A_363 = arith.constant dense<2147483647> : vector<256xi32>
    %reduce_min3A_364 = vector.multi_reduction <minsi>, %select_n3A_362, %reduce_min3A_363 [1] : vector<256x2048xi32> to vector<256xi32>
    %broadcast_in_dim3A_365 = vector.shape_cast %reduce_min3A_364 : vector<256xi32> to vector<256x1xi32>
    %mul3A_366 = arith.constant 2048 : i32
    %mul3A_367 = arith.muli %arg0, %mul3A_366 : i32
    %add3A_368 = vector.broadcast %mul3A_367 : i32 to vector<256x1xi32>
    %add3A_369 = arith.addi %broadcast_in_dim3A_365, %add3A_368 : vector<256x1xi32>
    %swap3A_370 = arith.constant 0 : index
    %swap3A_371 = arith.constant 0 : index
    %swap3A_372 = arith.constant 13 : index
    %swap3A_373 = vector.load %arg6[%swap3A_370, %swap3A_371, %swap3A_372] : memref<1x256x20xi32, #tpu.memory_space<vmem>>, vector<1x256x1xi32>
    %swap3A_374 = vector.shape_cast %swap3A_373 : vector<1x256x1xi32> to vector<256x1xi32>
    %swap3A_375 = vector.shape_cast %add3A_369 : vector<256x1xi32> to vector<1x256x1xi32>
    tpu.vector_store %arg6[%swap3A_370, %swap3A_371, %swap3A_372], %swap3A_375 {strides = array<i32>} : memref<1x256x20xi32, #tpu.memory_space<vmem>>, vector<1x256x1xi32>,
    %eq3A_376 = vector.broadcast %broadcast_in_dim3A_365 : vector<256x1xi32> to vector<256x2048xi32>
    %eq3A_377 = arith.cmpi eq, %iota3A, %eq3A_376 : vector<256x2048xi32>
    %jit3A_378 = arith.constant 0xFF800000 : f32
    %broadcast_in_dim3A_379 = vector.broadcast %jit3A_378 : f32 to vector<256x2048xf32>
    %select_n3A_380 = arith.select %eq3A_377, %broadcast_in_dim3A_379, %select_n3A_354 : vector<256x2048xi1>, vector<256x2048xf32>
    %reduce_max3A_381 = arith.constant dense<0xFF800000> : vector<256xf32>
    %reduce_max3A_382 = vector.multi_reduction <maximumf>, %select_n3A_380, %reduce_max3A_381 [1] : vector<256x2048xf32> to vector<256xf32>
    %broadcast_in_dim3A_383 = vector.shape_cast %reduce_max3A_382 : vector<256xf32> to vector<256x1xf32>
    %eq3A_384 = vector.broadcast %broadcast_in_dim3A_383 : vector<256x1xf32> to vector<256x2048xf32>
    %eq3A_385 = arith.cmpf oeq, %select_n3A_380, %eq3A_384 : vector<256x2048xf32>
    %jit3A_386 = arith.constant 2048 : i32
    %broadcast_in_dim3A_387 = vector.broadcast %jit3A_386 : i32 to vector<256x2048xi32>
    %select_n3A_388 = arith.select %eq3A_385, %iota3A, %broadcast_in_dim3A_387 : vector<256x2048xi1>, vector<256x2048xi32>
    %reduce_min3A_389 = arith.constant dense<2147483647> : vector<256xi32>
    %reduce_min3A_390 = vector.multi_reduction <minsi>, %select_n3A_388, %reduce_min3A_389 [1] : vector<256x2048xi32> to vector<256xi32>
    %broadcast_in_dim3A_391 = vector.shape_cast %reduce_min3A_390 : vector<256xi32> to vector<256x1xi32>
    %mul3A_392 = arith.constant 2048 : i32
    %mul3A_393 = arith.muli %arg0, %mul3A_392 : i32
    %add3A_394 = vector.broadcast %mul3A_393 : i32 to vector<256x1xi32>
    %add3A_395 = arith.addi %broadcast_in_dim3A_391, %add3A_394 : vector<256x1xi32>
    %swap3A_396 = arith.constant 0 : index
    %swap3A_397 = arith.constant 0 : index
    %swap3A_398 = arith.constant 14 : index
    %swap3A_399 = vector.load %arg6[%swap3A_396, %swap3A_397, %swap3A_398] : memref<1x256x20xi32, #tpu.memory_space<vmem>>, vector<1x256x1xi32>
    %swap3A_400 = vector.shape_cast %swap3A_399 : vector<1x256x1xi32> to vector<256x1xi32>
    %swap3A_401 = vector.shape_cast %add3A_395 : vector<256x1xi32> to vector<1x256x1xi32>
    tpu.vector_store %arg6[%swap3A_396, %swap3A_397, %swap3A_398], %swap3A_401 {strides = array<i32>} : memref<1x256x20xi32, #tpu.memory_space<vmem>>, vector<1x256x1xi32>,
    %eq3A_402 = vector.broadcast %broadcast_in_dim3A_391 : vector<256x1xi32> to vector<256x2048xi32>
    %eq3A_403 = arith.cmpi eq, %iota3A, %eq3A_402 : vector<256x2048xi32>
    %jit3A_404 = arith.constant 0xFF800000 : f32
    %broadcast_in_dim3A_405 = vector.broadcast %jit3A_404 : f32 to vector<256x2048xf32>
    %select_n3A_406 = arith.select %eq3A_403, %broadcast_in_dim3A_405, %select_n3A_380 : vector<256x2048xi1>, vector<256x2048xf32>
    %reduce_max3A_407 = arith.constant dense<0xFF800000> : vector<256xf32>
    %reduce_max3A_408 = vector.multi_reduction <maximumf>, %select_n3A_406, %reduce_max3A_407 [1] : vector<256x2048xf32> to vector<256xf32>
    %broadcast_in_dim3A_409 = vector.shape_cast %reduce_max3A_408 : vector<256xf32> to vector<256x1xf32>
    %eq3A_410 = vector.broadcast %broadcast_in_dim3A_409 : vector<256x1xf32> to vector<256x2048xf32>
    %eq3A_411 = arith.cmpf oeq, %select_n3A_406, %eq3A_410 : vector<256x2048xf32>
    %jit3A_412 = arith.constant 2048 : i32
    %broadcast_in_dim3A_413 = vector.broadcast %jit3A_412 : i32 to vector<256x2048xi32>
    %select_n3A_414 = arith.select %eq3A_411, %iota3A, %broadcast_in_dim3A_413 : vector<256x2048xi1>, vector<256x2048xi32>
    %reduce_min3A_415 = arith.constant dense<2147483647> : vector<256xi32>
    %reduce_min3A_416 = vector.multi_reduction <minsi>, %select_n3A_414, %reduce_min3A_415 [1] : vector<256x2048xi32> to vector<256xi32>
    %broadcast_in_dim3A_417 = vector.shape_cast %reduce_min3A_416 : vector<256xi32> to vector<256x1xi32>
    %mul3A_418 = arith.constant 2048 : i32
    %mul3A_419 = arith.muli %arg0, %mul3A_418 : i32
    %add3A_420 = vector.broadcast %mul3A_419 : i32 to vector<256x1xi32>
    %add3A_421 = arith.addi %broadcast_in_dim3A_417, %add3A_420 : vector<256x1xi32>
    %swap3A_422 = arith.constant 0 : index
    %swap3A_423 = arith.constant 0 : index
    %swap3A_424 = arith.constant 15 : index
    %swap3A_425 = vector.load %arg6[%swap3A_422, %swap3A_423, %swap3A_424] : memref<1x256x20xi32, #tpu.memory_space<vmem>>, vector<1x256x1xi32>
    %swap3A_426 = vector.shape_cast %swap3A_425 : vector<1x256x1xi32> to vector<256x1xi32>
    %swap3A_427 = vector.shape_cast %add3A_421 : vector<256x1xi32> to vector<1x256x1xi32>
    tpu.vector_store %arg6[%swap3A_422, %swap3A_423, %swap3A_424], %swap3A_427 {strides = array<i32>} : memref<1x256x20xi32, #tpu.memory_space<vmem>>, vector<1x256x1xi32>,
    %eq3A_428 = vector.broadcast %broadcast_in_dim3A_417 : vector<256x1xi32> to vector<256x2048xi32>
    %eq3A_429 = arith.cmpi eq, %iota3A, %eq3A_428 : vector<256x2048xi32>
    %jit3A_430 = arith.constant 0xFF800000 : f32
    %broadcast_in_dim3A_431 = vector.broadcast %jit3A_430 : f32 to vector<256x2048xf32>
    %select_n3A_432 = arith.select %eq3A_429, %broadcast_in_dim3A_431, %select_n3A_406 : vector<256x2048xi1>, vector<256x2048xf32>
    %reduce_max3A_433 = arith.constant dense<0xFF800000> : vector<256xf32>
    %reduce_max3A_434 = vector.multi_reduction <maximumf>, %select_n3A_432, %reduce_max3A_433 [1] : vector<256x2048xf32> to vector<256xf32>
    %broadcast_in_dim3A_435 = vector.shape_cast %reduce_max3A_434 : vector<256xf32> to vector<256x1xf32>
    %eq3A_436 = vector.broadcast %broadcast_in_dim3A_435 : vector<256x1xf32> to vector<256x2048xf32>
    %eq3A_437 = arith.cmpf oeq, %select_n3A_432, %eq3A_436 : vector<256x2048xf32>
    %jit3A_438 = arith.constant 2048 : i32
    %broadcast_in_dim3A_439 = vector.broadcast %jit3A_438 : i32 to vector<256x2048xi32>
    %select_n3A_440 = arith.select %eq3A_437, %iota3A, %broadcast_in_dim3A_439 : vector<256x2048xi1>, vector<256x2048xi32>
    %reduce_min3A_441 = arith.constant dense<2147483647> : vector<256xi32>
    %reduce_min3A_442 = vector.multi_reduction <minsi>, %select_n3A_440, %reduce_min3A_441 [1] : vector<256x2048xi32> to vector<256xi32>
    %broadcast_in_dim3A_443 = vector.shape_cast %reduce_min3A_442 : vector<256xi32> to vector<256x1xi32>
    %mul3A_444 = arith.constant 2048 : i32
    %mul3A_445 = arith.muli %arg0, %mul3A_444 : i32
    %add3A_446 = vector.broadcast %mul3A_445 : i32 to vector<256x1xi32>
    %add3A_447 = arith.addi %broadcast_in_dim3A_443, %add3A_446 : vector<256x1xi32>
    %swap3A_448 = arith.constant 0 : index
    %swap3A_449 = arith.constant 0 : index
    %swap3A_450 = arith.constant 16 : index
    %swap3A_451 = vector.load %arg6[%swap3A_448, %swap3A_449, %swap3A_450] : memref<1x256x20xi32, #tpu.memory_space<vmem>>, vector<1x256x1xi32>
    %swap3A_452 = vector.shape_cast %swap3A_451 : vector<1x256x1xi32> to vector<256x1xi32>
    %swap3A_453 = vector.shape_cast %add3A_447 : vector<256x1xi32> to vector<1x256x1xi32>
    tpu.vector_store %arg6[%swap3A_448, %swap3A_449, %swap3A_450], %swap3A_453 {strides = array<i32>} : memref<1x256x20xi32, #tpu.memory_space<vmem>>, vector<1x256x1xi32>,
    %eq3A_454 = vector.broadcast %broadcast_in_dim3A_443 : vector<256x1xi32> to vector<256x2048xi32>
    %eq3A_455 = arith.cmpi eq, %iota3A, %eq3A_454 : vector<256x2048xi32>
    %jit3A_456 = arith.constant 0xFF800000 : f32
    %broadcast_in_dim3A_457 = vector.broadcast %jit3A_456 : f32 to vector<256x2048xf32>
    %select_n3A_458 = arith.select %eq3A_455, %broadcast_in_dim3A_457, %select_n3A_432 : vector<256x2048xi1>, vector<256x2048xf32>
    %reduce_max3A_459 = arith.constant dense<0xFF800000> : vector<256xf32>
    %reduce_max3A_460 = vector.multi_reduction <maximumf>, %select_n3A_458, %reduce_max3A_459 [1] : vector<256x2048xf32> to vector<256xf32>
    %broadcast_in_dim3A_461 = vector.shape_cast %reduce_max3A_460 : vector<256xf32> to vector<256x1xf32>
    %eq3A_462 = vector.broadcast %broadcast_in_dim3A_461 : vector<256x1xf32> to vector<256x2048xf32>
    %eq3A_463 = arith.cmpf oeq, %select_n3A_458, %eq3A_462 : vector<256x2048xf32>
    %jit3A_464 = arith.constant 2048 : i32
    %broadcast_in_dim3A_465 = vector.broadcast %jit3A_464 : i32 to vector<256x2048xi32>
    %select_n3A_466 = arith.select %eq3A_463, %iota3A, %broadcast_in_dim3A_465 : vector<256x2048xi1>, vector<256x2048xi32>
    %reduce_min3A_467 = arith.constant dense<2147483647> : vector<256xi32>
    %reduce_min3A_468 = vector.multi_reduction <minsi>, %select_n3A_466, %reduce_min3A_467 [1] : vector<256x2048xi32> to vector<256xi32>
    %broadcast_in_dim3A_469 = vector.shape_cast %reduce_min3A_468 : vector<256xi32> to vector<256x1xi32>
    %mul3A_470 = arith.constant 2048 : i32
    %mul3A_471 = arith.muli %arg0, %mul3A_470 : i32
    %add3A_472 = vector.broadcast %mul3A_471 : i32 to vector<256x1xi32>
    %add3A_473 = arith.addi %broadcast_in_dim3A_469, %add3A_472 : vector<256x1xi32>
    %swap3A_474 = arith.constant 0 : index
    %swap3A_475 = arith.constant 0 : index
    %swap3A_476 = arith.constant 17 : index
    %swap3A_477 = vector.load %arg6[%swap3A_474, %swap3A_475, %swap3A_476] : memref<1x256x20xi32, #tpu.memory_space<vmem>>, vector<1x256x1xi32>
    %swap3A_478 = vector.shape_cast %swap3A_477 : vector<1x256x1xi32> to vector<256x1xi32>
    %swap3A_479 = vector.shape_cast %add3A_473 : vector<256x1xi32> to vector<1x256x1xi32>
    tpu.vector_store %arg6[%swap3A_474, %swap3A_475, %swap3A_476], %swap3A_479 {strides = array<i32>} : memref<1x256x20xi32, #tpu.memory_space<vmem>>, vector<1x256x1xi32>,
    %eq3A_480 = vector.broadcast %broadcast_in_dim3A_469 : vector<256x1xi32> to vector<256x2048xi32>
    %eq3A_481 = arith.cmpi eq, %iota3A, %eq3A_480 : vector<256x2048xi32>
    %jit3A_482 = arith.constant 0xFF800000 : f32
    %broadcast_in_dim3A_483 = vector.broadcast %jit3A_482 : f32 to vector<256x2048xf32>
    %select_n3A_484 = arith.select %eq3A_481, %broadcast_in_dim3A_483, %select_n3A_458 : vector<256x2048xi1>, vector<256x2048xf32>
    %reduce_max3A_485 = arith.constant dense<0xFF800000> : vector<256xf32>
    %reduce_max3A_486 = vector.multi_reduction <maximumf>, %select_n3A_484, %reduce_max3A_485 [1] : vector<256x2048xf32> to vector<256xf32>
    %broadcast_in_dim3A_487 = vector.shape_cast %reduce_max3A_486 : vector<256xf32> to vector<256x1xf32>
    %eq3A_488 = vector.broadcast %broadcast_in_dim3A_487 : vector<256x1xf32> to vector<256x2048xf32>
    %eq3A_489 = arith.cmpf oeq, %select_n3A_484, %eq3A_488 : vector<256x2048xf32>
    %jit3A_490 = arith.constant 2048 : i32
    %broadcast_in_dim3A_491 = vector.broadcast %jit3A_490 : i32 to vector<256x2048xi32>
    %select_n3A_492 = arith.select %eq3A_489, %iota3A, %broadcast_in_dim3A_491 : vector<256x2048xi1>, vector<256x2048xi32>
    %reduce_min3A_493 = arith.constant dense<2147483647> : vector<256xi32>
    %reduce_min3A_494 = vector.multi_reduction <minsi>, %select_n3A_492, %reduce_min3A_493 [1] : vector<256x2048xi32> to vector<256xi32>
    %broadcast_in_dim3A_495 = vector.shape_cast %reduce_min3A_494 : vector<256xi32> to vector<256x1xi32>
    %mul3A_496 = arith.constant 2048 : i32
    %mul3A_497 = arith.muli %arg0, %mul3A_496 : i32
    %add3A_498 = vector.broadcast %mul3A_497 : i32 to vector<256x1xi32>
    %add3A_499 = arith.addi %broadcast_in_dim3A_495, %add3A_498 : vector<256x1xi32>
    %swap3A_500 = arith.constant 0 : index
    %swap3A_501 = arith.constant 0 : index
    %swap3A_502 = arith.constant 18 : index
    %swap3A_503 = vector.load %arg6[%swap3A_500, %swap3A_501, %swap3A_502] : memref<1x256x20xi32, #tpu.memory_space<vmem>>, vector<1x256x1xi32>
    %swap3A_504 = vector.shape_cast %swap3A_503 : vector<1x256x1xi32> to vector<256x1xi32>
    %swap3A_505 = vector.shape_cast %add3A_499 : vector<256x1xi32> to vector<1x256x1xi32>
    tpu.vector_store %arg6[%swap3A_500, %swap3A_501, %swap3A_502], %swap3A_505 {strides = array<i32>} : memref<1x256x20xi32, #tpu.memory_space<vmem>>, vector<1x256x1xi32>,
    %eq3A_506 = vector.broadcast %broadcast_in_dim3A_495 : vector<256x1xi32> to vector<256x2048xi32>
    %eq3A_507 = arith.cmpi eq, %iota3A, %eq3A_506 : vector<256x2048xi32>
    %jit3A_508 = arith.constant 0xFF800000 : f32
    %broadcast_in_dim3A_509 = vector.broadcast %jit3A_508 : f32 to vector<256x2048xf32>
    %select_n3A_510 = arith.select %eq3A_507, %broadcast_in_dim3A_509, %select_n3A_484 : vector<256x2048xi1>, vector<256x2048xf32>
    %reduce_max3A_511 = arith.constant dense<0xFF800000> : vector<256xf32>
    %reduce_max3A_512 = vector.multi_reduction <maximumf>, %select_n3A_510, %reduce_max3A_511 [1] : vector<256x2048xf32> to vector<256xf32>
    %broadcast_in_dim3A_513 = vector.shape_cast %reduce_max3A_512 : vector<256xf32> to vector<256x1xf32>
    %eq3A_514 = vector.broadcast %broadcast_in_dim3A_513 : vector<256x1xf32> to vector<256x2048xf32>
    %eq3A_515 = arith.cmpf oeq, %select_n3A_510, %eq3A_514 : vector<256x2048xf32>
    %jit3A_516 = arith.constant 2048 : i32
    %broadcast_in_dim3A_517 = vector.broadcast %jit3A_516 : i32 to vector<256x2048xi32>
    %select_n3A_518 = arith.select %eq3A_515, %iota3A, %broadcast_in_dim3A_517 : vector<256x2048xi1>, vector<256x2048xi32>
    %reduce_min3A_519 = arith.constant dense<2147483647> : vector<256xi32>
    %reduce_min3A_520 = vector.multi_reduction <minsi>, %select_n3A_518, %reduce_min3A_519 [1] : vector<256x2048xi32> to vector<256xi32>
    %broadcast_in_dim3A_521 = vector.shape_cast %reduce_min3A_520 : vector<256xi32> to vector<256x1xi32>
    %mul3A_522 = arith.constant 2048 : i32
    %mul3A_523 = arith.muli %arg0, %mul3A_522 : i32
    %add3A_524 = vector.broadcast %mul3A_523 : i32 to vector<256x1xi32>
    %add3A_525 = arith.addi %broadcast_in_dim3A_521, %add3A_524 : vector<256x1xi32>
    %swap3A_526 = arith.constant 0 : index
    %swap3A_527 = arith.constant 0 : index
    %swap3A_528 = arith.constant 19 : index
    %swap3A_529 = vector.load %arg6[%swap3A_526, %swap3A_527, %swap3A_528] : memref<1x256x20xi32, #tpu.memory_space<vmem>>, vector<1x256x1xi32>
    %swap3A_530 = vector.shape_cast %swap3A_529 : vector<1x256x1xi32> to vector<256x1xi32>
    %swap3A_531 = vector.shape_cast %add3A_525 : vector<256x1xi32> to vector<1x256x1xi32>
    tpu.vector_store %arg6[%swap3A_526, %swap3A_527, %swap3A_528], %swap3A_531 {strides = array<i32>} : memref<1x256x20xi32, #tpu.memory_space<vmem>>, vector<1x256x1xi32>,
    return
  }
  func.func @transform_0(%arg0: i32, %arg1: i32) -> (i32, i32, i32) {
    %c0_i32 = arith.constant 0 : i32
    %c0_i32_0 = arith.constant 0 : i32
    return %arg0, %arg1, %c0_i32 : i32, i32, i32
  }
  func.func @transform_1(%arg0: i32, %arg1: i32) -> (i32, i32, i32) {
    %c0_i32 = arith.constant 0 : i32
    %c0_i32_0 = arith.constant 0 : i32
    %c0_i32_1 = arith.constant 0 : i32
    return %arg0, %c0_i32, %c0_i32_0 : i32, i32, i32
  }
  func.func @transform_2(%arg0: i32, %arg1: i32) -> (i32, i32, i32) {
    %c0_i32 = arith.constant 0 : i32
    %c0_i32_0 = arith.constant 0 : i32
    return %arg0, %arg1, %c0_i32 : i32, i32, i32
  }
  func.func @transform_3(%arg0: i32, %arg1: i32) -> (i32, i32, i32) {
    %c0_i32 = arith.constant 0 : i32
    %c0_i32_0 = arith.constant 0 : i32
    %c0_i32_1 = arith.constant 0 : i32
    return %arg0, %c0_i32, %c0_i32_0 : i32, i32, i32
  }
  func.func @transform_4(%arg0: i32, %arg1: i32) -> (i32, i32, i32) {
    %c0_i32 = arith.constant 0 : i32
    %c0_i32_0 = arith.constant 0 : i32
    return %arg0, %arg1, %c0_i32 : i32, i32, i32
  }
}

module attributes {stable_mosaic.version = 14 : i64} {
  func.func @_conv_body(%arg0: i32, %arg1: memref<2560x64xf32, #tpu.memory_space<vmem>>, %arg2: memref<128x64xf32, #tpu.memory_space<vmem>>, %arg3: memref<128x64xf32, #tpu.memory_space<vmem>>, %arg4: memref<1x64xf32, #tpu.memory_space<vmem>>, %arg5: memref<128x64xf32, #tpu.memory_space<vmem>>, %arg6: memref<128x64xf32, #tpu.memory_space<vmem>>, %arg7: memref<128x64xf32, #tpu.memory_space<vmem>>) attributes {dimension_semantics = [#tpu.dimension_semantics<arbitrary>], iteration_bounds = array<i64: 128>, scalar_prefetch = 0 : i64, scratch_operands = 0 : i64, tpu.core_type = #tpu.core_type<tc>, window_params = [{transform_indices = @transform_0, window_bounds = array<i64: 2560, 64>}, {transform_indices = @transform_1, window_bounds = array<i64: 128, 64>}, {pipeline_mode = #tpu.pipeline_mode<synchronous>, transform_indices = @transform_2, window_bounds = array<i64: 128, 64>}, {pipeline_mode = #tpu.pipeline_mode<synchronous>, transform_indices = @transform_3, window_bounds = array<i64: 1, 64>}, {transform_indices = @transform_4, window_bounds = array<i64: 128, 64>}, {transform_indices = @transform_5, window_bounds = array<i64: 128, 64>}, {transform_indices = @transform_6, window_bounds = array<i64: 128, 64>}]} {
    %get3A = arith.constant 0 : index
    %get3A_0 = arith.constant 0 : index
    %get3A_1 = vector.load %arg2[%get3A, %get3A_0] : memref<128x64xf32, #tpu.memory_space<vmem>>, vector<128x64xf32>
    %reshape3A = vector.shape_cast %get3A_1 : vector<128x64xf32> to vector<128x1x64xf32>
    %get3A_2 = arith.constant 0 : index
    %get3A_3 = arith.constant 0 : index
    %get3A_4 = vector.load %arg1[%get3A_2, %get3A_3] : memref<2560x64xf32, #tpu.memory_space<vmem>>, vector<2560x64xf32>
    %reshape3A_5 = vector.shape_cast %get3A_4 : vector<2560x64xf32> to vector<128x20x64xf32>
    %sub3A = vector.broadcast %reshape3A : vector<128x1x64xf32> to vector<128x20x64xf32>
    %sub3A_6 = arith.subf %reshape3A_5, %sub3A : vector<128x20x64xf32>
    %broadcast_in_dim3A = vector.shape_cast %reshape3A : vector<128x1x64xf32> to vector<128x1x64xf32>
    %broadcast_in_dim3A_7 = vector.broadcast %broadcast_in_dim3A : vector<128x1x64xf32> to vector<128x20x64xf32>
    %concatenate3A = tpu.concatenate %sub3A_6, %broadcast_in_dim3A_7 in 2 : vector<128x20x64xf32>, vector<128x20x64xf32> -> vector<128x20x128xf32>
    %reshape3A_8 = vector.shape_cast %concatenate3A : vector<128x20x128xf32> to vector<2560x128xf32>
    %get3A_9 = arith.constant 0 : index
    %get3A_10 = arith.constant 0 : index
    %get3A_11 = vector.load %arg3[%get3A_9, %get3A_10] : memref<128x64xf32, #tpu.memory_space<vmem>>, vector<128x64xf32>
    %dot_general3A = arith.constant dense<0.000000e+00> : vector<2560x64xf32>
    %dot_general3A_12 = tpu.matmul %reshape3A_8, %get3A_11, %dot_general3A {dimension_numbers = #tpu.dot_dimension_numbers<[1], [0], [0], [1], [0, 0, 1, 1], [], []>, transpose_lhs_hint = false} : vector<2560x128xf32>, vector<128x64xf32>, vector<2560x64xf32> -> vector<2560x64xf32>
    %get3A_13 = arith.constant 0 : index
    %get3A_14 = arith.constant 0 : index
    %get3A_15 = vector.load %arg4[%get3A_13, %get3A_14] : memref<1x64xf32, #tpu.memory_space<vmem>>, vector<1x64xf32>
    %add3A = vector.broadcast %get3A_15 : vector<1x64xf32> to vector<2560x64xf32>
    %add3A_16 = arith.addf %dot_general3A_12, %add3A : vector<2560x64xf32>
    %reshape3A_17 = vector.shape_cast %add3A_16 : vector<2560x64xf32> to vector<128x20x64xf32>
    %slice3A = vector.extract_strided_slice %reshape3A_17 {offsets = [0, 0, 0], sizes = [128, 1, 64], strides = [1, 1, 1]} : vector<128x20x64xf32> to vector<128x1x64xf32>
    %squeeze3A = vector.shape_cast %slice3A : vector<128x1x64xf32> to vector<128x64xf32>
    %slice3A_18 = vector.extract_strided_slice %reshape3A_17 {offsets = [0, 0, 0], sizes = [128, 1, 64], strides = [1, 1, 1]} : vector<128x20x64xf32> to vector<128x1x64xf32>
    %squeeze3A_19 = vector.shape_cast %slice3A_18 : vector<128x1x64xf32> to vector<128x64xf32>
    %slice3A_20 = vector.extract_strided_slice %reshape3A_17 {offsets = [0, 0, 0], sizes = [128, 1, 64], strides = [1, 1, 1]} : vector<128x20x64xf32> to vector<128x1x64xf32>
    %squeeze3A_21 = vector.shape_cast %slice3A_20 : vector<128x1x64xf32> to vector<128x64xf32>
    %slice3A_22 = vector.extract_strided_slice %reshape3A_17 {offsets = [0, 0, 0], sizes = [128, 1, 64], strides = [1, 1, 1]} : vector<128x20x64xf32> to vector<128x1x64xf32>
    %squeeze3A_23 = vector.shape_cast %slice3A_22 : vector<128x1x64xf32> to vector<128x64xf32>
    %mul3A = arith.mulf %squeeze3A_21, %squeeze3A_23 : vector<128x64xf32>
    %slice3A_24 = vector.extract_strided_slice %reshape3A_17 {offsets = [0, 1, 0], sizes = [128, 1, 64], strides = [1, 1, 1]} : vector<128x20x64xf32> to vector<128x1x64xf32>
    %squeeze3A_25 = vector.shape_cast %slice3A_24 : vector<128x1x64xf32> to vector<128x64xf32>
    %max3A = arith.maximumf %squeeze3A, %squeeze3A_25 : vector<128x64xf32>
    %add3A_26 = arith.addf %squeeze3A_19, %squeeze3A_25 : vector<128x64xf32>
    %mul3A_27 = arith.mulf %squeeze3A_25, %squeeze3A_25 : vector<128x64xf32>
    %add3A_28 = arith.addf %mul3A, %mul3A_27 : vector<128x64xf32>
    %slice3A_29 = vector.extract_strided_slice %reshape3A_17 {offsets = [0, 2, 0], sizes = [128, 1, 64], strides = [1, 1, 1]} : vector<128x20x64xf32> to vector<128x1x64xf32>
    %squeeze3A_30 = vector.shape_cast %slice3A_29 : vector<128x1x64xf32> to vector<128x64xf32>
    %max3A_31 = arith.maximumf %max3A, %squeeze3A_30 : vector<128x64xf32>
    %add3A_32 = arith.addf %add3A_26, %squeeze3A_30 : vector<128x64xf32>
    %mul3A_33 = arith.mulf %squeeze3A_30, %squeeze3A_30 : vector<128x64xf32>
    %add3A_34 = arith.addf %add3A_28, %mul3A_33 : vector<128x64xf32>
    %slice3A_35 = vector.extract_strided_slice %reshape3A_17 {offsets = [0, 3, 0], sizes = [128, 1, 64], strides = [1, 1, 1]} : vector<128x20x64xf32> to vector<128x1x64xf32>
    %squeeze3A_36 = vector.shape_cast %slice3A_35 : vector<128x1x64xf32> to vector<128x64xf32>
    %max3A_37 = arith.maximumf %max3A_31, %squeeze3A_36 : vector<128x64xf32>
    %add3A_38 = arith.addf %add3A_32, %squeeze3A_36 : vector<128x64xf32>
    %mul3A_39 = arith.mulf %squeeze3A_36, %squeeze3A_36 : vector<128x64xf32>
    %add3A_40 = arith.addf %add3A_34, %mul3A_39 : vector<128x64xf32>
    %slice3A_41 = vector.extract_strided_slice %reshape3A_17 {offsets = [0, 4, 0], sizes = [128, 1, 64], strides = [1, 1, 1]} : vector<128x20x64xf32> to vector<128x1x64xf32>
    %squeeze3A_42 = vector.shape_cast %slice3A_41 : vector<128x1x64xf32> to vector<128x64xf32>
    %max3A_43 = arith.maximumf %max3A_37, %squeeze3A_42 : vector<128x64xf32>
    %add3A_44 = arith.addf %add3A_38, %squeeze3A_42 : vector<128x64xf32>
    %mul3A_45 = arith.mulf %squeeze3A_42, %squeeze3A_42 : vector<128x64xf32>
    %add3A_46 = arith.addf %add3A_40, %mul3A_45 : vector<128x64xf32>
    %slice3A_47 = vector.extract_strided_slice %reshape3A_17 {offsets = [0, 5, 0], sizes = [128, 1, 64], strides = [1, 1, 1]} : vector<128x20x64xf32> to vector<128x1x64xf32>
    %squeeze3A_48 = vector.shape_cast %slice3A_47 : vector<128x1x64xf32> to vector<128x64xf32>
    %max3A_49 = arith.maximumf %max3A_43, %squeeze3A_48 : vector<128x64xf32>
    %add3A_50 = arith.addf %add3A_44, %squeeze3A_48 : vector<128x64xf32>
    %mul3A_51 = arith.mulf %squeeze3A_48, %squeeze3A_48 : vector<128x64xf32>
    %add3A_52 = arith.addf %add3A_46, %mul3A_51 : vector<128x64xf32>
    %slice3A_53 = vector.extract_strided_slice %reshape3A_17 {offsets = [0, 6, 0], sizes = [128, 1, 64], strides = [1, 1, 1]} : vector<128x20x64xf32> to vector<128x1x64xf32>
    %squeeze3A_54 = vector.shape_cast %slice3A_53 : vector<128x1x64xf32> to vector<128x64xf32>
    %max3A_55 = arith.maximumf %max3A_49, %squeeze3A_54 : vector<128x64xf32>
    %add3A_56 = arith.addf %add3A_50, %squeeze3A_54 : vector<128x64xf32>
    %mul3A_57 = arith.mulf %squeeze3A_54, %squeeze3A_54 : vector<128x64xf32>
    %add3A_58 = arith.addf %add3A_52, %mul3A_57 : vector<128x64xf32>
    %slice3A_59 = vector.extract_strided_slice %reshape3A_17 {offsets = [0, 7, 0], sizes = [128, 1, 64], strides = [1, 1, 1]} : vector<128x20x64xf32> to vector<128x1x64xf32>
    %squeeze3A_60 = vector.shape_cast %slice3A_59 : vector<128x1x64xf32> to vector<128x64xf32>
    %max3A_61 = arith.maximumf %max3A_55, %squeeze3A_60 : vector<128x64xf32>
    %add3A_62 = arith.addf %add3A_56, %squeeze3A_60 : vector<128x64xf32>
    %mul3A_63 = arith.mulf %squeeze3A_60, %squeeze3A_60 : vector<128x64xf32>
    %add3A_64 = arith.addf %add3A_58, %mul3A_63 : vector<128x64xf32>
    %slice3A_65 = vector.extract_strided_slice %reshape3A_17 {offsets = [0, 8, 0], sizes = [128, 1, 64], strides = [1, 1, 1]} : vector<128x20x64xf32> to vector<128x1x64xf32>
    %squeeze3A_66 = vector.shape_cast %slice3A_65 : vector<128x1x64xf32> to vector<128x64xf32>
    %max3A_67 = arith.maximumf %max3A_61, %squeeze3A_66 : vector<128x64xf32>
    %add3A_68 = arith.addf %add3A_62, %squeeze3A_66 : vector<128x64xf32>
    %mul3A_69 = arith.mulf %squeeze3A_66, %squeeze3A_66 : vector<128x64xf32>
    %add3A_70 = arith.addf %add3A_64, %mul3A_69 : vector<128x64xf32>
    %slice3A_71 = vector.extract_strided_slice %reshape3A_17 {offsets = [0, 9, 0], sizes = [128, 1, 64], strides = [1, 1, 1]} : vector<128x20x64xf32> to vector<128x1x64xf32>
    %squeeze3A_72 = vector.shape_cast %slice3A_71 : vector<128x1x64xf32> to vector<128x64xf32>
    %max3A_73 = arith.maximumf %max3A_67, %squeeze3A_72 : vector<128x64xf32>
    %add3A_74 = arith.addf %add3A_68, %squeeze3A_72 : vector<128x64xf32>
    %mul3A_75 = arith.mulf %squeeze3A_72, %squeeze3A_72 : vector<128x64xf32>
    %add3A_76 = arith.addf %add3A_70, %mul3A_75 : vector<128x64xf32>
    %slice3A_77 = vector.extract_strided_slice %reshape3A_17 {offsets = [0, 10, 0], sizes = [128, 1, 64], strides = [1, 1, 1]} : vector<128x20x64xf32> to vector<128x1x64xf32>
    %squeeze3A_78 = vector.shape_cast %slice3A_77 : vector<128x1x64xf32> to vector<128x64xf32>
    %max3A_79 = arith.maximumf %max3A_73, %squeeze3A_78 : vector<128x64xf32>
    %add3A_80 = arith.addf %add3A_74, %squeeze3A_78 : vector<128x64xf32>
    %mul3A_81 = arith.mulf %squeeze3A_78, %squeeze3A_78 : vector<128x64xf32>
    %add3A_82 = arith.addf %add3A_76, %mul3A_81 : vector<128x64xf32>
    %slice3A_83 = vector.extract_strided_slice %reshape3A_17 {offsets = [0, 11, 0], sizes = [128, 1, 64], strides = [1, 1, 1]} : vector<128x20x64xf32> to vector<128x1x64xf32>
    %squeeze3A_84 = vector.shape_cast %slice3A_83 : vector<128x1x64xf32> to vector<128x64xf32>
    %max3A_85 = arith.maximumf %max3A_79, %squeeze3A_84 : vector<128x64xf32>
    %add3A_86 = arith.addf %add3A_80, %squeeze3A_84 : vector<128x64xf32>
    %mul3A_87 = arith.mulf %squeeze3A_84, %squeeze3A_84 : vector<128x64xf32>
    %add3A_88 = arith.addf %add3A_82, %mul3A_87 : vector<128x64xf32>
    %slice3A_89 = vector.extract_strided_slice %reshape3A_17 {offsets = [0, 12, 0], sizes = [128, 1, 64], strides = [1, 1, 1]} : vector<128x20x64xf32> to vector<128x1x64xf32>
    %squeeze3A_90 = vector.shape_cast %slice3A_89 : vector<128x1x64xf32> to vector<128x64xf32>
    %max3A_91 = arith.maximumf %max3A_85, %squeeze3A_90 : vector<128x64xf32>
    %add3A_92 = arith.addf %add3A_86, %squeeze3A_90 : vector<128x64xf32>
    %mul3A_93 = arith.mulf %squeeze3A_90, %squeeze3A_90 : vector<128x64xf32>
    %add3A_94 = arith.addf %add3A_88, %mul3A_93 : vector<128x64xf32>
    %slice3A_95 = vector.extract_strided_slice %reshape3A_17 {offsets = [0, 13, 0], sizes = [128, 1, 64], strides = [1, 1, 1]} : vector<128x20x64xf32> to vector<128x1x64xf32>
    %squeeze3A_96 = vector.shape_cast %slice3A_95 : vector<128x1x64xf32> to vector<128x64xf32>
    %max3A_97 = arith.maximumf %max3A_91, %squeeze3A_96 : vector<128x64xf32>
    %add3A_98 = arith.addf %add3A_92, %squeeze3A_96 : vector<128x64xf32>
    %mul3A_99 = arith.mulf %squeeze3A_96, %squeeze3A_96 : vector<128x64xf32>
    %add3A_100 = arith.addf %add3A_94, %mul3A_99 : vector<128x64xf32>
    %slice3A_101 = vector.extract_strided_slice %reshape3A_17 {offsets = [0, 14, 0], sizes = [128, 1, 64], strides = [1, 1, 1]} : vector<128x20x64xf32> to vector<128x1x64xf32>
    %squeeze3A_102 = vector.shape_cast %slice3A_101 : vector<128x1x64xf32> to vector<128x64xf32>
    %max3A_103 = arith.maximumf %max3A_97, %squeeze3A_102 : vector<128x64xf32>
    %add3A_104 = arith.addf %add3A_98, %squeeze3A_102 : vector<128x64xf32>
    %mul3A_105 = arith.mulf %squeeze3A_102, %squeeze3A_102 : vector<128x64xf32>
    %add3A_106 = arith.addf %add3A_100, %mul3A_105 : vector<128x64xf32>
    %slice3A_107 = vector.extract_strided_slice %reshape3A_17 {offsets = [0, 15, 0], sizes = [128, 1, 64], strides = [1, 1, 1]} : vector<128x20x64xf32> to vector<128x1x64xf32>
    %squeeze3A_108 = vector.shape_cast %slice3A_107 : vector<128x1x64xf32> to vector<128x64xf32>
    %max3A_109 = arith.maximumf %max3A_103, %squeeze3A_108 : vector<128x64xf32>
    %add3A_110 = arith.addf %add3A_104, %squeeze3A_108 : vector<128x64xf32>
    %mul3A_111 = arith.mulf %squeeze3A_108, %squeeze3A_108 : vector<128x64xf32>
    %add3A_112 = arith.addf %add3A_106, %mul3A_111 : vector<128x64xf32>
    %slice3A_113 = vector.extract_strided_slice %reshape3A_17 {offsets = [0, 16, 0], sizes = [128, 1, 64], strides = [1, 1, 1]} : vector<128x20x64xf32> to vector<128x1x64xf32>
    %squeeze3A_114 = vector.shape_cast %slice3A_113 : vector<128x1x64xf32> to vector<128x64xf32>
    %max3A_115 = arith.maximumf %max3A_109, %squeeze3A_114 : vector<128x64xf32>
    %add3A_116 = arith.addf %add3A_110, %squeeze3A_114 : vector<128x64xf32>
    %mul3A_117 = arith.mulf %squeeze3A_114, %squeeze3A_114 : vector<128x64xf32>
    %add3A_118 = arith.addf %add3A_112, %mul3A_117 : vector<128x64xf32>
    %slice3A_119 = vector.extract_strided_slice %reshape3A_17 {offsets = [0, 17, 0], sizes = [128, 1, 64], strides = [1, 1, 1]} : vector<128x20x64xf32> to vector<128x1x64xf32>
    %squeeze3A_120 = vector.shape_cast %slice3A_119 : vector<128x1x64xf32> to vector<128x64xf32>
    %max3A_121 = arith.maximumf %max3A_115, %squeeze3A_120 : vector<128x64xf32>
    %add3A_122 = arith.addf %add3A_116, %squeeze3A_120 : vector<128x64xf32>
    %mul3A_123 = arith.mulf %squeeze3A_120, %squeeze3A_120 : vector<128x64xf32>
    %add3A_124 = arith.addf %add3A_118, %mul3A_123 : vector<128x64xf32>
    %slice3A_125 = vector.extract_strided_slice %reshape3A_17 {offsets = [0, 18, 0], sizes = [128, 1, 64], strides = [1, 1, 1]} : vector<128x20x64xf32> to vector<128x1x64xf32>
    %squeeze3A_126 = vector.shape_cast %slice3A_125 : vector<128x1x64xf32> to vector<128x64xf32>
    %max3A_127 = arith.maximumf %max3A_121, %squeeze3A_126 : vector<128x64xf32>
    %add3A_128 = arith.addf %add3A_122, %squeeze3A_126 : vector<128x64xf32>
    %mul3A_129 = arith.mulf %squeeze3A_126, %squeeze3A_126 : vector<128x64xf32>
    %add3A_130 = arith.addf %add3A_124, %mul3A_129 : vector<128x64xf32>
    %slice3A_131 = vector.extract_strided_slice %reshape3A_17 {offsets = [0, 19, 0], sizes = [128, 1, 64], strides = [1, 1, 1]} : vector<128x20x64xf32> to vector<128x1x64xf32>
    %squeeze3A_132 = vector.shape_cast %slice3A_131 : vector<128x1x64xf32> to vector<128x64xf32>
    %max3A_133 = arith.maximumf %max3A_127, %squeeze3A_132 : vector<128x64xf32>
    %add3A_134 = arith.addf %add3A_128, %squeeze3A_132 : vector<128x64xf32>
    %mul3A_135 = arith.mulf %squeeze3A_132, %squeeze3A_132 : vector<128x64xf32>
    %add3A_136 = arith.addf %add3A_130, %mul3A_135 : vector<128x64xf32>
    %swap3A = arith.constant 0 : index
    %swap3A_137 = arith.constant 0 : index
    %swap3A_138 = vector.load %arg5[%swap3A, %swap3A_137] : memref<128x64xf32, #tpu.memory_space<vmem>>, vector<128x64xf32>
    tpu.vector_store %arg5[%swap3A, %swap3A_137], %max3A_133 {strides = array<i32>} : memref<128x64xf32, #tpu.memory_space<vmem>>, vector<128x64xf32>,
    %swap3A_139 = arith.constant 0 : index
    %swap3A_140 = arith.constant 0 : index
    %swap3A_141 = vector.load %arg6[%swap3A_139, %swap3A_140] : memref<128x64xf32, #tpu.memory_space<vmem>>, vector<128x64xf32>
    tpu.vector_store %arg6[%swap3A_139, %swap3A_140], %add3A_134 {strides = array<i32>} : memref<128x64xf32, #tpu.memory_space<vmem>>, vector<128x64xf32>,
    %swap3A_142 = arith.constant 0 : index
    %swap3A_143 = arith.constant 0 : index
    %swap3A_144 = vector.load %arg7[%swap3A_142, %swap3A_143] : memref<128x64xf32, #tpu.memory_space<vmem>>, vector<128x64xf32>
    tpu.vector_store %arg7[%swap3A_142, %swap3A_143], %add3A_136 {strides = array<i32>} : memref<128x64xf32, #tpu.memory_space<vmem>>, vector<128x64xf32>,
    return
  }
  func.func @transform_0(%arg0: i32) -> (i32, i32) {
    %c0_i32 = arith.constant 0 : i32
    %c0_i32_0 = arith.constant 0 : i32
    return %arg0, %c0_i32 : i32, i32
  }
  func.func @transform_1(%arg0: i32) -> (i32, i32) {
    %c0_i32 = arith.constant 0 : i32
    %c0_i32_0 = arith.constant 0 : i32
    return %arg0, %c0_i32 : i32, i32
  }
  func.func @transform_2(%arg0: i32) -> (i32, i32) {
    %c0_i32 = arith.constant 0 : i32
    %c0_i32_0 = arith.constant 0 : i32
    %c0_i32_1 = arith.constant 0 : i32
    return %c0_i32, %c0_i32_0 : i32, i32
  }
  func.func @transform_3(%arg0: i32) -> (i32, i32) {
    %c0_i32 = arith.constant 0 : i32
    %c0_i32_0 = arith.constant 0 : i32
    %c0_i32_1 = arith.constant 0 : i32
    return %c0_i32, %c0_i32_0 : i32, i32
  }
  func.func @transform_4(%arg0: i32) -> (i32, i32) {
    %c0_i32 = arith.constant 0 : i32
    %c0_i32_0 = arith.constant 0 : i32
    return %arg0, %c0_i32 : i32, i32
  }
  func.func @transform_5(%arg0: i32) -> (i32, i32) {
    %c0_i32 = arith.constant 0 : i32
    %c0_i32_0 = arith.constant 0 : i32
    return %arg0, %c0_i32 : i32, i32
  }
  func.func @transform_6(%arg0: i32) -> (i32, i32) {
    %c0_i32 = arith.constant 0 : i32
    %c0_i32_0 = arith.constant 0 : i32
    return %arg0, %c0_i32 : i32, i32
  }
}

module attributes {stable_mosaic.version = 14 : i64} {
  func.func @_combine_body(%arg0: i32, %arg1: i32, %arg2: memref<1x256x64xf32, #tpu.memory_space<vmem>>, %arg3: memref<1x64xf32, #tpu.memory_space<vmem>>, %arg4: memref<1x64xf32, #tpu.memory_space<vmem>>, %arg5: memref<1x64xf32, #tpu.memory_space<vmem>>, %arg6: memref<1x64xf32, #tpu.memory_space<vmem>>, %arg7: memref<1x256x64xf32, #tpu.memory_space<vmem>>, %arg8: memref<1x1x64xf32, #tpu.memory_space<vmem>>) attributes {dimension_semantics = [#tpu.dimension_semantics<arbitrary>, #tpu.dimension_semantics<arbitrary>], iteration_bounds = array<i64: 8, 8>, scalar_prefetch = 0 : i64, scratch_operands = 0 : i64, tpu.core_type = #tpu.core_type<tc>, window_params = [{transform_indices = @transform_0, window_bounds = array<i64: 1, 256, 64>}, {pipeline_mode = #tpu.pipeline_mode<synchronous>, transform_indices = @transform_1, window_bounds = array<i64: 1, 64>}, {pipeline_mode = #tpu.pipeline_mode<synchronous>, transform_indices = @transform_2, window_bounds = array<i64: 1, 64>}, {pipeline_mode = #tpu.pipeline_mode<synchronous>, transform_indices = @transform_3, window_bounds = array<i64: 1, 64>}, {pipeline_mode = #tpu.pipeline_mode<synchronous>, transform_indices = @transform_4, window_bounds = array<i64: 1, 64>}, {transform_indices = @transform_5, window_bounds = array<i64: 1, 256, 64>}, {transform_indices = @transform_6, window_bounds = array<i64: 1, 1, 64>}]} {
    %get3A = arith.constant 0 : index
    %get3A_0 = arith.constant 0 : index
    %get3A_1 = arith.constant 0 : index
    %get3A_2 = vector.load %arg2[%get3A, %get3A_0, %get3A_1] : memref<1x256x64xf32, #tpu.memory_space<vmem>>, vector<1x256x64xf32>
    %get3A_3 = vector.shape_cast %get3A_2 : vector<1x256x64xf32> to vector<256x64xf32>
    %get3A_4 = arith.constant 0 : index
    %get3A_5 = arith.constant 0 : index
    %get3A_6 = vector.load %arg3[%get3A_4, %get3A_5] : memref<1x64xf32, #tpu.memory_space<vmem>>, vector<1x64xf32>
    %sub3A = vector.broadcast %get3A_6 : vector<1x64xf32> to vector<256x64xf32>
    %sub3A_7 = arith.subf %get3A_3, %sub3A : vector<256x64xf32>
    %get3A_8 = arith.constant 0 : index
    %get3A_9 = arith.constant 0 : index
    %get3A_10 = vector.load %arg4[%get3A_8, %get3A_9] : memref<1x64xf32, #tpu.memory_space<vmem>>, vector<1x64xf32>
    %add3A = arith.constant 9.99999974E-6 : f32
    %add3A_11 = vector.broadcast %add3A : f32 to vector<1x64xf32>
    %add3A_12 = arith.addf %get3A_10, %add3A_11 : vector<1x64xf32>
    %sqrt3A = math.sqrt %add3A_12 : vector<1x64xf32>
    %div3A = vector.broadcast %sqrt3A : vector<1x64xf32> to vector<256x64xf32>
    %div3A_13 = arith.divf %sub3A_7, %div3A : vector<256x64xf32>
    %get3A_14 = arith.constant 0 : index
    %get3A_15 = arith.constant 0 : index
    %get3A_16 = vector.load %arg5[%get3A_14, %get3A_15] : memref<1x64xf32, #tpu.memory_space<vmem>>, vector<1x64xf32>
    %mul3A = vector.broadcast %get3A_16 : vector<1x64xf32> to vector<256x64xf32>
    %mul3A_17 = arith.mulf %div3A_13, %mul3A : vector<256x64xf32>
    %get3A_18 = arith.constant 0 : index
    %get3A_19 = arith.constant 0 : index
    %get3A_20 = vector.load %arg6[%get3A_18, %get3A_19] : memref<1x64xf32, #tpu.memory_space<vmem>>, vector<1x64xf32>
    %add3A_21 = vector.broadcast %get3A_20 : vector<1x64xf32> to vector<256x64xf32>
    %add3A_22 = arith.addf %mul3A_17, %add3A_21 : vector<256x64xf32>
    %max3A = arith.constant 0.000000e+00 : f32
    %max3A_23 = vector.broadcast %max3A : f32 to vector<256x64xf32>
    %max3A_24 = arith.maximumf %add3A_22, %max3A_23 : vector<256x64xf32>
    %swap3A = arith.constant 0 : index
    %swap3A_25 = arith.constant 0 : index
    %swap3A_26 = arith.constant 0 : index
    %swap3A_27 = vector.load %arg7[%swap3A, %swap3A_25, %swap3A_26] : memref<1x256x64xf32, #tpu.memory_space<vmem>>, vector<1x256x64xf32>
    %swap3A_28 = vector.shape_cast %swap3A_27 : vector<1x256x64xf32> to vector<256x64xf32>
    %swap3A_29 = vector.shape_cast %max3A_24 : vector<256x64xf32> to vector<1x256x64xf32>
    tpu.vector_store %arg7[%swap3A, %swap3A_25, %swap3A_26], %swap3A_29 {strides = array<i32>} : memref<1x256x64xf32, #tpu.memory_space<vmem>>, vector<1x256x64xf32>,
    %reduce_max3A = arith.constant dense<0xFF800000> : vector<64xf32>
    %reduce_max3A_30 = vector.multi_reduction <maximumf>, %max3A_24, %reduce_max3A [0] : vector<256x64xf32> to vector<64xf32>
    %broadcast_in_dim3A = vector.shape_cast %reduce_max3A_30 : vector<64xf32> to vector<1x64xf32>
    %eq3A = arith.constant 0 : i32
    %eq3A_31 = arith.cmpi eq, %arg1, %eq3A : i32
    %convert_element_type3A = arith.extui %eq3A_31 : i1 to i32
    %cond3A = arith.constant 0 : i32
    %cond3A_32 = arith.cmpi ne, %convert_element_type3A, %cond3A : i32
    scf.if %cond3A_32 {
      %swap3A_37 = arith.constant 0 : index
      %swap3A_38 = arith.constant 0 : index
      %swap3A_39 = arith.constant 0 : index
      %swap3A_40 = vector.load %arg8[%swap3A_37, %swap3A_38, %swap3A_39] : memref<1x1x64xf32, #tpu.memory_space<vmem>>, vector<1x1x64xf32>
      %swap3A_41 = vector.shape_cast %swap3A_40 : vector<1x1x64xf32> to vector<1x64xf32>
      %swap3A_42 = vector.shape_cast %broadcast_in_dim3A : vector<1x64xf32> to vector<1x1x64xf32>
      tpu.vector_store %arg8[%swap3A_37, %swap3A_38, %swap3A_39], %swap3A_42 {strides = array<i32>} : memref<1x1x64xf32, #tpu.memory_space<vmem>>, vector<1x1x64xf32>,
    } else {
    }
    %gt3A = arith.constant 0 : i32
    %gt3A_33 = arith.cmpi sgt, %arg1, %gt3A : i32
    %convert_element_type3A_34 = arith.extui %gt3A_33 : i1 to i32
    %cond3A_35 = arith.constant 0 : i32
    %cond3A_36 = arith.cmpi ne, %convert_element_type3A_34, %cond3A_35 : i32
    scf.if %cond3A_36 {
      %get3A_37 = arith.constant 0 : index
      %get3A_38 = arith.constant 0 : index
      %get3A_39 = arith.constant 0 : index
      %get3A_40 = vector.load %arg8[%get3A_37, %get3A_38, %get3A_39] : memref<1x1x64xf32, #tpu.memory_space<vmem>>, vector<1x1x64xf32>
      %get3A_41 = vector.shape_cast %get3A_40 : vector<1x1x64xf32> to vector<1x64xf32>
      %max3A_42 = arith.maximumf %get3A_41, %broadcast_in_dim3A : vector<1x64xf32>
      %swap3A_43 = arith.constant 0 : index
      %swap3A_44 = arith.constant 0 : index
      %swap3A_45 = arith.constant 0 : index
      %swap3A_46 = vector.load %arg8[%swap3A_43, %swap3A_44, %swap3A_45] : memref<1x1x64xf32, #tpu.memory_space<vmem>>, vector<1x1x64xf32>
      %swap3A_47 = vector.shape_cast %swap3A_46 : vector<1x1x64xf32> to vector<1x64xf32>
      %swap3A_48 = vector.shape_cast %max3A_42 : vector<1x64xf32> to vector<1x1x64xf32>
      tpu.vector_store %arg8[%swap3A_43, %swap3A_44, %swap3A_45], %swap3A_48 {strides = array<i32>} : memref<1x1x64xf32, #tpu.memory_space<vmem>>, vector<1x1x64xf32>,
    } else {
    }
    return
  }
  func.func @transform_0(%arg0: i32, %arg1: i32) -> (i32, i32, i32) {
    %c0_i32 = arith.constant 0 : i32
    %c0_i32_0 = arith.constant 0 : i32
    return %arg0, %arg1, %c0_i32 : i32, i32, i32
  }
  func.func @transform_1(%arg0: i32, %arg1: i32) -> (i32, i32) {
    %c0_i32 = arith.constant 0 : i32
    %c0_i32_0 = arith.constant 0 : i32
    %c0_i32_1 = arith.constant 0 : i32
    return %c0_i32, %c0_i32_0 : i32, i32
  }
  func.func @transform_2(%arg0: i32, %arg1: i32) -> (i32, i32) {
    %c0_i32 = arith.constant 0 : i32
    %c0_i32_0 = arith.constant 0 : i32
    %c0_i32_1 = arith.constant 0 : i32
    return %c0_i32, %c0_i32_0 : i32, i32
  }
  func.func @transform_3(%arg0: i32, %arg1: i32) -> (i32, i32) {
    %c0_i32 = arith.constant 0 : i32
    %c0_i32_0 = arith.constant 0 : i32
    %c0_i32_1 = arith.constant 0 : i32
    return %c0_i32, %c0_i32_0 : i32, i32
  }
  func.func @transform_4(%arg0: i32, %arg1: i32) -> (i32, i32) {
    %c0_i32 = arith.constant 0 : i32
    %c0_i32_0 = arith.constant 0 : i32
    %c0_i32_1 = arith.constant 0 : i32
    return %c0_i32, %c0_i32_0 : i32, i32
  }
  func.func @transform_5(%arg0: i32, %arg1: i32) -> (i32, i32, i32) {
    %c0_i32 = arith.constant 0 : i32
    %c0_i32_0 = arith.constant 0 : i32
    return %arg0, %arg1, %c0_i32 : i32, i32, i32
  }
  func.func @transform_6(%arg0: i32, %arg1: i32) -> (i32, i32, i32) {
    %c0_i32 = arith.constant 0 : i32
    %c0_i32_0 = arith.constant 0 : i32
    %c0_i32_1 = arith.constant 0 : i32
    return %arg0, %c0_i32, %c0_i32_0 : i32, i32, i32
  }
}

module attributes {stable_mosaic.version = 14 : i64} {
  func.func @_conv_body(%arg0: i32, %arg1: memref<2560x64xf32, #tpu.memory_space<vmem>>, %arg2: memref<128x64xf32, #tpu.memory_space<vmem>>, %arg3: memref<128x128xf32, #tpu.memory_space<vmem>>, %arg4: memref<1x128xf32, #tpu.memory_space<vmem>>, %arg5: memref<128x128xf32, #tpu.memory_space<vmem>>, %arg6: memref<128x128xf32, #tpu.memory_space<vmem>>, %arg7: memref<128x128xf32, #tpu.memory_space<vmem>>) attributes {dimension_semantics = [#tpu.dimension_semantics<arbitrary>], iteration_bounds = array<i64: 128>, scalar_prefetch = 0 : i64, scratch_operands = 0 : i64, tpu.core_type = #tpu.core_type<tc>, window_params = [{transform_indices = @transform_0, window_bounds = array<i64: 2560, 64>}, {transform_indices = @transform_1, window_bounds = array<i64: 128, 64>}, {pipeline_mode = #tpu.pipeline_mode<synchronous>, transform_indices = @transform_2, window_bounds = array<i64: 128, 128>}, {pipeline_mode = #tpu.pipeline_mode<synchronous>, transform_indices = @transform_3, window_bounds = array<i64: 1, 128>}, {transform_indices = @transform_4, window_bounds = array<i64: 128, 128>}, {transform_indices = @transform_5, window_bounds = array<i64: 128, 128>}, {transform_indices = @transform_6, window_bounds = array<i64: 128, 128>}]} {
    %get3A = arith.constant 0 : index
    %get3A_0 = arith.constant 0 : index
    %get3A_1 = vector.load %arg2[%get3A, %get3A_0] : memref<128x64xf32, #tpu.memory_space<vmem>>, vector<128x64xf32>
    %reshape3A = vector.shape_cast %get3A_1 : vector<128x64xf32> to vector<128x1x64xf32>
    %get3A_2 = arith.constant 0 : index
    %get3A_3 = arith.constant 0 : index
    %get3A_4 = vector.load %arg1[%get3A_2, %get3A_3] : memref<2560x64xf32, #tpu.memory_space<vmem>>, vector<2560x64xf32>
    %reshape3A_5 = vector.shape_cast %get3A_4 : vector<2560x64xf32> to vector<128x20x64xf32>
    %sub3A = vector.broadcast %reshape3A : vector<128x1x64xf32> to vector<128x20x64xf32>
    %sub3A_6 = arith.subf %reshape3A_5, %sub3A : vector<128x20x64xf32>
    %broadcast_in_dim3A = vector.shape_cast %reshape3A : vector<128x1x64xf32> to vector<128x1x64xf32>
    %broadcast_in_dim3A_7 = vector.broadcast %broadcast_in_dim3A : vector<128x1x64xf32> to vector<128x20x64xf32>
    %concatenate3A = tpu.concatenate %sub3A_6, %broadcast_in_dim3A_7 in 2 : vector<128x20x64xf32>, vector<128x20x64xf32> -> vector<128x20x128xf32>
    %reshape3A_8 = vector.shape_cast %concatenate3A : vector<128x20x128xf32> to vector<2560x128xf32>
    %get3A_9 = arith.constant 0 : index
    %get3A_10 = arith.constant 0 : index
    %get3A_11 = vector.load %arg3[%get3A_9, %get3A_10] : memref<128x128xf32, #tpu.memory_space<vmem>>, vector<128x128xf32>
    %dot_general3A = arith.constant dense<0.000000e+00> : vector<2560x128xf32>
    %dot_general3A_12 = tpu.matmul %reshape3A_8, %get3A_11, %dot_general3A {dimension_numbers = #tpu.dot_dimension_numbers<[1], [0], [0], [1], [0, 0, 1, 1], [], []>, transpose_lhs_hint = false} : vector<2560x128xf32>, vector<128x128xf32>, vector<2560x128xf32> -> vector<2560x128xf32>
    %get3A_13 = arith.constant 0 : index
    %get3A_14 = arith.constant 0 : index
    %get3A_15 = vector.load %arg4[%get3A_13, %get3A_14] : memref<1x128xf32, #tpu.memory_space<vmem>>, vector<1x128xf32>
    %add3A = vector.broadcast %get3A_15 : vector<1x128xf32> to vector<2560x128xf32>
    %add3A_16 = arith.addf %dot_general3A_12, %add3A : vector<2560x128xf32>
    %reshape3A_17 = vector.shape_cast %add3A_16 : vector<2560x128xf32> to vector<128x20x128xf32>
    %slice3A = vector.extract_strided_slice %reshape3A_17 {offsets = [0, 0, 0], sizes = [128, 1, 128], strides = [1, 1, 1]} : vector<128x20x128xf32> to vector<128x1x128xf32>
    %squeeze3A = vector.shape_cast %slice3A : vector<128x1x128xf32> to vector<128x128xf32>
    %slice3A_18 = vector.extract_strided_slice %reshape3A_17 {offsets = [0, 0, 0], sizes = [128, 1, 128], strides = [1, 1, 1]} : vector<128x20x128xf32> to vector<128x1x128xf32>
    %squeeze3A_19 = vector.shape_cast %slice3A_18 : vector<128x1x128xf32> to vector<128x128xf32>
    %slice3A_20 = vector.extract_strided_slice %reshape3A_17 {offsets = [0, 0, 0], sizes = [128, 1, 128], strides = [1, 1, 1]} : vector<128x20x128xf32> to vector<128x1x128xf32>
    %squeeze3A_21 = vector.shape_cast %slice3A_20 : vector<128x1x128xf32> to vector<128x128xf32>
    %slice3A_22 = vector.extract_strided_slice %reshape3A_17 {offsets = [0, 0, 0], sizes = [128, 1, 128], strides = [1, 1, 1]} : vector<128x20x128xf32> to vector<128x1x128xf32>
    %squeeze3A_23 = vector.shape_cast %slice3A_22 : vector<128x1x128xf32> to vector<128x128xf32>
    %mul3A = arith.mulf %squeeze3A_21, %squeeze3A_23 : vector<128x128xf32>
    %slice3A_24 = vector.extract_strided_slice %reshape3A_17 {offsets = [0, 1, 0], sizes = [128, 1, 128], strides = [1, 1, 1]} : vector<128x20x128xf32> to vector<128x1x128xf32>
    %squeeze3A_25 = vector.shape_cast %slice3A_24 : vector<128x1x128xf32> to vector<128x128xf32>
    %max3A = arith.maximumf %squeeze3A, %squeeze3A_25 : vector<128x128xf32>
    %add3A_26 = arith.addf %squeeze3A_19, %squeeze3A_25 : vector<128x128xf32>
    %mul3A_27 = arith.mulf %squeeze3A_25, %squeeze3A_25 : vector<128x128xf32>
    %add3A_28 = arith.addf %mul3A, %mul3A_27 : vector<128x128xf32>
    %slice3A_29 = vector.extract_strided_slice %reshape3A_17 {offsets = [0, 2, 0], sizes = [128, 1, 128], strides = [1, 1, 1]} : vector<128x20x128xf32> to vector<128x1x128xf32>
    %squeeze3A_30 = vector.shape_cast %slice3A_29 : vector<128x1x128xf32> to vector<128x128xf32>
    %max3A_31 = arith.maximumf %max3A, %squeeze3A_30 : vector<128x128xf32>
    %add3A_32 = arith.addf %add3A_26, %squeeze3A_30 : vector<128x128xf32>
    %mul3A_33 = arith.mulf %squeeze3A_30, %squeeze3A_30 : vector<128x128xf32>
    %add3A_34 = arith.addf %add3A_28, %mul3A_33 : vector<128x128xf32>
    %slice3A_35 = vector.extract_strided_slice %reshape3A_17 {offsets = [0, 3, 0], sizes = [128, 1, 128], strides = [1, 1, 1]} : vector<128x20x128xf32> to vector<128x1x128xf32>
    %squeeze3A_36 = vector.shape_cast %slice3A_35 : vector<128x1x128xf32> to vector<128x128xf32>
    %max3A_37 = arith.maximumf %max3A_31, %squeeze3A_36 : vector<128x128xf32>
    %add3A_38 = arith.addf %add3A_32, %squeeze3A_36 : vector<128x128xf32>
    %mul3A_39 = arith.mulf %squeeze3A_36, %squeeze3A_36 : vector<128x128xf32>
    %add3A_40 = arith.addf %add3A_34, %mul3A_39 : vector<128x128xf32>
    %slice3A_41 = vector.extract_strided_slice %reshape3A_17 {offsets = [0, 4, 0], sizes = [128, 1, 128], strides = [1, 1, 1]} : vector<128x20x128xf32> to vector<128x1x128xf32>
    %squeeze3A_42 = vector.shape_cast %slice3A_41 : vector<128x1x128xf32> to vector<128x128xf32>
    %max3A_43 = arith.maximumf %max3A_37, %squeeze3A_42 : vector<128x128xf32>
    %add3A_44 = arith.addf %add3A_38, %squeeze3A_42 : vector<128x128xf32>
    %mul3A_45 = arith.mulf %squeeze3A_42, %squeeze3A_42 : vector<128x128xf32>
    %add3A_46 = arith.addf %add3A_40, %mul3A_45 : vector<128x128xf32>
    %slice3A_47 = vector.extract_strided_slice %reshape3A_17 {offsets = [0, 5, 0], sizes = [128, 1, 128], strides = [1, 1, 1]} : vector<128x20x128xf32> to vector<128x1x128xf32>
    %squeeze3A_48 = vector.shape_cast %slice3A_47 : vector<128x1x128xf32> to vector<128x128xf32>
    %max3A_49 = arith.maximumf %max3A_43, %squeeze3A_48 : vector<128x128xf32>
    %add3A_50 = arith.addf %add3A_44, %squeeze3A_48 : vector<128x128xf32>
    %mul3A_51 = arith.mulf %squeeze3A_48, %squeeze3A_48 : vector<128x128xf32>
    %add3A_52 = arith.addf %add3A_46, %mul3A_51 : vector<128x128xf32>
    %slice3A_53 = vector.extract_strided_slice %reshape3A_17 {offsets = [0, 6, 0], sizes = [128, 1, 128], strides = [1, 1, 1]} : vector<128x20x128xf32> to vector<128x1x128xf32>
    %squeeze3A_54 = vector.shape_cast %slice3A_53 : vector<128x1x128xf32> to vector<128x128xf32>
    %max3A_55 = arith.maximumf %max3A_49, %squeeze3A_54 : vector<128x128xf32>
    %add3A_56 = arith.addf %add3A_50, %squeeze3A_54 : vector<128x128xf32>
    %mul3A_57 = arith.mulf %squeeze3A_54, %squeeze3A_54 : vector<128x128xf32>
    %add3A_58 = arith.addf %add3A_52, %mul3A_57 : vector<128x128xf32>
    %slice3A_59 = vector.extract_strided_slice %reshape3A_17 {offsets = [0, 7, 0], sizes = [128, 1, 128], strides = [1, 1, 1]} : vector<128x20x128xf32> to vector<128x1x128xf32>
    %squeeze3A_60 = vector.shape_cast %slice3A_59 : vector<128x1x128xf32> to vector<128x128xf32>
    %max3A_61 = arith.maximumf %max3A_55, %squeeze3A_60 : vector<128x128xf32>
    %add3A_62 = arith.addf %add3A_56, %squeeze3A_60 : vector<128x128xf32>
    %mul3A_63 = arith.mulf %squeeze3A_60, %squeeze3A_60 : vector<128x128xf32>
    %add3A_64 = arith.addf %add3A_58, %mul3A_63 : vector<128x128xf32>
    %slice3A_65 = vector.extract_strided_slice %reshape3A_17 {offsets = [0, 8, 0], sizes = [128, 1, 128], strides = [1, 1, 1]} : vector<128x20x128xf32> to vector<128x1x128xf32>
    %squeeze3A_66 = vector.shape_cast %slice3A_65 : vector<128x1x128xf32> to vector<128x128xf32>
    %max3A_67 = arith.maximumf %max3A_61, %squeeze3A_66 : vector<128x128xf32>
    %add3A_68 = arith.addf %add3A_62, %squeeze3A_66 : vector<128x128xf32>
    %mul3A_69 = arith.mulf %squeeze3A_66, %squeeze3A_66 : vector<128x128xf32>
    %add3A_70 = arith.addf %add3A_64, %mul3A_69 : vector<128x128xf32>
    %slice3A_71 = vector.extract_strided_slice %reshape3A_17 {offsets = [0, 9, 0], sizes = [128, 1, 128], strides = [1, 1, 1]} : vector<128x20x128xf32> to vector<128x1x128xf32>
    %squeeze3A_72 = vector.shape_cast %slice3A_71 : vector<128x1x128xf32> to vector<128x128xf32>
    %max3A_73 = arith.maximumf %max3A_67, %squeeze3A_72 : vector<128x128xf32>
    %add3A_74 = arith.addf %add3A_68, %squeeze3A_72 : vector<128x128xf32>
    %mul3A_75 = arith.mulf %squeeze3A_72, %squeeze3A_72 : vector<128x128xf32>
    %add3A_76 = arith.addf %add3A_70, %mul3A_75 : vector<128x128xf32>
    %slice3A_77 = vector.extract_strided_slice %reshape3A_17 {offsets = [0, 10, 0], sizes = [128, 1, 128], strides = [1, 1, 1]} : vector<128x20x128xf32> to vector<128x1x128xf32>
    %squeeze3A_78 = vector.shape_cast %slice3A_77 : vector<128x1x128xf32> to vector<128x128xf32>
    %max3A_79 = arith.maximumf %max3A_73, %squeeze3A_78 : vector<128x128xf32>
    %add3A_80 = arith.addf %add3A_74, %squeeze3A_78 : vector<128x128xf32>
    %mul3A_81 = arith.mulf %squeeze3A_78, %squeeze3A_78 : vector<128x128xf32>
    %add3A_82 = arith.addf %add3A_76, %mul3A_81 : vector<128x128xf32>
    %slice3A_83 = vector.extract_strided_slice %reshape3A_17 {offsets = [0, 11, 0], sizes = [128, 1, 128], strides = [1, 1, 1]} : vector<128x20x128xf32> to vector<128x1x128xf32>
    %squeeze3A_84 = vector.shape_cast %slice3A_83 : vector<128x1x128xf32> to vector<128x128xf32>
    %max3A_85 = arith.maximumf %max3A_79, %squeeze3A_84 : vector<128x128xf32>
    %add3A_86 = arith.addf %add3A_80, %squeeze3A_84 : vector<128x128xf32>
    %mul3A_87 = arith.mulf %squeeze3A_84, %squeeze3A_84 : vector<128x128xf32>
    %add3A_88 = arith.addf %add3A_82, %mul3A_87 : vector<128x128xf32>
    %slice3A_89 = vector.extract_strided_slice %reshape3A_17 {offsets = [0, 12, 0], sizes = [128, 1, 128], strides = [1, 1, 1]} : vector<128x20x128xf32> to vector<128x1x128xf32>
    %squeeze3A_90 = vector.shape_cast %slice3A_89 : vector<128x1x128xf32> to vector<128x128xf32>
    %max3A_91 = arith.maximumf %max3A_85, %squeeze3A_90 : vector<128x128xf32>
    %add3A_92 = arith.addf %add3A_86, %squeeze3A_90 : vector<128x128xf32>
    %mul3A_93 = arith.mulf %squeeze3A_90, %squeeze3A_90 : vector<128x128xf32>
    %add3A_94 = arith.addf %add3A_88, %mul3A_93 : vector<128x128xf32>
    %slice3A_95 = vector.extract_strided_slice %reshape3A_17 {offsets = [0, 13, 0], sizes = [128, 1, 128], strides = [1, 1, 1]} : vector<128x20x128xf32> to vector<128x1x128xf32>
    %squeeze3A_96 = vector.shape_cast %slice3A_95 : vector<128x1x128xf32> to vector<128x128xf32>
    %max3A_97 = arith.maximumf %max3A_91, %squeeze3A_96 : vector<128x128xf32>
    %add3A_98 = arith.addf %add3A_92, %squeeze3A_96 : vector<128x128xf32>
    %mul3A_99 = arith.mulf %squeeze3A_96, %squeeze3A_96 : vector<128x128xf32>
    %add3A_100 = arith.addf %add3A_94, %mul3A_99 : vector<128x128xf32>
    %slice3A_101 = vector.extract_strided_slice %reshape3A_17 {offsets = [0, 14, 0], sizes = [128, 1, 128], strides = [1, 1, 1]} : vector<128x20x128xf32> to vector<128x1x128xf32>
    %squeeze3A_102 = vector.shape_cast %slice3A_101 : vector<128x1x128xf32> to vector<128x128xf32>
    %max3A_103 = arith.maximumf %max3A_97, %squeeze3A_102 : vector<128x128xf32>
    %add3A_104 = arith.addf %add3A_98, %squeeze3A_102 : vector<128x128xf32>
    %mul3A_105 = arith.mulf %squeeze3A_102, %squeeze3A_102 : vector<128x128xf32>
    %add3A_106 = arith.addf %add3A_100, %mul3A_105 : vector<128x128xf32>
    %slice3A_107 = vector.extract_strided_slice %reshape3A_17 {offsets = [0, 15, 0], sizes = [128, 1, 128], strides = [1, 1, 1]} : vector<128x20x128xf32> to vector<128x1x128xf32>
    %squeeze3A_108 = vector.shape_cast %slice3A_107 : vector<128x1x128xf32> to vector<128x128xf32>
    %max3A_109 = arith.maximumf %max3A_103, %squeeze3A_108 : vector<128x128xf32>
    %add3A_110 = arith.addf %add3A_104, %squeeze3A_108 : vector<128x128xf32>
    %mul3A_111 = arith.mulf %squeeze3A_108, %squeeze3A_108 : vector<128x128xf32>
    %add3A_112 = arith.addf %add3A_106, %mul3A_111 : vector<128x128xf32>
    %slice3A_113 = vector.extract_strided_slice %reshape3A_17 {offsets = [0, 16, 0], sizes = [128, 1, 128], strides = [1, 1, 1]} : vector<128x20x128xf32> to vector<128x1x128xf32>
    %squeeze3A_114 = vector.shape_cast %slice3A_113 : vector<128x1x128xf32> to vector<128x128xf32>
    %max3A_115 = arith.maximumf %max3A_109, %squeeze3A_114 : vector<128x128xf32>
    %add3A_116 = arith.addf %add3A_110, %squeeze3A_114 : vector<128x128xf32>
    %mul3A_117 = arith.mulf %squeeze3A_114, %squeeze3A_114 : vector<128x128xf32>
    %add3A_118 = arith.addf %add3A_112, %mul3A_117 : vector<128x128xf32>
    %slice3A_119 = vector.extract_strided_slice %reshape3A_17 {offsets = [0, 17, 0], sizes = [128, 1, 128], strides = [1, 1, 1]} : vector<128x20x128xf32> to vector<128x1x128xf32>
    %squeeze3A_120 = vector.shape_cast %slice3A_119 : vector<128x1x128xf32> to vector<128x128xf32>
    %max3A_121 = arith.maximumf %max3A_115, %squeeze3A_120 : vector<128x128xf32>
    %add3A_122 = arith.addf %add3A_116, %squeeze3A_120 : vector<128x128xf32>
    %mul3A_123 = arith.mulf %squeeze3A_120, %squeeze3A_120 : vector<128x128xf32>
    %add3A_124 = arith.addf %add3A_118, %mul3A_123 : vector<128x128xf32>
    %slice3A_125 = vector.extract_strided_slice %reshape3A_17 {offsets = [0, 18, 0], sizes = [128, 1, 128], strides = [1, 1, 1]} : vector<128x20x128xf32> to vector<128x1x128xf32>
    %squeeze3A_126 = vector.shape_cast %slice3A_125 : vector<128x1x128xf32> to vector<128x128xf32>
    %max3A_127 = arith.maximumf %max3A_121, %squeeze3A_126 : vector<128x128xf32>
    %add3A_128 = arith.addf %add3A_122, %squeeze3A_126 : vector<128x128xf32>
    %mul3A_129 = arith.mulf %squeeze3A_126, %squeeze3A_126 : vector<128x128xf32>
    %add3A_130 = arith.addf %add3A_124, %mul3A_129 : vector<128x128xf32>
    %slice3A_131 = vector.extract_strided_slice %reshape3A_17 {offsets = [0, 19, 0], sizes = [128, 1, 128], strides = [1, 1, 1]} : vector<128x20x128xf32> to vector<128x1x128xf32>
    %squeeze3A_132 = vector.shape_cast %slice3A_131 : vector<128x1x128xf32> to vector<128x128xf32>
    %max3A_133 = arith.maximumf %max3A_127, %squeeze3A_132 : vector<128x128xf32>
    %add3A_134 = arith.addf %add3A_128, %squeeze3A_132 : vector<128x128xf32>
    %mul3A_135 = arith.mulf %squeeze3A_132, %squeeze3A_132 : vector<128x128xf32>
    %add3A_136 = arith.addf %add3A_130, %mul3A_135 : vector<128x128xf32>
    %swap3A = arith.constant 0 : index
    %swap3A_137 = arith.constant 0 : index
    %swap3A_138 = vector.load %arg5[%swap3A, %swap3A_137] : memref<128x128xf32, #tpu.memory_space<vmem>>, vector<128x128xf32>
    tpu.vector_store %arg5[%swap3A, %swap3A_137], %max3A_133 {strides = array<i32>} : memref<128x128xf32, #tpu.memory_space<vmem>>, vector<128x128xf32>,
    %swap3A_139 = arith.constant 0 : index
    %swap3A_140 = arith.constant 0 : index
    %swap3A_141 = vector.load %arg6[%swap3A_139, %swap3A_140] : memref<128x128xf32, #tpu.memory_space<vmem>>, vector<128x128xf32>
    tpu.vector_store %arg6[%swap3A_139, %swap3A_140], %add3A_134 {strides = array<i32>} : memref<128x128xf32, #tpu.memory_space<vmem>>, vector<128x128xf32>,
    %swap3A_142 = arith.constant 0 : index
    %swap3A_143 = arith.constant 0 : index
    %swap3A_144 = vector.load %arg7[%swap3A_142, %swap3A_143] : memref<128x128xf32, #tpu.memory_space<vmem>>, vector<128x128xf32>
    tpu.vector_store %arg7[%swap3A_142, %swap3A_143], %add3A_136 {strides = array<i32>} : memref<128x128xf32, #tpu.memory_space<vmem>>, vector<128x128xf32>,
    return
  }
  func.func @transform_0(%arg0: i32) -> (i32, i32) {
    %c0_i32 = arith.constant 0 : i32
    %c0_i32_0 = arith.constant 0 : i32
    return %arg0, %c0_i32 : i32, i32
  }
  func.func @transform_1(%arg0: i32) -> (i32, i32) {
    %c0_i32 = arith.constant 0 : i32
    %c0_i32_0 = arith.constant 0 : i32
    return %arg0, %c0_i32 : i32, i32
  }
  func.func @transform_2(%arg0: i32) -> (i32, i32) {
    %c0_i32 = arith.constant 0 : i32
    %c0_i32_0 = arith.constant 0 : i32
    %c0_i32_1 = arith.constant 0 : i32
    return %c0_i32, %c0_i32_0 : i32, i32
  }
  func.func @transform_3(%arg0: i32) -> (i32, i32) {
    %c0_i32 = arith.constant 0 : i32
    %c0_i32_0 = arith.constant 0 : i32
    %c0_i32_1 = arith.constant 0 : i32
    return %c0_i32, %c0_i32_0 : i32, i32
  }
  func.func @transform_4(%arg0: i32) -> (i32, i32) {
    %c0_i32 = arith.constant 0 : i32
    %c0_i32_0 = arith.constant 0 : i32
    return %arg0, %c0_i32 : i32, i32
  }
  func.func @transform_5(%arg0: i32) -> (i32, i32) {
    %c0_i32 = arith.constant 0 : i32
    %c0_i32_0 = arith.constant 0 : i32
    return %arg0, %c0_i32 : i32, i32
  }
  func.func @transform_6(%arg0: i32) -> (i32, i32) {
    %c0_i32 = arith.constant 0 : i32
    %c0_i32_0 = arith.constant 0 : i32
    return %arg0, %c0_i32 : i32, i32
  }
}

module attributes {stable_mosaic.version = 14 : i64} {
  func.func @_stats_body(%arg0: i32, %arg1: memref<2048x128xf32, #tpu.memory_space<vmem>>, %arg2: memref<2048x128xf32, #tpu.memory_space<vmem>>, %arg3: memref<1x128xf32, #tpu.memory_space<vmem>>, %arg4: memref<1x128xf32, #tpu.memory_space<vmem>>) attributes {dimension_semantics = [#tpu.dimension_semantics<arbitrary>], iteration_bounds = array<i64: 8>, scalar_prefetch = 0 : i64, scratch_operands = 0 : i64, tpu.core_type = #tpu.core_type<tc>, window_params = [{transform_indices = @transform_0, window_bounds = array<i64: 2048, 128>}, {transform_indices = @transform_1, window_bounds = array<i64: 2048, 128>}, {pipeline_mode = #tpu.pipeline_mode<synchronous>, transform_indices = @transform_2, window_bounds = array<i64: 1, 128>}, {pipeline_mode = #tpu.pipeline_mode<synchronous>, transform_indices = @transform_3, window_bounds = array<i64: 1, 128>}]} {
    %get3A = arith.constant 0 : index
    %get3A_0 = arith.constant 0 : index
    %get3A_1 = vector.load %arg1[%get3A, %get3A_0] : memref<2048x128xf32, #tpu.memory_space<vmem>>, vector<2048x128xf32>
    %reduce_sum3A = arith.constant dense<0.000000e+00> : vector<128xf32>
    %reduce_sum3A_2 = vector.multi_reduction <add>, %get3A_1, %reduce_sum3A [0] : vector<2048x128xf32> to vector<128xf32>
    %broadcast_in_dim3A = vector.shape_cast %reduce_sum3A_2 : vector<128xf32> to vector<1x128xf32>
    %get3A_3 = arith.constant 0 : index
    %get3A_4 = arith.constant 0 : index
    %get3A_5 = vector.load %arg2[%get3A_3, %get3A_4] : memref<2048x128xf32, #tpu.memory_space<vmem>>, vector<2048x128xf32>
    %reduce_sum3A_6 = arith.constant dense<0.000000e+00> : vector<128xf32>
    %reduce_sum3A_7 = vector.multi_reduction <add>, %get3A_5, %reduce_sum3A_6 [0] : vector<2048x128xf32> to vector<128xf32>
    %broadcast_in_dim3A_8 = vector.shape_cast %reduce_sum3A_7 : vector<128xf32> to vector<1x128xf32>
    %eq3A = arith.constant 0 : i32
    %eq3A_9 = arith.cmpi eq, %arg0, %eq3A : i32
    %convert_element_type3A = arith.extui %eq3A_9 : i1 to i32
    %cond3A = arith.constant 0 : i32
    %cond3A_10 = arith.cmpi ne, %convert_element_type3A, %cond3A : i32
    scf.if %cond3A_10 {
      %swap3A = arith.constant 0 : index
      %swap3A_15 = arith.constant 0 : index
      %swap3A_16 = vector.load %arg3[%swap3A, %swap3A_15] : memref<1x128xf32, #tpu.memory_space<vmem>>, vector<1x128xf32>
      tpu.vector_store %arg3[%swap3A, %swap3A_15], %broadcast_in_dim3A {strides = array<i32>} : memref<1x128xf32, #tpu.memory_space<vmem>>, vector<1x128xf32>,
      %swap3A_17 = arith.constant 0 : index
      %swap3A_18 = arith.constant 0 : index
      %swap3A_19 = vector.load %arg4[%swap3A_17, %swap3A_18] : memref<1x128xf32, #tpu.memory_space<vmem>>, vector<1x128xf32>
      tpu.vector_store %arg4[%swap3A_17, %swap3A_18], %broadcast_in_dim3A_8 {strides = array<i32>} : memref<1x128xf32, #tpu.memory_space<vmem>>, vector<1x128xf32>,
    } else {
    }
    %gt3A = arith.constant 0 : i32
    %gt3A_11 = arith.cmpi sgt, %arg0, %gt3A : i32
    %convert_element_type3A_12 = arith.extui %gt3A_11 : i1 to i32
    %cond3A_13 = arith.constant 0 : i32
    %cond3A_14 = arith.cmpi ne, %convert_element_type3A_12, %cond3A_13 : i32
    scf.if %cond3A_14 {
      %get3A_15 = arith.constant 0 : index
      %get3A_16 = arith.constant 0 : index
      %get3A_17 = vector.load %arg3[%get3A_15, %get3A_16] : memref<1x128xf32, #tpu.memory_space<vmem>>, vector<1x128xf32>
      %add3A = arith.addf %get3A_17, %broadcast_in_dim3A : vector<1x128xf32>
      %swap3A = arith.constant 0 : index
      %swap3A_18 = arith.constant 0 : index
      %swap3A_19 = vector.load %arg3[%swap3A, %swap3A_18] : memref<1x128xf32, #tpu.memory_space<vmem>>, vector<1x128xf32>
      tpu.vector_store %arg3[%swap3A, %swap3A_18], %add3A {strides = array<i32>} : memref<1x128xf32, #tpu.memory_space<vmem>>, vector<1x128xf32>,
      %get3A_20 = arith.constant 0 : index
      %get3A_21 = arith.constant 0 : index
      %get3A_22 = vector.load %arg4[%get3A_20, %get3A_21] : memref<1x128xf32, #tpu.memory_space<vmem>>, vector<1x128xf32>
      %add3A_23 = arith.addf %get3A_22, %broadcast_in_dim3A_8 : vector<1x128xf32>
      %swap3A_24 = arith.constant 0 : index
      %swap3A_25 = arith.constant 0 : index
      %swap3A_26 = vector.load %arg4[%swap3A_24, %swap3A_25] : memref<1x128xf32, #tpu.memory_space<vmem>>, vector<1x128xf32>
      tpu.vector_store %arg4[%swap3A_24, %swap3A_25], %add3A_23 {strides = array<i32>} : memref<1x128xf32, #tpu.memory_space<vmem>>, vector<1x128xf32>,
    } else {
    }
    return
  }
  func.func @transform_0(%arg0: i32) -> (i32, i32) {
    %c0_i32 = arith.constant 0 : i32
    %c0_i32_0 = arith.constant 0 : i32
    return %arg0, %c0_i32 : i32, i32
  }
  func.func @transform_1(%arg0: i32) -> (i32, i32) {
    %c0_i32 = arith.constant 0 : i32
    %c0_i32_0 = arith.constant 0 : i32
    return %arg0, %c0_i32 : i32, i32
  }
  func.func @transform_2(%arg0: i32) -> (i32, i32) {
    %c0_i32 = arith.constant 0 : i32
    %c0_i32_0 = arith.constant 0 : i32
    %c0_i32_1 = arith.constant 0 : i32
    return %c0_i32, %c0_i32_0 : i32, i32
  }
  func.func @transform_3(%arg0: i32) -> (i32, i32) {
    %c0_i32 = arith.constant 0 : i32
    %c0_i32_0 = arith.constant 0 : i32
    %c0_i32_1 = arith.constant 0 : i32
    return %c0_i32, %c0_i32_0 : i32, i32
  }
}

module attributes {stable_mosaic.version = 14 : i64} {
  func.func @_combine_body(%arg0: i32, %arg1: i32, %arg2: memref<1x256x128xf32, #tpu.memory_space<vmem>>, %arg3: memref<1x128xf32, #tpu.memory_space<vmem>>, %arg4: memref<1x128xf32, #tpu.memory_space<vmem>>, %arg5: memref<1x128xf32, #tpu.memory_space<vmem>>, %arg6: memref<1x128xf32, #tpu.memory_space<vmem>>, %arg7: memref<1x256x128xf32, #tpu.memory_space<vmem>>, %arg8: memref<1x1x128xf32, #tpu.memory_space<vmem>>) attributes {dimension_semantics = [#tpu.dimension_semantics<arbitrary>, #tpu.dimension_semantics<arbitrary>], iteration_bounds = array<i64: 8, 8>, scalar_prefetch = 0 : i64, scratch_operands = 0 : i64, tpu.core_type = #tpu.core_type<tc>, window_params = [{transform_indices = @transform_0, window_bounds = array<i64: 1, 256, 128>}, {pipeline_mode = #tpu.pipeline_mode<synchronous>, transform_indices = @transform_1, window_bounds = array<i64: 1, 128>}, {pipeline_mode = #tpu.pipeline_mode<synchronous>, transform_indices = @transform_2, window_bounds = array<i64: 1, 128>}, {pipeline_mode = #tpu.pipeline_mode<synchronous>, transform_indices = @transform_3, window_bounds = array<i64: 1, 128>}, {pipeline_mode = #tpu.pipeline_mode<synchronous>, transform_indices = @transform_4, window_bounds = array<i64: 1, 128>}, {transform_indices = @transform_5, window_bounds = array<i64: 1, 256, 128>}, {transform_indices = @transform_6, window_bounds = array<i64: 1, 1, 128>}]} {
    %get3A = arith.constant 0 : index
    %get3A_0 = arith.constant 0 : index
    %get3A_1 = arith.constant 0 : index
    %get3A_2 = vector.load %arg2[%get3A, %get3A_0, %get3A_1] : memref<1x256x128xf32, #tpu.memory_space<vmem>>, vector<1x256x128xf32>
    %get3A_3 = vector.shape_cast %get3A_2 : vector<1x256x128xf32> to vector<256x128xf32>
    %get3A_4 = arith.constant 0 : index
    %get3A_5 = arith.constant 0 : index
    %get3A_6 = vector.load %arg3[%get3A_4, %get3A_5] : memref<1x128xf32, #tpu.memory_space<vmem>>, vector<1x128xf32>
    %sub3A = vector.broadcast %get3A_6 : vector<1x128xf32> to vector<256x128xf32>
    %sub3A_7 = arith.subf %get3A_3, %sub3A : vector<256x128xf32>
    %get3A_8 = arith.constant 0 : index
    %get3A_9 = arith.constant 0 : index
    %get3A_10 = vector.load %arg4[%get3A_8, %get3A_9] : memref<1x128xf32, #tpu.memory_space<vmem>>, vector<1x128xf32>
    %add3A = arith.constant 9.99999974E-6 : f32
    %add3A_11 = vector.broadcast %add3A : f32 to vector<1x128xf32>
    %add3A_12 = arith.addf %get3A_10, %add3A_11 : vector<1x128xf32>
    %sqrt3A = math.sqrt %add3A_12 : vector<1x128xf32>
    %div3A = vector.broadcast %sqrt3A : vector<1x128xf32> to vector<256x128xf32>
    %div3A_13 = arith.divf %sub3A_7, %div3A : vector<256x128xf32>
    %get3A_14 = arith.constant 0 : index
    %get3A_15 = arith.constant 0 : index
    %get3A_16 = vector.load %arg5[%get3A_14, %get3A_15] : memref<1x128xf32, #tpu.memory_space<vmem>>, vector<1x128xf32>
    %mul3A = vector.broadcast %get3A_16 : vector<1x128xf32> to vector<256x128xf32>
    %mul3A_17 = arith.mulf %div3A_13, %mul3A : vector<256x128xf32>
    %get3A_18 = arith.constant 0 : index
    %get3A_19 = arith.constant 0 : index
    %get3A_20 = vector.load %arg6[%get3A_18, %get3A_19] : memref<1x128xf32, #tpu.memory_space<vmem>>, vector<1x128xf32>
    %add3A_21 = vector.broadcast %get3A_20 : vector<1x128xf32> to vector<256x128xf32>
    %add3A_22 = arith.addf %mul3A_17, %add3A_21 : vector<256x128xf32>
    %max3A = arith.constant 0.000000e+00 : f32
    %max3A_23 = vector.broadcast %max3A : f32 to vector<256x128xf32>
    %max3A_24 = arith.maximumf %add3A_22, %max3A_23 : vector<256x128xf32>
    %swap3A = arith.constant 0 : index
    %swap3A_25 = arith.constant 0 : index
    %swap3A_26 = arith.constant 0 : index
    %swap3A_27 = vector.load %arg7[%swap3A, %swap3A_25, %swap3A_26] : memref<1x256x128xf32, #tpu.memory_space<vmem>>, vector<1x256x128xf32>
    %swap3A_28 = vector.shape_cast %swap3A_27 : vector<1x256x128xf32> to vector<256x128xf32>
    %swap3A_29 = vector.shape_cast %max3A_24 : vector<256x128xf32> to vector<1x256x128xf32>
    tpu.vector_store %arg7[%swap3A, %swap3A_25, %swap3A_26], %swap3A_29 {strides = array<i32>} : memref<1x256x128xf32, #tpu.memory_space<vmem>>, vector<1x256x128xf32>,
    %reduce_max3A = arith.constant dense<0xFF800000> : vector<128xf32>
    %reduce_max3A_30 = vector.multi_reduction <maximumf>, %max3A_24, %reduce_max3A [0] : vector<256x128xf32> to vector<128xf32>
    %broadcast_in_dim3A = vector.shape_cast %reduce_max3A_30 : vector<128xf32> to vector<1x128xf32>
    %eq3A = arith.constant 0 : i32
    %eq3A_31 = arith.cmpi eq, %arg1, %eq3A : i32
    %convert_element_type3A = arith.extui %eq3A_31 : i1 to i32
    %cond3A = arith.constant 0 : i32
    %cond3A_32 = arith.cmpi ne, %convert_element_type3A, %cond3A : i32
    scf.if %cond3A_32 {
      %swap3A_37 = arith.constant 0 : index
      %swap3A_38 = arith.constant 0 : index
      %swap3A_39 = arith.constant 0 : index
      %swap3A_40 = vector.load %arg8[%swap3A_37, %swap3A_38, %swap3A_39] : memref<1x1x128xf32, #tpu.memory_space<vmem>>, vector<1x1x128xf32>
      %swap3A_41 = vector.shape_cast %swap3A_40 : vector<1x1x128xf32> to vector<1x128xf32>
      %swap3A_42 = vector.shape_cast %broadcast_in_dim3A : vector<1x128xf32> to vector<1x1x128xf32>
      tpu.vector_store %arg8[%swap3A_37, %swap3A_38, %swap3A_39], %swap3A_42 {strides = array<i32>} : memref<1x1x128xf32, #tpu.memory_space<vmem>>, vector<1x1x128xf32>,
    } else {
    }
    %gt3A = arith.constant 0 : i32
    %gt3A_33 = arith.cmpi sgt, %arg1, %gt3A : i32
    %convert_element_type3A_34 = arith.extui %gt3A_33 : i1 to i32
    %cond3A_35 = arith.constant 0 : i32
    %cond3A_36 = arith.cmpi ne, %convert_element_type3A_34, %cond3A_35 : i32
    scf.if %cond3A_36 {
      %get3A_37 = arith.constant 0 : index
      %get3A_38 = arith.constant 0 : index
      %get3A_39 = arith.constant 0 : index
      %get3A_40 = vector.load %arg8[%get3A_37, %get3A_38, %get3A_39] : memref<1x1x128xf32, #tpu.memory_space<vmem>>, vector<1x1x128xf32>
      %get3A_41 = vector.shape_cast %get3A_40 : vector<1x1x128xf32> to vector<1x128xf32>
      %max3A_42 = arith.maximumf %get3A_41, %broadcast_in_dim3A : vector<1x128xf32>
      %swap3A_43 = arith.constant 0 : index
      %swap3A_44 = arith.constant 0 : index
      %swap3A_45 = arith.constant 0 : index
      %swap3A_46 = vector.load %arg8[%swap3A_43, %swap3A_44, %swap3A_45] : memref<1x1x128xf32, #tpu.memory_space<vmem>>, vector<1x1x128xf32>
      %swap3A_47 = vector.shape_cast %swap3A_46 : vector<1x1x128xf32> to vector<1x128xf32>
      %swap3A_48 = vector.shape_cast %max3A_42 : vector<1x128xf32> to vector<1x1x128xf32>
      tpu.vector_store %arg8[%swap3A_43, %swap3A_44, %swap3A_45], %swap3A_48 {strides = array<i32>} : memref<1x1x128xf32, #tpu.memory_space<vmem>>, vector<1x1x128xf32>,
    } else {
    }
    return
  }
  func.func @transform_0(%arg0: i32, %arg1: i32) -> (i32, i32, i32) {
    %c0_i32 = arith.constant 0 : i32
    %c0_i32_0 = arith.constant 0 : i32
    return %arg0, %arg1, %c0_i32 : i32, i32, i32
  }
  func.func @transform_1(%arg0: i32, %arg1: i32) -> (i32, i32) {
    %c0_i32 = arith.constant 0 : i32
    %c0_i32_0 = arith.constant 0 : i32
    %c0_i32_1 = arith.constant 0 : i32
    return %c0_i32, %c0_i32_0 : i32, i32
  }
  func.func @transform_2(%arg0: i32, %arg1: i32) -> (i32, i32) {
    %c0_i32 = arith.constant 0 : i32
    %c0_i32_0 = arith.constant 0 : i32
    %c0_i32_1 = arith.constant 0 : i32
    return %c0_i32, %c0_i32_0 : i32, i32
  }
  func.func @transform_3(%arg0: i32, %arg1: i32) -> (i32, i32) {
    %c0_i32 = arith.constant 0 : i32
    %c0_i32_0 = arith.constant 0 : i32
    %c0_i32_1 = arith.constant 0 : i32
    return %c0_i32, %c0_i32_0 : i32, i32
  }
  func.func @transform_4(%arg0: i32, %arg1: i32) -> (i32, i32) {
    %c0_i32 = arith.constant 0 : i32
    %c0_i32_0 = arith.constant 0 : i32
    %c0_i32_1 = arith.constant 0 : i32
    return %c0_i32, %c0_i32_0 : i32, i32
  }
  func.func @transform_5(%arg0: i32, %arg1: i32) -> (i32, i32, i32) {
    %c0_i32 = arith.constant 0 : i32
    %c0_i32_0 = arith.constant 0 : i32
    return %arg0, %arg1, %c0_i32 : i32, i32, i32
  }
  func.func @transform_6(%arg0: i32, %arg1: i32) -> (i32, i32, i32) {
    %c0_i32 = arith.constant 0 : i32
    %c0_i32_0 = arith.constant 0 : i32
    %c0_i32_1 = arith.constant 0 : i32
    return %arg0, %c0_i32, %c0_i32_0 : i32, i32, i32
  }
}

module attributes {stable_mosaic.version = 14 : i64} {
  func.func @_dtp_body(%arg0: i32, %arg1: i32, %arg2: memref<1x256x128xf32, #tpu.memory_space<vmem>>, %arg3: memref<1x2048x128xf32, #tpu.memory_space<vmem>>, %arg4: memref<1x256x1xf32, #tpu.memory_space<vmem>>, %arg5: memref<1x1x2048xf32, #tpu.memory_space<vmem>>, %arg6: memref<1x256x20xi32, #tpu.memory_space<vmem>>) attributes {dimension_semantics = [#tpu.dimension_semantics<arbitrary>, #tpu.dimension_semantics<arbitrary>], iteration_bounds = array<i64: 8, 8>, scalar_prefetch = 0 : i64, scratch_operands = 0 : i64, tpu.core_type = #tpu.core_type<tc>, window_params = [{transform_indices = @transform_0, window_bounds = array<i64: 1, 256, 128>}, {transform_indices = @transform_1, window_bounds = array<i64: 1, 2048, 128>}, {transform_indices = @transform_2, window_bounds = array<i64: 1, 256, 1>}, {transform_indices = @transform_3, window_bounds = array<i64: 1, 1, 2048>}, {transform_indices = @transform_4, window_bounds = array<i64: 1, 256, 20>}]} {
    %get3A = arith.constant 0 : index
    %get3A_0 = arith.constant 0 : index
    %get3A_1 = arith.constant 0 : index
    %get3A_2 = vector.load %arg2[%get3A, %get3A_0, %get3A_1] : memref<1x256x128xf32, #tpu.memory_space<vmem>>, vector<1x256x128xf32>
    %get3A_3 = vector.shape_cast %get3A_2 : vector<1x256x128xf32> to vector<256x128xf32>
    %get3A_4 = arith.constant 0 : index
    %get3A_5 = arith.constant 0 : index
    %get3A_6 = arith.constant 0 : index
    %get3A_7 = vector.load %arg3[%get3A_4, %get3A_5, %get3A_6] : memref<1x2048x128xf32, #tpu.memory_space<vmem>>, vector<1x2048x128xf32>
    %get3A_8 = vector.shape_cast %get3A_7 : vector<1x2048x128xf32> to vector<2048x128xf32>
    %dot_general3A = arith.constant dense<0.000000e+00> : vector<256x2048xf32>
    %dot_general3A_9 = tpu.matmul %get3A_3, %get3A_8, %dot_general3A {dimension_numbers = #tpu.dot_dimension_numbers<[1], [1], [0], [0], [0, 0, 1, 0], [], []>, transpose_lhs_hint = false} : vector<256x128xf32>, vector<2048x128xf32>, vector<256x2048xf32> -> vector<256x2048xf32>
    %mul3A = arith.constant 2.000000e+00 : f32
    %mul3A_10 = vector.broadcast %mul3A : f32 to vector<256x2048xf32>
    %mul3A_11 = arith.mulf %mul3A_10, %dot_general3A_9 : vector<256x2048xf32>
    %get3A_12 = arith.constant 0 : index
    %get3A_13 = arith.constant 0 : index
    %get3A_14 = arith.constant 0 : index
    %get3A_15 = vector.load %arg4[%get3A_12, %get3A_13, %get3A_14] : memref<1x256x1xf32, #tpu.memory_space<vmem>>, vector<1x256x1xf32>
    %get3A_16 = vector.shape_cast %get3A_15 : vector<1x256x1xf32> to vector<256x1xf32>
    %sub3A = vector.broadcast %get3A_16 : vector<256x1xf32> to vector<256x2048xf32>
    %sub3A_17 = arith.subf %mul3A_11, %sub3A : vector<256x2048xf32>
    %get3A_18 = arith.constant 0 : index
    %get3A_19 = arith.constant 0 : index
    %get3A_20 = arith.constant 0 : index
    %get3A_21 = vector.load %arg5[%get3A_18, %get3A_19, %get3A_20] : memref<1x1x2048xf32, #tpu.memory_space<vmem>>, vector<1x1x2048xf32>
    %get3A_22 = vector.shape_cast %get3A_21 : vector<1x1x2048xf32> to vector<1x2048xf32>
    %sub3A_23 = vector.broadcast %get3A_22 : vector<1x2048xf32> to vector<256x2048xf32>
    %sub3A_24 = arith.subf %sub3A_17, %sub3A_23 : vector<256x2048xf32>
    %iota3A = tpu.iota {dimensions = array<i32: 1>} : vector<256x2048xi32>
    %reduce_max3A = arith.constant dense<0xFF800000> : vector<256xf32>
    %reduce_max3A_25 = vector.multi_reduction <maximumf>, %sub3A_24, %reduce_max3A [1] : vector<256x2048xf32> to vector<256xf32>
    %broadcast_in_dim3A = vector.shape_cast %reduce_max3A_25 : vector<256xf32> to vector<256x1xf32>
    %eq3A = vector.broadcast %broadcast_in_dim3A : vector<256x1xf32> to vector<256x2048xf32>
    %eq3A_26 = arith.cmpf oeq, %sub3A_24, %eq3A : vector<256x2048xf32>
    %jit3A = arith.constant 2048 : i32
    %broadcast_in_dim3A_27 = vector.broadcast %jit3A : i32 to vector<256x2048xi32>
    %select_n3A = arith.select %eq3A_26, %iota3A, %broadcast_in_dim3A_27 : vector<256x2048xi1>, vector<256x2048xi32>
    %reduce_min3A = arith.constant dense<2147483647> : vector<256xi32>
    %reduce_min3A_28 = vector.multi_reduction <minsi>, %select_n3A, %reduce_min3A [1] : vector<256x2048xi32> to vector<256xi32>
    %broadcast_in_dim3A_29 = vector.shape_cast %reduce_min3A_28 : vector<256xi32> to vector<256x1xi32>
    %mul3A_30 = arith.constant 2048 : i32
    %mul3A_31 = arith.muli %arg0, %mul3A_30 : i32
    %add3A = vector.broadcast %mul3A_31 : i32 to vector<256x1xi32>
    %add3A_32 = arith.addi %broadcast_in_dim3A_29, %add3A : vector<256x1xi32>
    %swap3A = arith.constant 0 : index
    %swap3A_33 = arith.constant 0 : index
    %swap3A_34 = arith.constant 0 : index
    %swap3A_35 = vector.load %arg6[%swap3A, %swap3A_33, %swap3A_34] : memref<1x256x20xi32, #tpu.memory_space<vmem>>, vector<1x256x1xi32>
    %swap3A_36 = vector.shape_cast %swap3A_35 : vector<1x256x1xi32> to vector<256x1xi32>
    %swap3A_37 = vector.shape_cast %add3A_32 : vector<256x1xi32> to vector<1x256x1xi32>
    tpu.vector_store %arg6[%swap3A, %swap3A_33, %swap3A_34], %swap3A_37 {strides = array<i32>} : memref<1x256x20xi32, #tpu.memory_space<vmem>>, vector<1x256x1xi32>,
    %eq3A_38 = vector.broadcast %broadcast_in_dim3A_29 : vector<256x1xi32> to vector<256x2048xi32>
    %eq3A_39 = arith.cmpi eq, %iota3A, %eq3A_38 : vector<256x2048xi32>
    %jit3A_40 = arith.constant 0xFF800000 : f32
    %broadcast_in_dim3A_41 = vector.broadcast %jit3A_40 : f32 to vector<256x2048xf32>
    %select_n3A_42 = arith.select %eq3A_39, %broadcast_in_dim3A_41, %sub3A_24 : vector<256x2048xi1>, vector<256x2048xf32>
    %reduce_max3A_43 = arith.constant dense<0xFF800000> : vector<256xf32>
    %reduce_max3A_44 = vector.multi_reduction <maximumf>, %select_n3A_42, %reduce_max3A_43 [1] : vector<256x2048xf32> to vector<256xf32>
    %broadcast_in_dim3A_45 = vector.shape_cast %reduce_max3A_44 : vector<256xf32> to vector<256x1xf32>
    %eq3A_46 = vector.broadcast %broadcast_in_dim3A_45 : vector<256x1xf32> to vector<256x2048xf32>
    %eq3A_47 = arith.cmpf oeq, %select_n3A_42, %eq3A_46 : vector<256x2048xf32>
    %jit3A_48 = arith.constant 2048 : i32
    %broadcast_in_dim3A_49 = vector.broadcast %jit3A_48 : i32 to vector<256x2048xi32>
    %select_n3A_50 = arith.select %eq3A_47, %iota3A, %broadcast_in_dim3A_49 : vector<256x2048xi1>, vector<256x2048xi32>
    %reduce_min3A_51 = arith.constant dense<2147483647> : vector<256xi32>
    %reduce_min3A_52 = vector.multi_reduction <minsi>, %select_n3A_50, %reduce_min3A_51 [1] : vector<256x2048xi32> to vector<256xi32>
    %broadcast_in_dim3A_53 = vector.shape_cast %reduce_min3A_52 : vector<256xi32> to vector<256x1xi32>
    %mul3A_54 = arith.constant 2048 : i32
    %mul3A_55 = arith.muli %arg0, %mul3A_54 : i32
    %add3A_56 = vector.broadcast %mul3A_55 : i32 to vector<256x1xi32>
    %add3A_57 = arith.addi %broadcast_in_dim3A_53, %add3A_56 : vector<256x1xi32>
    %swap3A_58 = arith.constant 0 : index
    %swap3A_59 = arith.constant 0 : index
    %swap3A_60 = arith.constant 1 : index
    %swap3A_61 = vector.load %arg6[%swap3A_58, %swap3A_59, %swap3A_60] : memref<1x256x20xi32, #tpu.memory_space<vmem>>, vector<1x256x1xi32>
    %swap3A_62 = vector.shape_cast %swap3A_61 : vector<1x256x1xi32> to vector<256x1xi32>
    %swap3A_63 = vector.shape_cast %add3A_57 : vector<256x1xi32> to vector<1x256x1xi32>
    tpu.vector_store %arg6[%swap3A_58, %swap3A_59, %swap3A_60], %swap3A_63 {strides = array<i32>} : memref<1x256x20xi32, #tpu.memory_space<vmem>>, vector<1x256x1xi32>,
    %eq3A_64 = vector.broadcast %broadcast_in_dim3A_53 : vector<256x1xi32> to vector<256x2048xi32>
    %eq3A_65 = arith.cmpi eq, %iota3A, %eq3A_64 : vector<256x2048xi32>
    %jit3A_66 = arith.constant 0xFF800000 : f32
    %broadcast_in_dim3A_67 = vector.broadcast %jit3A_66 : f32 to vector<256x2048xf32>
    %select_n3A_68 = arith.select %eq3A_65, %broadcast_in_dim3A_67, %select_n3A_42 : vector<256x2048xi1>, vector<256x2048xf32>
    %reduce_max3A_69 = arith.constant dense<0xFF800000> : vector<256xf32>
    %reduce_max3A_70 = vector.multi_reduction <maximumf>, %select_n3A_68, %reduce_max3A_69 [1] : vector<256x2048xf32> to vector<256xf32>
    %broadcast_in_dim3A_71 = vector.shape_cast %reduce_max3A_70 : vector<256xf32> to vector<256x1xf32>
    %eq3A_72 = vector.broadcast %broadcast_in_dim3A_71 : vector<256x1xf32> to vector<256x2048xf32>
    %eq3A_73 = arith.cmpf oeq, %select_n3A_68, %eq3A_72 : vector<256x2048xf32>
    %jit3A_74 = arith.constant 2048 : i32
    %broadcast_in_dim3A_75 = vector.broadcast %jit3A_74 : i32 to vector<256x2048xi32>
    %select_n3A_76 = arith.select %eq3A_73, %iota3A, %broadcast_in_dim3A_75 : vector<256x2048xi1>, vector<256x2048xi32>
    %reduce_min3A_77 = arith.constant dense<2147483647> : vector<256xi32>
    %reduce_min3A_78 = vector.multi_reduction <minsi>, %select_n3A_76, %reduce_min3A_77 [1] : vector<256x2048xi32> to vector<256xi32>
    %broadcast_in_dim3A_79 = vector.shape_cast %reduce_min3A_78 : vector<256xi32> to vector<256x1xi32>
    %mul3A_80 = arith.constant 2048 : i32
    %mul3A_81 = arith.muli %arg0, %mul3A_80 : i32
    %add3A_82 = vector.broadcast %mul3A_81 : i32 to vector<256x1xi32>
    %add3A_83 = arith.addi %broadcast_in_dim3A_79, %add3A_82 : vector<256x1xi32>
    %swap3A_84 = arith.constant 0 : index
    %swap3A_85 = arith.constant 0 : index
    %swap3A_86 = arith.constant 2 : index
    %swap3A_87 = vector.load %arg6[%swap3A_84, %swap3A_85, %swap3A_86] : memref<1x256x20xi32, #tpu.memory_space<vmem>>, vector<1x256x1xi32>
    %swap3A_88 = vector.shape_cast %swap3A_87 : vector<1x256x1xi32> to vector<256x1xi32>
    %swap3A_89 = vector.shape_cast %add3A_83 : vector<256x1xi32> to vector<1x256x1xi32>
    tpu.vector_store %arg6[%swap3A_84, %swap3A_85, %swap3A_86], %swap3A_89 {strides = array<i32>} : memref<1x256x20xi32, #tpu.memory_space<vmem>>, vector<1x256x1xi32>,
    %eq3A_90 = vector.broadcast %broadcast_in_dim3A_79 : vector<256x1xi32> to vector<256x2048xi32>
    %eq3A_91 = arith.cmpi eq, %iota3A, %eq3A_90 : vector<256x2048xi32>
    %jit3A_92 = arith.constant 0xFF800000 : f32
    %broadcast_in_dim3A_93 = vector.broadcast %jit3A_92 : f32 to vector<256x2048xf32>
    %select_n3A_94 = arith.select %eq3A_91, %broadcast_in_dim3A_93, %select_n3A_68 : vector<256x2048xi1>, vector<256x2048xf32>
    %reduce_max3A_95 = arith.constant dense<0xFF800000> : vector<256xf32>
    %reduce_max3A_96 = vector.multi_reduction <maximumf>, %select_n3A_94, %reduce_max3A_95 [1] : vector<256x2048xf32> to vector<256xf32>
    %broadcast_in_dim3A_97 = vector.shape_cast %reduce_max3A_96 : vector<256xf32> to vector<256x1xf32>
    %eq3A_98 = vector.broadcast %broadcast_in_dim3A_97 : vector<256x1xf32> to vector<256x2048xf32>
    %eq3A_99 = arith.cmpf oeq, %select_n3A_94, %eq3A_98 : vector<256x2048xf32>
    %jit3A_100 = arith.constant 2048 : i32
    %broadcast_in_dim3A_101 = vector.broadcast %jit3A_100 : i32 to vector<256x2048xi32>
    %select_n3A_102 = arith.select %eq3A_99, %iota3A, %broadcast_in_dim3A_101 : vector<256x2048xi1>, vector<256x2048xi32>
    %reduce_min3A_103 = arith.constant dense<2147483647> : vector<256xi32>
    %reduce_min3A_104 = vector.multi_reduction <minsi>, %select_n3A_102, %reduce_min3A_103 [1] : vector<256x2048xi32> to vector<256xi32>
    %broadcast_in_dim3A_105 = vector.shape_cast %reduce_min3A_104 : vector<256xi32> to vector<256x1xi32>
    %mul3A_106 = arith.constant 2048 : i32
    %mul3A_107 = arith.muli %arg0, %mul3A_106 : i32
    %add3A_108 = vector.broadcast %mul3A_107 : i32 to vector<256x1xi32>
    %add3A_109 = arith.addi %broadcast_in_dim3A_105, %add3A_108 : vector<256x1xi32>
    %swap3A_110 = arith.constant 0 : index
    %swap3A_111 = arith.constant 0 : index
    %swap3A_112 = arith.constant 3 : index
    %swap3A_113 = vector.load %arg6[%swap3A_110, %swap3A_111, %swap3A_112] : memref<1x256x20xi32, #tpu.memory_space<vmem>>, vector<1x256x1xi32>
    %swap3A_114 = vector.shape_cast %swap3A_113 : vector<1x256x1xi32> to vector<256x1xi32>
    %swap3A_115 = vector.shape_cast %add3A_109 : vector<256x1xi32> to vector<1x256x1xi32>
    tpu.vector_store %arg6[%swap3A_110, %swap3A_111, %swap3A_112], %swap3A_115 {strides = array<i32>} : memref<1x256x20xi32, #tpu.memory_space<vmem>>, vector<1x256x1xi32>,
    %eq3A_116 = vector.broadcast %broadcast_in_dim3A_105 : vector<256x1xi32> to vector<256x2048xi32>
    %eq3A_117 = arith.cmpi eq, %iota3A, %eq3A_116 : vector<256x2048xi32>
    %jit3A_118 = arith.constant 0xFF800000 : f32
    %broadcast_in_dim3A_119 = vector.broadcast %jit3A_118 : f32 to vector<256x2048xf32>
    %select_n3A_120 = arith.select %eq3A_117, %broadcast_in_dim3A_119, %select_n3A_94 : vector<256x2048xi1>, vector<256x2048xf32>
    %reduce_max3A_121 = arith.constant dense<0xFF800000> : vector<256xf32>
    %reduce_max3A_122 = vector.multi_reduction <maximumf>, %select_n3A_120, %reduce_max3A_121 [1] : vector<256x2048xf32> to vector<256xf32>
    %broadcast_in_dim3A_123 = vector.shape_cast %reduce_max3A_122 : vector<256xf32> to vector<256x1xf32>
    %eq3A_124 = vector.broadcast %broadcast_in_dim3A_123 : vector<256x1xf32> to vector<256x2048xf32>
    %eq3A_125 = arith.cmpf oeq, %select_n3A_120, %eq3A_124 : vector<256x2048xf32>
    %jit3A_126 = arith.constant 2048 : i32
    %broadcast_in_dim3A_127 = vector.broadcast %jit3A_126 : i32 to vector<256x2048xi32>
    %select_n3A_128 = arith.select %eq3A_125, %iota3A, %broadcast_in_dim3A_127 : vector<256x2048xi1>, vector<256x2048xi32>
    %reduce_min3A_129 = arith.constant dense<2147483647> : vector<256xi32>
    %reduce_min3A_130 = vector.multi_reduction <minsi>, %select_n3A_128, %reduce_min3A_129 [1] : vector<256x2048xi32> to vector<256xi32>
    %broadcast_in_dim3A_131 = vector.shape_cast %reduce_min3A_130 : vector<256xi32> to vector<256x1xi32>
    %mul3A_132 = arith.constant 2048 : i32
    %mul3A_133 = arith.muli %arg0, %mul3A_132 : i32
    %add3A_134 = vector.broadcast %mul3A_133 : i32 to vector<256x1xi32>
    %add3A_135 = arith.addi %broadcast_in_dim3A_131, %add3A_134 : vector<256x1xi32>
    %swap3A_136 = arith.constant 0 : index
    %swap3A_137 = arith.constant 0 : index
    %swap3A_138 = arith.constant 4 : index
    %swap3A_139 = vector.load %arg6[%swap3A_136, %swap3A_137, %swap3A_138] : memref<1x256x20xi32, #tpu.memory_space<vmem>>, vector<1x256x1xi32>
    %swap3A_140 = vector.shape_cast %swap3A_139 : vector<1x256x1xi32> to vector<256x1xi32>
    %swap3A_141 = vector.shape_cast %add3A_135 : vector<256x1xi32> to vector<1x256x1xi32>
    tpu.vector_store %arg6[%swap3A_136, %swap3A_137, %swap3A_138], %swap3A_141 {strides = array<i32>} : memref<1x256x20xi32, #tpu.memory_space<vmem>>, vector<1x256x1xi32>,
    %eq3A_142 = vector.broadcast %broadcast_in_dim3A_131 : vector<256x1xi32> to vector<256x2048xi32>
    %eq3A_143 = arith.cmpi eq, %iota3A, %eq3A_142 : vector<256x2048xi32>
    %jit3A_144 = arith.constant 0xFF800000 : f32
    %broadcast_in_dim3A_145 = vector.broadcast %jit3A_144 : f32 to vector<256x2048xf32>
    %select_n3A_146 = arith.select %eq3A_143, %broadcast_in_dim3A_145, %select_n3A_120 : vector<256x2048xi1>, vector<256x2048xf32>
    %reduce_max3A_147 = arith.constant dense<0xFF800000> : vector<256xf32>
    %reduce_max3A_148 = vector.multi_reduction <maximumf>, %select_n3A_146, %reduce_max3A_147 [1] : vector<256x2048xf32> to vector<256xf32>
    %broadcast_in_dim3A_149 = vector.shape_cast %reduce_max3A_148 : vector<256xf32> to vector<256x1xf32>
    %eq3A_150 = vector.broadcast %broadcast_in_dim3A_149 : vector<256x1xf32> to vector<256x2048xf32>
    %eq3A_151 = arith.cmpf oeq, %select_n3A_146, %eq3A_150 : vector<256x2048xf32>
    %jit3A_152 = arith.constant 2048 : i32
    %broadcast_in_dim3A_153 = vector.broadcast %jit3A_152 : i32 to vector<256x2048xi32>
    %select_n3A_154 = arith.select %eq3A_151, %iota3A, %broadcast_in_dim3A_153 : vector<256x2048xi1>, vector<256x2048xi32>
    %reduce_min3A_155 = arith.constant dense<2147483647> : vector<256xi32>
    %reduce_min3A_156 = vector.multi_reduction <minsi>, %select_n3A_154, %reduce_min3A_155 [1] : vector<256x2048xi32> to vector<256xi32>
    %broadcast_in_dim3A_157 = vector.shape_cast %reduce_min3A_156 : vector<256xi32> to vector<256x1xi32>
    %mul3A_158 = arith.constant 2048 : i32
    %mul3A_159 = arith.muli %arg0, %mul3A_158 : i32
    %add3A_160 = vector.broadcast %mul3A_159 : i32 to vector<256x1xi32>
    %add3A_161 = arith.addi %broadcast_in_dim3A_157, %add3A_160 : vector<256x1xi32>
    %swap3A_162 = arith.constant 0 : index
    %swap3A_163 = arith.constant 0 : index
    %swap3A_164 = arith.constant 5 : index
    %swap3A_165 = vector.load %arg6[%swap3A_162, %swap3A_163, %swap3A_164] : memref<1x256x20xi32, #tpu.memory_space<vmem>>, vector<1x256x1xi32>
    %swap3A_166 = vector.shape_cast %swap3A_165 : vector<1x256x1xi32> to vector<256x1xi32>
    %swap3A_167 = vector.shape_cast %add3A_161 : vector<256x1xi32> to vector<1x256x1xi32>
    tpu.vector_store %arg6[%swap3A_162, %swap3A_163, %swap3A_164], %swap3A_167 {strides = array<i32>} : memref<1x256x20xi32, #tpu.memory_space<vmem>>, vector<1x256x1xi32>,
    %eq3A_168 = vector.broadcast %broadcast_in_dim3A_157 : vector<256x1xi32> to vector<256x2048xi32>
    %eq3A_169 = arith.cmpi eq, %iota3A, %eq3A_168 : vector<256x2048xi32>
    %jit3A_170 = arith.constant 0xFF800000 : f32
    %broadcast_in_dim3A_171 = vector.broadcast %jit3A_170 : f32 to vector<256x2048xf32>
    %select_n3A_172 = arith.select %eq3A_169, %broadcast_in_dim3A_171, %select_n3A_146 : vector<256x2048xi1>, vector<256x2048xf32>
    %reduce_max3A_173 = arith.constant dense<0xFF800000> : vector<256xf32>
    %reduce_max3A_174 = vector.multi_reduction <maximumf>, %select_n3A_172, %reduce_max3A_173 [1] : vector<256x2048xf32> to vector<256xf32>
    %broadcast_in_dim3A_175 = vector.shape_cast %reduce_max3A_174 : vector<256xf32> to vector<256x1xf32>
    %eq3A_176 = vector.broadcast %broadcast_in_dim3A_175 : vector<256x1xf32> to vector<256x2048xf32>
    %eq3A_177 = arith.cmpf oeq, %select_n3A_172, %eq3A_176 : vector<256x2048xf32>
    %jit3A_178 = arith.constant 2048 : i32
    %broadcast_in_dim3A_179 = vector.broadcast %jit3A_178 : i32 to vector<256x2048xi32>
    %select_n3A_180 = arith.select %eq3A_177, %iota3A, %broadcast_in_dim3A_179 : vector<256x2048xi1>, vector<256x2048xi32>
    %reduce_min3A_181 = arith.constant dense<2147483647> : vector<256xi32>
    %reduce_min3A_182 = vector.multi_reduction <minsi>, %select_n3A_180, %reduce_min3A_181 [1] : vector<256x2048xi32> to vector<256xi32>
    %broadcast_in_dim3A_183 = vector.shape_cast %reduce_min3A_182 : vector<256xi32> to vector<256x1xi32>
    %mul3A_184 = arith.constant 2048 : i32
    %mul3A_185 = arith.muli %arg0, %mul3A_184 : i32
    %add3A_186 = vector.broadcast %mul3A_185 : i32 to vector<256x1xi32>
    %add3A_187 = arith.addi %broadcast_in_dim3A_183, %add3A_186 : vector<256x1xi32>
    %swap3A_188 = arith.constant 0 : index
    %swap3A_189 = arith.constant 0 : index
    %swap3A_190 = arith.constant 6 : index
    %swap3A_191 = vector.load %arg6[%swap3A_188, %swap3A_189, %swap3A_190] : memref<1x256x20xi32, #tpu.memory_space<vmem>>, vector<1x256x1xi32>
    %swap3A_192 = vector.shape_cast %swap3A_191 : vector<1x256x1xi32> to vector<256x1xi32>
    %swap3A_193 = vector.shape_cast %add3A_187 : vector<256x1xi32> to vector<1x256x1xi32>
    tpu.vector_store %arg6[%swap3A_188, %swap3A_189, %swap3A_190], %swap3A_193 {strides = array<i32>} : memref<1x256x20xi32, #tpu.memory_space<vmem>>, vector<1x256x1xi32>,
    %eq3A_194 = vector.broadcast %broadcast_in_dim3A_183 : vector<256x1xi32> to vector<256x2048xi32>
    %eq3A_195 = arith.cmpi eq, %iota3A, %eq3A_194 : vector<256x2048xi32>
    %jit3A_196 = arith.constant 0xFF800000 : f32
    %broadcast_in_dim3A_197 = vector.broadcast %jit3A_196 : f32 to vector<256x2048xf32>
    %select_n3A_198 = arith.select %eq3A_195, %broadcast_in_dim3A_197, %select_n3A_172 : vector<256x2048xi1>, vector<256x2048xf32>
    %reduce_max3A_199 = arith.constant dense<0xFF800000> : vector<256xf32>
    %reduce_max3A_200 = vector.multi_reduction <maximumf>, %select_n3A_198, %reduce_max3A_199 [1] : vector<256x2048xf32> to vector<256xf32>
    %broadcast_in_dim3A_201 = vector.shape_cast %reduce_max3A_200 : vector<256xf32> to vector<256x1xf32>
    %eq3A_202 = vector.broadcast %broadcast_in_dim3A_201 : vector<256x1xf32> to vector<256x2048xf32>
    %eq3A_203 = arith.cmpf oeq, %select_n3A_198, %eq3A_202 : vector<256x2048xf32>
    %jit3A_204 = arith.constant 2048 : i32
    %broadcast_in_dim3A_205 = vector.broadcast %jit3A_204 : i32 to vector<256x2048xi32>
    %select_n3A_206 = arith.select %eq3A_203, %iota3A, %broadcast_in_dim3A_205 : vector<256x2048xi1>, vector<256x2048xi32>
    %reduce_min3A_207 = arith.constant dense<2147483647> : vector<256xi32>
    %reduce_min3A_208 = vector.multi_reduction <minsi>, %select_n3A_206, %reduce_min3A_207 [1] : vector<256x2048xi32> to vector<256xi32>
    %broadcast_in_dim3A_209 = vector.shape_cast %reduce_min3A_208 : vector<256xi32> to vector<256x1xi32>
    %mul3A_210 = arith.constant 2048 : i32
    %mul3A_211 = arith.muli %arg0, %mul3A_210 : i32
    %add3A_212 = vector.broadcast %mul3A_211 : i32 to vector<256x1xi32>
    %add3A_213 = arith.addi %broadcast_in_dim3A_209, %add3A_212 : vector<256x1xi32>
    %swap3A_214 = arith.constant 0 : index
    %swap3A_215 = arith.constant 0 : index
    %swap3A_216 = arith.constant 7 : index
    %swap3A_217 = vector.load %arg6[%swap3A_214, %swap3A_215, %swap3A_216] : memref<1x256x20xi32, #tpu.memory_space<vmem>>, vector<1x256x1xi32>
    %swap3A_218 = vector.shape_cast %swap3A_217 : vector<1x256x1xi32> to vector<256x1xi32>
    %swap3A_219 = vector.shape_cast %add3A_213 : vector<256x1xi32> to vector<1x256x1xi32>
    tpu.vector_store %arg6[%swap3A_214, %swap3A_215, %swap3A_216], %swap3A_219 {strides = array<i32>} : memref<1x256x20xi32, #tpu.memory_space<vmem>>, vector<1x256x1xi32>,
    %eq3A_220 = vector.broadcast %broadcast_in_dim3A_209 : vector<256x1xi32> to vector<256x2048xi32>
    %eq3A_221 = arith.cmpi eq, %iota3A, %eq3A_220 : vector<256x2048xi32>
    %jit3A_222 = arith.constant 0xFF800000 : f32
    %broadcast_in_dim3A_223 = vector.broadcast %jit3A_222 : f32 to vector<256x2048xf32>
    %select_n3A_224 = arith.select %eq3A_221, %broadcast_in_dim3A_223, %select_n3A_198 : vector<256x2048xi1>, vector<256x2048xf32>
    %reduce_max3A_225 = arith.constant dense<0xFF800000> : vector<256xf32>
    %reduce_max3A_226 = vector.multi_reduction <maximumf>, %select_n3A_224, %reduce_max3A_225 [1] : vector<256x2048xf32> to vector<256xf32>
    %broadcast_in_dim3A_227 = vector.shape_cast %reduce_max3A_226 : vector<256xf32> to vector<256x1xf32>
    %eq3A_228 = vector.broadcast %broadcast_in_dim3A_227 : vector<256x1xf32> to vector<256x2048xf32>
    %eq3A_229 = arith.cmpf oeq, %select_n3A_224, %eq3A_228 : vector<256x2048xf32>
    %jit3A_230 = arith.constant 2048 : i32
    %broadcast_in_dim3A_231 = vector.broadcast %jit3A_230 : i32 to vector<256x2048xi32>
    %select_n3A_232 = arith.select %eq3A_229, %iota3A, %broadcast_in_dim3A_231 : vector<256x2048xi1>, vector<256x2048xi32>
    %reduce_min3A_233 = arith.constant dense<2147483647> : vector<256xi32>
    %reduce_min3A_234 = vector.multi_reduction <minsi>, %select_n3A_232, %reduce_min3A_233 [1] : vector<256x2048xi32> to vector<256xi32>
    %broadcast_in_dim3A_235 = vector.shape_cast %reduce_min3A_234 : vector<256xi32> to vector<256x1xi32>
    %mul3A_236 = arith.constant 2048 : i32
    %mul3A_237 = arith.muli %arg0, %mul3A_236 : i32
    %add3A_238 = vector.broadcast %mul3A_237 : i32 to vector<256x1xi32>
    %add3A_239 = arith.addi %broadcast_in_dim3A_235, %add3A_238 : vector<256x1xi32>
    %swap3A_240 = arith.constant 0 : index
    %swap3A_241 = arith.constant 0 : index
    %swap3A_242 = arith.constant 8 : index
    %swap3A_243 = vector.load %arg6[%swap3A_240, %swap3A_241, %swap3A_242] : memref<1x256x20xi32, #tpu.memory_space<vmem>>, vector<1x256x1xi32>
    %swap3A_244 = vector.shape_cast %swap3A_243 : vector<1x256x1xi32> to vector<256x1xi32>
    %swap3A_245 = vector.shape_cast %add3A_239 : vector<256x1xi32> to vector<1x256x1xi32>
    tpu.vector_store %arg6[%swap3A_240, %swap3A_241, %swap3A_242], %swap3A_245 {strides = array<i32>} : memref<1x256x20xi32, #tpu.memory_space<vmem>>, vector<1x256x1xi32>,
    %eq3A_246 = vector.broadcast %broadcast_in_dim3A_235 : vector<256x1xi32> to vector<256x2048xi32>
    %eq3A_247 = arith.cmpi eq, %iota3A, %eq3A_246 : vector<256x2048xi32>
    %jit3A_248 = arith.constant 0xFF800000 : f32
    %broadcast_in_dim3A_249 = vector.broadcast %jit3A_248 : f32 to vector<256x2048xf32>
    %select_n3A_250 = arith.select %eq3A_247, %broadcast_in_dim3A_249, %select_n3A_224 : vector<256x2048xi1>, vector<256x2048xf32>
    %reduce_max3A_251 = arith.constant dense<0xFF800000> : vector<256xf32>
    %reduce_max3A_252 = vector.multi_reduction <maximumf>, %select_n3A_250, %reduce_max3A_251 [1] : vector<256x2048xf32> to vector<256xf32>
    %broadcast_in_dim3A_253 = vector.shape_cast %reduce_max3A_252 : vector<256xf32> to vector<256x1xf32>
    %eq3A_254 = vector.broadcast %broadcast_in_dim3A_253 : vector<256x1xf32> to vector<256x2048xf32>
    %eq3A_255 = arith.cmpf oeq, %select_n3A_250, %eq3A_254 : vector<256x2048xf32>
    %jit3A_256 = arith.constant 2048 : i32
    %broadcast_in_dim3A_257 = vector.broadcast %jit3A_256 : i32 to vector<256x2048xi32>
    %select_n3A_258 = arith.select %eq3A_255, %iota3A, %broadcast_in_dim3A_257 : vector<256x2048xi1>, vector<256x2048xi32>
    %reduce_min3A_259 = arith.constant dense<2147483647> : vector<256xi32>
    %reduce_min3A_260 = vector.multi_reduction <minsi>, %select_n3A_258, %reduce_min3A_259 [1] : vector<256x2048xi32> to vector<256xi32>
    %broadcast_in_dim3A_261 = vector.shape_cast %reduce_min3A_260 : vector<256xi32> to vector<256x1xi32>
    %mul3A_262 = arith.constant 2048 : i32
    %mul3A_263 = arith.muli %arg0, %mul3A_262 : i32
    %add3A_264 = vector.broadcast %mul3A_263 : i32 to vector<256x1xi32>
    %add3A_265 = arith.addi %broadcast_in_dim3A_261, %add3A_264 : vector<256x1xi32>
    %swap3A_266 = arith.constant 0 : index
    %swap3A_267 = arith.constant 0 : index
    %swap3A_268 = arith.constant 9 : index
    %swap3A_269 = vector.load %arg6[%swap3A_266, %swap3A_267, %swap3A_268] : memref<1x256x20xi32, #tpu.memory_space<vmem>>, vector<1x256x1xi32>
    %swap3A_270 = vector.shape_cast %swap3A_269 : vector<1x256x1xi32> to vector<256x1xi32>
    %swap3A_271 = vector.shape_cast %add3A_265 : vector<256x1xi32> to vector<1x256x1xi32>
    tpu.vector_store %arg6[%swap3A_266, %swap3A_267, %swap3A_268], %swap3A_271 {strides = array<i32>} : memref<1x256x20xi32, #tpu.memory_space<vmem>>, vector<1x256x1xi32>,
    %eq3A_272 = vector.broadcast %broadcast_in_dim3A_261 : vector<256x1xi32> to vector<256x2048xi32>
    %eq3A_273 = arith.cmpi eq, %iota3A, %eq3A_272 : vector<256x2048xi32>
    %jit3A_274 = arith.constant 0xFF800000 : f32
    %broadcast_in_dim3A_275 = vector.broadcast %jit3A_274 : f32 to vector<256x2048xf32>
    %select_n3A_276 = arith.select %eq3A_273, %broadcast_in_dim3A_275, %select_n3A_250 : vector<256x2048xi1>, vector<256x2048xf32>
    %reduce_max3A_277 = arith.constant dense<0xFF800000> : vector<256xf32>
    %reduce_max3A_278 = vector.multi_reduction <maximumf>, %select_n3A_276, %reduce_max3A_277 [1] : vector<256x2048xf32> to vector<256xf32>
    %broadcast_in_dim3A_279 = vector.shape_cast %reduce_max3A_278 : vector<256xf32> to vector<256x1xf32>
    %eq3A_280 = vector.broadcast %broadcast_in_dim3A_279 : vector<256x1xf32> to vector<256x2048xf32>
    %eq3A_281 = arith.cmpf oeq, %select_n3A_276, %eq3A_280 : vector<256x2048xf32>
    %jit3A_282 = arith.constant 2048 : i32
    %broadcast_in_dim3A_283 = vector.broadcast %jit3A_282 : i32 to vector<256x2048xi32>
    %select_n3A_284 = arith.select %eq3A_281, %iota3A, %broadcast_in_dim3A_283 : vector<256x2048xi1>, vector<256x2048xi32>
    %reduce_min3A_285 = arith.constant dense<2147483647> : vector<256xi32>
    %reduce_min3A_286 = vector.multi_reduction <minsi>, %select_n3A_284, %reduce_min3A_285 [1] : vector<256x2048xi32> to vector<256xi32>
    %broadcast_in_dim3A_287 = vector.shape_cast %reduce_min3A_286 : vector<256xi32> to vector<256x1xi32>
    %mul3A_288 = arith.constant 2048 : i32
    %mul3A_289 = arith.muli %arg0, %mul3A_288 : i32
    %add3A_290 = vector.broadcast %mul3A_289 : i32 to vector<256x1xi32>
    %add3A_291 = arith.addi %broadcast_in_dim3A_287, %add3A_290 : vector<256x1xi32>
    %swap3A_292 = arith.constant 0 : index
    %swap3A_293 = arith.constant 0 : index
    %swap3A_294 = arith.constant 10 : index
    %swap3A_295 = vector.load %arg6[%swap3A_292, %swap3A_293, %swap3A_294] : memref<1x256x20xi32, #tpu.memory_space<vmem>>, vector<1x256x1xi32>
    %swap3A_296 = vector.shape_cast %swap3A_295 : vector<1x256x1xi32> to vector<256x1xi32>
    %swap3A_297 = vector.shape_cast %add3A_291 : vector<256x1xi32> to vector<1x256x1xi32>
    tpu.vector_store %arg6[%swap3A_292, %swap3A_293, %swap3A_294], %swap3A_297 {strides = array<i32>} : memref<1x256x20xi32, #tpu.memory_space<vmem>>, vector<1x256x1xi32>,
    %eq3A_298 = vector.broadcast %broadcast_in_dim3A_287 : vector<256x1xi32> to vector<256x2048xi32>
    %eq3A_299 = arith.cmpi eq, %iota3A, %eq3A_298 : vector<256x2048xi32>
    %jit3A_300 = arith.constant 0xFF800000 : f32
    %broadcast_in_dim3A_301 = vector.broadcast %jit3A_300 : f32 to vector<256x2048xf32>
    %select_n3A_302 = arith.select %eq3A_299, %broadcast_in_dim3A_301, %select_n3A_276 : vector<256x2048xi1>, vector<256x2048xf32>
    %reduce_max3A_303 = arith.constant dense<0xFF800000> : vector<256xf32>
    %reduce_max3A_304 = vector.multi_reduction <maximumf>, %select_n3A_302, %reduce_max3A_303 [1] : vector<256x2048xf32> to vector<256xf32>
    %broadcast_in_dim3A_305 = vector.shape_cast %reduce_max3A_304 : vector<256xf32> to vector<256x1xf32>
    %eq3A_306 = vector.broadcast %broadcast_in_dim3A_305 : vector<256x1xf32> to vector<256x2048xf32>
    %eq3A_307 = arith.cmpf oeq, %select_n3A_302, %eq3A_306 : vector<256x2048xf32>
    %jit3A_308 = arith.constant 2048 : i32
    %broadcast_in_dim3A_309 = vector.broadcast %jit3A_308 : i32 to vector<256x2048xi32>
    %select_n3A_310 = arith.select %eq3A_307, %iota3A, %broadcast_in_dim3A_309 : vector<256x2048xi1>, vector<256x2048xi32>
    %reduce_min3A_311 = arith.constant dense<2147483647> : vector<256xi32>
    %reduce_min3A_312 = vector.multi_reduction <minsi>, %select_n3A_310, %reduce_min3A_311 [1] : vector<256x2048xi32> to vector<256xi32>
    %broadcast_in_dim3A_313 = vector.shape_cast %reduce_min3A_312 : vector<256xi32> to vector<256x1xi32>
    %mul3A_314 = arith.constant 2048 : i32
    %mul3A_315 = arith.muli %arg0, %mul3A_314 : i32
    %add3A_316 = vector.broadcast %mul3A_315 : i32 to vector<256x1xi32>
    %add3A_317 = arith.addi %broadcast_in_dim3A_313, %add3A_316 : vector<256x1xi32>
    %swap3A_318 = arith.constant 0 : index
    %swap3A_319 = arith.constant 0 : index
    %swap3A_320 = arith.constant 11 : index
    %swap3A_321 = vector.load %arg6[%swap3A_318, %swap3A_319, %swap3A_320] : memref<1x256x20xi32, #tpu.memory_space<vmem>>, vector<1x256x1xi32>
    %swap3A_322 = vector.shape_cast %swap3A_321 : vector<1x256x1xi32> to vector<256x1xi32>
    %swap3A_323 = vector.shape_cast %add3A_317 : vector<256x1xi32> to vector<1x256x1xi32>
    tpu.vector_store %arg6[%swap3A_318, %swap3A_319, %swap3A_320], %swap3A_323 {strides = array<i32>} : memref<1x256x20xi32, #tpu.memory_space<vmem>>, vector<1x256x1xi32>,
    %eq3A_324 = vector.broadcast %broadcast_in_dim3A_313 : vector<256x1xi32> to vector<256x2048xi32>
    %eq3A_325 = arith.cmpi eq, %iota3A, %eq3A_324 : vector<256x2048xi32>
    %jit3A_326 = arith.constant 0xFF800000 : f32
    %broadcast_in_dim3A_327 = vector.broadcast %jit3A_326 : f32 to vector<256x2048xf32>
    %select_n3A_328 = arith.select %eq3A_325, %broadcast_in_dim3A_327, %select_n3A_302 : vector<256x2048xi1>, vector<256x2048xf32>
    %reduce_max3A_329 = arith.constant dense<0xFF800000> : vector<256xf32>
    %reduce_max3A_330 = vector.multi_reduction <maximumf>, %select_n3A_328, %reduce_max3A_329 [1] : vector<256x2048xf32> to vector<256xf32>
    %broadcast_in_dim3A_331 = vector.shape_cast %reduce_max3A_330 : vector<256xf32> to vector<256x1xf32>
    %eq3A_332 = vector.broadcast %broadcast_in_dim3A_331 : vector<256x1xf32> to vector<256x2048xf32>
    %eq3A_333 = arith.cmpf oeq, %select_n3A_328, %eq3A_332 : vector<256x2048xf32>
    %jit3A_334 = arith.constant 2048 : i32
    %broadcast_in_dim3A_335 = vector.broadcast %jit3A_334 : i32 to vector<256x2048xi32>
    %select_n3A_336 = arith.select %eq3A_333, %iota3A, %broadcast_in_dim3A_335 : vector<256x2048xi1>, vector<256x2048xi32>
    %reduce_min3A_337 = arith.constant dense<2147483647> : vector<256xi32>
    %reduce_min3A_338 = vector.multi_reduction <minsi>, %select_n3A_336, %reduce_min3A_337 [1] : vector<256x2048xi32> to vector<256xi32>
    %broadcast_in_dim3A_339 = vector.shape_cast %reduce_min3A_338 : vector<256xi32> to vector<256x1xi32>
    %mul3A_340 = arith.constant 2048 : i32
    %mul3A_341 = arith.muli %arg0, %mul3A_340 : i32
    %add3A_342 = vector.broadcast %mul3A_341 : i32 to vector<256x1xi32>
    %add3A_343 = arith.addi %broadcast_in_dim3A_339, %add3A_342 : vector<256x1xi32>
    %swap3A_344 = arith.constant 0 : index
    %swap3A_345 = arith.constant 0 : index
    %swap3A_346 = arith.constant 12 : index
    %swap3A_347 = vector.load %arg6[%swap3A_344, %swap3A_345, %swap3A_346] : memref<1x256x20xi32, #tpu.memory_space<vmem>>, vector<1x256x1xi32>
    %swap3A_348 = vector.shape_cast %swap3A_347 : vector<1x256x1xi32> to vector<256x1xi32>
    %swap3A_349 = vector.shape_cast %add3A_343 : vector<256x1xi32> to vector<1x256x1xi32>
    tpu.vector_store %arg6[%swap3A_344, %swap3A_345, %swap3A_346], %swap3A_349 {strides = array<i32>} : memref<1x256x20xi32, #tpu.memory_space<vmem>>, vector<1x256x1xi32>,
    %eq3A_350 = vector.broadcast %broadcast_in_dim3A_339 : vector<256x1xi32> to vector<256x2048xi32>
    %eq3A_351 = arith.cmpi eq, %iota3A, %eq3A_350 : vector<256x2048xi32>
    %jit3A_352 = arith.constant 0xFF800000 : f32
    %broadcast_in_dim3A_353 = vector.broadcast %jit3A_352 : f32 to vector<256x2048xf32>
    %select_n3A_354 = arith.select %eq3A_351, %broadcast_in_dim3A_353, %select_n3A_328 : vector<256x2048xi1>, vector<256x2048xf32>
    %reduce_max3A_355 = arith.constant dense<0xFF800000> : vector<256xf32>
    %reduce_max3A_356 = vector.multi_reduction <maximumf>, %select_n3A_354, %reduce_max3A_355 [1] : vector<256x2048xf32> to vector<256xf32>
    %broadcast_in_dim3A_357 = vector.shape_cast %reduce_max3A_356 : vector<256xf32> to vector<256x1xf32>
    %eq3A_358 = vector.broadcast %broadcast_in_dim3A_357 : vector<256x1xf32> to vector<256x2048xf32>
    %eq3A_359 = arith.cmpf oeq, %select_n3A_354, %eq3A_358 : vector<256x2048xf32>
    %jit3A_360 = arith.constant 2048 : i32
    %broadcast_in_dim3A_361 = vector.broadcast %jit3A_360 : i32 to vector<256x2048xi32>
    %select_n3A_362 = arith.select %eq3A_359, %iota3A, %broadcast_in_dim3A_361 : vector<256x2048xi1>, vector<256x2048xi32>
    %reduce_min3A_363 = arith.constant dense<2147483647> : vector<256xi32>
    %reduce_min3A_364 = vector.multi_reduction <minsi>, %select_n3A_362, %reduce_min3A_363 [1] : vector<256x2048xi32> to vector<256xi32>
    %broadcast_in_dim3A_365 = vector.shape_cast %reduce_min3A_364 : vector<256xi32> to vector<256x1xi32>
    %mul3A_366 = arith.constant 2048 : i32
    %mul3A_367 = arith.muli %arg0, %mul3A_366 : i32
    %add3A_368 = vector.broadcast %mul3A_367 : i32 to vector<256x1xi32>
    %add3A_369 = arith.addi %broadcast_in_dim3A_365, %add3A_368 : vector<256x1xi32>
    %swap3A_370 = arith.constant 0 : index
    %swap3A_371 = arith.constant 0 : index
    %swap3A_372 = arith.constant 13 : index
    %swap3A_373 = vector.load %arg6[%swap3A_370, %swap3A_371, %swap3A_372] : memref<1x256x20xi32, #tpu.memory_space<vmem>>, vector<1x256x1xi32>
    %swap3A_374 = vector.shape_cast %swap3A_373 : vector<1x256x1xi32> to vector<256x1xi32>
    %swap3A_375 = vector.shape_cast %add3A_369 : vector<256x1xi32> to vector<1x256x1xi32>
    tpu.vector_store %arg6[%swap3A_370, %swap3A_371, %swap3A_372], %swap3A_375 {strides = array<i32>} : memref<1x256x20xi32, #tpu.memory_space<vmem>>, vector<1x256x1xi32>,
    %eq3A_376 = vector.broadcast %broadcast_in_dim3A_365 : vector<256x1xi32> to vector<256x2048xi32>
    %eq3A_377 = arith.cmpi eq, %iota3A, %eq3A_376 : vector<256x2048xi32>
    %jit3A_378 = arith.constant 0xFF800000 : f32
    %broadcast_in_dim3A_379 = vector.broadcast %jit3A_378 : f32 to vector<256x2048xf32>
    %select_n3A_380 = arith.select %eq3A_377, %broadcast_in_dim3A_379, %select_n3A_354 : vector<256x2048xi1>, vector<256x2048xf32>
    %reduce_max3A_381 = arith.constant dense<0xFF800000> : vector<256xf32>
    %reduce_max3A_382 = vector.multi_reduction <maximumf>, %select_n3A_380, %reduce_max3A_381 [1] : vector<256x2048xf32> to vector<256xf32>
    %broadcast_in_dim3A_383 = vector.shape_cast %reduce_max3A_382 : vector<256xf32> to vector<256x1xf32>
    %eq3A_384 = vector.broadcast %broadcast_in_dim3A_383 : vector<256x1xf32> to vector<256x2048xf32>
    %eq3A_385 = arith.cmpf oeq, %select_n3A_380, %eq3A_384 : vector<256x2048xf32>
    %jit3A_386 = arith.constant 2048 : i32
    %broadcast_in_dim3A_387 = vector.broadcast %jit3A_386 : i32 to vector<256x2048xi32>
    %select_n3A_388 = arith.select %eq3A_385, %iota3A, %broadcast_in_dim3A_387 : vector<256x2048xi1>, vector<256x2048xi32>
    %reduce_min3A_389 = arith.constant dense<2147483647> : vector<256xi32>
    %reduce_min3A_390 = vector.multi_reduction <minsi>, %select_n3A_388, %reduce_min3A_389 [1] : vector<256x2048xi32> to vector<256xi32>
    %broadcast_in_dim3A_391 = vector.shape_cast %reduce_min3A_390 : vector<256xi32> to vector<256x1xi32>
    %mul3A_392 = arith.constant 2048 : i32
    %mul3A_393 = arith.muli %arg0, %mul3A_392 : i32
    %add3A_394 = vector.broadcast %mul3A_393 : i32 to vector<256x1xi32>
    %add3A_395 = arith.addi %broadcast_in_dim3A_391, %add3A_394 : vector<256x1xi32>
    %swap3A_396 = arith.constant 0 : index
    %swap3A_397 = arith.constant 0 : index
    %swap3A_398 = arith.constant 14 : index
    %swap3A_399 = vector.load %arg6[%swap3A_396, %swap3A_397, %swap3A_398] : memref<1x256x20xi32, #tpu.memory_space<vmem>>, vector<1x256x1xi32>
    %swap3A_400 = vector.shape_cast %swap3A_399 : vector<1x256x1xi32> to vector<256x1xi32>
    %swap3A_401 = vector.shape_cast %add3A_395 : vector<256x1xi32> to vector<1x256x1xi32>
    tpu.vector_store %arg6[%swap3A_396, %swap3A_397, %swap3A_398], %swap3A_401 {strides = array<i32>} : memref<1x256x20xi32, #tpu.memory_space<vmem>>, vector<1x256x1xi32>,
    %eq3A_402 = vector.broadcast %broadcast_in_dim3A_391 : vector<256x1xi32> to vector<256x2048xi32>
    %eq3A_403 = arith.cmpi eq, %iota3A, %eq3A_402 : vector<256x2048xi32>
    %jit3A_404 = arith.constant 0xFF800000 : f32
    %broadcast_in_dim3A_405 = vector.broadcast %jit3A_404 : f32 to vector<256x2048xf32>
    %select_n3A_406 = arith.select %eq3A_403, %broadcast_in_dim3A_405, %select_n3A_380 : vector<256x2048xi1>, vector<256x2048xf32>
    %reduce_max3A_407 = arith.constant dense<0xFF800000> : vector<256xf32>
    %reduce_max3A_408 = vector.multi_reduction <maximumf>, %select_n3A_406, %reduce_max3A_407 [1] : vector<256x2048xf32> to vector<256xf32>
    %broadcast_in_dim3A_409 = vector.shape_cast %reduce_max3A_408 : vector<256xf32> to vector<256x1xf32>
    %eq3A_410 = vector.broadcast %broadcast_in_dim3A_409 : vector<256x1xf32> to vector<256x2048xf32>
    %eq3A_411 = arith.cmpf oeq, %select_n3A_406, %eq3A_410 : vector<256x2048xf32>
    %jit3A_412 = arith.constant 2048 : i32
    %broadcast_in_dim3A_413 = vector.broadcast %jit3A_412 : i32 to vector<256x2048xi32>
    %select_n3A_414 = arith.select %eq3A_411, %iota3A, %broadcast_in_dim3A_413 : vector<256x2048xi1>, vector<256x2048xi32>
    %reduce_min3A_415 = arith.constant dense<2147483647> : vector<256xi32>
    %reduce_min3A_416 = vector.multi_reduction <minsi>, %select_n3A_414, %reduce_min3A_415 [1] : vector<256x2048xi32> to vector<256xi32>
    %broadcast_in_dim3A_417 = vector.shape_cast %reduce_min3A_416 : vector<256xi32> to vector<256x1xi32>
    %mul3A_418 = arith.constant 2048 : i32
    %mul3A_419 = arith.muli %arg0, %mul3A_418 : i32
    %add3A_420 = vector.broadcast %mul3A_419 : i32 to vector<256x1xi32>
    %add3A_421 = arith.addi %broadcast_in_dim3A_417, %add3A_420 : vector<256x1xi32>
    %swap3A_422 = arith.constant 0 : index
    %swap3A_423 = arith.constant 0 : index
    %swap3A_424 = arith.constant 15 : index
    %swap3A_425 = vector.load %arg6[%swap3A_422, %swap3A_423, %swap3A_424] : memref<1x256x20xi32, #tpu.memory_space<vmem>>, vector<1x256x1xi32>
    %swap3A_426 = vector.shape_cast %swap3A_425 : vector<1x256x1xi32> to vector<256x1xi32>
    %swap3A_427 = vector.shape_cast %add3A_421 : vector<256x1xi32> to vector<1x256x1xi32>
    tpu.vector_store %arg6[%swap3A_422, %swap3A_423, %swap3A_424], %swap3A_427 {strides = array<i32>} : memref<1x256x20xi32, #tpu.memory_space<vmem>>, vector<1x256x1xi32>,
    %eq3A_428 = vector.broadcast %broadcast_in_dim3A_417 : vector<256x1xi32> to vector<256x2048xi32>
    %eq3A_429 = arith.cmpi eq, %iota3A, %eq3A_428 : vector<256x2048xi32>
    %jit3A_430 = arith.constant 0xFF800000 : f32
    %broadcast_in_dim3A_431 = vector.broadcast %jit3A_430 : f32 to vector<256x2048xf32>
    %select_n3A_432 = arith.select %eq3A_429, %broadcast_in_dim3A_431, %select_n3A_406 : vector<256x2048xi1>, vector<256x2048xf32>
    %reduce_max3A_433 = arith.constant dense<0xFF800000> : vector<256xf32>
    %reduce_max3A_434 = vector.multi_reduction <maximumf>, %select_n3A_432, %reduce_max3A_433 [1] : vector<256x2048xf32> to vector<256xf32>
    %broadcast_in_dim3A_435 = vector.shape_cast %reduce_max3A_434 : vector<256xf32> to vector<256x1xf32>
    %eq3A_436 = vector.broadcast %broadcast_in_dim3A_435 : vector<256x1xf32> to vector<256x2048xf32>
    %eq3A_437 = arith.cmpf oeq, %select_n3A_432, %eq3A_436 : vector<256x2048xf32>
    %jit3A_438 = arith.constant 2048 : i32
    %broadcast_in_dim3A_439 = vector.broadcast %jit3A_438 : i32 to vector<256x2048xi32>
    %select_n3A_440 = arith.select %eq3A_437, %iota3A, %broadcast_in_dim3A_439 : vector<256x2048xi1>, vector<256x2048xi32>
    %reduce_min3A_441 = arith.constant dense<2147483647> : vector<256xi32>
    %reduce_min3A_442 = vector.multi_reduction <minsi>, %select_n3A_440, %reduce_min3A_441 [1] : vector<256x2048xi32> to vector<256xi32>
    %broadcast_in_dim3A_443 = vector.shape_cast %reduce_min3A_442 : vector<256xi32> to vector<256x1xi32>
    %mul3A_444 = arith.constant 2048 : i32
    %mul3A_445 = arith.muli %arg0, %mul3A_444 : i32
    %add3A_446 = vector.broadcast %mul3A_445 : i32 to vector<256x1xi32>
    %add3A_447 = arith.addi %broadcast_in_dim3A_443, %add3A_446 : vector<256x1xi32>
    %swap3A_448 = arith.constant 0 : index
    %swap3A_449 = arith.constant 0 : index
    %swap3A_450 = arith.constant 16 : index
    %swap3A_451 = vector.load %arg6[%swap3A_448, %swap3A_449, %swap3A_450] : memref<1x256x20xi32, #tpu.memory_space<vmem>>, vector<1x256x1xi32>
    %swap3A_452 = vector.shape_cast %swap3A_451 : vector<1x256x1xi32> to vector<256x1xi32>
    %swap3A_453 = vector.shape_cast %add3A_447 : vector<256x1xi32> to vector<1x256x1xi32>
    tpu.vector_store %arg6[%swap3A_448, %swap3A_449, %swap3A_450], %swap3A_453 {strides = array<i32>} : memref<1x256x20xi32, #tpu.memory_space<vmem>>, vector<1x256x1xi32>,
    %eq3A_454 = vector.broadcast %broadcast_in_dim3A_443 : vector<256x1xi32> to vector<256x2048xi32>
    %eq3A_455 = arith.cmpi eq, %iota3A, %eq3A_454 : vector<256x2048xi32>
    %jit3A_456 = arith.constant 0xFF800000 : f32
    %broadcast_in_dim3A_457 = vector.broadcast %jit3A_456 : f32 to vector<256x2048xf32>
    %select_n3A_458 = arith.select %eq3A_455, %broadcast_in_dim3A_457, %select_n3A_432 : vector<256x2048xi1>, vector<256x2048xf32>
    %reduce_max3A_459 = arith.constant dense<0xFF800000> : vector<256xf32>
    %reduce_max3A_460 = vector.multi_reduction <maximumf>, %select_n3A_458, %reduce_max3A_459 [1] : vector<256x2048xf32> to vector<256xf32>
    %broadcast_in_dim3A_461 = vector.shape_cast %reduce_max3A_460 : vector<256xf32> to vector<256x1xf32>
    %eq3A_462 = vector.broadcast %broadcast_in_dim3A_461 : vector<256x1xf32> to vector<256x2048xf32>
    %eq3A_463 = arith.cmpf oeq, %select_n3A_458, %eq3A_462 : vector<256x2048xf32>
    %jit3A_464 = arith.constant 2048 : i32
    %broadcast_in_dim3A_465 = vector.broadcast %jit3A_464 : i32 to vector<256x2048xi32>
    %select_n3A_466 = arith.select %eq3A_463, %iota3A, %broadcast_in_dim3A_465 : vector<256x2048xi1>, vector<256x2048xi32>
    %reduce_min3A_467 = arith.constant dense<2147483647> : vector<256xi32>
    %reduce_min3A_468 = vector.multi_reduction <minsi>, %select_n3A_466, %reduce_min3A_467 [1] : vector<256x2048xi32> to vector<256xi32>
    %broadcast_in_dim3A_469 = vector.shape_cast %reduce_min3A_468 : vector<256xi32> to vector<256x1xi32>
    %mul3A_470 = arith.constant 2048 : i32
    %mul3A_471 = arith.muli %arg0, %mul3A_470 : i32
    %add3A_472 = vector.broadcast %mul3A_471 : i32 to vector<256x1xi32>
    %add3A_473 = arith.addi %broadcast_in_dim3A_469, %add3A_472 : vector<256x1xi32>
    %swap3A_474 = arith.constant 0 : index
    %swap3A_475 = arith.constant 0 : index
    %swap3A_476 = arith.constant 17 : index
    %swap3A_477 = vector.load %arg6[%swap3A_474, %swap3A_475, %swap3A_476] : memref<1x256x20xi32, #tpu.memory_space<vmem>>, vector<1x256x1xi32>
    %swap3A_478 = vector.shape_cast %swap3A_477 : vector<1x256x1xi32> to vector<256x1xi32>
    %swap3A_479 = vector.shape_cast %add3A_473 : vector<256x1xi32> to vector<1x256x1xi32>
    tpu.vector_store %arg6[%swap3A_474, %swap3A_475, %swap3A_476], %swap3A_479 {strides = array<i32>} : memref<1x256x20xi32, #tpu.memory_space<vmem>>, vector<1x256x1xi32>,
    %eq3A_480 = vector.broadcast %broadcast_in_dim3A_469 : vector<256x1xi32> to vector<256x2048xi32>
    %eq3A_481 = arith.cmpi eq, %iota3A, %eq3A_480 : vector<256x2048xi32>
    %jit3A_482 = arith.constant 0xFF800000 : f32
    %broadcast_in_dim3A_483 = vector.broadcast %jit3A_482 : f32 to vector<256x2048xf32>
    %select_n3A_484 = arith.select %eq3A_481, %broadcast_in_dim3A_483, %select_n3A_458 : vector<256x2048xi1>, vector<256x2048xf32>
    %reduce_max3A_485 = arith.constant dense<0xFF800000> : vector<256xf32>
    %reduce_max3A_486 = vector.multi_reduction <maximumf>, %select_n3A_484, %reduce_max3A_485 [1] : vector<256x2048xf32> to vector<256xf32>
    %broadcast_in_dim3A_487 = vector.shape_cast %reduce_max3A_486 : vector<256xf32> to vector<256x1xf32>
    %eq3A_488 = vector.broadcast %broadcast_in_dim3A_487 : vector<256x1xf32> to vector<256x2048xf32>
    %eq3A_489 = arith.cmpf oeq, %select_n3A_484, %eq3A_488 : vector<256x2048xf32>
    %jit3A_490 = arith.constant 2048 : i32
    %broadcast_in_dim3A_491 = vector.broadcast %jit3A_490 : i32 to vector<256x2048xi32>
    %select_n3A_492 = arith.select %eq3A_489, %iota3A, %broadcast_in_dim3A_491 : vector<256x2048xi1>, vector<256x2048xi32>
    %reduce_min3A_493 = arith.constant dense<2147483647> : vector<256xi32>
    %reduce_min3A_494 = vector.multi_reduction <minsi>, %select_n3A_492, %reduce_min3A_493 [1] : vector<256x2048xi32> to vector<256xi32>
    %broadcast_in_dim3A_495 = vector.shape_cast %reduce_min3A_494 : vector<256xi32> to vector<256x1xi32>
    %mul3A_496 = arith.constant 2048 : i32
    %mul3A_497 = arith.muli %arg0, %mul3A_496 : i32
    %add3A_498 = vector.broadcast %mul3A_497 : i32 to vector<256x1xi32>
    %add3A_499 = arith.addi %broadcast_in_dim3A_495, %add3A_498 : vector<256x1xi32>
    %swap3A_500 = arith.constant 0 : index
    %swap3A_501 = arith.constant 0 : index
    %swap3A_502 = arith.constant 18 : index
    %swap3A_503 = vector.load %arg6[%swap3A_500, %swap3A_501, %swap3A_502] : memref<1x256x20xi32, #tpu.memory_space<vmem>>, vector<1x256x1xi32>
    %swap3A_504 = vector.shape_cast %swap3A_503 : vector<1x256x1xi32> to vector<256x1xi32>
    %swap3A_505 = vector.shape_cast %add3A_499 : vector<256x1xi32> to vector<1x256x1xi32>
    tpu.vector_store %arg6[%swap3A_500, %swap3A_501, %swap3A_502], %swap3A_505 {strides = array<i32>} : memref<1x256x20xi32, #tpu.memory_space<vmem>>, vector<1x256x1xi32>,
    %eq3A_506 = vector.broadcast %broadcast_in_dim3A_495 : vector<256x1xi32> to vector<256x2048xi32>
    %eq3A_507 = arith.cmpi eq, %iota3A, %eq3A_506 : vector<256x2048xi32>
    %jit3A_508 = arith.constant 0xFF800000 : f32
    %broadcast_in_dim3A_509 = vector.broadcast %jit3A_508 : f32 to vector<256x2048xf32>
    %select_n3A_510 = arith.select %eq3A_507, %broadcast_in_dim3A_509, %select_n3A_484 : vector<256x2048xi1>, vector<256x2048xf32>
    %reduce_max3A_511 = arith.constant dense<0xFF800000> : vector<256xf32>
    %reduce_max3A_512 = vector.multi_reduction <maximumf>, %select_n3A_510, %reduce_max3A_511 [1] : vector<256x2048xf32> to vector<256xf32>
    %broadcast_in_dim3A_513 = vector.shape_cast %reduce_max3A_512 : vector<256xf32> to vector<256x1xf32>
    %eq3A_514 = vector.broadcast %broadcast_in_dim3A_513 : vector<256x1xf32> to vector<256x2048xf32>
    %eq3A_515 = arith.cmpf oeq, %select_n3A_510, %eq3A_514 : vector<256x2048xf32>
    %jit3A_516 = arith.constant 2048 : i32
    %broadcast_in_dim3A_517 = vector.broadcast %jit3A_516 : i32 to vector<256x2048xi32>
    %select_n3A_518 = arith.select %eq3A_515, %iota3A, %broadcast_in_dim3A_517 : vector<256x2048xi1>, vector<256x2048xi32>
    %reduce_min3A_519 = arith.constant dense<2147483647> : vector<256xi32>
    %reduce_min3A_520 = vector.multi_reduction <minsi>, %select_n3A_518, %reduce_min3A_519 [1] : vector<256x2048xi32> to vector<256xi32>
    %broadcast_in_dim3A_521 = vector.shape_cast %reduce_min3A_520 : vector<256xi32> to vector<256x1xi32>
    %mul3A_522 = arith.constant 2048 : i32
    %mul3A_523 = arith.muli %arg0, %mul3A_522 : i32
    %add3A_524 = vector.broadcast %mul3A_523 : i32 to vector<256x1xi32>
    %add3A_525 = arith.addi %broadcast_in_dim3A_521, %add3A_524 : vector<256x1xi32>
    %swap3A_526 = arith.constant 0 : index
    %swap3A_527 = arith.constant 0 : index
    %swap3A_528 = arith.constant 19 : index
    %swap3A_529 = vector.load %arg6[%swap3A_526, %swap3A_527, %swap3A_528] : memref<1x256x20xi32, #tpu.memory_space<vmem>>, vector<1x256x1xi32>
    %swap3A_530 = vector.shape_cast %swap3A_529 : vector<1x256x1xi32> to vector<256x1xi32>
    %swap3A_531 = vector.shape_cast %add3A_525 : vector<256x1xi32> to vector<1x256x1xi32>
    tpu.vector_store %arg6[%swap3A_526, %swap3A_527, %swap3A_528], %swap3A_531 {strides = array<i32>} : memref<1x256x20xi32, #tpu.memory_space<vmem>>, vector<1x256x1xi32>,
    return
  }
  func.func @transform_0(%arg0: i32, %arg1: i32) -> (i32, i32, i32) {
    %c0_i32 = arith.constant 0 : i32
    %c0_i32_0 = arith.constant 0 : i32
    return %arg0, %arg1, %c0_i32 : i32, i32, i32
  }
  func.func @transform_1(%arg0: i32, %arg1: i32) -> (i32, i32, i32) {
    %c0_i32 = arith.constant 0 : i32
    %c0_i32_0 = arith.constant 0 : i32
    %c0_i32_1 = arith.constant 0 : i32
    return %arg0, %c0_i32, %c0_i32_0 : i32, i32, i32
  }
  func.func @transform_2(%arg0: i32, %arg1: i32) -> (i32, i32, i32) {
    %c0_i32 = arith.constant 0 : i32
    %c0_i32_0 = arith.constant 0 : i32
    return %arg0, %arg1, %c0_i32 : i32, i32, i32
  }
  func.func @transform_3(%arg0: i32, %arg1: i32) -> (i32, i32, i32) {
    %c0_i32 = arith.constant 0 : i32
    %c0_i32_0 = arith.constant 0 : i32
    %c0_i32_1 = arith.constant 0 : i32
    return %arg0, %c0_i32, %c0_i32_0 : i32, i32, i32
  }
  func.func @transform_4(%arg0: i32, %arg1: i32) -> (i32, i32, i32) {
    %c0_i32 = arith.constant 0 : i32
    %c0_i32_0 = arith.constant 0 : i32
    return %arg0, %arg1, %c0_i32 : i32, i32, i32
  }
}

module attributes {stable_mosaic.version = 14 : i64} {
  func.func @_conv_body(%arg0: i32, %arg1: memref<2560x128xf32, #tpu.memory_space<vmem>>, %arg2: memref<128x128xf32, #tpu.memory_space<vmem>>, %arg3: memref<256x256xf32, #tpu.memory_space<vmem>>, %arg4: memref<1x256xf32, #tpu.memory_space<vmem>>, %arg5: memref<128x256xf32, #tpu.memory_space<vmem>>, %arg6: memref<128x256xf32, #tpu.memory_space<vmem>>, %arg7: memref<128x256xf32, #tpu.memory_space<vmem>>) attributes {dimension_semantics = [#tpu.dimension_semantics<arbitrary>], iteration_bounds = array<i64: 128>, scalar_prefetch = 0 : i64, scratch_operands = 0 : i64, tpu.core_type = #tpu.core_type<tc>, window_params = [{transform_indices = @transform_0, window_bounds = array<i64: 2560, 128>}, {transform_indices = @transform_1, window_bounds = array<i64: 128, 128>}, {pipeline_mode = #tpu.pipeline_mode<synchronous>, transform_indices = @transform_2, window_bounds = array<i64: 256, 256>}, {pipeline_mode = #tpu.pipeline_mode<synchronous>, transform_indices = @transform_3, window_bounds = array<i64: 1, 256>}, {transform_indices = @transform_4, window_bounds = array<i64: 128, 256>}, {transform_indices = @transform_5, window_bounds = array<i64: 128, 256>}, {transform_indices = @transform_6, window_bounds = array<i64: 128, 256>}]} {
    %get3A = arith.constant 0 : index
    %get3A_0 = arith.constant 0 : index
    %get3A_1 = vector.load %arg2[%get3A, %get3A_0] : memref<128x128xf32, #tpu.memory_space<vmem>>, vector<128x128xf32>
    %reshape3A = vector.shape_cast %get3A_1 : vector<128x128xf32> to vector<128x1x128xf32>
    %get3A_2 = arith.constant 0 : index
    %get3A_3 = arith.constant 0 : index
    %get3A_4 = vector.load %arg1[%get3A_2, %get3A_3] : memref<2560x128xf32, #tpu.memory_space<vmem>>, vector<2560x128xf32>
    %reshape3A_5 = vector.shape_cast %get3A_4 : vector<2560x128xf32> to vector<128x20x128xf32>
    %sub3A = vector.broadcast %reshape3A : vector<128x1x128xf32> to vector<128x20x128xf32>
    %sub3A_6 = arith.subf %reshape3A_5, %sub3A : vector<128x20x128xf32>
    %broadcast_in_dim3A = vector.shape_cast %reshape3A : vector<128x1x128xf32> to vector<128x1x128xf32>
    %broadcast_in_dim3A_7 = vector.broadcast %broadcast_in_dim3A : vector<128x1x128xf32> to vector<128x20x128xf32>
    %concatenate3A = tpu.concatenate %sub3A_6, %broadcast_in_dim3A_7 in 2 : vector<128x20x128xf32>, vector<128x20x128xf32> -> vector<128x20x256xf32>
    %reshape3A_8 = vector.shape_cast %concatenate3A : vector<128x20x256xf32> to vector<2560x256xf32>
    %get3A_9 = arith.constant 0 : index
    %get3A_10 = arith.constant 0 : index
    %get3A_11 = vector.load %arg3[%get3A_9, %get3A_10] : memref<256x256xf32, #tpu.memory_space<vmem>>, vector<256x256xf32>
    %dot_general3A = arith.constant dense<0.000000e+00> : vector<2560x256xf32>
    %dot_general3A_12 = tpu.matmul %reshape3A_8, %get3A_11, %dot_general3A {dimension_numbers = #tpu.dot_dimension_numbers<[1], [0], [0], [1], [0, 0, 1, 1], [], []>, transpose_lhs_hint = false} : vector<2560x256xf32>, vector<256x256xf32>, vector<2560x256xf32> -> vector<2560x256xf32>
    %get3A_13 = arith.constant 0 : index
    %get3A_14 = arith.constant 0 : index
    %get3A_15 = vector.load %arg4[%get3A_13, %get3A_14] : memref<1x256xf32, #tpu.memory_space<vmem>>, vector<1x256xf32>
    %add3A = vector.broadcast %get3A_15 : vector<1x256xf32> to vector<2560x256xf32>
    %add3A_16 = arith.addf %dot_general3A_12, %add3A : vector<2560x256xf32>
    %reshape3A_17 = vector.shape_cast %add3A_16 : vector<2560x256xf32> to vector<128x20x256xf32>
    %slice3A = vector.extract_strided_slice %reshape3A_17 {offsets = [0, 0, 0], sizes = [128, 1, 256], strides = [1, 1, 1]} : vector<128x20x256xf32> to vector<128x1x256xf32>
    %squeeze3A = vector.shape_cast %slice3A : vector<128x1x256xf32> to vector<128x256xf32>
    %slice3A_18 = vector.extract_strided_slice %reshape3A_17 {offsets = [0, 0, 0], sizes = [128, 1, 256], strides = [1, 1, 1]} : vector<128x20x256xf32> to vector<128x1x256xf32>
    %squeeze3A_19 = vector.shape_cast %slice3A_18 : vector<128x1x256xf32> to vector<128x256xf32>
    %slice3A_20 = vector.extract_strided_slice %reshape3A_17 {offsets = [0, 0, 0], sizes = [128, 1, 256], strides = [1, 1, 1]} : vector<128x20x256xf32> to vector<128x1x256xf32>
    %squeeze3A_21 = vector.shape_cast %slice3A_20 : vector<128x1x256xf32> to vector<128x256xf32>
    %slice3A_22 = vector.extract_strided_slice %reshape3A_17 {offsets = [0, 0, 0], sizes = [128, 1, 256], strides = [1, 1, 1]} : vector<128x20x256xf32> to vector<128x1x256xf32>
    %squeeze3A_23 = vector.shape_cast %slice3A_22 : vector<128x1x256xf32> to vector<128x256xf32>
    %mul3A = arith.mulf %squeeze3A_21, %squeeze3A_23 : vector<128x256xf32>
    %slice3A_24 = vector.extract_strided_slice %reshape3A_17 {offsets = [0, 1, 0], sizes = [128, 1, 256], strides = [1, 1, 1]} : vector<128x20x256xf32> to vector<128x1x256xf32>
    %squeeze3A_25 = vector.shape_cast %slice3A_24 : vector<128x1x256xf32> to vector<128x256xf32>
    %max3A = arith.maximumf %squeeze3A, %squeeze3A_25 : vector<128x256xf32>
    %add3A_26 = arith.addf %squeeze3A_19, %squeeze3A_25 : vector<128x256xf32>
    %mul3A_27 = arith.mulf %squeeze3A_25, %squeeze3A_25 : vector<128x256xf32>
    %add3A_28 = arith.addf %mul3A, %mul3A_27 : vector<128x256xf32>
    %slice3A_29 = vector.extract_strided_slice %reshape3A_17 {offsets = [0, 2, 0], sizes = [128, 1, 256], strides = [1, 1, 1]} : vector<128x20x256xf32> to vector<128x1x256xf32>
    %squeeze3A_30 = vector.shape_cast %slice3A_29 : vector<128x1x256xf32> to vector<128x256xf32>
    %max3A_31 = arith.maximumf %max3A, %squeeze3A_30 : vector<128x256xf32>
    %add3A_32 = arith.addf %add3A_26, %squeeze3A_30 : vector<128x256xf32>
    %mul3A_33 = arith.mulf %squeeze3A_30, %squeeze3A_30 : vector<128x256xf32>
    %add3A_34 = arith.addf %add3A_28, %mul3A_33 : vector<128x256xf32>
    %slice3A_35 = vector.extract_strided_slice %reshape3A_17 {offsets = [0, 3, 0], sizes = [128, 1, 256], strides = [1, 1, 1]} : vector<128x20x256xf32> to vector<128x1x256xf32>
    %squeeze3A_36 = vector.shape_cast %slice3A_35 : vector<128x1x256xf32> to vector<128x256xf32>
    %max3A_37 = arith.maximumf %max3A_31, %squeeze3A_36 : vector<128x256xf32>
    %add3A_38 = arith.addf %add3A_32, %squeeze3A_36 : vector<128x256xf32>
    %mul3A_39 = arith.mulf %squeeze3A_36, %squeeze3A_36 : vector<128x256xf32>
    %add3A_40 = arith.addf %add3A_34, %mul3A_39 : vector<128x256xf32>
    %slice3A_41 = vector.extract_strided_slice %reshape3A_17 {offsets = [0, 4, 0], sizes = [128, 1, 256], strides = [1, 1, 1]} : vector<128x20x256xf32> to vector<128x1x256xf32>
    %squeeze3A_42 = vector.shape_cast %slice3A_41 : vector<128x1x256xf32> to vector<128x256xf32>
    %max3A_43 = arith.maximumf %max3A_37, %squeeze3A_42 : vector<128x256xf32>
    %add3A_44 = arith.addf %add3A_38, %squeeze3A_42 : vector<128x256xf32>
    %mul3A_45 = arith.mulf %squeeze3A_42, %squeeze3A_42 : vector<128x256xf32>
    %add3A_46 = arith.addf %add3A_40, %mul3A_45 : vector<128x256xf32>
    %slice3A_47 = vector.extract_strided_slice %reshape3A_17 {offsets = [0, 5, 0], sizes = [128, 1, 256], strides = [1, 1, 1]} : vector<128x20x256xf32> to vector<128x1x256xf32>
    %squeeze3A_48 = vector.shape_cast %slice3A_47 : vector<128x1x256xf32> to vector<128x256xf32>
    %max3A_49 = arith.maximumf %max3A_43, %squeeze3A_48 : vector<128x256xf32>
    %add3A_50 = arith.addf %add3A_44, %squeeze3A_48 : vector<128x256xf32>
    %mul3A_51 = arith.mulf %squeeze3A_48, %squeeze3A_48 : vector<128x256xf32>
    %add3A_52 = arith.addf %add3A_46, %mul3A_51 : vector<128x256xf32>
    %slice3A_53 = vector.extract_strided_slice %reshape3A_17 {offsets = [0, 6, 0], sizes = [128, 1, 256], strides = [1, 1, 1]} : vector<128x20x256xf32> to vector<128x1x256xf32>
    %squeeze3A_54 = vector.shape_cast %slice3A_53 : vector<128x1x256xf32> to vector<128x256xf32>
    %max3A_55 = arith.maximumf %max3A_49, %squeeze3A_54 : vector<128x256xf32>
    %add3A_56 = arith.addf %add3A_50, %squeeze3A_54 : vector<128x256xf32>
    %mul3A_57 = arith.mulf %squeeze3A_54, %squeeze3A_54 : vector<128x256xf32>
    %add3A_58 = arith.addf %add3A_52, %mul3A_57 : vector<128x256xf32>
    %slice3A_59 = vector.extract_strided_slice %reshape3A_17 {offsets = [0, 7, 0], sizes = [128, 1, 256], strides = [1, 1, 1]} : vector<128x20x256xf32> to vector<128x1x256xf32>
    %squeeze3A_60 = vector.shape_cast %slice3A_59 : vector<128x1x256xf32> to vector<128x256xf32>
    %max3A_61 = arith.maximumf %max3A_55, %squeeze3A_60 : vector<128x256xf32>
    %add3A_62 = arith.addf %add3A_56, %squeeze3A_60 : vector<128x256xf32>
    %mul3A_63 = arith.mulf %squeeze3A_60, %squeeze3A_60 : vector<128x256xf32>
    %add3A_64 = arith.addf %add3A_58, %mul3A_63 : vector<128x256xf32>
    %slice3A_65 = vector.extract_strided_slice %reshape3A_17 {offsets = [0, 8, 0], sizes = [128, 1, 256], strides = [1, 1, 1]} : vector<128x20x256xf32> to vector<128x1x256xf32>
    %squeeze3A_66 = vector.shape_cast %slice3A_65 : vector<128x1x256xf32> to vector<128x256xf32>
    %max3A_67 = arith.maximumf %max3A_61, %squeeze3A_66 : vector<128x256xf32>
    %add3A_68 = arith.addf %add3A_62, %squeeze3A_66 : vector<128x256xf32>
    %mul3A_69 = arith.mulf %squeeze3A_66, %squeeze3A_66 : vector<128x256xf32>
    %add3A_70 = arith.addf %add3A_64, %mul3A_69 : vector<128x256xf32>
    %slice3A_71 = vector.extract_strided_slice %reshape3A_17 {offsets = [0, 9, 0], sizes = [128, 1, 256], strides = [1, 1, 1]} : vector<128x20x256xf32> to vector<128x1x256xf32>
    %squeeze3A_72 = vector.shape_cast %slice3A_71 : vector<128x1x256xf32> to vector<128x256xf32>
    %max3A_73 = arith.maximumf %max3A_67, %squeeze3A_72 : vector<128x256xf32>
    %add3A_74 = arith.addf %add3A_68, %squeeze3A_72 : vector<128x256xf32>
    %mul3A_75 = arith.mulf %squeeze3A_72, %squeeze3A_72 : vector<128x256xf32>
    %add3A_76 = arith.addf %add3A_70, %mul3A_75 : vector<128x256xf32>
    %slice3A_77 = vector.extract_strided_slice %reshape3A_17 {offsets = [0, 10, 0], sizes = [128, 1, 256], strides = [1, 1, 1]} : vector<128x20x256xf32> to vector<128x1x256xf32>
    %squeeze3A_78 = vector.shape_cast %slice3A_77 : vector<128x1x256xf32> to vector<128x256xf32>
    %max3A_79 = arith.maximumf %max3A_73, %squeeze3A_78 : vector<128x256xf32>
    %add3A_80 = arith.addf %add3A_74, %squeeze3A_78 : vector<128x256xf32>
    %mul3A_81 = arith.mulf %squeeze3A_78, %squeeze3A_78 : vector<128x256xf32>
    %add3A_82 = arith.addf %add3A_76, %mul3A_81 : vector<128x256xf32>
    %slice3A_83 = vector.extract_strided_slice %reshape3A_17 {offsets = [0, 11, 0], sizes = [128, 1, 256], strides = [1, 1, 1]} : vector<128x20x256xf32> to vector<128x1x256xf32>
    %squeeze3A_84 = vector.shape_cast %slice3A_83 : vector<128x1x256xf32> to vector<128x256xf32>
    %max3A_85 = arith.maximumf %max3A_79, %squeeze3A_84 : vector<128x256xf32>
    %add3A_86 = arith.addf %add3A_80, %squeeze3A_84 : vector<128x256xf32>
    %mul3A_87 = arith.mulf %squeeze3A_84, %squeeze3A_84 : vector<128x256xf32>
    %add3A_88 = arith.addf %add3A_82, %mul3A_87 : vector<128x256xf32>
    %slice3A_89 = vector.extract_strided_slice %reshape3A_17 {offsets = [0, 12, 0], sizes = [128, 1, 256], strides = [1, 1, 1]} : vector<128x20x256xf32> to vector<128x1x256xf32>
    %squeeze3A_90 = vector.shape_cast %slice3A_89 : vector<128x1x256xf32> to vector<128x256xf32>
    %max3A_91 = arith.maximumf %max3A_85, %squeeze3A_90 : vector<128x256xf32>
    %add3A_92 = arith.addf %add3A_86, %squeeze3A_90 : vector<128x256xf32>
    %mul3A_93 = arith.mulf %squeeze3A_90, %squeeze3A_90 : vector<128x256xf32>
    %add3A_94 = arith.addf %add3A_88, %mul3A_93 : vector<128x256xf32>
    %slice3A_95 = vector.extract_strided_slice %reshape3A_17 {offsets = [0, 13, 0], sizes = [128, 1, 256], strides = [1, 1, 1]} : vector<128x20x256xf32> to vector<128x1x256xf32>
    %squeeze3A_96 = vector.shape_cast %slice3A_95 : vector<128x1x256xf32> to vector<128x256xf32>
    %max3A_97 = arith.maximumf %max3A_91, %squeeze3A_96 : vector<128x256xf32>
    %add3A_98 = arith.addf %add3A_92, %squeeze3A_96 : vector<128x256xf32>
    %mul3A_99 = arith.mulf %squeeze3A_96, %squeeze3A_96 : vector<128x256xf32>
    %add3A_100 = arith.addf %add3A_94, %mul3A_99 : vector<128x256xf32>
    %slice3A_101 = vector.extract_strided_slice %reshape3A_17 {offsets = [0, 14, 0], sizes = [128, 1, 256], strides = [1, 1, 1]} : vector<128x20x256xf32> to vector<128x1x256xf32>
    %squeeze3A_102 = vector.shape_cast %slice3A_101 : vector<128x1x256xf32> to vector<128x256xf32>
    %max3A_103 = arith.maximumf %max3A_97, %squeeze3A_102 : vector<128x256xf32>
    %add3A_104 = arith.addf %add3A_98, %squeeze3A_102 : vector<128x256xf32>
    %mul3A_105 = arith.mulf %squeeze3A_102, %squeeze3A_102 : vector<128x256xf32>
    %add3A_106 = arith.addf %add3A_100, %mul3A_105 : vector<128x256xf32>
    %slice3A_107 = vector.extract_strided_slice %reshape3A_17 {offsets = [0, 15, 0], sizes = [128, 1, 256], strides = [1, 1, 1]} : vector<128x20x256xf32> to vector<128x1x256xf32>
    %squeeze3A_108 = vector.shape_cast %slice3A_107 : vector<128x1x256xf32> to vector<128x256xf32>
    %max3A_109 = arith.maximumf %max3A_103, %squeeze3A_108 : vector<128x256xf32>
    %add3A_110 = arith.addf %add3A_104, %squeeze3A_108 : vector<128x256xf32>
    %mul3A_111 = arith.mulf %squeeze3A_108, %squeeze3A_108 : vector<128x256xf32>
    %add3A_112 = arith.addf %add3A_106, %mul3A_111 : vector<128x256xf32>
    %slice3A_113 = vector.extract_strided_slice %reshape3A_17 {offsets = [0, 16, 0], sizes = [128, 1, 256], strides = [1, 1, 1]} : vector<128x20x256xf32> to vector<128x1x256xf32>
    %squeeze3A_114 = vector.shape_cast %slice3A_113 : vector<128x1x256xf32> to vector<128x256xf32>
    %max3A_115 = arith.maximumf %max3A_109, %squeeze3A_114 : vector<128x256xf32>
    %add3A_116 = arith.addf %add3A_110, %squeeze3A_114 : vector<128x256xf32>
    %mul3A_117 = arith.mulf %squeeze3A_114, %squeeze3A_114 : vector<128x256xf32>
    %add3A_118 = arith.addf %add3A_112, %mul3A_117 : vector<128x256xf32>
    %slice3A_119 = vector.extract_strided_slice %reshape3A_17 {offsets = [0, 17, 0], sizes = [128, 1, 256], strides = [1, 1, 1]} : vector<128x20x256xf32> to vector<128x1x256xf32>
    %squeeze3A_120 = vector.shape_cast %slice3A_119 : vector<128x1x256xf32> to vector<128x256xf32>
    %max3A_121 = arith.maximumf %max3A_115, %squeeze3A_120 : vector<128x256xf32>
    %add3A_122 = arith.addf %add3A_116, %squeeze3A_120 : vector<128x256xf32>
    %mul3A_123 = arith.mulf %squeeze3A_120, %squeeze3A_120 : vector<128x256xf32>
    %add3A_124 = arith.addf %add3A_118, %mul3A_123 : vector<128x256xf32>
    %slice3A_125 = vector.extract_strided_slice %reshape3A_17 {offsets = [0, 18, 0], sizes = [128, 1, 256], strides = [1, 1, 1]} : vector<128x20x256xf32> to vector<128x1x256xf32>
    %squeeze3A_126 = vector.shape_cast %slice3A_125 : vector<128x1x256xf32> to vector<128x256xf32>
    %max3A_127 = arith.maximumf %max3A_121, %squeeze3A_126 : vector<128x256xf32>
    %add3A_128 = arith.addf %add3A_122, %squeeze3A_126 : vector<128x256xf32>
    %mul3A_129 = arith.mulf %squeeze3A_126, %squeeze3A_126 : vector<128x256xf32>
    %add3A_130 = arith.addf %add3A_124, %mul3A_129 : vector<128x256xf32>
    %slice3A_131 = vector.extract_strided_slice %reshape3A_17 {offsets = [0, 19, 0], sizes = [128, 1, 256], strides = [1, 1, 1]} : vector<128x20x256xf32> to vector<128x1x256xf32>
    %squeeze3A_132 = vector.shape_cast %slice3A_131 : vector<128x1x256xf32> to vector<128x256xf32>
    %max3A_133 = arith.maximumf %max3A_127, %squeeze3A_132 : vector<128x256xf32>
    %add3A_134 = arith.addf %add3A_128, %squeeze3A_132 : vector<128x256xf32>
    %mul3A_135 = arith.mulf %squeeze3A_132, %squeeze3A_132 : vector<128x256xf32>
    %add3A_136 = arith.addf %add3A_130, %mul3A_135 : vector<128x256xf32>
    %swap3A = arith.constant 0 : index
    %swap3A_137 = arith.constant 0 : index
    %swap3A_138 = vector.load %arg5[%swap3A, %swap3A_137] : memref<128x256xf32, #tpu.memory_space<vmem>>, vector<128x256xf32>
    tpu.vector_store %arg5[%swap3A, %swap3A_137], %max3A_133 {strides = array<i32>} : memref<128x256xf32, #tpu.memory_space<vmem>>, vector<128x256xf32>,
    %swap3A_139 = arith.constant 0 : index
    %swap3A_140 = arith.constant 0 : index
    %swap3A_141 = vector.load %arg6[%swap3A_139, %swap3A_140] : memref<128x256xf32, #tpu.memory_space<vmem>>, vector<128x256xf32>
    tpu.vector_store %arg6[%swap3A_139, %swap3A_140], %add3A_134 {strides = array<i32>} : memref<128x256xf32, #tpu.memory_space<vmem>>, vector<128x256xf32>,
    %swap3A_142 = arith.constant 0 : index
    %swap3A_143 = arith.constant 0 : index
    %swap3A_144 = vector.load %arg7[%swap3A_142, %swap3A_143] : memref<128x256xf32, #tpu.memory_space<vmem>>, vector<128x256xf32>
    tpu.vector_store %arg7[%swap3A_142, %swap3A_143], %add3A_136 {strides = array<i32>} : memref<128x256xf32, #tpu.memory_space<vmem>>, vector<128x256xf32>,
    return
  }
  func.func @transform_0(%arg0: i32) -> (i32, i32) {
    %c0_i32 = arith.constant 0 : i32
    %c0_i32_0 = arith.constant 0 : i32
    return %arg0, %c0_i32 : i32, i32
  }
  func.func @transform_1(%arg0: i32) -> (i32, i32) {
    %c0_i32 = arith.constant 0 : i32
    %c0_i32_0 = arith.constant 0 : i32
    return %arg0, %c0_i32 : i32, i32
  }
  func.func @transform_2(%arg0: i32) -> (i32, i32) {
    %c0_i32 = arith.constant 0 : i32
    %c0_i32_0 = arith.constant 0 : i32
    %c0_i32_1 = arith.constant 0 : i32
    return %c0_i32, %c0_i32_0 : i32, i32
  }
  func.func @transform_3(%arg0: i32) -> (i32, i32) {
    %c0_i32 = arith.constant 0 : i32
    %c0_i32_0 = arith.constant 0 : i32
    %c0_i32_1 = arith.constant 0 : i32
    return %c0_i32, %c0_i32_0 : i32, i32
  }
  func.func @transform_4(%arg0: i32) -> (i32, i32) {
    %c0_i32 = arith.constant 0 : i32
    %c0_i32_0 = arith.constant 0 : i32
    return %arg0, %c0_i32 : i32, i32
  }
  func.func @transform_5(%arg0: i32) -> (i32, i32) {
    %c0_i32 = arith.constant 0 : i32
    %c0_i32_0 = arith.constant 0 : i32
    return %arg0, %c0_i32 : i32, i32
  }
  func.func @transform_6(%arg0: i32) -> (i32, i32) {
    %c0_i32 = arith.constant 0 : i32
    %c0_i32_0 = arith.constant 0 : i32
    return %arg0, %c0_i32 : i32, i32
  }
}

module attributes {stable_mosaic.version = 14 : i64} {
  func.func @_stats_body(%arg0: i32, %arg1: memref<2048x256xf32, #tpu.memory_space<vmem>>, %arg2: memref<2048x256xf32, #tpu.memory_space<vmem>>, %arg3: memref<1x256xf32, #tpu.memory_space<vmem>>, %arg4: memref<1x256xf32, #tpu.memory_space<vmem>>) attributes {dimension_semantics = [#tpu.dimension_semantics<arbitrary>], iteration_bounds = array<i64: 8>, scalar_prefetch = 0 : i64, scratch_operands = 0 : i64, tpu.core_type = #tpu.core_type<tc>, window_params = [{transform_indices = @transform_0, window_bounds = array<i64: 2048, 256>}, {transform_indices = @transform_1, window_bounds = array<i64: 2048, 256>}, {pipeline_mode = #tpu.pipeline_mode<synchronous>, transform_indices = @transform_2, window_bounds = array<i64: 1, 256>}, {pipeline_mode = #tpu.pipeline_mode<synchronous>, transform_indices = @transform_3, window_bounds = array<i64: 1, 256>}]} {
    %get3A = arith.constant 0 : index
    %get3A_0 = arith.constant 0 : index
    %get3A_1 = vector.load %arg1[%get3A, %get3A_0] : memref<2048x256xf32, #tpu.memory_space<vmem>>, vector<2048x256xf32>
    %reduce_sum3A = arith.constant dense<0.000000e+00> : vector<256xf32>
    %reduce_sum3A_2 = vector.multi_reduction <add>, %get3A_1, %reduce_sum3A [0] : vector<2048x256xf32> to vector<256xf32>
    %broadcast_in_dim3A = vector.shape_cast %reduce_sum3A_2 : vector<256xf32> to vector<1x256xf32>
    %get3A_3 = arith.constant 0 : index
    %get3A_4 = arith.constant 0 : index
    %get3A_5 = vector.load %arg2[%get3A_3, %get3A_4] : memref<2048x256xf32, #tpu.memory_space<vmem>>, vector<2048x256xf32>
    %reduce_sum3A_6 = arith.constant dense<0.000000e+00> : vector<256xf32>
    %reduce_sum3A_7 = vector.multi_reduction <add>, %get3A_5, %reduce_sum3A_6 [0] : vector<2048x256xf32> to vector<256xf32>
    %broadcast_in_dim3A_8 = vector.shape_cast %reduce_sum3A_7 : vector<256xf32> to vector<1x256xf32>
    %eq3A = arith.constant 0 : i32
    %eq3A_9 = arith.cmpi eq, %arg0, %eq3A : i32
    %convert_element_type3A = arith.extui %eq3A_9 : i1 to i32
    %cond3A = arith.constant 0 : i32
    %cond3A_10 = arith.cmpi ne, %convert_element_type3A, %cond3A : i32
    scf.if %cond3A_10 {
      %swap3A = arith.constant 0 : index
      %swap3A_15 = arith.constant 0 : index
      %swap3A_16 = vector.load %arg3[%swap3A, %swap3A_15] : memref<1x256xf32, #tpu.memory_space<vmem>>, vector<1x256xf32>
      tpu.vector_store %arg3[%swap3A, %swap3A_15], %broadcast_in_dim3A {strides = array<i32>} : memref<1x256xf32, #tpu.memory_space<vmem>>, vector<1x256xf32>,
      %swap3A_17 = arith.constant 0 : index
      %swap3A_18 = arith.constant 0 : index
      %swap3A_19 = vector.load %arg4[%swap3A_17, %swap3A_18] : memref<1x256xf32, #tpu.memory_space<vmem>>, vector<1x256xf32>
      tpu.vector_store %arg4[%swap3A_17, %swap3A_18], %broadcast_in_dim3A_8 {strides = array<i32>} : memref<1x256xf32, #tpu.memory_space<vmem>>, vector<1x256xf32>,
    } else {
    }
    %gt3A = arith.constant 0 : i32
    %gt3A_11 = arith.cmpi sgt, %arg0, %gt3A : i32
    %convert_element_type3A_12 = arith.extui %gt3A_11 : i1 to i32
    %cond3A_13 = arith.constant 0 : i32
    %cond3A_14 = arith.cmpi ne, %convert_element_type3A_12, %cond3A_13 : i32
    scf.if %cond3A_14 {
      %get3A_15 = arith.constant 0 : index
      %get3A_16 = arith.constant 0 : index
      %get3A_17 = vector.load %arg3[%get3A_15, %get3A_16] : memref<1x256xf32, #tpu.memory_space<vmem>>, vector<1x256xf32>
      %add3A = arith.addf %get3A_17, %broadcast_in_dim3A : vector<1x256xf32>
      %swap3A = arith.constant 0 : index
      %swap3A_18 = arith.constant 0 : index
      %swap3A_19 = vector.load %arg3[%swap3A, %swap3A_18] : memref<1x256xf32, #tpu.memory_space<vmem>>, vector<1x256xf32>
      tpu.vector_store %arg3[%swap3A, %swap3A_18], %add3A {strides = array<i32>} : memref<1x256xf32, #tpu.memory_space<vmem>>, vector<1x256xf32>,
      %get3A_20 = arith.constant 0 : index
      %get3A_21 = arith.constant 0 : index
      %get3A_22 = vector.load %arg4[%get3A_20, %get3A_21] : memref<1x256xf32, #tpu.memory_space<vmem>>, vector<1x256xf32>
      %add3A_23 = arith.addf %get3A_22, %broadcast_in_dim3A_8 : vector<1x256xf32>
      %swap3A_24 = arith.constant 0 : index
      %swap3A_25 = arith.constant 0 : index
      %swap3A_26 = vector.load %arg4[%swap3A_24, %swap3A_25] : memref<1x256xf32, #tpu.memory_space<vmem>>, vector<1x256xf32>
      tpu.vector_store %arg4[%swap3A_24, %swap3A_25], %add3A_23 {strides = array<i32>} : memref<1x256xf32, #tpu.memory_space<vmem>>, vector<1x256xf32>,
    } else {
    }
    return
  }
  func.func @transform_0(%arg0: i32) -> (i32, i32) {
    %c0_i32 = arith.constant 0 : i32
    %c0_i32_0 = arith.constant 0 : i32
    return %arg0, %c0_i32 : i32, i32
  }
  func.func @transform_1(%arg0: i32) -> (i32, i32) {
    %c0_i32 = arith.constant 0 : i32
    %c0_i32_0 = arith.constant 0 : i32
    return %arg0, %c0_i32 : i32, i32
  }
  func.func @transform_2(%arg0: i32) -> (i32, i32) {
    %c0_i32 = arith.constant 0 : i32
    %c0_i32_0 = arith.constant 0 : i32
    %c0_i32_1 = arith.constant 0 : i32
    return %c0_i32, %c0_i32_0 : i32, i32
  }
  func.func @transform_3(%arg0: i32) -> (i32, i32) {
    %c0_i32 = arith.constant 0 : i32
    %c0_i32_0 = arith.constant 0 : i32
    %c0_i32_1 = arith.constant 0 : i32
    return %c0_i32, %c0_i32_0 : i32, i32
  }
}

module attributes {stable_mosaic.version = 14 : i64} {
  func.func @_combine_body(%arg0: i32, %arg1: i32, %arg2: memref<1x256x256xf32, #tpu.memory_space<vmem>>, %arg3: memref<1x256xf32, #tpu.memory_space<vmem>>, %arg4: memref<1x256xf32, #tpu.memory_space<vmem>>, %arg5: memref<1x256xf32, #tpu.memory_space<vmem>>, %arg6: memref<1x256xf32, #tpu.memory_space<vmem>>, %arg7: memref<1x256x256xf32, #tpu.memory_space<vmem>>, %arg8: memref<1x1x256xf32, #tpu.memory_space<vmem>>) attributes {dimension_semantics = [#tpu.dimension_semantics<arbitrary>, #tpu.dimension_semantics<arbitrary>], iteration_bounds = array<i64: 8, 8>, scalar_prefetch = 0 : i64, scratch_operands = 0 : i64, tpu.core_type = #tpu.core_type<tc>, window_params = [{transform_indices = @transform_0, window_bounds = array<i64: 1, 256, 256>}, {pipeline_mode = #tpu.pipeline_mode<synchronous>, transform_indices = @transform_1, window_bounds = array<i64: 1, 256>}, {pipeline_mode = #tpu.pipeline_mode<synchronous>, transform_indices = @transform_2, window_bounds = array<i64: 1, 256>}, {pipeline_mode = #tpu.pipeline_mode<synchronous>, transform_indices = @transform_3, window_bounds = array<i64: 1, 256>}, {pipeline_mode = #tpu.pipeline_mode<synchronous>, transform_indices = @transform_4, window_bounds = array<i64: 1, 256>}, {transform_indices = @transform_5, window_bounds = array<i64: 1, 256, 256>}, {transform_indices = @transform_6, window_bounds = array<i64: 1, 1, 256>}]} {
    %get3A = arith.constant 0 : index
    %get3A_0 = arith.constant 0 : index
    %get3A_1 = arith.constant 0 : index
    %get3A_2 = vector.load %arg2[%get3A, %get3A_0, %get3A_1] : memref<1x256x256xf32, #tpu.memory_space<vmem>>, vector<1x256x256xf32>
    %get3A_3 = vector.shape_cast %get3A_2 : vector<1x256x256xf32> to vector<256x256xf32>
    %get3A_4 = arith.constant 0 : index
    %get3A_5 = arith.constant 0 : index
    %get3A_6 = vector.load %arg3[%get3A_4, %get3A_5] : memref<1x256xf32, #tpu.memory_space<vmem>>, vector<1x256xf32>
    %sub3A = vector.broadcast %get3A_6 : vector<1x256xf32> to vector<256x256xf32>
    %sub3A_7 = arith.subf %get3A_3, %sub3A : vector<256x256xf32>
    %get3A_8 = arith.constant 0 : index
    %get3A_9 = arith.constant 0 : index
    %get3A_10 = vector.load %arg4[%get3A_8, %get3A_9] : memref<1x256xf32, #tpu.memory_space<vmem>>, vector<1x256xf32>
    %add3A = arith.constant 9.99999974E-6 : f32
    %add3A_11 = vector.broadcast %add3A : f32 to vector<1x256xf32>
    %add3A_12 = arith.addf %get3A_10, %add3A_11 : vector<1x256xf32>
    %sqrt3A = math.sqrt %add3A_12 : vector<1x256xf32>
    %div3A = vector.broadcast %sqrt3A : vector<1x256xf32> to vector<256x256xf32>
    %div3A_13 = arith.divf %sub3A_7, %div3A : vector<256x256xf32>
    %get3A_14 = arith.constant 0 : index
    %get3A_15 = arith.constant 0 : index
    %get3A_16 = vector.load %arg5[%get3A_14, %get3A_15] : memref<1x256xf32, #tpu.memory_space<vmem>>, vector<1x256xf32>
    %mul3A = vector.broadcast %get3A_16 : vector<1x256xf32> to vector<256x256xf32>
    %mul3A_17 = arith.mulf %div3A_13, %mul3A : vector<256x256xf32>
    %get3A_18 = arith.constant 0 : index
    %get3A_19 = arith.constant 0 : index
    %get3A_20 = vector.load %arg6[%get3A_18, %get3A_19] : memref<1x256xf32, #tpu.memory_space<vmem>>, vector<1x256xf32>
    %add3A_21 = vector.broadcast %get3A_20 : vector<1x256xf32> to vector<256x256xf32>
    %add3A_22 = arith.addf %mul3A_17, %add3A_21 : vector<256x256xf32>
    %max3A = arith.constant 0.000000e+00 : f32
    %max3A_23 = vector.broadcast %max3A : f32 to vector<256x256xf32>
    %max3A_24 = arith.maximumf %add3A_22, %max3A_23 : vector<256x256xf32>
    %swap3A = arith.constant 0 : index
    %swap3A_25 = arith.constant 0 : index
    %swap3A_26 = arith.constant 0 : index
    %swap3A_27 = vector.load %arg7[%swap3A, %swap3A_25, %swap3A_26] : memref<1x256x256xf32, #tpu.memory_space<vmem>>, vector<1x256x256xf32>
    %swap3A_28 = vector.shape_cast %swap3A_27 : vector<1x256x256xf32> to vector<256x256xf32>
    %swap3A_29 = vector.shape_cast %max3A_24 : vector<256x256xf32> to vector<1x256x256xf32>
    tpu.vector_store %arg7[%swap3A, %swap3A_25, %swap3A_26], %swap3A_29 {strides = array<i32>} : memref<1x256x256xf32, #tpu.memory_space<vmem>>, vector<1x256x256xf32>,
    %reduce_max3A = arith.constant dense<0xFF800000> : vector<256xf32>
    %reduce_max3A_30 = vector.multi_reduction <maximumf>, %max3A_24, %reduce_max3A [0] : vector<256x256xf32> to vector<256xf32>
    %broadcast_in_dim3A = vector.shape_cast %reduce_max3A_30 : vector<256xf32> to vector<1x256xf32>
    %eq3A = arith.constant 0 : i32
    %eq3A_31 = arith.cmpi eq, %arg1, %eq3A : i32
    %convert_element_type3A = arith.extui %eq3A_31 : i1 to i32
    %cond3A = arith.constant 0 : i32
    %cond3A_32 = arith.cmpi ne, %convert_element_type3A, %cond3A : i32
    scf.if %cond3A_32 {
      %swap3A_37 = arith.constant 0 : index
      %swap3A_38 = arith.constant 0 : index
      %swap3A_39 = arith.constant 0 : index
      %swap3A_40 = vector.load %arg8[%swap3A_37, %swap3A_38, %swap3A_39] : memref<1x1x256xf32, #tpu.memory_space<vmem>>, vector<1x1x256xf32>
      %swap3A_41 = vector.shape_cast %swap3A_40 : vector<1x1x256xf32> to vector<1x256xf32>
      %swap3A_42 = vector.shape_cast %broadcast_in_dim3A : vector<1x256xf32> to vector<1x1x256xf32>
      tpu.vector_store %arg8[%swap3A_37, %swap3A_38, %swap3A_39], %swap3A_42 {strides = array<i32>} : memref<1x1x256xf32, #tpu.memory_space<vmem>>, vector<1x1x256xf32>,
    } else {
    }
    %gt3A = arith.constant 0 : i32
    %gt3A_33 = arith.cmpi sgt, %arg1, %gt3A : i32
    %convert_element_type3A_34 = arith.extui %gt3A_33 : i1 to i32
    %cond3A_35 = arith.constant 0 : i32
    %cond3A_36 = arith.cmpi ne, %convert_element_type3A_34, %cond3A_35 : i32
    scf.if %cond3A_36 {
      %get3A_37 = arith.constant 0 : index
      %get3A_38 = arith.constant 0 : index
      %get3A_39 = arith.constant 0 : index
      %get3A_40 = vector.load %arg8[%get3A_37, %get3A_38, %get3A_39] : memref<1x1x256xf32, #tpu.memory_space<vmem>>, vector<1x1x256xf32>
      %get3A_41 = vector.shape_cast %get3A_40 : vector<1x1x256xf32> to vector<1x256xf32>
      %max3A_42 = arith.maximumf %get3A_41, %broadcast_in_dim3A : vector<1x256xf32>
      %swap3A_43 = arith.constant 0 : index
      %swap3A_44 = arith.constant 0 : index
      %swap3A_45 = arith.constant 0 : index
      %swap3A_46 = vector.load %arg8[%swap3A_43, %swap3A_44, %swap3A_45] : memref<1x1x256xf32, #tpu.memory_space<vmem>>, vector<1x1x256xf32>
      %swap3A_47 = vector.shape_cast %swap3A_46 : vector<1x1x256xf32> to vector<1x256xf32>
      %swap3A_48 = vector.shape_cast %max3A_42 : vector<1x256xf32> to vector<1x1x256xf32>
      tpu.vector_store %arg8[%swap3A_43, %swap3A_44, %swap3A_45], %swap3A_48 {strides = array<i32>} : memref<1x1x256xf32, #tpu.memory_space<vmem>>, vector<1x1x256xf32>,
    } else {
    }
    return
  }
  func.func @transform_0(%arg0: i32, %arg1: i32) -> (i32, i32, i32) {
    %c0_i32 = arith.constant 0 : i32
    %c0_i32_0 = arith.constant 0 : i32
    return %arg0, %arg1, %c0_i32 : i32, i32, i32
  }
  func.func @transform_1(%arg0: i32, %arg1: i32) -> (i32, i32) {
    %c0_i32 = arith.constant 0 : i32
    %c0_i32_0 = arith.constant 0 : i32
    %c0_i32_1 = arith.constant 0 : i32
    return %c0_i32, %c0_i32_0 : i32, i32
  }
  func.func @transform_2(%arg0: i32, %arg1: i32) -> (i32, i32) {
    %c0_i32 = arith.constant 0 : i32
    %c0_i32_0 = arith.constant 0 : i32
    %c0_i32_1 = arith.constant 0 : i32
    return %c0_i32, %c0_i32_0 : i32, i32
  }
  func.func @transform_3(%arg0: i32, %arg1: i32) -> (i32, i32) {
    %c0_i32 = arith.constant 0 : i32
    %c0_i32_0 = arith.constant 0 : i32
    %c0_i32_1 = arith.constant 0 : i32
    return %c0_i32, %c0_i32_0 : i32, i32
  }
  func.func @transform_4(%arg0: i32, %arg1: i32) -> (i32, i32) {
    %c0_i32 = arith.constant 0 : i32
    %c0_i32_0 = arith.constant 0 : i32
    %c0_i32_1 = arith.constant 0 : i32
    return %c0_i32, %c0_i32_0 : i32, i32
  }
  func.func @transform_5(%arg0: i32, %arg1: i32) -> (i32, i32, i32) {
    %c0_i32 = arith.constant 0 : i32
    %c0_i32_0 = arith.constant 0 : i32
    return %arg0, %arg1, %c0_i32 : i32, i32, i32
  }
  func.func @transform_6(%arg0: i32, %arg1: i32) -> (i32, i32, i32) {
    %c0_i32 = arith.constant 0 : i32
    %c0_i32_0 = arith.constant 0 : i32
    %c0_i32_1 = arith.constant 0 : i32
    return %arg0, %c0_i32, %c0_i32_0 : i32, i32, i32
  }
}

module attributes {stable_mosaic.version = 14 : i64} {
  func.func @_head_body(%arg0: memref<8x256xf32, #tpu.memory_space<vmem>>, %arg1: memref<8x128xf32, #tpu.memory_space<vmem>>, %arg2: memref<8x64xf32, #tpu.memory_space<vmem>>, %arg3: memref<448x256xf32, #tpu.memory_space<vmem>>, %arg4: memref<1x256xf32, #tpu.memory_space<vmem>>, %arg5: memref<1x256xf32, #tpu.memory_space<vmem>>, %arg6: memref<1x256xf32, #tpu.memory_space<vmem>>, %arg7: memref<256x128xf32, #tpu.memory_space<vmem>>, %arg8: memref<1x128xf32, #tpu.memory_space<vmem>>, %arg9: memref<1x128xf32, #tpu.memory_space<vmem>>, %arg10: memref<1x128xf32, #tpu.memory_space<vmem>>, %arg11: memref<128x16xf32, #tpu.memory_space<vmem>>, %arg12: memref<1x16xf32, #tpu.memory_space<vmem>>, %arg13: memref<1x16xf32, #tpu.memory_space<vmem>>, %arg14: memref<1x16xf32, #tpu.memory_space<vmem>>, %arg15: memref<16x1xf32, #tpu.memory_space<vmem>>, %arg16: memref<1x1xf32, #tpu.memory_space<vmem>>, %arg17: memref<8x1xf32, #tpu.memory_space<vmem>>) attributes {dimension_semantics = [], scalar_prefetch = 0 : i64, scratch_operands = 0 : i64, tpu.core_type = #tpu.core_type<tc>} {
    %get3A = arith.constant 0 : index
    %get3A_0 = arith.constant 0 : index
    %get3A_1 = vector.load %arg0[%get3A, %get3A_0] : memref<8x256xf32, #tpu.memory_space<vmem>>, vector<8x256xf32>
    %get3A_2 = arith.constant 0 : index
    %get3A_3 = arith.constant 0 : index
    %get3A_4 = vector.load %arg1[%get3A_2, %get3A_3] : memref<8x128xf32, #tpu.memory_space<vmem>>, vector<8x128xf32>
    %get3A_5 = arith.constant 0 : index
    %get3A_6 = arith.constant 0 : index
    %get3A_7 = vector.load %arg2[%get3A_5, %get3A_6] : memref<8x64xf32, #tpu.memory_space<vmem>>, vector<8x64xf32>
    %concatenate3A = tpu.concatenate %get3A_1, %get3A_4, %get3A_7 in 1 : vector<8x256xf32>, vector<8x128xf32>, vector<8x64xf32> -> vector<8x448xf32>
    %get3A_8 = arith.constant 0 : index
    %get3A_9 = arith.constant 0 : index
    %get3A_10 = vector.load %arg3[%get3A_8, %get3A_9] : memref<448x256xf32, #tpu.memory_space<vmem>>, vector<448x256xf32>
    %dot_general3A = arith.constant dense<0.000000e+00> : vector<8x256xf32>
    %dot_general3A_11 = tpu.matmul %concatenate3A, %get3A_10, %dot_general3A {dimension_numbers = #tpu.dot_dimension_numbers<[1], [0], [0], [1], [0, 0, 1, 1], [], []>, transpose_lhs_hint = false} : vector<8x448xf32>, vector<448x256xf32>, vector<8x256xf32> -> vector<8x256xf32>
    %get3A_12 = arith.constant 0 : index
    %get3A_13 = arith.constant 0 : index
    %get3A_14 = vector.load %arg4[%get3A_12, %get3A_13] : memref<1x256xf32, #tpu.memory_space<vmem>>, vector<1x256xf32>
    %add3A = vector.broadcast %get3A_14 : vector<1x256xf32> to vector<8x256xf32>
    %add3A_15 = arith.addf %dot_general3A_11, %add3A : vector<8x256xf32>
    %reduce_sum3A = arith.constant dense<0.000000e+00> : vector<256xf32>
    %reduce_sum3A_16 = vector.multi_reduction <add>, %add3A_15, %reduce_sum3A [0] : vector<8x256xf32> to vector<256xf32>
    %broadcast_in_dim3A = vector.shape_cast %reduce_sum3A_16 : vector<256xf32> to vector<1x256xf32>
    %div3A = arith.constant 8.000000e+00 : f32
    %div3A_17 = vector.broadcast %div3A : f32 to vector<1x256xf32>
    %div3A_18 = arith.divf %broadcast_in_dim3A, %div3A_17 : vector<1x256xf32>
    %sub3A = vector.broadcast %div3A_18 : vector<1x256xf32> to vector<8x256xf32>
    %sub3A_19 = arith.subf %add3A_15, %sub3A : vector<8x256xf32>
    %integer_pow3A = arith.mulf %sub3A_19, %sub3A_19 : vector<8x256xf32>
    %reduce_sum3A_20 = arith.constant dense<0.000000e+00> : vector<256xf32>
    %reduce_sum3A_21 = vector.multi_reduction <add>, %integer_pow3A, %reduce_sum3A_20 [0] : vector<8x256xf32> to vector<256xf32>
    %broadcast_in_dim3A_22 = vector.shape_cast %reduce_sum3A_21 : vector<256xf32> to vector<1x256xf32>
    %div3A_23 = arith.constant 8.000000e+00 : f32
    %div3A_24 = vector.broadcast %div3A_23 : f32 to vector<1x256xf32>
    %div3A_25 = arith.divf %broadcast_in_dim3A_22, %div3A_24 : vector<1x256xf32>
    %sub3A_26 = vector.broadcast %div3A_18 : vector<1x256xf32> to vector<8x256xf32>
    %sub3A_27 = arith.subf %add3A_15, %sub3A_26 : vector<8x256xf32>
    %add3A_28 = arith.constant 9.99999974E-6 : f32
    %add3A_29 = vector.broadcast %add3A_28 : f32 to vector<1x256xf32>
    %add3A_30 = arith.addf %div3A_25, %add3A_29 : vector<1x256xf32>
    %sqrt3A = math.sqrt %add3A_30 : vector<1x256xf32>
    %div3A_31 = vector.broadcast %sqrt3A : vector<1x256xf32> to vector<8x256xf32>
    %div3A_32 = arith.divf %sub3A_27, %div3A_31 : vector<8x256xf32>
    %get3A_33 = arith.constant 0 : index
    %get3A_34 = arith.constant 0 : index
    %get3A_35 = vector.load %arg5[%get3A_33, %get3A_34] : memref<1x256xf32, #tpu.memory_space<vmem>>, vector<1x256xf32>
    %mul3A = vector.broadcast %get3A_35 : vector<1x256xf32> to vector<8x256xf32>
    %mul3A_36 = arith.mulf %div3A_32, %mul3A : vector<8x256xf32>
    %get3A_37 = arith.constant 0 : index
    %get3A_38 = arith.constant 0 : index
    %get3A_39 = vector.load %arg6[%get3A_37, %get3A_38] : memref<1x256xf32, #tpu.memory_space<vmem>>, vector<1x256xf32>
    %add3A_40 = vector.broadcast %get3A_39 : vector<1x256xf32> to vector<8x256xf32>
    %add3A_41 = arith.addf %mul3A_36, %add3A_40 : vector<8x256xf32>
    %max3A = arith.constant 0.000000e+00 : f32
    %max3A_42 = vector.broadcast %max3A : f32 to vector<8x256xf32>
    %max3A_43 = arith.maximumf %add3A_41, %max3A_42 : vector<8x256xf32>
    %get3A_44 = arith.constant 0 : index
    %get3A_45 = arith.constant 0 : index
    %get3A_46 = vector.load %arg7[%get3A_44, %get3A_45] : memref<256x128xf32, #tpu.memory_space<vmem>>, vector<256x128xf32>
    %dot_general3A_47 = arith.constant dense<0.000000e+00> : vector<8x128xf32>
    %dot_general3A_48 = tpu.matmul %max3A_43, %get3A_46, %dot_general3A_47 {dimension_numbers = #tpu.dot_dimension_numbers<[1], [0], [0], [1], [0, 0, 1, 1], [], []>, transpose_lhs_hint = false} : vector<8x256xf32>, vector<256x128xf32>, vector<8x128xf32> -> vector<8x128xf32>
    %get3A_49 = arith.constant 0 : index
    %get3A_50 = arith.constant 0 : index
    %get3A_51 = vector.load %arg8[%get3A_49, %get3A_50] : memref<1x128xf32, #tpu.memory_space<vmem>>, vector<1x128xf32>
    %add3A_52 = vector.broadcast %get3A_51 : vector<1x128xf32> to vector<8x128xf32>
    %add3A_53 = arith.addf %dot_general3A_48, %add3A_52 : vector<8x128xf32>
    %reduce_sum3A_54 = arith.constant dense<0.000000e+00> : vector<128xf32>
    %reduce_sum3A_55 = vector.multi_reduction <add>, %add3A_53, %reduce_sum3A_54 [0] : vector<8x128xf32> to vector<128xf32>
    %broadcast_in_dim3A_56 = vector.shape_cast %reduce_sum3A_55 : vector<128xf32> to vector<1x128xf32>
    %div3A_57 = arith.constant 8.000000e+00 : f32
    %div3A_58 = vector.broadcast %div3A_57 : f32 to vector<1x128xf32>
    %div3A_59 = arith.divf %broadcast_in_dim3A_56, %div3A_58 : vector<1x128xf32>
    %sub3A_60 = vector.broadcast %div3A_59 : vector<1x128xf32> to vector<8x128xf32>
    %sub3A_61 = arith.subf %add3A_53, %sub3A_60 : vector<8x128xf32>
    %integer_pow3A_62 = arith.mulf %sub3A_61, %sub3A_61 : vector<8x128xf32>
    %reduce_sum3A_63 = arith.constant dense<0.000000e+00> : vector<128xf32>
    %reduce_sum3A_64 = vector.multi_reduction <add>, %integer_pow3A_62, %reduce_sum3A_63 [0] : vector<8x128xf32> to vector<128xf32>
    %broadcast_in_dim3A_65 = vector.shape_cast %reduce_sum3A_64 : vector<128xf32> to vector<1x128xf32>
    %div3A_66 = arith.constant 8.000000e+00 : f32
    %div3A_67 = vector.broadcast %div3A_66 : f32 to vector<1x128xf32>
    %div3A_68 = arith.divf %broadcast_in_dim3A_65, %div3A_67 : vector<1x128xf32>
    %sub3A_69 = vector.broadcast %div3A_59 : vector<1x128xf32> to vector<8x128xf32>
    %sub3A_70 = arith.subf %add3A_53, %sub3A_69 : vector<8x128xf32>
    %add3A_71 = arith.constant 9.99999974E-6 : f32
    %add3A_72 = vector.broadcast %add3A_71 : f32 to vector<1x128xf32>
    %add3A_73 = arith.addf %div3A_68, %add3A_72 : vector<1x128xf32>
    %sqrt3A_74 = math.sqrt %add3A_73 : vector<1x128xf32>
    %div3A_75 = vector.broadcast %sqrt3A_74 : vector<1x128xf32> to vector<8x128xf32>
    %div3A_76 = arith.divf %sub3A_70, %div3A_75 : vector<8x128xf32>
    %get3A_77 = arith.constant 0 : index
    %get3A_78 = arith.constant 0 : index
    %get3A_79 = vector.load %arg9[%get3A_77, %get3A_78] : memref<1x128xf32, #tpu.memory_space<vmem>>, vector<1x128xf32>
    %mul3A_80 = vector.broadcast %get3A_79 : vector<1x128xf32> to vector<8x128xf32>
    %mul3A_81 = arith.mulf %div3A_76, %mul3A_80 : vector<8x128xf32>
    %get3A_82 = arith.constant 0 : index
    %get3A_83 = arith.constant 0 : index
    %get3A_84 = vector.load %arg10[%get3A_82, %get3A_83] : memref<1x128xf32, #tpu.memory_space<vmem>>, vector<1x128xf32>
    %add3A_85 = vector.broadcast %get3A_84 : vector<1x128xf32> to vector<8x128xf32>
    %add3A_86 = arith.addf %mul3A_81, %add3A_85 : vector<8x128xf32>
    %max3A_87 = arith.constant 0.000000e+00 : f32
    %max3A_88 = vector.broadcast %max3A_87 : f32 to vector<8x128xf32>
    %max3A_89 = arith.maximumf %add3A_86, %max3A_88 : vector<8x128xf32>
    %get3A_90 = arith.constant 0 : index
    %get3A_91 = arith.constant 0 : index
    %get3A_92 = vector.load %arg11[%get3A_90, %get3A_91] : memref<128x16xf32, #tpu.memory_space<vmem>>, vector<128x16xf32>
    %dot_general3A_93 = arith.constant dense<0.000000e+00> : vector<8x16xf32>
    %dot_general3A_94 = tpu.matmul %max3A_89, %get3A_92, %dot_general3A_93 {dimension_numbers = #tpu.dot_dimension_numbers<[1], [0], [0], [1], [0, 0, 1, 1], [], []>, transpose_lhs_hint = false} : vector<8x128xf32>, vector<128x16xf32>, vector<8x16xf32> -> vector<8x16xf32>
    %get3A_95 = arith.constant 0 : index
    %get3A_96 = arith.constant 0 : index
    %get3A_97 = vector.load %arg12[%get3A_95, %get3A_96] : memref<1x16xf32, #tpu.memory_space<vmem>>, vector<1x16xf32>
    %add3A_98 = vector.broadcast %get3A_97 : vector<1x16xf32> to vector<8x16xf32>
    %add3A_99 = arith.addf %dot_general3A_94, %add3A_98 : vector<8x16xf32>
    %reduce_sum3A_100 = arith.constant dense<0.000000e+00> : vector<16xf32>
    %reduce_sum3A_101 = vector.multi_reduction <add>, %add3A_99, %reduce_sum3A_100 [0] : vector<8x16xf32> to vector<16xf32>
    %broadcast_in_dim3A_102 = vector.shape_cast %reduce_sum3A_101 : vector<16xf32> to vector<1x16xf32>
    %div3A_103 = arith.constant 8.000000e+00 : f32
    %div3A_104 = vector.broadcast %div3A_103 : f32 to vector<1x16xf32>
    %div3A_105 = arith.divf %broadcast_in_dim3A_102, %div3A_104 : vector<1x16xf32>
    %sub3A_106 = vector.broadcast %div3A_105 : vector<1x16xf32> to vector<8x16xf32>
    %sub3A_107 = arith.subf %add3A_99, %sub3A_106 : vector<8x16xf32>
    %integer_pow3A_108 = arith.mulf %sub3A_107, %sub3A_107 : vector<8x16xf32>
    %reduce_sum3A_109 = arith.constant dense<0.000000e+00> : vector<16xf32>
    %reduce_sum3A_110 = vector.multi_reduction <add>, %integer_pow3A_108, %reduce_sum3A_109 [0] : vector<8x16xf32> to vector<16xf32>
    %broadcast_in_dim3A_111 = vector.shape_cast %reduce_sum3A_110 : vector<16xf32> to vector<1x16xf32>
    %div3A_112 = arith.constant 8.000000e+00 : f32
    %div3A_113 = vector.broadcast %div3A_112 : f32 to vector<1x16xf32>
    %div3A_114 = arith.divf %broadcast_in_dim3A_111, %div3A_113 : vector<1x16xf32>
    %sub3A_115 = vector.broadcast %div3A_105 : vector<1x16xf32> to vector<8x16xf32>
    %sub3A_116 = arith.subf %add3A_99, %sub3A_115 : vector<8x16xf32>
    %add3A_117 = arith.constant 9.99999974E-6 : f32
    %add3A_118 = vector.broadcast %add3A_117 : f32 to vector<1x16xf32>
    %add3A_119 = arith.addf %div3A_114, %add3A_118 : vector<1x16xf32>
    %sqrt3A_120 = math.sqrt %add3A_119 : vector<1x16xf32>
    %div3A_121 = vector.broadcast %sqrt3A_120 : vector<1x16xf32> to vector<8x16xf32>
    %div3A_122 = arith.divf %sub3A_116, %div3A_121 : vector<8x16xf32>
    %get3A_123 = arith.constant 0 : index
    %get3A_124 = arith.constant 0 : index
    %get3A_125 = vector.load %arg13[%get3A_123, %get3A_124] : memref<1x16xf32, #tpu.memory_space<vmem>>, vector<1x16xf32>
    %mul3A_126 = vector.broadcast %get3A_125 : vector<1x16xf32> to vector<8x16xf32>
    %mul3A_127 = arith.mulf %div3A_122, %mul3A_126 : vector<8x16xf32>
    %get3A_128 = arith.constant 0 : index
    %get3A_129 = arith.constant 0 : index
    %get3A_130 = vector.load %arg14[%get3A_128, %get3A_129] : memref<1x16xf32, #tpu.memory_space<vmem>>, vector<1x16xf32>
    %add3A_131 = vector.broadcast %get3A_130 : vector<1x16xf32> to vector<8x16xf32>
    %add3A_132 = arith.addf %mul3A_127, %add3A_131 : vector<8x16xf32>
    %max3A_133 = arith.constant 0.000000e+00 : f32
    %max3A_134 = vector.broadcast %max3A_133 : f32 to vector<8x16xf32>
    %max3A_135 = arith.maximumf %add3A_132, %max3A_134 : vector<8x16xf32>
    %get3A_136 = arith.constant 0 : index
    %get3A_137 = arith.constant 0 : index
    %get3A_138 = vector.load %arg15[%get3A_136, %get3A_137] : memref<16x1xf32, #tpu.memory_space<vmem>>, vector<16x1xf32>
    %dot_general3A_139 = arith.constant dense<0.000000e+00> : vector<8x1xf32>
    %dot_general3A_140 = tpu.matmul %max3A_135, %get3A_138, %dot_general3A_139 {dimension_numbers = #tpu.dot_dimension_numbers<[1], [0], [0], [1], [0, 0, 1, 1], [], []>, transpose_lhs_hint = false} : vector<8x16xf32>, vector<16x1xf32>, vector<8x1xf32> -> vector<8x1xf32>
    %get3A_141 = arith.constant 0 : index
    %get3A_142 = arith.constant 0 : index
    %get3A_143 = vector.load %arg16[%get3A_141, %get3A_142] : memref<1x1xf32, #tpu.memory_space<vmem>>, vector<1x1xf32>
    %add3A_144 = vector.broadcast %get3A_143 : vector<1x1xf32> to vector<8x1xf32>
    %add3A_145 = arith.addf %dot_general3A_140, %add3A_144 : vector<8x1xf32>
    %swap3A = arith.constant 0 : index
    %swap3A_146 = arith.constant 0 : index
    %swap3A_147 = vector.load %arg17[%swap3A, %swap3A_146] : memref<8x1xf32, #tpu.memory_space<vmem>>, vector<8x1xf32>
    tpu.vector_store %arg17[%swap3A, %swap3A_146], %add3A_145 {strides = array<i32>} : memref<8x1xf32, #tpu.memory_space<vmem>>, vector<8x1xf32>,
    return
  }
}

</mosaic_0001>

<sc_bundles>
// kernel: kernel.23.cloned.1.call-start
scs
__scs_entry_jumppad:
0x0: {  	(pc) =	sbr.rel $0x88, $3  }
0x1: {  	(tag) =	ssettag $0x0;
	lr =	simm.s32 $0x1  }
0x2: {  	[smem:$0x3F82] =	sst lr;
	_ =	strace $0xD0000000  }
0x3: {  	_ = 	snop  }
0x4: {  	_ = 	snop  }
0x5: {  	_ = 	snop  }
0x6: {  	_ = 	snop  }
0x7: {  	_ = 	snop  }
__scs_overlays_trampoline_lowered:
0x8: {  	[smem:$0x3F91] =	sst s0  }
0x9: {  	[smem:$0x3F92] =	sst s1  }
0xa: {  	[smem:$0x3F93] =	sst s2  }
0xb: {  	[smem:$0x3F94] =	sst s3  }
0xc: {  	[smem:$0x3F95] =	sst s4  }
0xd: {  	[smem:$0x3F96] =	sst s5  }
0xe: {  	[smem:$0x3F97] =	sst s6  }
0xf: {  	[smem:$0x3F98] =	sst s7  }
0x10: {  	[smem:$0x3F99] =	sst s8  }
0x11: {  	[smem:$0x3F9A] =	sst s9;
	s0 =	simm.s32 @!p0 $0x0  }
0x12: {  	s1 =	sld [smem:$0x3F80];
	s0 =	simm.s32 @p0 $0x1  }
0x13: {  	[smem:$0x3F9B] =	sst s0;
	s0 =	simm.s32 @!p1 $0x0  }
0x14: {  	s2 =	sld [smem:$0x3F7F];
	s0 =	simm.s32 @p1 $0x1  }
0x15: {  	[smem:$0x3F9C] =	sst s0;
	s0 =	simm.s32 @!p2 $0x0  }
0x16: {  	s3 =	sld [smem:$0x3FDB];
	s0 =	simm.s32 @p2 $0x1  }
0x17: {  	s4 =	simm.s32 $0x1BF5;
	[smem:$0x3F9E] =	sst s0  }
0x18: {  	s0 =	sld [smem:$0x3F81];
	_ =	swait.ge [sflag:s4], $0x0  }
0x19: {  	s7 =	sld [smem:$0x3F82]  }
0x1a: {  	s8 =	sadd.s32 $0xFFFFE003, lr  }
0x1b: {  	s9 =	sadd.s32 $0xFFFFFEF7, lr;
	s5 =	simm.s32 $0xFFFFFFFF;
	p2 =	slt.u32 s8, $0xFFFFF086  }
0x1c: {  	p1 =	slt.u32 s9, $0xF7A;
	s5 =	simm.s32 @!p2 $0x0  }
0x1d: {  	s5 =	simm.s32 @p1 $0x1;
	p0 =	seq.s32 s7, s2  }
0x1e: {  	s7 =	smul.u32 @!p0 $0xF7A, s2;
	p2 =	seq.s32 @!p0 s5, $0x0  }
0x1f: {  	s9 =	smul.u32 $0xF7A, s1;
	s8 =	simm.s32 @!p0 $0x1BF5;
	p2 =	por !p2, p0  }
0x20: {  	[sflag:s8] =	ssyncset.s32 @!p0 $0xFFFFF086;
	s6 =	sadd.s32 @!p0 s3, s7;
	s7 =	simm.s32 @!p0 $0x108  }
0x21: {  	s3 =	sadd.s32 s3, s9;
	s6 =	sadd.s32 @!p0 $0x88, s6;
	s7 =	simm.s32 @p2 $0x1082  }
0x22: {  	[simem:s7], [sflag:s8] =	dma.local @!p0 [hbm:s6], $0xF7A  }
0x23: {  	s9 =	sor.u32 $0xD0000000, s2;
	s6 =	simm.s32 $0x108;
	_ =	swait.ge @!p0 [sflag:s8], $0x0  }
0x24: {  	s3 =	sadd.s32 $0x88, s3;
	s6 =	simm.s32 @!p1 $0x1082;
	[sflag:s4] =	ssyncset.s32 $0xFFFFF086  }
0x25: {  	[simem:s6], [sflag:s4] =	dma.local [hbm:s3], $0xF7A  }
0x26: {  	[smem:$0x3F82] =	sst s1;
	(tag) =	ssettag s2;
	_ =	strace s9  }
0x27: {  	s1 =	sld [smem:$0x3F92]  }
0x28: {  	s2 =	sld [smem:$0x3F93]  }
0x29: {  	s4 =	sld [smem:$0x3F95]  }
0x2a: {  	p0 =	seq.s32 s5, $0x0;
	s5 =	sld [smem:$0x3F96]  }
0x2b: {  	s6 =	sld [smem:$0x3F97]  }
0x2c: {  	s7 =	sld [smem:$0x3F98]  }
0x2d: {  	s3 =	simm.s32 $0x108;
	s8 =	sld [smem:$0x3F99]  }
0x2e: {  	s3 =	simm.s32 @!p0 $0x1082;
	s9 =	sld [smem:$0x3F9A]  }
0x2f: {  	lr =	sadd.s32 s0, s3;
	s0 =	sld [smem:$0x3F91]  }
0x30: {  	s3 =	sld [smem:$0x3F94]  }
0x31: {  	[smem:$0x3F9D] =	sst s10  }
0x32: {  	s10 =	sld [smem:$0x3F9B];
	_ =	sdelay $0x3  }
0x33: {  	p0 =	seq.s32 s10, $0x1;
	s10 =	sld [smem:$0x3F9D];
	_ =	sdelay $0x3  }
0x34: {  	[smem:$0x3F9D] =	sst s10  }
0x35: {  	s10 =	sld [smem:$0x3F9C];
	_ =	sdelay $0x3  }
0x36: {  	p1 =	seq.s32 s10, $0x1;
	s10 =	sld [smem:$0x3F9D];
	_ =	sdelay $0x3  }
0x37: {  	[smem:$0x3F9D] =	sst s10  }
0x38: {  	s10 =	sld [smem:$0x3F9E]  }
0x39: {  	_ = 	snop;
	(pc) =	sbr.ind lr, $3  }
0x3a: {  	_ = 	snop  }
0x3b: {  	_ = 	snop  }
0x3c: {  	p2 =	seq.s32 s10, $0x1;
	s10 =	sld [smem:$0x3F9D]  }
0x3d: {  	_ =	shalt  }
0x3e: {  	_ =	shalt  }
0x3f: {  	_ =	shalt  }
0x40: {  	_ =	shalt  }
0x41: {  	_ =	shalt  }
0x42: {  	_ =	shalt  }
0x43: {  	_ =	shalt  }
0x44: {  	_ =	shalt  }
0x45: {  	_ =	shalt  }
0x46: {  	_ =	shalt  }
0x47: {  	_ =	shalt  }
0x48: {  	_ =	shalt  }
0x49: {  	_ =	shalt  }
0x4a: {  	_ =	shalt  }
0x4b: {  	_ =	shalt  }
0x4c: {  	_ =	shalt  }
0x4d: {  	_ =	shalt  }
0x4e: {  	_ =	shalt  }
0x4f: {  	_ =	shalt  }
0x50: {  	_ =	shalt  }
0x51: {  	_ =	shalt  }
0x52: {  	_ =	shalt  }
0x53: {  	_ =	shalt  }
0x54: {  	_ =	shalt  }
0x55: {  	_ =	shalt  }
0x56: {  	_ =	shalt  }
0x57: {  	_ =	shalt  }
0x58: {  	_ =	shalt  }
0x59: {  	_ =	shalt  }
0x5a: {  	_ =	shalt  }
0x5b: {  	_ =	shalt  }
0x5c: {  	_ =	shalt  }
0x5d: {  	_ =	shalt  }
0x5e: {  	_ =	shalt  }
0x5f: {  	_ =	shalt  }
0x60: {  	_ =	shalt  }
0x61: {  	_ =	shalt  }
0x62: {  	_ =	shalt  }
0x63: {  	_ =	shalt  }
0x64: {  	_ =	shalt  }
0x65: {  	_ =	shalt  }
0x66: {  	_ =	shalt  }
0x67: {  	_ =	shalt  }
0x68: {  	_ =	shalt  }
0x69: {  	_ =	shalt  }
0x6a: {  	_ =	shalt  }
0x6b: {  	_ =	shalt  }
0x6c: {  	_ =	shalt  }
0x6d: {  	_ =	shalt  }
0x6e: {  	_ =	shalt  }
0x6f: {  	_ =	shalt  }
0x70: {  	_ =	shalt  }
0x71: {  	_ =	shalt  }
0x72: {  	_ =	shalt  }
0x73: {  	_ =	shalt  }
0x74: {  	_ =	shalt  }
0x75: {  	_ =	shalt  }
0x76: {  	_ =	shalt  }
0x77: {  	_ =	shalt  }
0x78: {  	_ =	shalt  }
0x79: {  	_ =	shalt  }
0x7a: {  	_ =	shalt  }
0x7b: {  	_ =	shalt  }
0x7c: {  	_ =	shalt  }
0x7d: {  	_ =	shalt  }
0x7e: {  	_ =	shalt  }
0x7f: {  	_ =	shalt  }
0x80: {  	_ =	shalt  }
0x81: {  	_ =	shalt  }
0x82: {  	_ =	shalt  }
0x83: {  	_ =	shalt  }
0x84: {  	_ =	shalt  }
0x85: {  	_ =	shalt  }
0x86: {  	_ =	shalt  }
0x87: {  	_ =	shalt  }
.Lfunc_end0:
.L_simem_size_0:
called_computation_lowered:
.L_overlay_start_0:
0x88: {  	s2 =	sld [smem:$0x3FD9]  }
0x89: {  	s3 =	sld [smem:$0x3FFE];
	_ =	sdelay $0x1  }
0x8a: {  	s1 =	srdreg.scid  }
0x8b: {  	s0 =	sand.u32 $0x1, s1  }
0x8c: {  	s16 =	sshll.u32 s0, $0xA;
	s2 =	sadd.s32 s3, s2  }
0x8d: {  	s2 =	sadd.s32 s2, s16  }
0x8e: {  	[smem:$0x3FA9] =	sst s2  }
0x8f: {  	_ = 	snop  }
0x90: {  	(tm) =	ssettm $0x1  }
0x91: {  	s17 =	sld [smem:$0x3FFB];
	_ =	sdelay $0x3  }
0x92: {  	_ =	strace s17  }
0x93: {  	s2 =	sld [smem:$0x3FFC];
	_ =	sdelay $0x3  }
0x94: {  	_ =	strace s2  }
0x95: {  	s2 =	sld [smem:$0x3FFD];
	_ =	sdelay $0x3  }
0x96: {  	_ =	strace s2  }
0x97: {  	_ =	strace $0x8FFFFFFF  }
0x98: {  	s18 =	sld [smem:$0x3FDB];
	_ =	sdelay $0x1  }
0x99: {  	s19 =	simm.s32 $_scs_section_size  }
0x9a: {  	s4 =	simm.s32 $_size__tile_overlayer_lowered;
	s5 =	simm.s32 $_tile_overlayer_lowered  }
0x9b: {  	s22 =	simm.s32 $0x1BFF;
	s21 =	sshll.u32 s5, $0x1;
	s2 =	sadd.s32 s19, s18  }
0x9c: {  	s6 =	simm.s32 $0x0;
	s20 =	sshll.u32 s4, $0x1;
	s4 =	sadd.s32 s21, s2  }
0x9d: {  	[timem:s6], [sflag:s22] =	dma.local [hbm:s4], s20  }
0x9e: {  	_ =	swait.ge [sflag:s22], s20  }
0x9f: {  	s3 =	ssub.s32 $0x0, s20;
	[sflag:s22] =	ssyncset.done $0x0  }
0xa0: {  	[sflag:s22] =	ssyncadd.s32 s3;
	_ =	sdelay $0x1  }
0xa1: {  	s23 =	simm.s32 $0x1B8B  }
0xa2: {  	_ =	swait.ge [sflag:s23], $0x1  }
0xa3: {  	[sflag:s23] =	ssyncset.done $0x0  }
0xa4: {  	s25 =	simm.s32 $0x1B8E;
	s24 =	sld [smem:$0x3FFE];
	[sflag:s23] =	ssyncadd.s32 $0xFFFFFFFF  }
0xa5: {  	s26 =	simm.s32 $execute0_lowered;
	[smem:$0x3FD2] =	sst s25  }
0xa6: {  	s4 =	sshll.u32 s26, $0x1;
	_ =	strace $0x80000046;
	[dreg:$0x1] =	wrdreg $0xFFFFFFFF  }
0xa7: {  	s28 =	simm.s32 $_size_execute0_lowered;
	s2 =	sadd.s32 s2, s4;
	[dreg:$0x0] =	wrdreg $0x0  }
0xa8: {  	s4 =	sshll.u32 s28, $0x1;
	[dreg:$0x2] =	wrdreg s2  }
0xa9: {  	[dreg:$0x3] =	wrdreg s4  }
0xaa: {  	[dreg:$0x4] =	wrdreg $0xC0  }
0xab: {  	_ =	task [dreg:s6], $0x5FFFF  }
0xac: {  	[dreg:$0x1] =	wrdreg $0xFFFFFFFF  }
0xad: {  	[dreg:$0x0] =	wrdreg $0x60  }
0xae: {  	[dreg:$0x2] =	wrdreg s24  }
0xaf: {  	[dreg:$0x3] =	wrdreg $0x9  }
0xb0: {  	_ =	task.clear_ibuf [dreg:s6], $0x4FFFF;
	_ =	strace $0x90000046  }
0xb1: {  	s29 =	simm.s32 $0x9;
	_ =	strace $0x80000048  }
0xb2: {  	_ =	swait.ge [sflag:s29], $0x1  }
0xb3: {  	[sflag:s29] =	ssyncadd.s32 $0xFFFFFFFF  }
0xb4: {  	_ =	strace $0x90000048  }
0xb5: {  	_ =	sfence  }
0xb6: {  	s30 =	sld [smem:$0x0];
	_ =	sdelay $0x2  }
0xb7: {  	s31 =	sshll.u32 s1, $0xD;
	s1 =	sshrl.u32 s1, $0x2  }
0xb8: {  	s3 =	sand.u32 $0x4000, s31;
	s1 =	sadd.s32 s1, s30  }
0xb9: {  	s0 =	sor.u32 s3, s0;
	s1 =	sshll.u32 s1, $0x11  }
0xba: {  	s0 =	sor.u32 s1, s0  }
0xbb: {  	s0 =	sadd.s32 $0x8F2B, s0  }
0xbc: {  	[sflag:s0] =	ssyncadd.remote.s32 $0x1  }
0xbd: {  	_ =	sfence.sel $0xFFFF  }
0xbe: {  	[dreg:$0x0] =	wrdreg $0xFFFFFFFF;
	(pc) =	sbr.abs _section_cstart, $3  }
0xbf: {  	[dreg:$0x1] =	wrdreg $0xFFFFFFFF  }
0xc0: {  	_ =	task.clear_ibuf [dreg:s6], $0x2FFFF;
	_ =	strace $0x9FFFFFFF  }
0xc1: {  	(tm) =	ssettm $0x7FFFFFFF  }
tec
execute0_lowered:
.L_overlay_start_1:
0x0: {  	(tag) =	ssettag $0x1  }
0x1: {  	s1 =	srdreg.scid;
	s0 =	stileid.u32  }
0x2: {  	s1 =	sand.u32 $0x1, s1;
	s2 =	sshll.u32 s0, $0x1  }
0x3: {  	s2 =	sor.u32 s1, s2  }
0x4: {  	s3 =	smul.u32 $0x2800, s2  }
0x5: {  	s4 =	rddreg [dreg:$0x0]  }
0x6: {  	s2 =	simm.s32 $0x0;
	s30 =	sadd.s32 s3, s4  }
0x7: {  	[smem:$0x7FF] =	sst s2;
	s17 =	sadd.s32 $0x87C00, s30  }
0x8: {  	_ =	strace $0x80000047;
	s18 =	sadd.s32 $0x87E80, s30;
	[dreg:$0x3] =	wrdreg s17  }
0x9: {  	s19 =	sadd.s32 $0x89F00, s30;
	[dreg:$0x4] =	wrdreg s18  }
0xa: {  	s20 =	sadd.s32 $0x8A180, s30;
	[dreg:$0x5] =	wrdreg s19  }
0xb: {  	s21 =	sadd.s32 $0x88100, s30;
	[dreg:$0x6] =	wrdreg s20  }
0xc: {  	s22 =	sadd.s32 $0x88380, s30;
	[dreg:$0x7] =	wrdreg s21  }
0xd: {  	s23 =	sadd.s32 $0x88600, s30;
	[dreg:$0x8] =	wrdreg s22  }
0xe: {  	s5 =	sshrl.u32 s3, $0x3;
	s24 =	sadd.s32 $0x88880, s30;
	[dreg:$0x9] =	wrdreg s23  }
0xf: {  	s5 =	sadd.s32 s5, s4;
	s26 =	sadd.s32 $0x88B00, s30;
	[dreg:$0xa] =	wrdreg s24  }
0x10: {  	s16 =	sadd.s32 $0x7C00, s5;
	[dreg:$0xb] =	wrdreg s26  }
0x11: {  	[dreg:$0x2] =	wrdreg s16  }
0x12: {  	s3 =	simm.s32 $0x3;
	s25 =	rddreg [dreg:$0x2]  }
0x13: {  	[tilespmem:s2], [sflag:$0x3] =	stream.linear.gather [hbm4b:s25+s2], $0x2800, $0x38;
	[tilespmem:$0x5000] =	vst v63  }
0x14: {  	_ =	swait.ge [sflag:s3], $0x2800  }
0x15: {  	s6 =	simm.s32 $0x2800;
	[sflag:s3] =	ssyncset.done $0x0  }
0x16: {  	s4 =	sadd.s32 $0x11C00, s4;
	s5 =	simm.s32 $0x280;
	[sflag:s3] =	ssyncadd.s32 $0xFFFFD800  }
0x17: {  	[tilespmem:s6], [sflag:$0x1] =	stream.indirect.gather [hbm4b:s4+s5], $0x8, s2, s5, $0xb8;
	[tilespmem:$0x5000] =	vst v63  }
0x18: {  	s7 =	simm.s32 $0x3C00;
	s8 =	simm.s32 $0x1  }
0x19: {  	[tilespmem:s7], [sflag:$0x2] =	stream.indirect.gather [hbm4b:s4+s5], $0x8, s5, s5, $0xb8;
	[tilespmem:$0x5000] =	vst v63  }
0x1a: {  	_ =	swait.ge [sflag:s8], $0x1400  }
0x1b: {  	[sflag:s8] =	ssyncset.done $0x0  }
0x1c: {  	s9 =	rddreg [dreg:$0x3];
	[sflag:s8] =	ssyncadd.s32 $0xFFFFEC00  }
0x1d: {  	[hbm4b:s9+s2] =	stream.linear.scatter [tilespmem:s6], [sflag:$0x3], $0x1400, $0x38;
	[tilespmem:$0x5000] =	vst v63  }
0x1e: {  	_ =	swait.ge [sflag:s3], $0x1400  }
0x1f: {  	[sflag:s3] =	ssyncset.done $0x0  }
0x20: {  	s10 =	simm.s32 $0x2;
	s9 =	simm.s32 $0x500;
	[sflag:s3] =	ssyncadd.s32 $0xFFFFEC00  }
0x21: {  	[tilespmem:s6], [sflag:$0x1] =	stream.indirect.gather [hbm4b:s4+s5], $0x8, s9, s5, $0xb8;
	[tilespmem:$0x5000] =	vst v63  }
0x22: {  	_ =	swait.ge [sflag:s10], $0x1400  }
0x23: {  	[sflag:s10] =	ssyncset.done $0x0  }
0x24: {  	s11 =	rddreg [dreg:$0x4];
	[sflag:s10] =	ssyncadd.s32 $0xFFFFEC00  }
0x25: {  	[hbm4b:s11+s2] =	stream.linear.scatter [tilespmem:s7], [sflag:$0x3], $0x1400, $0x38;
	[tilespmem:$0x5000] =	vst v63  }
0x26: {  	_ =	swait.ge [sflag:s3], $0x1400  }
0x27: {  	[sflag:s3] =	ssyncset.done $0x0  }
0x28: {  	s11 =	simm.s32 $0x780;
	[sflag:s3] =	ssyncadd.s32 $0xFFFFEC00  }
0x29: {  	[tilespmem:s7], [sflag:$0x2] =	stream.indirect.gather [hbm4b:s4+s5], $0x8, s11, s5, $0xb8;
	[tilespmem:$0x5000] =	vst v63  }
0x2a: {  	_ =	swait.ge [sflag:s8], $0x1400  }
0x2b: {  	[sflag:s8] =	ssyncset.done $0x0  }
0x2c: {  	s12 =	rddreg [dreg:$0x7];
	[sflag:s8] =	ssyncadd.s32 $0xFFFFEC00  }
0x2d: {  	[hbm4b:s12+s2] =	stream.linear.scatter [tilespmem:s6], [sflag:$0x3], $0x1400, $0x38;
	[tilespmem:$0x5000] =	vst v63  }
0x2e: {  	_ =	swait.ge [sflag:s3], $0x1400  }
0x2f: {  	[sflag:s3] =	ssyncset.done $0x0  }
0x30: {  	s12 =	simm.s32 $0xA00;
	[sflag:s3] =	ssyncadd.s32 $0xFFFFEC00  }
0x31: {  	[tilespmem:s6], [sflag:$0x1] =	stream.indirect.gather [hbm4b:s4+s5], $0x8, s12, s5, $0xb8;
	[tilespmem:$0x5000] =	vst v63  }
0x32: {  	_ =	swait.ge [sflag:s10], $0x1400  }
0x33: {  	[sflag:s10] =	ssyncset.done $0x0  }
0x34: {  	s13 =	rddreg [dreg:$0x8];
	[sflag:s10] =	ssyncadd.s32 $0xFFFFEC00  }
0x35: {  	[hbm4b:s13+s2] =	stream.linear.scatter [tilespmem:s7], [sflag:$0x3], $0x1400, $0x38;
	[tilespmem:$0x5000] =	vst v63  }
0x36: {  	_ =	swait.ge [sflag:s3], $0x1400  }
0x37: {  	[sflag:s3] =	ssyncset.done $0x0  }
0x38: {  	s13 =	simm.s32 $0xC80;
	[sflag:s3] =	ssyncadd.s32 $0xFFFFEC00  }
0x39: {  	[tilespmem:s7], [sflag:$0x2] =	stream.indirect.gather [hbm4b:s4+s5], $0x8, s13, s5, $0xb8;
	[tilespmem:$0x5000] =	vst v63  }
0x3a: {  	_ =	swait.ge [sflag:s8], $0x1400  }
0x3b: {  	[sflag:s8] =	ssyncset.done $0x0  }
0x3c: {  	s14 =	rddreg [dreg:$0x9];
	[sflag:s8] =	ssyncadd.s32 $0xFFFFEC00  }
0x3d: {  	[hbm4b:s14+s2] =	stream.linear.scatter [tilespmem:s6], [sflag:$0x3], $0x1400, $0x38;
	[tilespmem:$0x5000] =	vst v63  }
0x3e: {  	_ =	swait.ge [sflag:s3], $0x1400  }
0x3f: {  	[sflag:s3] =	ssyncset.done $0x0  }
0x40: {  	s14 =	simm.s32 $0xF00;
	[sflag:s3] =	ssyncadd.s32 $0xFFFFEC00  }
0x41: {  	[tilespmem:s6], [sflag:$0x1] =	stream.indirect.gather [hbm4b:s4+s5], $0x8, s14, s5, $0xb8;
	[tilespmem:$0x5000] =	vst v63  }
0x42: {  	_ =	swait.ge [sflag:s10], $0x1400  }
0x43: {  	[sflag:s10] =	ssyncset.done $0x0  }
0x44: {  	s15 =	rddreg [dreg:$0xa];
	[sflag:s10] =	ssyncadd.s32 $0xFFFFEC00  }
0x45: {  	[hbm4b:s15+s2] =	stream.linear.scatter [tilespmem:s7], [sflag:$0x3], $0x1400, $0x38;
	[tilespmem:$0x5000] =	vst v63  }
0x46: {  	_ =	swait.ge [sflag:s3], $0x1400  }
0x47: {  	[sflag:s3] =	ssyncset.done $0x0  }
0x48: {  	s15 =	simm.s32 $0x1180;
	[sflag:s3] =	ssyncadd.s32 $0xFFFFEC00  }
0x49: {  	[tilespmem:s7], [sflag:$0x2] =	stream.indirect.gather [hbm4b:s4+s5], $0x8, s15, s5, $0xb8;
	[tilespmem:$0x5000] =	vst v63  }
0x4a: {  	_ =	swait.ge [sflag:s8], $0x1400  }
0x4b: {  	[sflag:s8] =	ssyncset.done $0x0  }
0x4c: {  	s16 =	rddreg [dreg:$0xb];
	[sflag:s8] =	ssyncadd.s32 $0xFFFFEC00  }
0x4d: {  	[hbm4b:s16+s2] =	stream.linear.scatter [tilespmem:s6], [sflag:$0x3], $0x1400, $0x38;
	[tilespmem:$0x5000] =	vst v63  }
0x4e: {  	_ =	swait.ge [sflag:s3], $0x1400  }
0x4f: {  	[sflag:s3] =	ssyncset.done $0x0  }
0x50: {  	s16 =	simm.s32 $0x1400;
	[sflag:s3] =	ssyncadd.s32 $0xFFFFEC00  }
0x51: {  	[tilespmem:s6], [sflag:$0x1] =	stream.indirect.gather [hbm4b:s4+s5], $0x8, s16, s5, $0xb8;
	[tilespmem:$0x5000] =	vst v63  }
0x52: {  	_ =	swait.ge [sflag:s10], $0x1400  }
0x53: {  	[sflag:s10] =	ssyncset.done $0x0  }
0x54: {  	s17 =	sadd.s32 $0x88D80, s30;
	[sflag:s10] =	ssyncadd.s32 $0xFFFFEC00  }
0x55: {  	[hbm4b:s17+s2] =	stream.linear.scatter [tilespmem:s7], [sflag:$0x3], $0x1400, $0x38;
	[tilespmem:$0x5000] =	vst v63  }
0x56: {  	_ =	swait.ge [sflag:s3], $0x1400  }
0x57: {  	[sflag:s3] =	ssyncset.done $0x0  }
0x58: {  	s18 =	simm.s32 $0x1680;
	[sflag:s3] =	ssyncadd.s32 $0xFFFFEC00  }
0x59: {  	[tilespmem:s7], [sflag:$0x2] =	stream.indirect.gather [hbm4b:s4+s5], $0x8, s18, s5, $0xb8;
	[tilespmem:$0x5000] =	vst v63  }
0x5a: {  	_ =	swait.ge [sflag:s8], $0x1400  }
0x5b: {  	[sflag:s8] =	ssyncset.done $0x0  }
0x5c: {  	s19 =	sadd.s32 $0x89000, s30;
	[sflag:s8] =	ssyncadd.s32 $0xFFFFEC00  }
0x5d: {  	[hbm4b:s19+s2] =	stream.linear.scatter [tilespmem:s6], [sflag:$0x3], $0x1400, $0x38;
	[tilespmem:$0x5000] =	vst v63  }
0x5e: {  	_ =	swait.ge [sflag:s3], $0x1400  }
0x5f: {  	[sflag:s3] =	ssyncset.done $0x0  }
0x60: {  	s20 =	simm.s32 $0x1900;
	[sflag:s3] =	ssyncadd.s32 $0xFFFFEC00  }
0x61: {  	[tilespmem:s6], [sflag:$0x1] =	stream.indirect.gather [hbm4b:s4+s5], $0x8, s20, s5, $0xb8;
	[tilespmem:$0x5000] =	vst v63  }
0x62: {  	_ =	swait.ge [sflag:s10], $0x1400  }
0x63: {  	[sflag:s10] =	ssyncset.done $0x0  }
0x64: {  	s21 =	sadd.s32 $0x89280, s30;
	[sflag:s10] =	ssyncadd.s32 $0xFFFFEC00  }
0x65: {  	[hbm4b:s21+s2] =	stream.linear.scatter [tilespmem:s7], [sflag:$0x3], $0x1400, $0x38;
	[tilespmem:$0x5000] =	vst v63  }
0x66: {  	_ =	swait.ge [sflag:s3], $0x1400  }
0x67: {  	[sflag:s3] =	ssyncset.done $0x0  }
0x68: {  	s22 =	simm.s32 $0x1B80;
	[sflag:s3] =	ssyncadd.s32 $0xFFFFEC00  }
0x69: {  	[tilespmem:s7], [sflag:$0x2] =	stream.indirect.gather [hbm4b:s4+s5], $0x8, s22, s5, $0xb8;
	[tilespmem:$0x5000] =	vst v63  }
0x6a: {  	_ =	swait.ge [sflag:s8], $0x1400  }
0x6b: {  	[sflag:s8] =	ssyncset.done $0x0  }
0x6c: {  	s23 =	sadd.s32 $0x89500, s30;
	[sflag:s8] =	ssyncadd.s32 $0xFFFFEC00  }
0x6d: {  	[hbm4b:s23+s2] =	stream.linear.scatter [tilespmem:s6], [sflag:$0x3], $0x1400, $0x38;
	[tilespmem:$0x5000] =	vst v63  }
0x6e: {  	_ =	swait.ge [sflag:s3], $0x1400  }
0x6f: {  	[sflag:s3] =	ssyncset.done $0x0  }
0x70: {  	s24 =	simm.s32 $0x1E00;
	[sflag:s3] =	ssyncadd.s32 $0xFFFFEC00  }
0x71: {  	[tilespmem:s6], [sflag:$0x1] =	stream.indirect.gather [hbm4b:s4+s5], $0x8, s24, s5, $0xb8;
	[tilespmem:$0x5000] =	vst v63  }
0x72: {  	_ =	swait.ge [sflag:s10], $0x1400  }
0x73: {  	[sflag:s10] =	ssyncset.done $0x0  }
0x74: {  	s25 =	sadd.s32 $0x89780, s30;
	[sflag:s10] =	ssyncadd.s32 $0xFFFFEC00  }
0x75: {  	[hbm4b:s25+s2] =	stream.linear.scatter [tilespmem:s7], [sflag:$0x3], $0x1400, $0x38;
	[tilespmem:$0x5000] =	vst v63  }
0x76: {  	_ =	swait.ge [sflag:s3], $0x1400  }
0x77: {  	[sflag:s3] =	ssyncset.done $0x0  }
0x78: {  	s26 =	simm.s32 $0x2080;
	[sflag:s3] =	ssyncadd.s32 $0xFFFFEC00  }
0x79: {  	[tilespmem:s7], [sflag:$0x2] =	stream.indirect.gather [hbm4b:s4+s5], $0x8, s26, s5, $0xb8;
	[tilespmem:$0x5000] =	vst v63  }
0x7a: {  	_ =	swait.ge [sflag:s8], $0x1400  }
0x7b: {  	[sflag:s8] =	ssyncset.done $0x0  }
0x7c: {  	s28 =	sadd.s32 $0x89A00, s30;
	[sflag:s8] =	ssyncadd.s32 $0xFFFFEC00  }
0x7d: {  	[hbm4b:s28+s2] =	stream.linear.scatter [tilespmem:s6], [sflag:$0x3], $0x1400, $0x38;
	[tilespmem:$0x5000] =	vst v63  }
0x7e: {  	_ =	swait.ge [sflag:s3], $0x1400  }
0x7f: {  	[sflag:s3] =	ssyncset.done $0x0  }
0x80: {  	s29 =	simm.s32 $0x2300;
	[sflag:s3] =	ssyncadd.s32 $0xFFFFEC00  }
0x81: {  	[tilespmem:s6], [sflag:$0x1] =	stream.indirect.gather [hbm4b:s4+s5], $0x8, s29, s5, $0xb8;
	[tilespmem:$0x5000] =	vst v63  }
0x82: {  	_ =	swait.ge [sflag:s10], $0x1400  }
0x83: {  	[sflag:s10] =	ssyncset.done $0x0  }
0x84: {  	s30 =	sadd.s32 $0x89C80, s30;
	[sflag:s10] =	ssyncadd.s32 $0xFFFFEC00  }
0x85: {  	[hbm4b:s30+s2] =	stream.linear.scatter [tilespmem:s7], [sflag:$0x3], $0x1400, $0x38;
	[tilespmem:$0x5000] =	vst v63  }
0x86: {  	_ =	swait.ge [sflag:s3], $0x1400  }
0x87: {  	[sflag:s3] =	ssyncset.done $0x0  }
0x88: {  	s31 =	simm.s32 $0x2580;
	[sflag:s3] =	ssyncadd.s32 $0xFFFFEC00  }
0x89: {  	[tilespmem:s7], [sflag:$0x2] =	stream.indirect.gather [hbm4b:s4+s5], $0x8, s31, s5, $0xb8;
	[tilespmem:$0x5000] =	vst v63  }
0x8a: {  	_ =	swait.ge [sflag:s8], $0x1400  }
0x8b: {  	[sflag:s8] =	ssyncset.done $0x0  }
0x8c: {  	s0 =	rddreg [dreg:$0x5];
	[sflag:s8] =	ssyncadd.s32 $0xFFFFEC00  }
0x8d: {  	[hbm4b:s0+s2] =	stream.linear.scatter [tilespmem:s6], [sflag:$0x3], $0x1400, $0x38;
	[tilespmem:$0x5000] =	vst v63  }
0x8e: {  	_ =	swait.ge [sflag:s3], $0x1400  }
0x8f: {  	[sflag:s3] =	ssyncset.done $0x0  }
0x90: {  	[sflag:s3] =	ssyncadd.s32 $0xFFFFEC00  }
0x91: {  	_ =	swait.ge [sflag:s10], $0x1400  }
0x92: {  	s0 =	ssub.s32 $0x2, s1;
	s1 =	rddreg [dreg:$0x6]  }
0x93: {  	[dreg:$0xc] =	wrdreg s1;
	s1 =	sshrl.u32 s0, $0x1  }
0x94: {  	s0 =	ssub.s32 s0, s1  }
0x95: {  	s0 =	smax.u32 s0, $0x1  }
0x96: {  	p0 =	sne.s32 s0, $0x1  }
.Ltmp0:
0x97: {  	_ = 	snop;
	(pc) =	sbr.rel @!p0 .LBB2_2-.Ltmp0, $4  }
0x98: {  	[sflag:s10] =	ssyncset.done $0x0  }
0x99: {  	[sflag:s10] =	ssyncadd.s32 $0xFFFFEC00;
	s1 =	rddreg [dreg:$0xc]  }
0x9a: {  	[hbm4b:s1+s2] =	stream.linear.scatter [tilespmem:s7], [sflag:$0x3], $0x1400, $0x38;
	[tilespmem:$0x5000] =	vst v63  }
0x9b: {  	s1 =	sadd.s32 $0xFFFFFFFF, s0;
	_ =	swait.ge [sflag:s3], $0x1400  }
.LBB2_1:
0x9c: {  	[sflag:s3] =	ssyncset.done $0x0  }
0x9d: {  	s0 =	rddreg [dreg:$0x2];
	[sflag:s3] =	ssyncadd.s32 $0xFFFFEC00  }
0x9e: {  	[tilespmem:s2], [sflag:$0x3] =	stream.linear.gather [hbm4b:s0+s2], $0x2800, $0x38;
	[tilespmem:$0x5000] =	vst v63  }
0x9f: {  	_ =	swait.ge [sflag:s3], $0x2800  }
0xa0: {  	[sflag:s3] =	ssyncset.done $0x0  }
0xa1: {  	[sflag:s3] =	ssyncadd.s32 $0xFFFFD800  }
0xa2: {  	[tilespmem:s6], [sflag:$0x1] =	stream.indirect.gather [hbm4b:s4+s5], $0x8, s2, s5, $0xb8;
	[tilespmem:$0x5000] =	vst v63  }
0xa3: {  	_ = 	snop  }
0xa4: {  	[tilespmem:s7], [sflag:$0x2] =	stream.indirect.gather [hbm4b:s4+s5], $0x8, s5, s5, $0xb8;
	[tilespmem:$0x5000] =	vst v63  }
0xa5: {  	_ =	swait.ge [sflag:s8], $0x1400  }
0xa6: {  	[sflag:s8] =	ssyncset.done $0x0  }
0xa7: {  	s0 =	rddreg [dreg:$0x3];
	[sflag:s8] =	ssyncadd.s32 $0xFFFFEC00  }
0xa8: {  	[hbm4b:s0+s2] =	stream.linear.scatter [tilespmem:s6], [sflag:$0x3], $0x1400, $0x38;
	[tilespmem:$0x5000] =	vst v63  }
0xa9: {  	_ =	swait.ge [sflag:s3], $0x1400  }
0xaa: {  	[sflag:s3] =	ssyncset.done $0x0  }
0xab: {  	[sflag:s3] =	ssyncadd.s32 $0xFFFFEC00  }
0xac: {  	[tilespmem:s6], [sflag:$0x1] =	stream.indirect.gather [hbm4b:s4+s5], $0x8, s9, s5, $0xb8;
	[tilespmem:$0x5000] =	vst v63  }
0xad: {  	_ =	swait.ge [sflag:s10], $0x1400  }
0xae: {  	[sflag:s10] =	ssyncset.done $0x0  }
0xaf: {  	s0 =	rddreg [dreg:$0x4];
	[sflag:s10] =	ssyncadd.s32 $0xFFFFEC00  }
0xb0: {  	[hbm4b:s0+s2] =	stream.linear.scatter [tilespmem:s7], [sflag:$0x3], $0x1400, $0x38;
	[tilespmem:$0x5000] =	vst v63  }
0xb1: {  	_ =	swait.ge [sflag:s3], $0x1400  }
0xb2: {  	[sflag:s3] =	ssyncset.done $0x0  }
0xb3: {  	[sflag:s3] =	ssyncadd.s32 $0xFFFFEC00  }
0xb4: {  	[tilespmem:s7], [sflag:$0x2] =	stream.indirect.gather [hbm4b:s4+s5], $0x8, s11, s5, $0xb8;
	[tilespmem:$0x5000] =	vst v63  }
0xb5: {  	_ =	swait.ge [sflag:s8], $0x1400  }
0xb6: {  	[sflag:s8] =	ssyncset.done $0x0  }
0xb7: {  	s0 =	rddreg [dreg:$0x7];
	[sflag:s8] =	ssyncadd.s32 $0xFFFFEC00  }
0xb8: {  	[hbm4b:s0+s2] =	stream.linear.scatter [tilespmem:s6], [sflag:$0x3], $0x1400, $0x38;
	[tilespmem:$0x5000] =	vst v63  }
0xb9: {  	_ =	swait.ge [sflag:s3], $0x1400  }
0xba: {  	[sflag:s3] =	ssyncset.done $0x0  }
0xbb: {  	[sflag:s3] =	ssyncadd.s32 $0xFFFFEC00  }
0xbc: {  	[tilespmem:s6], [sflag:$0x1] =	stream.indirect.gather [hbm4b:s4+s5], $0x8, s12, s5, $0xb8;
	[tilespmem:$0x5000] =	vst v63  }
0xbd: {  	_ =	swait.ge [sflag:s10], $0x1400  }
0xbe: {  	[sflag:s10] =	ssyncset.done $0x0  }
0xbf: {  	s0 =	rddreg [dreg:$0x8];
	[sflag:s10] =	ssyncadd.s32 $0xFFFFEC00  }
0xc0: {  	[hbm4b:s0+s2] =	stream.linear.scatter [tilespmem:s7], [sflag:$0x3], $0x1400, $0x38;
	[tilespmem:$0x5000] =	vst v63  }
0xc1: {  	_ =	swait.ge [sflag:s3], $0x1400  }
0xc2: {  	[sflag:s3] =	ssyncset.done $0x0  }
0xc3: {  	[sflag:s3] =	ssyncadd.s32 $0xFFFFEC00  }
0xc4: {  	[tilespmem:s7], [sflag:$0x2] =	stream.indirect.gather [hbm4b:s4+s5], $0x8, s13, s5, $0xb8;
	[tilespmem:$0x5000] =	vst v63  }
0xc5: {  	_ =	swait.ge [sflag:s8], $0x1400  }
0xc6: {  	[sflag:s8] =	ssyncset.done $0x0  }
0xc7: {  	s0 =	rddreg [dreg:$0x9];
	[sflag:s8] =	ssyncadd.s32 $0xFFFFEC00  }
0xc8: {  	[hbm4b:s0+s2] =	stream.linear.scatter [tilespmem:s6], [sflag:$0x3], $0x1400, $0x38;
	[tilespmem:$0x5000] =	vst v63  }
0xc9: {  	_ =	swait.ge [sflag:s3], $0x1400  }
0xca: {  	[sflag:s3] =	ssyncset.done $0x0  }
0xcb: {  	[sflag:s3] =	ssyncadd.s32 $0xFFFFEC00  }
0xcc: {  	[tilespmem:s6], [sflag:$0x1] =	stream.indirect.gather [hbm4b:s4+s5], $0x8, s14, s5, $0xb8;
	[tilespmem:$0x5000] =	vst v63  }
0xcd: {  	_ =	swait.ge [sflag:s10], $0x1400  }
0xce: {  	[sflag:s10] =	ssyncset.done $0x0  }
0xcf: {  	s0 =	rddreg [dreg:$0xa];
	[sflag:s10] =	ssyncadd.s32 $0xFFFFEC00  }
0xd0: {  	[hbm4b:s0+s2] =	stream.linear.scatter [tilespmem:s7], [sflag:$0x3], $0x1400, $0x38;
	[tilespmem:$0x5000] =	vst v63  }
0xd1: {  	_ =	swait.ge [sflag:s3], $0x1400  }
0xd2: {  	[sflag:s3] =	ssyncset.done $0x0  }
0xd3: {  	[sflag:s3] =	ssyncadd.s32 $0xFFFFEC00  }
0xd4: {  	[tilespmem:s7], [sflag:$0x2] =	stream.indirect.gather [hbm4b:s4+s5], $0x8, s15, s5, $0xb8;
	[tilespmem:$0x5000] =	vst v63  }
0xd5: {  	_ =	swait.ge [sflag:s8], $0x1400  }
0xd6: {  	[sflag:s8] =	ssyncset.done $0x0  }
0xd7: {  	s0 =	rddreg [dreg:$0xb];
	[sflag:s8] =	ssyncadd.s32 $0xFFFFEC00  }
0xd8: {  	[hbm4b:s0+s2] =	stream.linear.scatter [tilespmem:s6], [sflag:$0x3], $0x1400, $0x38;
	[tilespmem:$0x5000] =	vst v63  }
0xd9: {  	_ =	swait.ge [sflag:s3], $0x1400  }
0xda: {  	[sflag:s3] =	ssyncset.done $0x0  }
0xdb: {  	[sflag:s3] =	ssyncadd.s32 $0xFFFFEC00  }
0xdc: {  	[tilespmem:s6], [sflag:$0x1] =	stream.indirect.gather [hbm4b:s4+s5], $0x8, s16, s5, $0xb8;
	[tilespmem:$0x5000] =	vst v63  }
0xdd: {  	_ =	swait.ge [sflag:s10], $0x1400  }
0xde: {  	[sflag:s10] =	ssyncset.done $0x0  }
0xdf: {  	[sflag:s10] =	ssyncadd.s32 $0xFFFFEC00  }
0xe0: {  	[hbm4b:s17+s2] =	stream.linear.scatter [tilespmem:s7], [sflag:$0x3], $0x1400, $0x38;
	[tilespmem:$0x5000] =	vst v63  }
0xe1: {  	_ =	swait.ge [sflag:s3], $0x1400  }
0xe2: {  	[sflag:s3] =	ssyncset.done $0x0  }
0xe3: {  	[sflag:s3] =	ssyncadd.s32 $0xFFFFEC00  }
0xe4: {  	[tilespmem:s7], [sflag:$0x2] =	stream.indirect.gather [hbm4b:s4+s5], $0x8, s18, s5, $0xb8;
	[tilespmem:$0x5000] =	vst v63  }
0xe5: {  	_ =	swait.ge [sflag:s8], $0x1400  }
0xe6: {  	[sflag:s8] =	ssyncset.done $0x0  }
0xe7: {  	[sflag:s8] =	ssyncadd.s32 $0xFFFFEC00  }
0xe8: {  	[hbm4b:s19+s2] =	stream.linear.scatter [tilespmem:s6], [sflag:$0x3], $0x1400, $0x38;
	[tilespmem:$0x5000] =	vst v63  }
0xe9: {  	_ =	swait.ge [sflag:s3], $0x1400  }
0xea: {  	[sflag:s3] =	ssyncset.done $0x0  }
0xeb: {  	[sflag:s3] =	ssyncadd.s32 $0xFFFFEC00  }
0xec: {  	[tilespmem:s6], [sflag:$0x1] =	stream.indirect.gather [hbm4b:s4+s5], $0x8, s20, s5, $0xb8;
	[tilespmem:$0x5000] =	vst v63  }
0xed: {  	_ =	swait.ge [sflag:s10], $0x1400  }
0xee: {  	[sflag:s10] =	ssyncset.done $0x0  }
0xef: {  	[sflag:s10] =	ssyncadd.s32 $0xFFFFEC00  }
0xf0: {  	[hbm4b:s21+s2] =	stream.linear.scatter [tilespmem:s7], [sflag:$0x3], $0x1400, $0x38;
	[tilespmem:$0x5000] =	vst v63  }
0xf1: {  	_ =	swait.ge [sflag:s3], $0x1400  }
0xf2: {  	[sflag:s3] =	ssyncset.done $0x0  }
0xf3: {  	[sflag:s3] =	ssyncadd.s32 $0xFFFFEC00  }
0xf4: {  	[tilespmem:s7], [sflag:$0x2] =	stream.indirect.gather [hbm4b:s4+s5], $0x8, s22, s5, $0xb8;
	[tilespmem:$0x5000] =	vst v63  }
0xf5: {  	_ =	swait.ge [sflag:s8], $0x1400  }
0xf6: {  	[sflag:s8] =	ssyncset.done $0x0  }
0xf7: {  	[sflag:s8] =	ssyncadd.s32 $0xFFFFEC00  }
0xf8: {  	[hbm4b:s23+s2] =	stream.linear.scatter [tilespmem:s6], [sflag:$0x3], $0x1400, $0x38;
	[tilespmem:$0x5000] =	vst v63  }
0xf9: {  	_ =	swait.ge [sflag:s3], $0x1400  }
0xfa: {  	[sflag:s3] =	ssyncset.done $0x0  }
0xfb: {  	[sflag:s3] =	ssyncadd.s32 $0xFFFFEC00  }
0xfc: {  	[tilespmem:s6], [sflag:$0x1] =	stream.indirect.gather [hbm4b:s4+s5], $0x8, s24, s5, $0xb8;
	[tilespmem:$0x5000] =	vst v63  }
0xfd: {  	_ =	swait.ge [sflag:s10], $0x1400  }
0xfe: {  	[sflag:s10] =	ssyncset.done $0x0  }
0xff: {  	[sflag:s10] =	ssyncadd.s32 $0xFFFFEC00  }
0x100: {  	[hbm4b:s25+s2] =	stream.linear.scatter [tilespmem:s7], [sflag:$0x3], $0x1400, $0x38;
	[tilespmem:$0x5000] =	vst v63  }
0x101: {  	_ =	swait.ge [sflag:s3], $0x1400  }
0x102: {  	[sflag:s3] =	ssyncset.done $0x0  }
0x103: {  	[sflag:s3] =	ssyncadd.s32 $0xFFFFEC00  }
0x104: {  	[tilespmem:s7], [sflag:$0x2] =	stream.indirect.gather [hbm4b:s4+s5], $0x8, s26, s5, $0xb8;
	[tilespmem:$0x5000] =	vst v63  }
0x105: {  	_ =	swait.ge [sflag:s8], $0x1400  }
0x106: {  	[sflag:s8] =	ssyncset.done $0x0  }
0x107: {  	[sflag:s8] =	ssyncadd.s32 $0xFFFFEC00  }
0x108: {  	[hbm4b:s28+s2] =	stream.linear.scatter [tilespmem:s6], [sflag:$0x3], $0x1400, $0x38;
	[tilespmem:$0x5000] =	vst v63  }
0x109: {  	_ =	swait.ge [sflag:s3], $0x1400  }
0x10a: {  	[sflag:s3] =	ssyncset.done $0x0  }
0x10b: {  	[sflag:s3] =	ssyncadd.s32 $0xFFFFEC00  }
0x10c: {  	[tilespmem:s6], [sflag:$0x1] =	stream.indirect.gather [hbm4b:s4+s5], $0x8, s29, s5, $0xb8;
	[tilespmem:$0x5000] =	vst v63  }
0x10d: {  	_ =	swait.ge [sflag:s10], $0x1400  }
0x10e: {  	[sflag:s10] =	ssyncset.done $0x0  }
0x10f: {  	[sflag:s10] =	ssyncadd.s32 $0xFFFFEC00  }
0x110: {  	[hbm4b:s30+s2] =	stream.linear.scatter [tilespmem:s7], [sflag:$0x3], $0x1400, $0x38;
	[tilespmem:$0x5000] =	vst v63  }
0x111: {  	_ =	swait.ge [sflag:s3], $0x1400  }
0x112: {  	[sflag:s3] =	ssyncset.done $0x0  }
0x113: {  	[sflag:s3] =	ssyncadd.s32 $0xFFFFEC00  }
0x114: {  	[tilespmem:s7], [sflag:$0x2] =	stream.indirect.gather [hbm4b:s4+s5], $0x8, s31, s5, $0xb8;
	[tilespmem:$0x5000] =	vst v63  }
0x115: {  	_ =	swait.ge [sflag:s8], $0x1400  }
0x116: {  	[sflag:s8] =	ssyncset.done $0x0  }
0x117: {  	s0 =	rddreg [dreg:$0x5];
	[sflag:s8] =	ssyncadd.s32 $0xFFFFEC00  }
0x118: {  	[hbm4b:s0+s2] =	stream.linear.scatter [tilespmem:s6], [sflag:$0x3], $0x1400, $0x38;
	[tilespmem:$0x5000] =	vst v63  }
0x119: {  	_ =	swait.ge [sflag:s3], $0x1400  }
0x11a: {  	[sflag:s3] =	ssyncset.done $0x0  }
0x11b: {  	p0 =	sne.s32 s1, $0x1;
	[sflag:s3] =	ssyncadd.s32 $0xFFFFEC00  }
.Ltmp1:
0x11c: {  	_ =	swait.ge [sflag:s10], $0x1400;
	(pc) =	sbr.rel @p0 .LBB2_1-.Ltmp1, $4  }
0x11d: {  	[sflag:s10] =	ssyncset.done $0x0  }
0x11e: {  	s0 =	rddreg [dreg:$0x6];
	[sflag:s10] =	ssyncadd.s32 $0xFFFFEC00  }
0x11f: {  	[hbm4b:s0+s2] =	stream.linear.scatter [tilespmem:s7], [sflag:$0x3], $0x1400, $0x38;
	[tilespmem:$0x5000] =	vst v63  }
0x120: {  	s1 =	sadd.s32 $0xFFFFFFFF, s1;
	_ =	swait.ge [sflag:s3], $0x1400  }
.LBB2_2:
0x121: {  	[sflag:s3] =	ssyncset.done $0x0  }
0x122: {  	[sflag:s3] =	ssyncadd.s32 $0xFFFFEC00  }
0x123: {  	_ =	sfence.sel $0x180000  }
0x124: {  	[bflag:$0x0] =	sbarrier.arrive $0xFFFF  }
0x125: {  	_ =	strace $0x90000047  }
0x126: {  	s0 =	stileid.u32;
	[bflag:$0x2] =	sbarrier.arrive $0xFFFF  }
0x127: {  	p0 =	sne.s32 s0, $0x0;
	s0 =	rddreg [dreg:$0x1]  }
0x128: {  	s0 =	sadd.s32 @!p0 $0x100000, s0  }
0x129: {  	[sflag:s0] =	ssyncadd.tile.s32 @!p0 $0x1;
	_ =	shalt  }
.Lfunc_end2:
_tile_overlayer_lowered:
.L_overlay_start_2:
0x12a: {  	(tag) =	ssettag $0x2  }
0x12b: {  	s0 =	rddreg [dreg:$0x0];
	s2 =	stileid.u32  }
0x12c: {  	s1 =	rddreg [dreg:$0x1];
	p0 =	sne.s32 s2, $0x0  }
0x12d: {  	s3 =	rddreg [dreg:$0x2];
	[bflag:$0x3] =	sbarrier.arrive $0xFFFF;
	s2 =	simm.s32 @!p0 $0x1C03  }
0x12e: {  	[timem:s3], [sflag:s2] =	dma.local @!p0 [hbm:s0], s1  }
0x12f: {  	s0 =	simm.s32 @!p0 $0x3  }
0x130: {  	_ =	swait.ge @!p0 [sflag:s0], s1  }
0x131: {  	s1 =	ssub.s32 @!p0 $0x0, s1;
	[sflag:s0] =	ssyncset.done @!p0 $0x0  }
0x132: {  	[sflag:s0] =	ssyncadd.s32 @!p0 s1  }
0x133: {  	[bflag:$0x3] =	sbarrier.arrive $0xFFFF  }
0x134: {  	_ =	shalt  }

// kernel: kernel.26.cloned.1.call-start
scs
__scs_entry_jumppad:
0x0: {  	(pc) =	sbr.rel $0x88, $3  }
0x1: {  	(tag) =	ssettag $0x0;
	lr =	simm.s32 $0x1  }
0x2: {  	[smem:$0x3F82] =	sst lr;
	_ =	strace $0xD0000000  }
0x3: {  	_ = 	snop  }
0x4: {  	_ = 	snop  }
0x5: {  	_ = 	snop  }
0x6: {  	_ = 	snop  }
0x7: {  	_ = 	snop  }
__scs_overlays_trampoline_lowered:
0x8: {  	[smem:$0x3F91] =	sst s0  }
0x9: {  	[smem:$0x3F92] =	sst s1  }
0xa: {  	[smem:$0x3F93] =	sst s2  }
0xb: {  	[smem:$0x3F94] =	sst s3  }
0xc: {  	[smem:$0x3F95] =	sst s4  }
0xd: {  	[smem:$0x3F96] =	sst s5  }
0xe: {  	[smem:$0x3F97] =	sst s6  }
0xf: {  	[smem:$0x3F98] =	sst s7  }
0x10: {  	[smem:$0x3F99] =	sst s8  }
0x11: {  	[smem:$0x3F9A] =	sst s9;
	s0 =	simm.s32 @!p0 $0x0  }
0x12: {  	s1 =	sld [smem:$0x3F80];
	s0 =	simm.s32 @p0 $0x1  }
0x13: {  	[smem:$0x3F9B] =	sst s0;
	s0 =	simm.s32 @!p1 $0x0  }
0x14: {  	s2 =	sld [smem:$0x3F7F];
	s0 =	simm.s32 @p1 $0x1  }
0x15: {  	[smem:$0x3F9C] =	sst s0;
	s0 =	simm.s32 @!p2 $0x0  }
0x16: {  	s3 =	sld [smem:$0x3FDB];
	s0 =	simm.s32 @p2 $0x1  }
0x17: {  	s4 =	simm.s32 $0x1BF5;
	[smem:$0x3F9E] =	sst s0  }
0x18: {  	s0 =	sld [smem:$0x3F81];
	_ =	swait.ge [sflag:s4], $0x0  }
0x19: {  	s7 =	sld [smem:$0x3F82]  }
0x1a: {  	s8 =	sadd.s32 $0xFFFFE003, lr  }
0x1b: {  	s9 =	sadd.s32 $0xFFFFFEF7, lr;
	s5 =	simm.s32 $0xFFFFFFFF;
	p2 =	slt.u32 s8, $0xFFFFF086  }
0x1c: {  	p1 =	slt.u32 s9, $0xF7A;
	s5 =	simm.s32 @!p2 $0x0  }
0x1d: {  	s5 =	simm.s32 @p1 $0x1;
	p0 =	seq.s32 s7, s2  }
0x1e: {  	s7 =	smul.u32 @!p0 $0xF7A, s2;
	p2 =	seq.s32 @!p0 s5, $0x0  }
0x1f: {  	s9 =	smul.u32 $0xF7A, s1;
	s8 =	simm.s32 @!p0 $0x1BF5;
	p2 =	por !p2, p0  }
0x20: {  	[sflag:s8] =	ssyncset.s32 @!p0 $0xFFFFF086;
	s6 =	sadd.s32 @!p0 s3, s7;
	s7 =	simm.s32 @!p0 $0x108  }
0x21: {  	s3 =	sadd.s32 s3, s9;
	s6 =	sadd.s32 @!p0 $0x88, s6;
	s7 =	simm.s32 @p2 $0x1082  }
0x22: {  	[simem:s7], [sflag:s8] =	dma.local @!p0 [hbm:s6], $0xF7A  }
0x23: {  	s9 =	sor.u32 $0xD0000000, s2;
	s6 =	simm.s32 $0x108;
	_ =	swait.ge @!p0 [sflag:s8], $0x0  }
0x24: {  	s3 =	sadd.s32 $0x88, s3;
	s6 =	simm.s32 @!p1 $0x1082;
	[sflag:s4] =	ssyncset.s32 $0xFFFFF086  }
0x25: {  	[simem:s6], [sflag:s4] =	dma.local [hbm:s3], $0xF7A  }
0x26: {  	[smem:$0x3F82] =	sst s1;
	(tag) =	ssettag s2;
	_ =	strace s9  }
0x27: {  	s1 =	sld [smem:$0x3F92]  }
0x28: {  	s2 =	sld [smem:$0x3F93]  }
0x29: {  	s4 =	sld [smem:$0x3F95]  }
0x2a: {  	p0 =	seq.s32 s5, $0x0;
	s5 =	sld [smem:$0x3F96]  }
0x2b: {  	s6 =	sld [smem:$0x3F97]  }
0x2c: {  	s7 =	sld [smem:$0x3F98]  }
0x2d: {  	s3 =	simm.s32 $0x108;
	s8 =	sld [smem:$0x3F99]  }
0x2e: {  	s3 =	simm.s32 @!p0 $0x1082;
	s9 =	sld [smem:$0x3F9A]  }
0x2f: {  	lr =	sadd.s32 s0, s3;
	s0 =	sld [smem:$0x3F91]  }
0x30: {  	s3 =	sld [smem:$0x3F94]  }
0x31: {  	[smem:$0x3F9D] =	sst s10  }
0x32: {  	s10 =	sld [smem:$0x3F9B];
	_ =	sdelay $0x3  }
0x33: {  	p0 =	seq.s32 s10, $0x1;
	s10 =	sld [smem:$0x3F9D];
	_ =	sdelay $0x3  }
0x34: {  	[smem:$0x3F9D] =	sst s10  }
0x35: {  	s10 =	sld [smem:$0x3F9C];
	_ =	sdelay $0x3  }
0x36: {  	p1 =	seq.s32 s10, $0x1;
	s10 =	sld [smem:$0x3F9D];
	_ =	sdelay $0x3  }
0x37: {  	[smem:$0x3F9D] =	sst s10  }
0x38: {  	s10 =	sld [smem:$0x3F9E]  }
0x39: {  	_ = 	snop;
	(pc) =	sbr.ind lr, $3  }
0x3a: {  	_ = 	snop  }
0x3b: {  	_ = 	snop  }
0x3c: {  	p2 =	seq.s32 s10, $0x1;
	s10 =	sld [smem:$0x3F9D]  }
0x3d: {  	_ =	shalt  }
0x3e: {  	_ =	shalt  }
0x3f: {  	_ =	shalt  }
0x40: {  	_ =	shalt  }
0x41: {  	_ =	shalt  }
0x42: {  	_ =	shalt  }
0x43: {  	_ =	shalt  }
0x44: {  	_ =	shalt  }
0x45: {  	_ =	shalt  }
0x46: {  	_ =	shalt  }
0x47: {  	_ =	shalt  }
0x48: {  	_ =	shalt  }
0x49: {  	_ =	shalt  }
0x4a: {  	_ =	shalt  }
0x4b: {  	_ =	shalt  }
0x4c: {  	_ =	shalt  }
0x4d: {  	_ =	shalt  }
0x4e: {  	_ =	shalt  }
0x4f: {  	_ =	shalt  }
0x50: {  	_ =	shalt  }
0x51: {  	_ =	shalt  }
0x52: {  	_ =	shalt  }
0x53: {  	_ =	shalt  }
0x54: {  	_ =	shalt  }
0x55: {  	_ =	shalt  }
0x56: {  	_ =	shalt  }
0x57: {  	_ =	shalt  }
0x58: {  	_ =	shalt  }
0x59: {  	_ =	shalt  }
0x5a: {  	_ =	shalt  }
0x5b: {  	_ =	shalt  }
0x5c: {  	_ =	shalt  }
0x5d: {  	_ =	shalt  }
0x5e: {  	_ =	shalt  }
0x5f: {  	_ =	shalt  }
0x60: {  	_ =	shalt  }
0x61: {  	_ =	shalt  }
0x62: {  	_ =	shalt  }
0x63: {  	_ =	shalt  }
0x64: {  	_ =	shalt  }
0x65: {  	_ =	shalt  }
0x66: {  	_ =	shalt  }
0x67: {  	_ =	shalt  }
0x68: {  	_ =	shalt  }
0x69: {  	_ =	shalt  }
0x6a: {  	_ =	shalt  }
0x6b: {  	_ =	shalt  }
0x6c: {  	_ =	shalt  }
0x6d: {  	_ =	shalt  }
0x6e: {  	_ =	shalt  }
0x6f: {  	_ =	shalt  }
0x70: {  	_ =	shalt  }
0x71: {  	_ =	shalt  }
0x72: {  	_ =	shalt  }
0x73: {  	_ =	shalt  }
0x74: {  	_ =	shalt  }
0x75: {  	_ =	shalt  }
0x76: {  	_ =	shalt  }
0x77: {  	_ =	shalt  }
0x78: {  	_ =	shalt  }
0x79: {  	_ =	shalt  }
0x7a: {  	_ =	shalt  }
0x7b: {  	_ =	shalt  }
0x7c: {  	_ =	shalt  }
0x7d: {  	_ =	shalt  }
0x7e: {  	_ =	shalt  }
0x7f: {  	_ =	shalt  }
0x80: {  	_ =	shalt  }
0x81: {  	_ =	shalt  }
0x82: {  	_ =	shalt  }
0x83: {  	_ =	shalt  }
0x84: {  	_ =	shalt  }
0x85: {  	_ =	shalt  }
0x86: {  	_ =	shalt  }
0x87: {  	_ =	shalt  }
.Lfunc_end0:
.L_simem_size_0:
called_computation.1_lowered:
.L_overlay_start_0:
0x88: {  	s2 =	sld [smem:$0x3FD9]  }
0x89: {  	s3 =	sld [smem:$0x3FFE];
	_ =	sdelay $0x1  }
0x8a: {  	s1 =	srdreg.scid  }
0x8b: {  	s0 =	sand.u32 $0x1, s1  }
0x8c: {  	s16 =	sshll.u32 s0, $0xA;
	s2 =	sadd.s32 s3, s2  }
0x8d: {  	s2 =	sadd.s32 s2, s16  }
0x8e: {  	[smem:$0x3FA9] =	sst s2  }
0x8f: {  	_ = 	snop  }
0x90: {  	(tm) =	ssettm $0x1  }
0x91: {  	s17 =	sld [smem:$0x3FFB];
	_ =	sdelay $0x3  }
0x92: {  	_ =	strace s17  }
0x93: {  	s2 =	sld [smem:$0x3FFC];
	_ =	sdelay $0x3  }
0x94: {  	_ =	strace s2  }
0x95: {  	s2 =	sld [smem:$0x3FFD];
	_ =	sdelay $0x3  }
0x96: {  	_ =	strace s2  }
0x97: {  	_ =	strace $0x8FFFFFFF  }
0x98: {  	s18 =	sld [smem:$0x3FDB];
	_ =	sdelay $0x1  }
0x99: {  	s19 =	simm.s32 $_scs_section_size  }
0x9a: {  	s4 =	simm.s32 $_size__tile_overlayer_lowered;
	s5 =	simm.s32 $_tile_overlayer_lowered  }
0x9b: {  	s22 =	simm.s32 $0x1BFF;
	s21 =	sshll.u32 s5, $0x1;
	s2 =	sadd.s32 s19, s18  }
0x9c: {  	s6 =	simm.s32 $0x0;
	s20 =	sshll.u32 s4, $0x1;
	s4 =	sadd.s32 s21, s2  }
0x9d: {  	[timem:s6], [sflag:s22] =	dma.local [hbm:s4], s20  }
0x9e: {  	_ =	swait.ge [sflag:s22], s20  }
0x9f: {  	s3 =	ssub.s32 $0x0, s20;
	[sflag:s22] =	ssyncset.done $0x0  }
0xa0: {  	[sflag:s22] =	ssyncadd.s32 s3;
	_ =	sdelay $0x1  }
0xa1: {  	s23 =	simm.s32 $0x1B8B  }
0xa2: {  	_ =	swait.ge [sflag:s23], $0x1  }
0xa3: {  	[sflag:s23] =	ssyncset.done $0x0  }
0xa4: {  	s25 =	simm.s32 $0x1B8E;
	s24 =	sld [smem:$0x3FFE];
	[sflag:s23] =	ssyncadd.s32 $0xFFFFFFFF  }
0xa5: {  	s26 =	simm.s32 $execute0_lowered;
	[smem:$0x3FD2] =	sst s25  }
0xa6: {  	s4 =	sshll.u32 s26, $0x1;
	_ =	strace $0x80000049;
	[dreg:$0x1] =	wrdreg $0xFFFFFFFF  }
0xa7: {  	s28 =	simm.s32 $_size_execute0_lowered;
	s2 =	sadd.s32 s2, s4;
	[dreg:$0x0] =	wrdreg $0x0  }
0xa8: {  	s4 =	sshll.u32 s28, $0x1;
	[dreg:$0x2] =	wrdreg s2  }
0xa9: {  	[dreg:$0x3] =	wrdreg s4  }
0xaa: {  	[dreg:$0x4] =	wrdreg $0xC0  }
0xab: {  	_ =	task [dreg:s6], $0x5FFFF  }
0xac: {  	[dreg:$0x1] =	wrdreg $0xFFFFFFFF  }
0xad: {  	[dreg:$0x0] =	wrdreg $0x60  }
0xae: {  	[dreg:$0x2] =	wrdreg s24  }
0xaf: {  	[dreg:$0x3] =	wrdreg $0x9  }
0xb0: {  	_ =	task.clear_ibuf [dreg:s6], $0x4FFFF;
	_ =	strace $0x90000049  }
0xb1: {  	s29 =	simm.s32 $0x9;
	_ =	strace $0x8000004B  }
0xb2: {  	_ =	swait.ge [sflag:s29], $0x1  }
0xb3: {  	[sflag:s29] =	ssyncadd.s32 $0xFFFFFFFF  }
0xb4: {  	_ =	strace $0x9000004B  }
0xb5: {  	_ =	sfence  }
0xb6: {  	s30 =	sld [smem:$0x0];
	_ =	sdelay $0x2  }
0xb7: {  	s31 =	sshll.u32 s1, $0xD;
	s1 =	sshrl.u32 s1, $0x2  }
0xb8: {  	s3 =	sand.u32 $0x4000, s31;
	s1 =	sadd.s32 s1, s30  }
0xb9: {  	s0 =	sor.u32 s3, s0;
	s1 =	sshll.u32 s1, $0x11  }
0xba: {  	s0 =	sor.u32 s1, s0  }
0xbb: {  	s0 =	sadd.s32 $0x8F2B, s0  }
0xbc: {  	[sflag:s0] =	ssyncadd.remote.s32 $0x1  }
0xbd: {  	_ =	sfence.sel $0xFFFF  }
0xbe: {  	[dreg:$0x0] =	wrdreg $0xFFFFFFFF;
	(pc) =	sbr.abs _section_cstart, $3  }
0xbf: {  	[dreg:$0x1] =	wrdreg $0xFFFFFFFF  }
0xc0: {  	_ =	task.clear_ibuf [dreg:s6], $0x2FFFF;
	_ =	strace $0x9FFFFFFF  }
0xc1: {  	(tm) =	ssettm $0x7FFFFFFF  }
tec
execute0_lowered:
.L_overlay_start_1:
0x0: {  	(tag) =	ssettag $0x1  }
0x1: {  	s4 =	rddreg [dreg:$0x0]  }
0x2: {  	s0 =	rddreg [dreg:$0x1]  }
0x3: {  	s3 =	srdreg.scid;
	s1 =	stileid.u32;
	s2 =	simm.s32 $0x0  }
0x4: {  	s13 =	simm.s32 $0x7800;
	s14 =	simm.s32 $0x1;
	s10 =	smul.u32 $0x5000, s1  }
0x5: {  	s15 =	simm.s32 $0x2;
	s7 =	sand.u32 $0x1, s3;
	s30 =	smul.u32 $0x28000, s1  }
0x6: {  	s16 =	simm.s32 $0x0;
	s25 =	sshll.u32 s1, $0x1;
	s29 =	smul.u32 $0x2800, s7  }
0x7: {  	[smem:$0x7FF] =	sst s2;
	s5 =	sor.u32 s7, s25;
	s12 =	smul.u32 $0x14000, s7  }
0x8: {  	s3 =	sadd.s32 $0x51C00, s4;
	s11 =	sadd.s32 $0x71C00, s4;
	s6 =	smul.u32 $0x2800, s5  }
0x9: {  	_ =	strace $0x8000004A;
	s8 =	ssub.s32 $0x2, s7;
	s9 =	smul.u32 $0x14000, s5  }
0xa: {  	s28 =	sshrl.u32 s8, $0x1;
	s31 =	sadd.s32 s30, s11;
	s26 =	sshrl.u32 s6, $0x3  }
0xb: {  	s6 =	ssub.s32 s8, s28;
	s9 =	sadd.s32 s11, s9;
	s8 =	sadd.s32 s29, s10  }
0xc: {  	s10 =	simm.s32 $0x3;
	s5 =	sadd.s32 s26, s4;
	s8 =	sshll.u32 s8, $0x3  }
0xd: {  	s7 =	sadd.s32 $0x13600, s9;
	s4 =	sadd.s32 $0x47C00, s5;
	s5 =	smax.u32 s6, $0x1  }
0xe: {  	s6 =	sadd.s32 $0x12C00, s9;
	s8 =	sadd.s32 s8, s11;
	s9 =	sadd.s32 s12, s31  }
0xf: {  	s11 =	simm.s32 $0x140;
	s12 =	simm.s32 $0x2800;
	s8 =	sadd.s32 $0xA00, s8  }
.LBB2_1:
0x10: {  	[tilespmem:s2], [sflag:$0x3] =	stream.linear.gather [hbm4b:s4+s2], $0x2800, $0x38;
	[tilespmem:$0xC800] =	vst v63  }
0x11: {  	_ =	swait.ge [sflag:s10], $0x2800  }
0x12: {  	[sflag:s10] =	ssyncset.done $0x0  }
0x13: {  	[sflag:s10] =	ssyncadd.s32 $0xFFFFD800  }
0x14: {  	[tilespmem:s12], [sflag:$0x1] =	stream.indirect.gather [hbm4b:s3+s11], $0x40, s2, s11, $0xb8;
	[tilespmem:$0xC800] =	vst v63  }
0x15: {  	_ = 	snop  }
0x16: {  	[tilespmem:s13], [sflag:$0x2] =	stream.indirect.gather [hbm4b:s3+s11], $0x40, s11, s11, $0xb8;
	[tilespmem:$0xC800] =	vst v63  }
0x17: {  	_ =	swait.ge [sflag:s14], $0x5000  }
0x18: {  	[sflag:s14] =	ssyncset.done $0x0  }
0x19: {  	s17 =	sadd.s32 $0x0, s9;
	[sflag:s14] =	ssyncadd.s32 $0xFFFFB000  }
0x1a: {  	[hbm4b:s17+s2] =	stream.linear.scatter [tilespmem:s12], [sflag:$0x3], $0x5000, $0x38;
	[tilespmem:$0xC800] =	vst v63  }
0x1b: {  	_ =	swait.ge [sflag:s10], $0x5000  }
0x1c: {  	[sflag:s10] =	ssyncset.done $0x0  }
0x1d: {  	s30 =	simm.s32 $0x280;
	[sflag:s10] =	ssyncadd.s32 $0xFFFFB000  }
0x1e: {  	[tilespmem:s12], [sflag:$0x1] =	stream.indirect.gather [hbm4b:s3+s11], $0x40, s30, s11, $0xb8;
	[tilespmem:$0xC800] =	vst v63  }
0x1f: {  	_ =	swait.ge [sflag:s15], $0x5000  }
0x20: {  	[sflag:s15] =	ssyncset.done $0x0  }
0x21: {  	s31 =	sadd.s32 $0x0, s8;
	[sflag:s15] =	ssyncadd.s32 $0xFFFFB000  }
0x22: {  	[hbm4b:s31+s2] =	stream.linear.scatter [tilespmem:s13], [sflag:$0x3], $0x5000, $0x38;
	[tilespmem:$0xC800] =	vst v63  }
0x23: {  	_ =	swait.ge [sflag:s10], $0x5000  }
0x24: {  	s18 =	simm.s32 $0x1400;
	[sflag:s10] =	ssyncset.done $0x0  }
0x25: {  	s19 =	simm.s32 $0x640;
	s17 =	simm.s32 $0x3C0;
	[sflag:s10] =	ssyncadd.s32 $0xFFFFB000  }
.LBB2_2:
0x26: {  	[tilespmem:s13], [sflag:$0x2] =	stream.indirect.gather [hbm4b:s3+s11], $0x40, s17, s11, $0xb8;
	[tilespmem:$0xC800] =	vst v63  }
0x27: {  	s20 =	smov.u32 s18;
	s17 =	smov.u32 s19  }
0x28: {  	p0 =	sne.s32 s18, $0x11800;
	s18 =	sadd.s32 $0x1400, s18;
	_ =	swait.ge [sflag:s14], $0x5000  }
0x29: {  	[sflag:s14] =	ssyncset.done $0x0  }
0x2a: {  	s21 =	sadd.s32 s20, s9;
	[sflag:s14] =	ssyncadd.s32 $0xFFFFB000  }
0x2b: {  	[hbm4b:s21+s2] =	stream.linear.scatter [tilespmem:s12], [sflag:$0x3], $0x5000, $0x38;
	[tilespmem:$0xC800] =	vst v63  }
0x2c: {  	_ =	swait.ge [sflag:s10], $0x5000  }
0x2d: {  	[sflag:s10] =	ssyncset.done $0x0  }
0x2e: {  	s21 =	sadd.s32 $0xFFFFFEC0, s19;
	[sflag:s10] =	ssyncadd.s32 $0xFFFFB000  }
0x2f: {  	[tilespmem:s12], [sflag:$0x1] =	stream.indirect.gather [hbm4b:s3+s11], $0x40, s21, s11, $0xb8;
	[tilespmem:$0xC800] =	vst v63  }
0x30: {  	_ =	swait.ge [sflag:s15], $0x5000  }
0x31: {  	[sflag:s15] =	ssyncset.done $0x0  }
.Ltmp0:
0x32: {  	s20 =	sadd.s32 s20, s8;
	[sflag:s15] =	ssyncadd.s32 $0xFFFFB000;
	(pc) =	sbr.rel @p0 .LBB2_2-.Ltmp0, $4  }
0x33: {  	[hbm4b:s20+s2] =	stream.linear.scatter [tilespmem:s13], [sflag:$0x3], $0x5000, $0x38;
	[tilespmem:$0xC800] =	vst v63  }
0x34: {  	_ =	swait.ge [sflag:s10], $0x5000  }
0x35: {  	[sflag:s10] =	ssyncset.done $0x0  }
0x36: {  	s19 =	sadd.s32 $0x280, s19;
	[sflag:s10] =	ssyncadd.s32 $0xFFFFB000  }
0x37: {  	[tilespmem:s13], [sflag:$0x2] =	stream.indirect.gather [hbm4b:s3+s11], $0x40, s17, s11, $0xb8;
	[tilespmem:$0xC800] =	vst v63  }
0x38: {  	_ =	swait.ge [sflag:s14], $0x5000  }
0x39: {  	[sflag:s14] =	ssyncset.done $0x0  }
0x3a: {  	[sflag:s14] =	ssyncadd.s32 $0xFFFFB000  }
0x3b: {  	[hbm4b:s6+s2] =	stream.linear.scatter [tilespmem:s12], [sflag:$0x3], $0x5000, $0x38;
	[tilespmem:$0xC800] =	vst v63  }
0x3c: {  	_ =	swait.ge [sflag:s10], $0x5000  }
0x3d: {  	[sflag:s10] =	ssyncset.done $0x0  }
0x3e: {  	[sflag:s10] =	ssyncadd.s32 $0xFFFFB000  }
0x3f: {  	s16 =	sadd.s32 $0x1, s16;
	_ =	swait.ge [sflag:s15], $0x5000  }
0x40: {  	p0 =	sne.s32 s16, s5;
	[sflag:s15] =	ssyncset.done $0x0  }
.Ltmp1:
0x41: {  	[sflag:s15] =	ssyncadd.s32 $0xFFFFB000;
	(pc) =	sbr.rel @p0 .LBB2_1-.Ltmp1, $4  }
0x42: {  	[hbm4b:s7+s2] =	stream.linear.scatter [tilespmem:s13], [sflag:$0x3], $0x5000, $0x38;
	[tilespmem:$0xC800] =	vst v63  }
0x43: {  	_ =	swait.ge [sflag:s10], $0x5000  }
0x44: {  	[sflag:s10] =	ssyncset.done $0x0  }
0x45: {  	[sflag:s10] =	ssyncadd.s32 $0xFFFFB000  }
0x46: {  	_ =	sfence.sel $0x180000  }
0x47: {  	[bflag:$0x0] =	sbarrier.arrive $0xFFFF  }
0x48: {  	p0 =	sne.s32 s1, $0x0;
	_ =	strace $0x9000004A  }
0x49: {  	s0 =	sadd.s32 @!p0 $0x100000, s0;
	[bflag:$0x2] =	sbarrier.arrive $0xFFFF  }
0x4a: {  	[sflag:s0] =	ssyncadd.tile.s32 @!p0 $0x1;
	_ =	shalt  }
.Lfunc_end2:
_tile_overlayer_lowered:
.L_overlay_start_2:
0x4b: {  	(tag) =	ssettag $0x2  }
0x4c: {  	s0 =	rddreg [dreg:$0x0];
	s2 =	stileid.u32  }
0x4d: {  	s1 =	rddreg [dreg:$0x1];
	p0 =	sne.s32 s2, $0x0  }
0x4e: {  	s3 =	rddreg [dreg:$0x2];
	[bflag:$0x3] =	sbarrier.arrive $0xFFFF;
	s2 =	simm.s32 @!p0 $0x1C03  }
0x4f: {  	[timem:s3], [sflag:s2] =	dma.local @!p0 [hbm:s0], s1  }
0x50: {  	s0 =	simm.s32 @!p0 $0x3  }
0x51: {  	_ =	swait.ge @!p0 [sflag:s0], s1  }
0x52: {  	s1 =	ssub.s32 @!p0 $0x0, s1;
	[sflag:s0] =	ssyncset.done @!p0 $0x0  }
0x53: {  	[sflag:s0] =	ssyncadd.s32 @!p0 s1  }
0x54: {  	[bflag:$0x3] =	sbarrier.arrive $0xFFFF  }
0x55: {  	_ =	shalt  }

// kernel: kernel.29.cloned.1.call-start
scs
__scs_entry_jumppad:
0x0: {  	(pc) =	sbr.rel $0x88, $3  }
0x1: {  	(tag) =	ssettag $0x0;
	lr =	simm.s32 $0x1  }
0x2: {  	[smem:$0x3F82] =	sst lr;
	_ =	strace $0xD0000000  }
0x3: {  	_ = 	snop  }
0x4: {  	_ = 	snop  }
0x5: {  	_ = 	snop  }
0x6: {  	_ = 	snop  }
0x7: {  	_ = 	snop  }
__scs_overlays_trampoline_lowered:
0x8: {  	[smem:$0x3F91] =	sst s0  }
0x9: {  	[smem:$0x3F92] =	sst s1  }
0xa: {  	[smem:$0x3F93] =	sst s2  }
0xb: {  	[smem:$0x3F94] =	sst s3  }
0xc: {  	[smem:$0x3F95] =	sst s4  }
0xd: {  	[smem:$0x3F96] =	sst s5  }
0xe: {  	[smem:$0x3F97] =	sst s6  }
0xf: {  	[smem:$0x3F98] =	sst s7  }
0x10: {  	[smem:$0x3F99] =	sst s8  }
0x11: {  	[smem:$0x3F9A] =	sst s9;
	s0 =	simm.s32 @!p0 $0x0  }
0x12: {  	s1 =	sld [smem:$0x3F80];
	s0 =	simm.s32 @p0 $0x1  }
0x13: {  	[smem:$0x3F9B] =	sst s0;
	s0 =	simm.s32 @!p1 $0x0  }
0x14: {  	s2 =	sld [smem:$0x3F7F];
	s0 =	simm.s32 @p1 $0x1  }
0x15: {  	[smem:$0x3F9C] =	sst s0;
	s0 =	simm.s32 @!p2 $0x0  }
0x16: {  	s3 =	sld [smem:$0x3FDB];
	s0 =	simm.s32 @p2 $0x1  }
0x17: {  	s4 =	simm.s32 $0x1BF5;
	[smem:$0x3F9E] =	sst s0  }
0x18: {  	s0 =	sld [smem:$0x3F81];
	_ =	swait.ge [sflag:s4], $0x0  }
0x19: {  	s7 =	sld [smem:$0x3F82]  }
0x1a: {  	s8 =	sadd.s32 $0xFFFFE003, lr  }
0x1b: {  	s9 =	sadd.s32 $0xFFFFFEF7, lr;
	s5 =	simm.s32 $0xFFFFFFFF;
	p2 =	slt.u32 s8, $0xFFFFF086  }
0x1c: {  	p1 =	slt.u32 s9, $0xF7A;
	s5 =	simm.s32 @!p2 $0x0  }
0x1d: {  	s5 =	simm.s32 @p1 $0x1;
	p0 =	seq.s32 s7, s2  }
0x1e: {  	s7 =	smul.u32 @!p0 $0xF7A, s2;
	p2 =	seq.s32 @!p0 s5, $0x0  }
0x1f: {  	s9 =	smul.u32 $0xF7A, s1;
	s8 =	simm.s32 @!p0 $0x1BF5;
	p2 =	por !p2, p0  }
0x20: {  	[sflag:s8] =	ssyncset.s32 @!p0 $0xFFFFF086;
	s6 =	sadd.s32 @!p0 s3, s7;
	s7 =	simm.s32 @!p0 $0x108  }
0x21: {  	s3 =	sadd.s32 s3, s9;
	s6 =	sadd.s32 @!p0 $0x88, s6;
	s7 =	simm.s32 @p2 $0x1082  }
0x22: {  	[simem:s7], [sflag:s8] =	dma.local @!p0 [hbm:s6], $0xF7A  }
0x23: {  	s9 =	sor.u32 $0xD0000000, s2;
	s6 =	simm.s32 $0x108;
	_ =	swait.ge @!p0 [sflag:s8], $0x0  }
0x24: {  	s3 =	sadd.s32 $0x88, s3;
	s6 =	simm.s32 @!p1 $0x1082;
	[sflag:s4] =	ssyncset.s32 $0xFFFFF086  }
0x25: {  	[simem:s6], [sflag:s4] =	dma.local [hbm:s3], $0xF7A  }
0x26: {  	[smem:$0x3F82] =	sst s1;
	(tag) =	ssettag s2;
	_ =	strace s9  }
0x27: {  	s1 =	sld [smem:$0x3F92]  }
0x28: {  	s2 =	sld [smem:$0x3F93]  }
0x29: {  	s4 =	sld [smem:$0x3F95]  }
0x2a: {  	p0 =	seq.s32 s5, $0x0;
	s5 =	sld [smem:$0x3F96]  }
0x2b: {  	s6 =	sld [smem:$0x3F97]  }
0x2c: {  	s7 =	sld [smem:$0x3F98]  }
0x2d: {  	s3 =	simm.s32 $0x108;
	s8 =	sld [smem:$0x3F99]  }
0x2e: {  	s3 =	simm.s32 @!p0 $0x1082;
	s9 =	sld [smem:$0x3F9A]  }
0x2f: {  	lr =	sadd.s32 s0, s3;
	s0 =	sld [smem:$0x3F91]  }
0x30: {  	s3 =	sld [smem:$0x3F94]  }
0x31: {  	[smem:$0x3F9D] =	sst s10  }
0x32: {  	s10 =	sld [smem:$0x3F9B];
	_ =	sdelay $0x3  }
0x33: {  	p0 =	seq.s32 s10, $0x1;
	s10 =	sld [smem:$0x3F9D];
	_ =	sdelay $0x3  }
0x34: {  	[smem:$0x3F9D] =	sst s10  }
0x35: {  	s10 =	sld [smem:$0x3F9C];
	_ =	sdelay $0x3  }
0x36: {  	p1 =	seq.s32 s10, $0x1;
	s10 =	sld [smem:$0x3F9D];
	_ =	sdelay $0x3  }
0x37: {  	[smem:$0x3F9D] =	sst s10  }
0x38: {  	s10 =	sld [smem:$0x3F9E]  }
0x39: {  	_ = 	snop;
	(pc) =	sbr.ind lr, $3  }
0x3a: {  	_ = 	snop  }
0x3b: {  	_ = 	snop  }
0x3c: {  	p2 =	seq.s32 s10, $0x1;
	s10 =	sld [smem:$0x3F9D]  }
0x3d: {  	_ =	shalt  }
0x3e: {  	_ =	shalt  }
0x3f: {  	_ =	shalt  }
0x40: {  	_ =	shalt  }
0x41: {  	_ =	shalt  }
0x42: {  	_ =	shalt  }
0x43: {  	_ =	shalt  }
0x44: {  	_ =	shalt  }
0x45: {  	_ =	shalt  }
0x46: {  	_ =	shalt  }
0x47: {  	_ =	shalt  }
0x48: {  	_ =	shalt  }
0x49: {  	_ =	shalt  }
0x4a: {  	_ =	shalt  }
0x4b: {  	_ =	shalt  }
0x4c: {  	_ =	shalt  }
0x4d: {  	_ =	shalt  }
0x4e: {  	_ =	shalt  }
0x4f: {  	_ =	shalt  }
0x50: {  	_ =	shalt  }
0x51: {  	_ =	shalt  }
0x52: {  	_ =	shalt  }
0x53: {  	_ =	shalt  }
0x54: {  	_ =	shalt  }
0x55: {  	_ =	shalt  }
0x56: {  	_ =	shalt  }
0x57: {  	_ =	shalt  }
0x58: {  	_ =	shalt  }
0x59: {  	_ =	shalt  }
0x5a: {  	_ =	shalt  }
0x5b: {  	_ =	shalt  }
0x5c: {  	_ =	shalt  }
0x5d: {  	_ =	shalt  }
0x5e: {  	_ =	shalt  }
0x5f: {  	_ =	shalt  }
0x60: {  	_ =	shalt  }
0x61: {  	_ =	shalt  }
0x62: {  	_ =	shalt  }
0x63: {  	_ =	shalt  }
0x64: {  	_ =	shalt  }
0x65: {  	_ =	shalt  }
0x66: {  	_ =	shalt  }
0x67: {  	_ =	shalt  }
0x68: {  	_ =	shalt  }
0x69: {  	_ =	shalt  }
0x6a: {  	_ =	shalt  }
0x6b: {  	_ =	shalt  }
0x6c: {  	_ =	shalt  }
0x6d: {  	_ =	shalt  }
0x6e: {  	_ =	shalt  }
0x6f: {  	_ =	shalt  }
0x70: {  	_ =	shalt  }
0x71: {  	_ =	shalt  }
0x72: {  	_ =	shalt  }
0x73: {  	_ =	shalt  }
0x74: {  	_ =	shalt  }
0x75: {  	_ =	shalt  }
0x76: {  	_ =	shalt  }
0x77: {  	_ =	shalt  }
0x78: {  	_ =	shalt  }
0x79: {  	_ =	shalt  }
0x7a: {  	_ =	shalt  }
0x7b: {  	_ =	shalt  }
0x7c: {  	_ =	shalt  }
0x7d: {  	_ =	shalt  }
0x7e: {  	_ =	shalt  }
0x7f: {  	_ =	shalt  }
0x80: {  	_ =	shalt  }
0x81: {  	_ =	shalt  }
0x82: {  	_ =	shalt  }
0x83: {  	_ =	shalt  }
0x84: {  	_ =	shalt  }
0x85: {  	_ =	shalt  }
0x86: {  	_ =	shalt  }
0x87: {  	_ =	shalt  }
.Lfunc_end0:
.L_simem_size_0:
called_computation.2_lowered:
.L_overlay_start_0:
0x88: {  	s2 =	sld [smem:$0x3FD9]  }
0x89: {  	s3 =	sld [smem:$0x3FFE];
	_ =	sdelay $0x1  }
0x8a: {  	s1 =	srdreg.scid  }
0x8b: {  	s0 =	sand.u32 $0x1, s1  }
0x8c: {  	s16 =	sshll.u32 s0, $0xA;
	s2 =	sadd.s32 s3, s2  }
0x8d: {  	s2 =	sadd.s32 s2, s16  }
0x8e: {  	[smem:$0x3FA9] =	sst s2  }
0x8f: {  	_ = 	snop  }
0x90: {  	(tm) =	ssettm $0x1  }
0x91: {  	s17 =	sld [smem:$0x3FFB];
	_ =	sdelay $0x3  }
0x92: {  	_ =	strace s17  }
0x93: {  	s2 =	sld [smem:$0x3FFC];
	_ =	sdelay $0x3  }
0x94: {  	_ =	strace s2  }
0x95: {  	s2 =	sld [smem:$0x3FFD];
	_ =	sdelay $0x3  }
0x96: {  	_ =	strace s2  }
0x97: {  	_ =	strace $0x8FFFFFFF  }
0x98: {  	s18 =	sld [smem:$0x3FDB];
	_ =	sdelay $0x1  }
0x99: {  	s19 =	simm.s32 $_scs_section_size  }
0x9a: {  	s4 =	simm.s32 $_size__tile_overlayer_lowered;
	s5 =	simm.s32 $_tile_overlayer_lowered  }
0x9b: {  	s22 =	simm.s32 $0x1BFF;
	s21 =	sshll.u32 s5, $0x1;
	s2 =	sadd.s32 s19, s18  }
0x9c: {  	s6 =	simm.s32 $0x0;
	s20 =	sshll.u32 s4, $0x1;
	s4 =	sadd.s32 s21, s2  }
0x9d: {  	[timem:s6], [sflag:s22] =	dma.local [hbm:s4], s20  }
0x9e: {  	_ =	swait.ge [sflag:s22], s20  }
0x9f: {  	s3 =	ssub.s32 $0x0, s20;
	[sflag:s22] =	ssyncset.done $0x0  }
0xa0: {  	[sflag:s22] =	ssyncadd.s32 s3;
	_ =	sdelay $0x1  }
0xa1: {  	s23 =	simm.s32 $0x1B8B  }
0xa2: {  	_ =	swait.ge [sflag:s23], $0x1  }
0xa3: {  	[sflag:s23] =	ssyncset.done $0x0  }
0xa4: {  	s25 =	simm.s32 $0x1B8E;
	s24 =	sld [smem:$0x3FFE];
	[sflag:s23] =	ssyncadd.s32 $0xFFFFFFFF  }
0xa5: {  	s26 =	simm.s32 $execute0_lowered;
	[smem:$0x3FD2] =	sst s25  }
0xa6: {  	s4 =	sshll.u32 s26, $0x1;
	_ =	strace $0x8000004C;
	[dreg:$0x1] =	wrdreg $0xFFFFFFFF  }
0xa7: {  	s28 =	simm.s32 $_size_execute0_lowered;
	s2 =	sadd.s32 s2, s4;
	[dreg:$0x0] =	wrdreg $0x0  }
0xa8: {  	s4 =	sshll.u32 s28, $0x1;
	[dreg:$0x2] =	wrdreg s2  }
0xa9: {  	[dreg:$0x3] =	wrdreg s4  }
0xaa: {  	[dreg:$0x4] =	wrdreg $0xC0  }
0xab: {  	_ =	task [dreg:s6], $0x5FFFF  }
0xac: {  	[dreg:$0x1] =	wrdreg $0xFFFFFFFF  }
0xad: {  	[dreg:$0x0] =	wrdreg $0x60  }
0xae: {  	[dreg:$0x2] =	wrdreg s24  }
0xaf: {  	[dreg:$0x3] =	wrdreg $0x9  }
0xb0: {  	_ =	task.clear_ibuf [dreg:s6], $0x4FFFF;
	_ =	strace $0x9000004C  }
0xb1: {  	s29 =	simm.s32 $0x9;
	_ =	strace $0x8000004E  }
0xb2: {  	_ =	swait.ge [sflag:s29], $0x1  }
0xb3: {  	[sflag:s29] =	ssyncadd.s32 $0xFFFFFFFF  }
0xb4: {  	_ =	strace $0x9000004E  }
0xb5: {  	_ =	sfence  }
0xb6: {  	s30 =	sld [smem:$0x0];
	_ =	sdelay $0x2  }
0xb7: {  	s31 =	sshll.u32 s1, $0xD;
	s1 =	sshrl.u32 s1, $0x2  }
0xb8: {  	s3 =	sand.u32 $0x4000, s31;
	s1 =	sadd.s32 s1, s30  }
0xb9: {  	s0 =	sor.u32 s3, s0;
	s1 =	sshll.u32 s1, $0x11  }
0xba: {  	s0 =	sor.u32 s1, s0  }
0xbb: {  	s0 =	sadd.s32 $0x8F2B, s0  }
0xbc: {  	[sflag:s0] =	ssyncadd.remote.s32 $0x1  }
0xbd: {  	_ =	sfence.sel $0xFFFF  }
0xbe: {  	[dreg:$0x0] =	wrdreg $0xFFFFFFFF;
	(pc) =	sbr.abs _section_cstart, $3  }
0xbf: {  	[dreg:$0x1] =	wrdreg $0xFFFFFFFF  }
0xc0: {  	_ =	task.clear_ibuf [dreg:s6], $0x2FFFF;
	_ =	strace $0x9FFFFFFF  }
0xc1: {  	(tm) =	ssettm $0x7FFFFFFF  }
tec
execute0_lowered:
.L_overlay_start_1:
0x0: {  	(tag) =	ssettag $0x1  }
0x1: {  	s4 =	rddreg [dreg:$0x0]  }
0x2: {  	s0 =	rddreg [dreg:$0x1]  }
0x3: {  	s3 =	srdreg.scid;
	s1 =	stileid.u32;
	s2 =	simm.s32 $0x0  }
0x4: {  	s13 =	simm.s32 $0x7800;
	s14 =	simm.s32 $0x1;
	s10 =	smul.u32 $0x5000, s1  }
0x5: {  	s15 =	simm.s32 $0x2;
	s7 =	sand.u32 $0x1, s3;
	s30 =	smul.u32 $0x28000, s1  }
0x6: {  	s16 =	simm.s32 $0x0;
	s25 =	sshll.u32 s1, $0x1;
	s29 =	smul.u32 $0x2800, s7  }
0x7: {  	[smem:$0x7FF] =	sst s2;
	s5 =	sor.u32 s7, s25;
	s12 =	smul.u32 $0x14000, s7  }
0x8: {  	s3 =	sadd.s32 $0x51E00, s4;
	s11 =	sadd.s32 $0x71E00, s4;
	s6 =	smul.u32 $0x2800, s5  }
0x9: {  	_ =	strace $0x8000004D;
	s8 =	ssub.s32 $0x2, s7;
	s9 =	smul.u32 $0x14000, s5  }
0xa: {  	s28 =	sshrl.u32 s8, $0x1;
	s31 =	sadd.s32 s30, s11;
	s26 =	sshrl.u32 s6, $0x3  }
0xb: {  	s6 =	ssub.s32 s8, s28;
	s9 =	sadd.s32 s11, s9;
	s8 =	sadd.s32 s29, s10  }
0xc: {  	s10 =	simm.s32 $0x3;
	s5 =	sadd.s32 s26, s4;
	s8 =	sshll.u32 s8, $0x3  }
0xd: {  	s7 =	sadd.s32 $0x13600, s9;
	s4 =	sadd.s32 $0x47E00, s5;
	s5 =	smax.u32 s6, $0x1  }
0xe: {  	s6 =	sadd.s32 $0x12C00, s9;
	s8 =	sadd.s32 s8, s11;
	s9 =	sadd.s32 s12, s31  }
0xf: {  	s11 =	simm.s32 $0x140;
	s12 =	simm.s32 $0x2800;
	s8 =	sadd.s32 $0xA00, s8  }
.LBB2_1:
0x10: {  	[tilespmem:s2], [sflag:$0x3] =	stream.linear.gather [hbm4b:s4+s2], $0x2800, $0x38;
	[tilespmem:$0xC800] =	vst v63  }
0x11: {  	_ =	swait.ge [sflag:s10], $0x2800  }
0x12: {  	[sflag:s10] =	ssyncset.done $0x0  }
0x13: {  	[sflag:s10] =	ssyncadd.s32 $0xFFFFD800  }
0x14: {  	[tilespmem:s12], [sflag:$0x1] =	stream.indirect.gather [hbm4b:s3+s11], $0x40, s2, s11, $0xb8;
	[tilespmem:$0xC800] =	vst v63  }
0x15: {  	_ = 	snop  }
0x16: {  	[tilespmem:s13], [sflag:$0x2] =	stream.indirect.gather [hbm4b:s3+s11], $0x40, s11, s11, $0xb8;
	[tilespmem:$0xC800] =	vst v63  }
0x17: {  	_ =	swait.ge [sflag:s14], $0x5000  }
0x18: {  	[sflag:s14] =	ssyncset.done $0x0  }
0x19: {  	s17 =	sadd.s32 $0x0, s9;
	[sflag:s14] =	ssyncadd.s32 $0xFFFFB000  }
0x1a: {  	[hbm4b:s17+s2] =	stream.linear.scatter [tilespmem:s12], [sflag:$0x3], $0x5000, $0x38;
	[tilespmem:$0xC800] =	vst v63  }
0x1b: {  	_ =	swait.ge [sflag:s10], $0x5000  }
0x1c: {  	[sflag:s10] =	ssyncset.done $0x0  }
0x1d: {  	s30 =	simm.s32 $0x280;
	[sflag:s10] =	ssyncadd.s32 $0xFFFFB000  }
0x1e: {  	[tilespmem:s12], [sflag:$0x1] =	stream.indirect.gather [hbm4b:s3+s11], $0x40, s30, s11, $0xb8;
	[tilespmem:$0xC800] =	vst v63  }
0x1f: {  	_ =	swait.ge [sflag:s15], $0x5000  }
0x20: {  	[sflag:s15] =	ssyncset.done $0x0  }
0x21: {  	s31 =	sadd.s32 $0x0, s8;
	[sflag:s15] =	ssyncadd.s32 $0xFFFFB000  }
0x22: {  	[hbm4b:s31+s2] =	stream.linear.scatter [tilespmem:s13], [sflag:$0x3], $0x5000, $0x38;
	[tilespmem:$0xC800] =	vst v63  }
0x23: {  	_ =	swait.ge [sflag:s10], $0x5000  }
0x24: {  	s18 =	simm.s32 $0x1400;
	[sflag:s10] =	ssyncset.done $0x0  }
0x25: {  	s19 =	simm.s32 $0x640;
	s17 =	simm.s32 $0x3C0;
	[sflag:s10] =	ssyncadd.s32 $0xFFFFB000  }
.LBB2_2:
0x26: {  	[tilespmem:s13], [sflag:$0x2] =	stream.indirect.gather [hbm4b:s3+s11], $0x40, s17, s11, $0xb8;
	[tilespmem:$0xC800] =	vst v63  }
0x27: {  	s20 =	smov.u32 s18;
	s17 =	smov.u32 s19  }
0x28: {  	p0 =	sne.s32 s18, $0x11800;
	s18 =	sadd.s32 $0x1400, s18;
	_ =	swait.ge [sflag:s14], $0x5000  }
0x29: {  	[sflag:s14] =	ssyncset.done $0x0  }
0x2a: {  	s21 =	sadd.s32 s20, s9;
	[sflag:s14] =	ssyncadd.s32 $0xFFFFB000  }
0x2b: {  	[hbm4b:s21+s2] =	stream.linear.scatter [tilespmem:s12], [sflag:$0x3], $0x5000, $0x38;
	[tilespmem:$0xC800] =	vst v63  }
0x2c: {  	_ =	swait.ge [sflag:s10], $0x5000  }
0x2d: {  	[sflag:s10] =	ssyncset.done $0x0  }
0x2e: {  	s21 =	sadd.s32 $0xFFFFFEC0, s19;
	[sflag:s10] =	ssyncadd.s32 $0xFFFFB000  }
0x2f: {  	[tilespmem:s12], [sflag:$0x1] =	stream.indirect.gather [hbm4b:s3+s11], $0x40, s21, s11, $0xb8;
	[tilespmem:$0xC800] =	vst v63  }
0x30: {  	_ =	swait.ge [sflag:s15], $0x5000  }
0x31: {  	[sflag:s15] =	ssyncset.done $0x0  }
.Ltmp0:
0x32: {  	s20 =	sadd.s32 s20, s8;
	[sflag:s15] =	ssyncadd.s32 $0xFFFFB000;
	(pc) =	sbr.rel @p0 .LBB2_2-.Ltmp0, $4  }
0x33: {  	[hbm4b:s20+s2] =	stream.linear.scatter [tilespmem:s13], [sflag:$0x3], $0x5000, $0x38;
	[tilespmem:$0xC800] =	vst v63  }
0x34: {  	_ =	swait.ge [sflag:s10], $0x5000  }
0x35: {  	[sflag:s10] =	ssyncset.done $0x0  }
0x36: {  	s19 =	sadd.s32 $0x280, s19;
	[sflag:s10] =	ssyncadd.s32 $0xFFFFB000  }
0x37: {  	[tilespmem:s13], [sflag:$0x2] =	stream.indirect.gather [hbm4b:s3+s11], $0x40, s17, s11, $0xb8;
	[tilespmem:$0xC800] =	vst v63  }
0x38: {  	_ =	swait.ge [sflag:s14], $0x5000  }
0x39: {  	[sflag:s14] =	ssyncset.done $0x0  }
0x3a: {  	[sflag:s14] =	ssyncadd.s32 $0xFFFFB000  }
0x3b: {  	[hbm4b:s6+s2] =	stream.linear.scatter [tilespmem:s12], [sflag:$0x3], $0x5000, $0x38;
	[tilespmem:$0xC800] =	vst v63  }
0x3c: {  	_ =	swait.ge [sflag:s10], $0x5000  }
0x3d: {  	[sflag:s10] =	ssyncset.done $0x0  }
0x3e: {  	[sflag:s10] =	ssyncadd.s32 $0xFFFFB000  }
0x3f: {  	s16 =	sadd.s32 $0x1, s16;
	_ =	swait.ge [sflag:s15], $0x5000  }
0x40: {  	p0 =	sne.s32 s16, s5;
	[sflag:s15] =	ssyncset.done $0x0  }
.Ltmp1:
0x41: {  	[sflag:s15] =	ssyncadd.s32 $0xFFFFB000;
	(pc) =	sbr.rel @p0 .LBB2_1-.Ltmp1, $4  }
0x42: {  	[hbm4b:s7+s2] =	stream.linear.scatter [tilespmem:s13], [sflag:$0x3], $0x5000, $0x38;
	[tilespmem:$0xC800] =	vst v63  }
0x43: {  	_ =	swait.ge [sflag:s10], $0x5000  }
0x44: {  	[sflag:s10] =	ssyncset.done $0x0  }
0x45: {  	[sflag:s10] =	ssyncadd.s32 $0xFFFFB000  }
0x46: {  	_ =	sfence.sel $0x180000  }
0x47: {  	[bflag:$0x0] =	sbarrier.arrive $0xFFFF  }
0x48: {  	p0 =	sne.s32 s1, $0x0;
	_ =	strace $0x9000004D  }
0x49: {  	s0 =	sadd.s32 @!p0 $0x100000, s0;
	[bflag:$0x2] =	sbarrier.arrive $0xFFFF  }
0x4a: {  	[sflag:s0] =	ssyncadd.tile.s32 @!p0 $0x1;
	_ =	shalt  }
.Lfunc_end2:
_tile_overlayer_lowered:
.L_overlay_start_2:
0x4b: {  	(tag) =	ssettag $0x2  }
0x4c: {  	s0 =	rddreg [dreg:$0x0];
	s2 =	stileid.u32  }
0x4d: {  	s1 =	rddreg [dreg:$0x1];
	p0 =	sne.s32 s2, $0x0  }
0x4e: {  	s3 =	rddreg [dreg:$0x2];
	[bflag:$0x3] =	sbarrier.arrive $0xFFFF;
	s2 =	simm.s32 @!p0 $0x1C03  }
0x4f: {  	[timem:s3], [sflag:s2] =	dma.local @!p0 [hbm:s0], s1  }
0x50: {  	s0 =	simm.s32 @!p0 $0x3  }
0x51: {  	_ =	swait.ge @!p0 [sflag:s0], s1  }
0x52: {  	s1 =	ssub.s32 @!p0 $0x0, s1;
	[sflag:s0] =	ssyncset.done @!p0 $0x0  }
0x53: {  	[sflag:s0] =	ssyncadd.s32 @!p0 s1  }
0x54: {  	[bflag:$0x3] =	sbarrier.arrive $0xFFFF  }
0x55: {  	_ =	shalt  }

// kernel: kernel.32.cloned.1.call-start
scs
__scs_entry_jumppad:
0x0: {  	(pc) =	sbr.rel $0x88, $3  }
0x1: {  	(tag) =	ssettag $0x0;
	lr =	simm.s32 $0x1  }
0x2: {  	[smem:$0x3F82] =	sst lr;
	_ =	strace $0xD0000000  }
0x3: {  	_ = 	snop  }
0x4: {  	_ = 	snop  }
0x5: {  	_ = 	snop  }
0x6: {  	_ = 	snop  }
0x7: {  	_ = 	snop  }
__scs_overlays_trampoline_lowered:
0x8: {  	[smem:$0x3F91] =	sst s0  }
0x9: {  	[smem:$0x3F92] =	sst s1  }
0xa: {  	[smem:$0x3F93] =	sst s2  }
0xb: {  	[smem:$0x3F94] =	sst s3  }
0xc: {  	[smem:$0x3F95] =	sst s4  }
0xd: {  	[smem:$0x3F96] =	sst s5  }
0xe: {  	[smem:$0x3F97] =	sst s6  }
0xf: {  	[smem:$0x3F98] =	sst s7  }
0x10: {  	[smem:$0x3F99] =	sst s8  }
0x11: {  	[smem:$0x3F9A] =	sst s9;
	s0 =	simm.s32 @!p0 $0x0  }
0x12: {  	s1 =	sld [smem:$0x3F80];
	s0 =	simm.s32 @p0 $0x1  }
0x13: {  	[smem:$0x3F9B] =	sst s0;
	s0 =	simm.s32 @!p1 $0x0  }
0x14: {  	s2 =	sld [smem:$0x3F7F];
	s0 =	simm.s32 @p1 $0x1  }
0x15: {  	[smem:$0x3F9C] =	sst s0;
	s0 =	simm.s32 @!p2 $0x0  }
0x16: {  	s3 =	sld [smem:$0x3FDB];
	s0 =	simm.s32 @p2 $0x1  }
0x17: {  	s4 =	simm.s32 $0x1BF5;
	[smem:$0x3F9E] =	sst s0  }
0x18: {  	s0 =	sld [smem:$0x3F81];
	_ =	swait.ge [sflag:s4], $0x0  }
0x19: {  	s7 =	sld [smem:$0x3F82]  }
0x1a: {  	s8 =	sadd.s32 $0xFFFFE003, lr  }
0x1b: {  	s9 =	sadd.s32 $0xFFFFFEF7, lr;
	s5 =	simm.s32 $0xFFFFFFFF;
	p2 =	slt.u32 s8, $0xFFFFF086  }
0x1c: {  	p1 =	slt.u32 s9, $0xF7A;
	s5 =	simm.s32 @!p2 $0x0  }
0x1d: {  	s5 =	simm.s32 @p1 $0x1;
	p0 =	seq.s32 s7, s2  }
0x1e: {  	s7 =	smul.u32 @!p0 $0xF7A, s2;
	p2 =	seq.s32 @!p0 s5, $0x0  }
0x1f: {  	s9 =	smul.u32 $0xF7A, s1;
	s8 =	simm.s32 @!p0 $0x1BF5;
	p2 =	por !p2, p0  }
0x20: {  	[sflag:s8] =	ssyncset.s32 @!p0 $0xFFFFF086;
	s6 =	sadd.s32 @!p0 s3, s7;
	s7 =	simm.s32 @!p0 $0x108  }
0x21: {  	s3 =	sadd.s32 s3, s9;
	s6 =	sadd.s32 @!p0 $0x88, s6;
	s7 =	simm.s32 @p2 $0x1082  }
0x22: {  	[simem:s7], [sflag:s8] =	dma.local @!p0 [hbm:s6], $0xF7A  }
0x23: {  	s9 =	sor.u32 $0xD0000000, s2;
	s6 =	simm.s32 $0x108;
	_ =	swait.ge @!p0 [sflag:s8], $0x0  }
0x24: {  	s3 =	sadd.s32 $0x88, s3;
	s6 =	simm.s32 @!p1 $0x1082;
	[sflag:s4] =	ssyncset.s32 $0xFFFFF086  }
0x25: {  	[simem:s6], [sflag:s4] =	dma.local [hbm:s3], $0xF7A  }
0x26: {  	[smem:$0x3F82] =	sst s1;
	(tag) =	ssettag s2;
	_ =	strace s9  }
0x27: {  	s1 =	sld [smem:$0x3F92]  }
0x28: {  	s2 =	sld [smem:$0x3F93]  }
0x29: {  	s4 =	sld [smem:$0x3F95]  }
0x2a: {  	p0 =	seq.s32 s5, $0x0;
	s5 =	sld [smem:$0x3F96]  }
0x2b: {  	s6 =	sld [smem:$0x3F97]  }
0x2c: {  	s7 =	sld [smem:$0x3F98]  }
0x2d: {  	s3 =	simm.s32 $0x108;
	s8 =	sld [smem:$0x3F99]  }
0x2e: {  	s3 =	simm.s32 @!p0 $0x1082;
	s9 =	sld [smem:$0x3F9A]  }
0x2f: {  	lr =	sadd.s32 s0, s3;
	s0 =	sld [smem:$0x3F91]  }
0x30: {  	s3 =	sld [smem:$0x3F94]  }
0x31: {  	[smem:$0x3F9D] =	sst s10  }
0x32: {  	s10 =	sld [smem:$0x3F9B];
	_ =	sdelay $0x3  }
0x33: {  	p0 =	seq.s32 s10, $0x1;
	s10 =	sld [smem:$0x3F9D];
	_ =	sdelay $0x3  }
0x34: {  	[smem:$0x3F9D] =	sst s10  }
0x35: {  	s10 =	sld [smem:$0x3F9C];
	_ =	sdelay $0x3  }
0x36: {  	p1 =	seq.s32 s10, $0x1;
	s10 =	sld [smem:$0x3F9D];
	_ =	sdelay $0x3  }
0x37: {  	[smem:$0x3F9D] =	sst s10  }
0x38: {  	s10 =	sld [smem:$0x3F9E]  }
0x39: {  	_ = 	snop;
	(pc) =	sbr.ind lr, $3  }
0x3a: {  	_ = 	snop  }
0x3b: {  	_ = 	snop  }
0x3c: {  	p2 =	seq.s32 s10, $0x1;
	s10 =	sld [smem:$0x3F9D]  }
0x3d: {  	_ =	shalt  }
0x3e: {  	_ =	shalt  }
0x3f: {  	_ =	shalt  }
0x40: {  	_ =	shalt  }
0x41: {  	_ =	shalt  }
0x42: {  	_ =	shalt  }
0x43: {  	_ =	shalt  }
0x44: {  	_ =	shalt  }
0x45: {  	_ =	shalt  }
0x46: {  	_ =	shalt  }
0x47: {  	_ =	shalt  }
0x48: {  	_ =	shalt  }
0x49: {  	_ =	shalt  }
0x4a: {  	_ =	shalt  }
0x4b: {  	_ =	shalt  }
0x4c: {  	_ =	shalt  }
0x4d: {  	_ =	shalt  }
0x4e: {  	_ =	shalt  }
0x4f: {  	_ =	shalt  }
0x50: {  	_ =	shalt  }
0x51: {  	_ =	shalt  }
0x52: {  	_ =	shalt  }
0x53: {  	_ =	shalt  }
0x54: {  	_ =	shalt  }
0x55: {  	_ =	shalt  }
0x56: {  	_ =	shalt  }
0x57: {  	_ =	shalt  }
0x58: {  	_ =	shalt  }
0x59: {  	_ =	shalt  }
0x5a: {  	_ =	shalt  }
0x5b: {  	_ =	shalt  }
0x5c: {  	_ =	shalt  }
0x5d: {  	_ =	shalt  }
0x5e: {  	_ =	shalt  }
0x5f: {  	_ =	shalt  }
0x60: {  	_ =	shalt  }
0x61: {  	_ =	shalt  }
0x62: {  	_ =	shalt  }
0x63: {  	_ =	shalt  }
0x64: {  	_ =	shalt  }
0x65: {  	_ =	shalt  }
0x66: {  	_ =	shalt  }
0x67: {  	_ =	shalt  }
0x68: {  	_ =	shalt  }
0x69: {  	_ =	shalt  }
0x6a: {  	_ =	shalt  }
0x6b: {  	_ =	shalt  }
0x6c: {  	_ =	shalt  }
0x6d: {  	_ =	shalt  }
0x6e: {  	_ =	shalt  }
0x6f: {  	_ =	shalt  }
0x70: {  	_ =	shalt  }
0x71: {  	_ =	shalt  }
0x72: {  	_ =	shalt  }
0x73: {  	_ =	shalt  }
0x74: {  	_ =	shalt  }
0x75: {  	_ =	shalt  }
0x76: {  	_ =	shalt  }
0x77: {  	_ =	shalt  }
0x78: {  	_ =	shalt  }
0x79: {  	_ =	shalt  }
0x7a: {  	_ =	shalt  }
0x7b: {  	_ =	shalt  }
0x7c: {  	_ =	shalt  }
0x7d: {  	_ =	shalt  }
0x7e: {  	_ =	shalt  }
0x7f: {  	_ =	shalt  }
0x80: {  	_ =	shalt  }
0x81: {  	_ =	shalt  }
0x82: {  	_ =	shalt  }
0x83: {  	_ =	shalt  }
0x84: {  	_ =	shalt  }
0x85: {  	_ =	shalt  }
0x86: {  	_ =	shalt  }
0x87: {  	_ =	shalt  }
.Lfunc_end0:
.L_simem_size_0:
called_computation.3_lowered:
.L_overlay_start_0:
0x88: {  	s2 =	sld [smem:$0x3FD9]  }
0x89: {  	s3 =	sld [smem:$0x3FFE];
	_ =	sdelay $0x1  }
0x8a: {  	s1 =	srdreg.scid  }
0x8b: {  	s0 =	sand.u32 $0x1, s1  }
0x8c: {  	s16 =	sshll.u32 s0, $0xA;
	s2 =	sadd.s32 s3, s2  }
0x8d: {  	s2 =	sadd.s32 s2, s16  }
0x8e: {  	[smem:$0x3FA9] =	sst s2  }
0x8f: {  	_ = 	snop  }
0x90: {  	(tm) =	ssettm $0x1  }
0x91: {  	s17 =	sld [smem:$0x3FFB];
	_ =	sdelay $0x3  }
0x92: {  	_ =	strace s17  }
0x93: {  	s2 =	sld [smem:$0x3FFC];
	_ =	sdelay $0x3  }
0x94: {  	_ =	strace s2  }
0x95: {  	s2 =	sld [smem:$0x3FFD];
	_ =	sdelay $0x3  }
0x96: {  	_ =	strace s2  }
0x97: {  	_ =	strace $0x8FFFFFFF  }
0x98: {  	s18 =	sld [smem:$0x3FDB];
	_ =	sdelay $0x1  }
0x99: {  	s19 =	simm.s32 $_scs_section_size  }
0x9a: {  	s4 =	simm.s32 $_size__tile_overlayer_lowered;
	s5 =	simm.s32 $_tile_overlayer_lowered  }
0x9b: {  	s22 =	simm.s32 $0x1BFF;
	s21 =	sshll.u32 s5, $0x1;
	s2 =	sadd.s32 s19, s18  }
0x9c: {  	s6 =	simm.s32 $0x0;
	s20 =	sshll.u32 s4, $0x1;
	s4 =	sadd.s32 s21, s2  }
0x9d: {  	[timem:s6], [sflag:s22] =	dma.local [hbm:s4], s20  }
0x9e: {  	_ =	swait.ge [sflag:s22], s20  }
0x9f: {  	s3 =	ssub.s32 $0x0, s20;
	[sflag:s22] =	ssyncset.done $0x0  }
0xa0: {  	[sflag:s22] =	ssyncadd.s32 s3;
	_ =	sdelay $0x1  }
0xa1: {  	s23 =	simm.s32 $0x1B8B  }
0xa2: {  	_ =	swait.ge [sflag:s23], $0x1  }
0xa3: {  	[sflag:s23] =	ssyncset.done $0x0  }
0xa4: {  	s25 =	simm.s32 $0x1B8E;
	s24 =	sld [smem:$0x3FFE];
	[sflag:s23] =	ssyncadd.s32 $0xFFFFFFFF  }
0xa5: {  	s26 =	simm.s32 $execute0_lowered;
	[smem:$0x3FD2] =	sst s25  }
0xa6: {  	s4 =	sshll.u32 s26, $0x1;
	_ =	strace $0x8000004F;
	[dreg:$0x1] =	wrdreg $0xFFFFFFFF  }
0xa7: {  	s28 =	simm.s32 $_size_execute0_lowered;
	s2 =	sadd.s32 s2, s4;
	[dreg:$0x0] =	wrdreg $0x0  }
0xa8: {  	s4 =	sshll.u32 s28, $0x1;
	[dreg:$0x2] =	wrdreg s2  }
0xa9: {  	[dreg:$0x3] =	wrdreg s4  }
0xaa: {  	[dreg:$0x4] =	wrdreg $0xC0  }
0xab: {  	_ =	task [dreg:s6], $0x5FFFF  }
0xac: {  	[dreg:$0x1] =	wrdreg $0xFFFFFFFF  }
0xad: {  	[dreg:$0x0] =	wrdreg $0x60  }
0xae: {  	[dreg:$0x2] =	wrdreg s24  }
0xaf: {  	[dreg:$0x3] =	wrdreg $0x9  }
0xb0: {  	_ =	task.clear_ibuf [dreg:s6], $0x4FFFF;
	_ =	strace $0x9000004F  }
0xb1: {  	s29 =	simm.s32 $0x9;
	_ =	strace $0x80000051  }
0xb2: {  	_ =	swait.ge [sflag:s29], $0x1  }
0xb3: {  	[sflag:s29] =	ssyncadd.s32 $0xFFFFFFFF  }
0xb4: {  	_ =	strace $0x90000051  }
0xb5: {  	_ =	sfence  }
0xb6: {  	s30 =	sld [smem:$0x0];
	_ =	sdelay $0x2  }
0xb7: {  	s31 =	sshll.u32 s1, $0xD;
	s1 =	sshrl.u32 s1, $0x2  }
0xb8: {  	s3 =	sand.u32 $0x4000, s31;
	s1 =	sadd.s32 s1, s30  }
0xb9: {  	s0 =	sor.u32 s3, s0;
	s1 =	sshll.u32 s1, $0x11  }
0xba: {  	s0 =	sor.u32 s1, s0  }
0xbb: {  	s0 =	sadd.s32 $0x8F2B, s0  }
0xbc: {  	[sflag:s0] =	ssyncadd.remote.s32 $0x1  }
0xbd: {  	_ =	sfence.sel $0xFFFF  }
0xbe: {  	[dreg:$0x0] =	wrdreg $0xFFFFFFFF;
	(pc) =	sbr.abs _section_cstart, $3  }
0xbf: {  	[dreg:$0x1] =	wrdreg $0xFFFFFFFF  }
0xc0: {  	_ =	task.clear_ibuf [dreg:s6], $0x2FFFF;
	_ =	strace $0x9FFFFFFF  }
0xc1: {  	(tm) =	ssettm $0x7FFFFFFF  }
tec
execute0_lowered:
.L_overlay_start_1:
0x0: {  	(tag) =	ssettag $0x1  }
0x1: {  	s4 =	rddreg [dreg:$0x0]  }
0x2: {  	s0 =	rddreg [dreg:$0x1]  }
0x3: {  	s3 =	srdreg.scid;
	s1 =	stileid.u32;
	s2 =	simm.s32 $0x0  }
0x4: {  	s13 =	simm.s32 $0x7800;
	s14 =	simm.s32 $0x1;
	s10 =	smul.u32 $0x5000, s1  }
0x5: {  	s15 =	simm.s32 $0x2;
	s7 =	sand.u32 $0x1, s3;
	s30 =	smul.u32 $0x50000, s1  }
0x6: {  	s16 =	simm.s32 $0x0;
	s25 =	sshll.u32 s1, $0x1;
	s29 =	smul.u32 $0x2800, s7  }
0x7: {  	[smem:$0x7FF] =	sst s2;
	s5 =	sor.u32 s7, s25;
	s12 =	smul.u32 $0x28000, s7  }
0x8: {  	s3 =	sadd.s32 $0x7E00, s4;
	s11 =	sadd.s32 $0x52000, s4;
	s6 =	smul.u32 $0x2800, s5  }
0x9: {  	_ =	strace $0x80000050;
	s8 =	ssub.s32 $0x2, s7;
	s9 =	smul.u32 $0x28000, s5  }
0xa: {  	s28 =	sshrl.u32 s8, $0x1;
	s31 =	sadd.s32 s30, s11;
	s26 =	sshrl.u32 s6, $0x3  }
0xb: {  	s6 =	ssub.s32 s8, s28;
	s9 =	sadd.s32 s11, s9;
	s8 =	sadd.s32 s29, s10  }
0xc: {  	s10 =	simm.s32 $0x3;
	s5 =	sadd.s32 s26, s4;
	s8 =	sshll.u32 s8, $0x4  }
0xd: {  	s7 =	sadd.s32 $0x27600, s9;
	s4 =	sadd.s32 $0x48000, s5;
	s5 =	smax.u32 s6, $0x1  }
0xe: {  	s6 =	sadd.s32 $0x26C00, s9;
	s8 =	sadd.s32 s8, s11;
	s9 =	sadd.s32 s12, s31  }
0xf: {  	s11 =	simm.s32 $0xA0;
	s12 =	simm.s32 $0x2800;
	s8 =	sadd.s32 $0xA00, s8  }
.LBB2_1:
0x10: {  	[tilespmem:s2], [sflag:$0x3] =	stream.linear.gather [hbm4b:s4+s2], $0x2800, $0x38;
	[tilespmem:$0xC800] =	vst v63  }
0x11: {  	_ =	swait.ge [sflag:s10], $0x2800  }
0x12: {  	[sflag:s10] =	ssyncset.done $0x0  }
0x13: {  	[sflag:s10] =	ssyncadd.s32 $0xFFFFD800  }
0x14: {  	[tilespmem:s12], [sflag:$0x1] =	stream.indirect.gather [hbm4b:s3+s11], $0x80, s2, s11, $0xb8;
	[tilespmem:$0xC800] =	vst v63  }
0x15: {  	_ = 	snop  }
0x16: {  	[tilespmem:s13], [sflag:$0x2] =	stream.indirect.gather [hbm4b:s3+s11], $0x80, s11, s11, $0xb8;
	[tilespmem:$0xC800] =	vst v63  }
0x17: {  	_ =	swait.ge [sflag:s14], $0x5000  }
0x18: {  	[sflag:s14] =	ssyncset.done $0x0  }
0x19: {  	s17 =	sadd.s32 $0x0, s9;
	[sflag:s14] =	ssyncadd.s32 $0xFFFFB000  }
0x1a: {  	[hbm4b:s17+s2] =	stream.linear.scatter [tilespmem:s12], [sflag:$0x3], $0x5000, $0x38;
	[tilespmem:$0xC800] =	vst v63  }
0x1b: {  	_ =	swait.ge [sflag:s10], $0x5000  }
0x1c: {  	[sflag:s10] =	ssyncset.done $0x0  }
0x1d: {  	s30 =	simm.s32 $0x140;
	[sflag:s10] =	ssyncadd.s32 $0xFFFFB000  }
0x1e: {  	[tilespmem:s12], [sflag:$0x1] =	stream.indirect.gather [hbm4b:s3+s11], $0x80, s30, s11, $0xb8;
	[tilespmem:$0xC800] =	vst v63  }
0x1f: {  	_ =	swait.ge [sflag:s15], $0x5000  }
0x20: {  	[sflag:s15] =	ssyncset.done $0x0  }
0x21: {  	s31 =	sadd.s32 $0x0, s8;
	[sflag:s15] =	ssyncadd.s32 $0xFFFFB000  }
0x22: {  	[hbm4b:s31+s2] =	stream.linear.scatter [tilespmem:s13], [sflag:$0x3], $0x5000, $0x38;
	[tilespmem:$0xC800] =	vst v63  }
0x23: {  	_ =	swait.ge [sflag:s10], $0x5000  }
0x24: {  	s18 =	simm.s32 $0x1400;
	[sflag:s10] =	ssyncset.done $0x0  }
0x25: {  	s19 =	simm.s32 $0x320;
	s17 =	simm.s32 $0x1E0;
	[sflag:s10] =	ssyncadd.s32 $0xFFFFB000  }
.LBB2_2:
0x26: {  	[tilespmem:s13], [sflag:$0x2] =	stream.indirect.gather [hbm4b:s3+s11], $0x80, s17, s11, $0xb8;
	[tilespmem:$0xC800] =	vst v63  }
0x27: {  	s20 =	smov.u32 s18;
	s17 =	smov.u32 s19  }
0x28: {  	p0 =	sne.s32 s18, $0x25800;
	s18 =	sadd.s32 $0x1400, s18;
	_ =	swait.ge [sflag:s14], $0x5000  }
0x29: {  	[sflag:s14] =	ssyncset.done $0x0  }
0x2a: {  	s21 =	sadd.s32 s20, s9;
	[sflag:s14] =	ssyncadd.s32 $0xFFFFB000  }
0x2b: {  	[hbm4b:s21+s2] =	stream.linear.scatter [tilespmem:s12], [sflag:$0x3], $0x5000, $0x38;
	[tilespmem:$0xC800] =	vst v63  }
0x2c: {  	_ =	swait.ge [sflag:s10], $0x5000  }
0x2d: {  	[sflag:s10] =	ssyncset.done $0x0  }
0x2e: {  	s21 =	sadd.s32 $0xFFFFFF60, s19;
	[sflag:s10] =	ssyncadd.s32 $0xFFFFB000  }
0x2f: {  	[tilespmem:s12], [sflag:$0x1] =	stream.indirect.gather [hbm4b:s3+s11], $0x80, s21, s11, $0xb8;
	[tilespmem:$0xC800] =	vst v63  }
0x30: {  	_ =	swait.ge [sflag:s15], $0x5000  }
0x31: {  	[sflag:s15] =	ssyncset.done $0x0  }
.Ltmp0:
0x32: {  	s20 =	sadd.s32 s20, s8;
	[sflag:s15] =	ssyncadd.s32 $0xFFFFB000;
	(pc) =	sbr.rel @p0 .LBB2_2-.Ltmp0, $4  }
0x33: {  	[hbm4b:s20+s2] =	stream.linear.scatter [tilespmem:s13], [sflag:$0x3], $0x5000, $0x38;
	[tilespmem:$0xC800] =	vst v63  }
0x34: {  	_ =	swait.ge [sflag:s10], $0x5000  }
0x35: {  	[sflag:s10] =	ssyncset.done $0x0  }
0x36: {  	s19 =	sadd.s32 $0x140, s19;
	[sflag:s10] =	ssyncadd.s32 $0xFFFFB000  }
0x37: {  	[tilespmem:s13], [sflag:$0x2] =	stream.indirect.gather [hbm4b:s3+s11], $0x80, s17, s11, $0xb8;
	[tilespmem:$0xC800] =	vst v63  }
0x38: {  	_ =	swait.ge [sflag:s14], $0x5000  }
0x39: {  	[sflag:s14] =	ssyncset.done $0x0  }
0x3a: {  	[sflag:s14] =	ssyncadd.s32 $0xFFFFB000  }
0x3b: {  	[hbm4b:s6+s2] =	stream.linear.scatter [tilespmem:s12], [sflag:$0x3], $0x5000, $0x38;
	[tilespmem:$0xC800] =	vst v63  }
0x3c: {  	_ =	swait.ge [sflag:s10], $0x5000  }
0x3d: {  	[sflag:s10] =	ssyncset.done $0x0  }
0x3e: {  	[sflag:s10] =	ssyncadd.s32 $0xFFFFB000  }
0x3f: {  	s16 =	sadd.s32 $0x1, s16;
	_ =	swait.ge [sflag:s15], $0x5000  }
0x40: {  	p0 =	sne.s32 s16, s5;
	[sflag:s15] =	ssyncset.done $0x0  }
.Ltmp1:
0x41: {  	[sflag:s15] =	ssyncadd.s32 $0xFFFFB000;
	(pc) =	sbr.rel @p0 .LBB2_1-.Ltmp1, $4  }
0x42: {  	[hbm4b:s7+s2] =	stream.linear.scatter [tilespmem:s13], [sflag:$0x3], $0x5000, $0x38;
	[tilespmem:$0xC800] =	vst v63  }
0x43: {  	_ =	swait.ge [sflag:s10], $0x5000  }
0x44: {  	[sflag:s10] =	ssyncset.done $0x0  }
0x45: {  	[sflag:s10] =	ssyncadd.s32 $0xFFFFB000  }
0x46: {  	_ =	sfence.sel $0x180000  }
0x47: {  	[bflag:$0x0] =	sbarrier.arrive $0xFFFF  }
0x48: {  	p0 =	sne.s32 s1, $0x0;
	_ =	strace $0x90000050  }
0x49: {  	s0 =	sadd.s32 @!p0 $0x100000, s0;
	[bflag:$0x2] =	sbarrier.arrive $0xFFFF  }
0x4a: {  	[sflag:s0] =	ssyncadd.tile.s32 @!p0 $0x1;
	_ =	shalt  }
.Lfunc_end2:
_tile_overlayer_lowered:
.L_overlay_start_2:
0x4b: {  	(tag) =	ssettag $0x2  }
0x4c: {  	s0 =	rddreg [dreg:$0x0];
	s2 =	stileid.u32  }
0x4d: {  	s1 =	rddreg [dreg:$0x1];
	p0 =	sne.s32 s2, $0x0  }
0x4e: {  	s3 =	rddreg [dreg:$0x2];
	[bflag:$0x3] =	sbarrier.arrive $0xFFFF;
	s2 =	simm.s32 @!p0 $0x1C03  }
0x4f: {  	[timem:s3], [sflag:s2] =	dma.local @!p0 [hbm:s0], s1  }
0x50: {  	s0 =	simm.s32 @!p0 $0x3  }
0x51: {  	_ =	swait.ge @!p0 [sflag:s0], s1  }
0x52: {  	s1 =	ssub.s32 @!p0 $0x0, s1;
	[sflag:s0] =	ssyncset.done @!p0 $0x0  }
0x53: {  	[sflag:s0] =	ssyncadd.s32 @!p0 s1  }
0x54: {  	[bflag:$0x3] =	sbarrier.arrive $0xFFFF  }
0x55: {  	_ =	shalt  }

</sc_bundles>
